<compile_context>
chip_gen: v7x
topology: tpu7x:2x2x1
jax: 0.10.2.dev20260603
libtpu: 0.0.44.dev20260713+nightly
codegen_flags: <defaults>
</compile_context>

<pallas_src>
import jax
import jax.numpy as jnp
from jax import lax
from jax.experimental import pallas as pl
from jax.experimental.pallas import tpu as pltpu
from jax.experimental.pallas import tpu_sc as plsc

NUM_CORES = 2
NUM_SUBCORES = 16
NUM_WORKERS = NUM_CORES * NUM_SUBCORES
EMBED = 32
BT = 128
BT_PER_W = 4
SEQ = 200
CTILES = EMBED // 8
NG = 4


def _body(table_hbm, idx_hbm, out_hbm, idxblk, idx_t, g, s,
          sem_i, sem_g, sem_o):
    wid = lax.axis_index("s") * NUM_CORES + lax.axis_index("c")
    lanes = lax.iota(jnp.int32, 16)

    def transpose_idx(t, carry):
        tv = jnp.full((16,), t, jnp.int32)
        for k in range(8):
            rows = lanes + (k * 16)
            idx_t[t, pl.ds(k * 16, 16)] = plsc.load_gather(
                idxblk, [rows, tv])
        return carry

    def gather_copy(t, p):
        return pltpu.make_async_copy(table_hbm.at[idx_t.at[t]], g.at[p],
                                     sem_g.at[p])

    def out_copy(t, ct, btg, p):
        return pltpu.make_async_copy(
            s.at[p, pl.ds(ct * 8, 8), pl.ds(0, 128)],
            out_hbm.at[t, ct, btg], sem_o.at[p])

    def do_t(t, pg, ps, btg):
        @pl.when(t >= 2)
        def _():
            for ct in range(CTILES):
                out_copy(t, ct, btg, ps).wait()

        gather_copy(t, pg).wait()

        @pl.when(t + 2 < SEQ)
        def _():
            gather_copy(t + 2, (pg + 2) % NG).start()

        hi = lanes + 16

        def trow(bo, carry):
            for bi in range(8):
                b = bo * 8 + bi
                bv = jnp.full((16,), b, jnp.int32)
                plsc.store_scatter(s.at[ps], [lanes, bv],
                                   g[pg, b, pl.ds(0, 16)])
                plsc.store_scatter(s.at[ps], [hi, bv],
                                   g[pg, b, pl.ds(16, 16)])
            return carry

        lax.fori_loop(0, BT // 8, trow, 0)

        for ct in range(CTILES):
            out_copy(t, ct, btg, ps).start()

    def do_btile(bt, carry):
        btg = wid * BT_PER_W + bt
        cp_i = pltpu.make_async_copy(
            idx_hbm.at[pl.ds(btg * BT, BT)], idxblk, sem_i)
        cp_i.start()
        cp_i.wait()
        lax.fori_loop(0, SEQ, transpose_idx, 0)
        gather_copy(0, 0).start()
        gather_copy(1, 1).start()

        def step(to, carry):
            for b in range(NG):
                t = to * NG + b
                do_t(t, b, t % 2, btg)
            return carry

        lax.fori_loop(0, SEQ // NG, step, 0)
        for ct in range(CTILES):
            out_copy(SEQ - 2, ct, btg, 0).wait()
        for ct in range(CTILES):
            out_copy(SEQ - 1, ct, btg, 1).wait()
        return carry

    lax.fori_loop(0, BT_PER_W, do_btile, 0)


@jax.jit
def _gather(table, idx):
    mesh = plsc.VectorSubcoreMesh(
        core_axis_name="c", subcore_axis_name="s",
        num_cores=NUM_CORES, num_subcores=NUM_SUBCORES)
    return pl.kernel(
        _body,
        out_type=jax.ShapeDtypeStruct((SEQ, CTILES, 128, 8, 128),
                                      jnp.float32),
        mesh=mesh,
        scratch_types=[
            pltpu.VMEM((BT, SEQ), jnp.int32),
            pltpu.VMEM((SEQ, BT), jnp.int32),
            pltpu.VMEM((NG, BT, EMBED), jnp.float32),
            pltpu.VMEM((2, EMBED, 129), jnp.float32),
            pltpu.SemaphoreType.DMA,
            pltpu.SemaphoreType.DMA((NG,)),
            pltpu.SemaphoreType.DMA((2,)),
        ],
        compiler_params=pltpu.CompilerParams(use_tc_tiling_on_sc=False,
                                             needs_layout_passes=False),
    )(table, idx)


def kernel(regimes, table):
    b, t = regimes.shape
    p = _gather(table, regimes.astype(jnp.int32))
    return jnp.transpose(p, (2, 4, 0, 1, 3)).reshape(b, t, EMBED)

# --- scband reference (transcript-rebuilt; emitter-appended) ---
"""Pipeline reference for scband-regime-embedding-10033043603506 (READ-ONLY COPY).

The authoritative reference and input builder live on the scoring server;
editing this copy changes nothing except your own understanding.
"""

import jax, jax.numpy as jnp
import numpy as np

NUM_REGIMES = 100000
EMBED_SIZE = 32

def setup_inputs(seed: int = 0) -> dict:
    key = jax.random.key(seed)
    k_idx, k_w = jax.random.split(key)
    regimes = jax.random.randint(k_idx, (16384, 200), 0, NUM_REGIMES, dtype=jnp.int64)
    # nn.Embedding default init: N(0, 1)
    table = jax.random.normal(k_w, (NUM_REGIMES, EMBED_SIZE), dtype=jnp.float32)
    return {"regimes": regimes, "table": table}

def reference(regimes, table):
    # Faithful to nn.Embedding: gather rows of the table by index.
    return jnp.take(table, regimes, axis=0)

if __name__ == "__main__":
    import jax
    _d = setup_inputs()
    print(jax.jit(kernel)(*tuple(_d.values())))

</pallas_src>

<mosaic_0001>
#map = affine_map<(d0, d1) -> (0, 0)>
#map1 = affine_map<(d0, d1) -> (0, 0, 0, 0, 0)>
module attributes {stable_mosaic.version = 14 : i64} {
  func.func @_body(%arg0: i32, %arg1: i32, %arg2: memref<100000x32xf32, #tpu.memory_space<hbm>>, %arg3: memref<16384x200xi32, #tpu.memory_space<hbm>>, %arg4: memref<200x4x128x8x128xf32, #tpu.memory_space<hbm>>, %arg5: memref<128x200xi32, #tpu.memory_space<vmem>>, %arg6: memref<200x128xi32, #tpu.memory_space<vmem>>, %arg7: memref<4x128x32xf32, #tpu.memory_space<vmem>>, %arg8: memref<2x32x129xf32, #tpu.memory_space<vmem>>, %arg9: memref<!tpu.dma_semaphore, #tpu.memory_space<semaphore_mem>>, %arg10: memref<4x!tpu.dma_semaphore, #tpu.memory_space<semaphore_mem>>, %arg11: memref<2x!tpu.dma_semaphore, #tpu.memory_space<semaphore_mem>>) attributes {dimension_semantics = [#tpu.dimension_semantics<core_parallel>, #tpu.dimension_semantics<subcore_parallel>], iteration_bounds = array<i64: 2, 16>, scalar_prefetch = 0 : i64, scratch_operands = 7 : i64, tpu.core_type = #tpu.core_type<sc_vector_subcore>, window_params = [{transform_indices = #map}, {transform_indices = #map}, {transform_indices = #map1}]} {
    %mul3A = arith.constant 2 : i32
    %mul3A_0 = arith.muli %arg1, %mul3A : i32
    %add3A = arith.addi %mul3A_0, %arg0 : i32
    %iota3A = tpu.iota {dimensions = array<i32: 0>} : vector<16xi32>
    %scan3A = arith.constant 0 : i32
    %scan3A_1 = arith.constant 0 : i32
    %scan3A_2 = arith.constant 4 : i32
    %scan3A_3 = arith.addi %scan3A_1, %scan3A_2 : i32
    %scan3A_4 = arith.constant 1 : i32
    scf.for %scan3A_6 = %scan3A_1 to %scan3A_3 step %scan3A_4  : i32 {
      %mul3A_7 = arith.constant 4 : i32
      %mul3A_8 = arith.muli %add3A, %mul3A_7 : i32
      %add3A_9 = arith.addi %mul3A_8, %scan3A_6 : i32
      %mul3A_10 = arith.constant 128 : i32
      %mul3A_11 = arith.muli %add3A_9, %mul3A_10 : i32
      %dma_start3A = arith.constant 0 : i32
      %dma_start3A_12 = tpu.memref_slice %arg3[%mul3A_11, %dma_start3A] : memref<16384x200xi32, #tpu.memory_space<hbm>> -> memref<128x200xi32, #tpu.memory_space<hbm>>
      %dma_start3A_13 = arith.constant 0 : i32
      %dma_start3A_14 = tpu.memref_slice %arg3[%mul3A_11, %dma_start3A_13] : memref<16384x200xi32, #tpu.memory_space<hbm>> -> memref<128x200xi32, #tpu.memory_space<hbm>>
      tpu.enqueue_dma source(%dma_start3A_14 : memref<128x200xi32, #tpu.memory_space<hbm>>) target(%arg5 : memref<128x200xi32, #tpu.memory_space<vmem>>) target_semaphore(%arg9 : memref<!tpu.dma_semaphore, #tpu.memory_space<semaphore_mem>>)
      %dma_wait3A = arith.constant 0 : i32
      %dma_wait3A_15 = tpu.memref_slice %arg3[%mul3A_11, %dma_wait3A] : memref<16384x200xi32, #tpu.memory_space<hbm>> -> memref<128x200xi32, #tpu.memory_space<hbm>>
      %dma_wait3A_16 = arith.constant 0 : i32
      %dma_wait3A_17 = tpu.memref_slice %arg3[%mul3A_11, %dma_wait3A_16] : memref<16384x200xi32, #tpu.memory_space<hbm>> -> memref<128x200xi32, #tpu.memory_space<hbm>>
      tpu.wait_dma2 semaphore(%arg9 : memref<!tpu.dma_semaphore, #tpu.memory_space<semaphore_mem>>) src(%dma_wait3A_17 : memref<128x200xi32, #tpu.memory_space<hbm>>) dst(%arg5 : memref<128x200xi32, #tpu.memory_space<vmem>>)
      %scan3A_18 = arith.constant 0 : i32
      %scan3A_19 = arith.constant 0 : i32
      %scan3A_20 = arith.constant 200 : i32
      %scan3A_21 = arith.addi %scan3A_19, %scan3A_20 : i32
      %scan3A_22 = arith.constant 1 : i32
      scf.for %scan3A_236 = %scan3A_19 to %scan3A_21 step %scan3A_22  : i32 {
        %broadcast_in_dim3A = vector.broadcast %scan3A_236 : i32 to vector<16xi32>
        %add3A_237 = arith.constant 0 : i32
        %add3A_238 = vector.broadcast %add3A_237 : i32 to vector<16xi32>
        %add3A_239 = arith.addi %iota3A, %add3A_238 : vector<16xi32>
        %gather3A = tpu.vector_load_idx %arg5[%add3A_239, %broadcast_in_dim3A] : memref<128x200xi32, #tpu.memory_space<vmem>>[vector<16xi32>, vector<16xi32>], vector<16xi32>,
        %swap3A = arith.index_cast %scan3A_236 : i32 to index
        %swap3A_240 = arith.constant 0 : index
        %swap3A_241 = tpu.vector_load %arg6[%swap3A, %swap3A_240] {strides = array<i32>} : memref<200x128xi32, #tpu.memory_space<vmem>>, vector<16xi32>,
        tpu.vector_store %arg6[%swap3A, %swap3A_240], %gather3A {strides = array<i32>} : memref<200x128xi32, #tpu.memory_space<vmem>>, vector<16xi32>,
        %add3A_242 = arith.constant 16 : i32
        %add3A_243 = vector.broadcast %add3A_242 : i32 to vector<16xi32>
        %add3A_244 = arith.addi %iota3A, %add3A_243 : vector<16xi32>
        %gather3A_245 = tpu.vector_load_idx %arg5[%add3A_244, %broadcast_in_dim3A] : memref<128x200xi32, #tpu.memory_space<vmem>>[vector<16xi32>, vector<16xi32>], vector<16xi32>,
        %swap3A_246 = arith.index_cast %scan3A_236 : i32 to index
        %swap3A_247 = arith.constant 16 : index
        %swap3A_248 = tpu.vector_load %arg6[%swap3A_246, %swap3A_247] {strides = array<i32>} : memref<200x128xi32, #tpu.memory_space<vmem>>, vector<16xi32>,
        tpu.vector_store %arg6[%swap3A_246, %swap3A_247], %gather3A_245 {strides = array<i32>} : memref<200x128xi32, #tpu.memory_space<vmem>>, vector<16xi32>,
        %add3A_249 = arith.constant 32 : i32
        %add3A_250 = vector.broadcast %add3A_249 : i32 to vector<16xi32>
        %add3A_251 = arith.addi %iota3A, %add3A_250 : vector<16xi32>
        %gather3A_252 = tpu.vector_load_idx %arg5[%add3A_251, %broadcast_in_dim3A] : memref<128x200xi32, #tpu.memory_space<vmem>>[vector<16xi32>, vector<16xi32>], vector<16xi32>,
        %swap3A_253 = arith.index_cast %scan3A_236 : i32 to index
        %swap3A_254 = arith.constant 32 : index
        %swap3A_255 = tpu.vector_load %arg6[%swap3A_253, %swap3A_254] {strides = array<i32>} : memref<200x128xi32, #tpu.memory_space<vmem>>, vector<16xi32>,
        tpu.vector_store %arg6[%swap3A_253, %swap3A_254], %gather3A_252 {strides = array<i32>} : memref<200x128xi32, #tpu.memory_space<vmem>>, vector<16xi32>,
        %add3A_256 = arith.constant 48 : i32
        %add3A_257 = vector.broadcast %add3A_256 : i32 to vector<16xi32>
        %add3A_258 = arith.addi %iota3A, %add3A_257 : vector<16xi32>
        %gather3A_259 = tpu.vector_load_idx %arg5[%add3A_258, %broadcast_in_dim3A] : memref<128x200xi32, #tpu.memory_space<vmem>>[vector<16xi32>, vector<16xi32>], vector<16xi32>,
        %swap3A_260 = arith.index_cast %scan3A_236 : i32 to index
        %swap3A_261 = arith.constant 48 : index
        %swap3A_262 = tpu.vector_load %arg6[%swap3A_260, %swap3A_261] {strides = array<i32>} : memref<200x128xi32, #tpu.memory_space<vmem>>, vector<16xi32>,
        tpu.vector_store %arg6[%swap3A_260, %swap3A_261], %gather3A_259 {strides = array<i32>} : memref<200x128xi32, #tpu.memory_space<vmem>>, vector<16xi32>,
        %add3A_263 = arith.constant 64 : i32
        %add3A_264 = vector.broadcast %add3A_263 : i32 to vector<16xi32>
        %add3A_265 = arith.addi %iota3A, %add3A_264 : vector<16xi32>
        %gather3A_266 = tpu.vector_load_idx %arg5[%add3A_265, %broadcast_in_dim3A] : memref<128x200xi32, #tpu.memory_space<vmem>>[vector<16xi32>, vector<16xi32>], vector<16xi32>,
        %swap3A_267 = arith.index_cast %scan3A_236 : i32 to index
        %swap3A_268 = arith.constant 64 : index
        %swap3A_269 = tpu.vector_load %arg6[%swap3A_267, %swap3A_268] {strides = array<i32>} : memref<200x128xi32, #tpu.memory_space<vmem>>, vector<16xi32>,
        tpu.vector_store %arg6[%swap3A_267, %swap3A_268], %gather3A_266 {strides = array<i32>} : memref<200x128xi32, #tpu.memory_space<vmem>>, vector<16xi32>,
        %add3A_270 = arith.constant 80 : i32
        %add3A_271 = vector.broadcast %add3A_270 : i32 to vector<16xi32>
        %add3A_272 = arith.addi %iota3A, %add3A_271 : vector<16xi32>
        %gather3A_273 = tpu.vector_load_idx %arg5[%add3A_272, %broadcast_in_dim3A] : memref<128x200xi32, #tpu.memory_space<vmem>>[vector<16xi32>, vector<16xi32>], vector<16xi32>,
        %swap3A_274 = arith.index_cast %scan3A_236 : i32 to index
        %swap3A_275 = arith.constant 80 : index
        %swap3A_276 = tpu.vector_load %arg6[%swap3A_274, %swap3A_275] {strides = array<i32>} : memref<200x128xi32, #tpu.memory_space<vmem>>, vector<16xi32>,
        tpu.vector_store %arg6[%swap3A_274, %swap3A_275], %gather3A_273 {strides = array<i32>} : memref<200x128xi32, #tpu.memory_space<vmem>>, vector<16xi32>,
        %add3A_277 = arith.constant 96 : i32
        %add3A_278 = vector.broadcast %add3A_277 : i32 to vector<16xi32>
        %add3A_279 = arith.addi %iota3A, %add3A_278 : vector<16xi32>
        %gather3A_280 = tpu.vector_load_idx %arg5[%add3A_279, %broadcast_in_dim3A] : memref<128x200xi32, #tpu.memory_space<vmem>>[vector<16xi32>, vector<16xi32>], vector<16xi32>,
        %swap3A_281 = arith.index_cast %scan3A_236 : i32 to index
        %swap3A_282 = arith.constant 96 : index
        %swap3A_283 = tpu.vector_load %arg6[%swap3A_281, %swap3A_282] {strides = array<i32>} : memref<200x128xi32, #tpu.memory_space<vmem>>, vector<16xi32>,
        tpu.vector_store %arg6[%swap3A_281, %swap3A_282], %gather3A_280 {strides = array<i32>} : memref<200x128xi32, #tpu.memory_space<vmem>>, vector<16xi32>,
        %add3A_284 = arith.constant 112 : i32
        %add3A_285 = vector.broadcast %add3A_284 : i32 to vector<16xi32>
        %add3A_286 = arith.addi %iota3A, %add3A_285 : vector<16xi32>
        %gather3A_287 = tpu.vector_load_idx %arg5[%add3A_286, %broadcast_in_dim3A] : memref<128x200xi32, #tpu.memory_space<vmem>>[vector<16xi32>, vector<16xi32>], vector<16xi32>,
        %swap3A_288 = arith.index_cast %scan3A_236 : i32 to index
        %swap3A_289 = arith.constant 112 : index
        %swap3A_290 = tpu.vector_load %arg6[%swap3A_288, %swap3A_289] {strides = array<i32>} : memref<200x128xi32, #tpu.memory_space<vmem>>, vector<16xi32>,
        tpu.vector_store %arg6[%swap3A_288, %swap3A_289], %gather3A_287 {strides = array<i32>} : memref<200x128xi32, #tpu.memory_space<vmem>>, vector<16xi32>,
      }
      %scan3A_23 = arith.constant 200 : i32
      %dma_start3A_24 = arith.constant 0 : i32
      %dma_start3A_25 = arith.constant 0 : i32
      %dma_start3A_26 = arith.constant 0 : i32
      %dma_start3A_27 = arith.constant 0 : i32
      %dma_start3A_28 = arith.constant 0 : i32
      %dma_start3A_29 = tpu.memref_slice %arg7[%dma_start3A_25, %dma_start3A_27, %dma_start3A_28] : memref<4x128x32xf32, #tpu.memory_space<vmem>> -> memref<1x128x32xf32, #tpu.memory_space<vmem>>
      %dma_start3A_30 = tpu.memref_squeeze %dma_start3A_29 : memref<1x128x32xf32, #tpu.memory_space<vmem>> -> memref<128x32xf32, #tpu.memory_space<vmem>>
      %dma_start3A_31 = arith.constant 0 : i32
      %dma_start3A_32 = tpu.memref_slice %arg6[%dma_start3A_24, %dma_start3A_31] : memref<200x128xi32, #tpu.memory_space<vmem>> -> memref<1x128xi32, #tpu.memory_space<vmem>>
      %dma_start3A_33 = tpu.memref_squeeze %dma_start3A_32 : memref<1x128xi32, #tpu.memory_space<vmem>> -> memref<128xi32, #tpu.memory_space<vmem>>
      %dma_start3A_34 = arith.constant 0 : i32
      %dma_start3A_35 = arith.constant 0 : i32
      %dma_start3A_36 = tpu.memref_slice %arg2[%dma_start3A_34, %dma_start3A_35] : memref<100000x32xf32, #tpu.memory_space<hbm>> -> memref<100000x32xf32, #tpu.memory_space<hbm>>
      %dma_start3A_37 = tpu.memref_slice %arg10[%dma_start3A_26] : memref<4x!tpu.dma_semaphore, #tpu.memory_space<semaphore_mem>> -> memref<1x!tpu.dma_semaphore, #tpu.memory_space<semaphore_mem>>
      %dma_start3A_38 = tpu.memref_squeeze %dma_start3A_37 : memref<1x!tpu.dma_semaphore, #tpu.memory_space<semaphore_mem>> -> memref<!tpu.dma_semaphore, #tpu.memory_space<semaphore_mem>>
      tpu.enqueue_indirect_dma source(%dma_start3A_36 : memref<100000x32xf32, #tpu.memory_space<hbm>>) target(%dma_start3A_30 : memref<128x32xf32, #tpu.memory_space<vmem>>) offsets(%dma_start3A_33 : memref<128xi32, #tpu.memory_space<vmem>>) semaphore(%dma_start3A_38 : memref<!tpu.dma_semaphore, #tpu.memory_space<semaphore_mem>>)
      %dma_start3A_39 = arith.constant 1 : i32
      %dma_start3A_40 = arith.constant 1 : i32
      %dma_start3A_41 = arith.constant 1 : i32
      %dma_start3A_42 = arith.constant 0 : i32
      %dma_start3A_43 = arith.constant 0 : i32
      %dma_start3A_44 = tpu.memref_slice %arg7[%dma_start3A_40, %dma_start3A_42, %dma_start3A_43] : memref<4x128x32xf32, #tpu.memory_space<vmem>> -> memref<1x128x32xf32, #tpu.memory_space<vmem>>
      %dma_start3A_45 = tpu.memref_squeeze %dma_start3A_44 : memref<1x128x32xf32, #tpu.memory_space<vmem>> -> memref<128x32xf32, #tpu.memory_space<vmem>>
      %dma_start3A_46 = arith.constant 0 : i32
      %dma_start3A_47 = tpu.memref_slice %arg6[%dma_start3A_39, %dma_start3A_46] : memref<200x128xi32, #tpu.memory_space<vmem>> -> memref<1x128xi32, #tpu.memory_space<vmem>>
      %dma_start3A_48 = tpu.memref_squeeze %dma_start3A_47 : memref<1x128xi32, #tpu.memory_space<vmem>> -> memref<128xi32, #tpu.memory_space<vmem>>
      %dma_start3A_49 = arith.constant 0 : i32
      %dma_start3A_50 = arith.constant 0 : i32
      %dma_start3A_51 = tpu.memref_slice %arg2[%dma_start3A_49, %dma_start3A_50] : memref<100000x32xf32, #tpu.memory_space<hbm>> -> memref<100000x32xf32, #tpu.memory_space<hbm>>
      %dma_start3A_52 = tpu.memref_slice %arg10[%dma_start3A_41] : memref<4x!tpu.dma_semaphore, #tpu.memory_space<semaphore_mem>> -> memref<1x!tpu.dma_semaphore, #tpu.memory_space<semaphore_mem>>
      %dma_start3A_53 = tpu.memref_squeeze %dma_start3A_52 : memref<1x!tpu.dma_semaphore, #tpu.memory_space<semaphore_mem>> -> memref<!tpu.dma_semaphore, #tpu.memory_space<semaphore_mem>>
      tpu.enqueue_indirect_dma source(%dma_start3A_51 : memref<100000x32xf32, #tpu.memory_space<hbm>>) target(%dma_start3A_45 : memref<128x32xf32, #tpu.memory_space<vmem>>) offsets(%dma_start3A_48 : memref<128xi32, #tpu.memory_space<vmem>>) semaphore(%dma_start3A_53 : memref<!tpu.dma_semaphore, #tpu.memory_space<semaphore_mem>>)
      %scan3A_54 = arith.constant 0 : i32
      %scan3A_55 = arith.constant 0 : i32
      %scan3A_56 = arith.constant 50 : i32
      %scan3A_57 = arith.addi %scan3A_55, %scan3A_56 : i32
      %scan3A_58 = arith.constant 1 : i32
      scf.for %scan3A_236 = %scan3A_55 to %scan3A_57 step %scan3A_58  : i32 {
        %mul3A_237 = arith.constant 4 : i32
        %mul3A_238 = arith.muli %scan3A_236, %mul3A_237 : i32
        %add3A_239 = arith.constant 0 : i32
        %add3A_240 = arith.addi %mul3A_238, %add3A_239 : i32
        %jit3A = arith.constant 2 : i32
        %eq3A = arith.constant 0 : i32
        %eq3A_241 = arith.cmpi eq, %jit3A, %eq3A : i32
        %jit3A_242 = arith.constant 1 : i32
        %select_n3A = arith.select %eq3A_241, %jit3A_242, %jit3A : i32
        %rem3A = arith.remsi %add3A_240, %select_n3A : i32
        %ne3A = arith.constant 0 : i32
        %ne3A_243 = arith.cmpi ne, %rem3A, %ne3A : i32
        %lt3A = arith.constant 0 : i32
        %lt3A_244 = arith.cmpi slt, %rem3A, %lt3A : i32
        %lt3A_245 = arith.constant 0 : i32
        %lt3A_246 = arith.cmpi slt, %select_n3A, %lt3A_245 : i32
        %ne3A_247 = arith.xori %lt3A_244, %lt3A_246 : i1
        %and3A = arith.andi %ne3A_247, %ne3A_243 : i1
        %add3A_248 = arith.addi %rem3A, %select_n3A : i32
        %select_n3A_249 = arith.select %and3A, %add3A_248, %rem3A : i32
        %ge3A = arith.constant 2 : i32
        %ge3A_250 = arith.cmpi sge, %add3A_240, %ge3A : i32
        %convert_element_type3A = arith.extui %ge3A_250 : i1 to i32
        %cond3A = arith.constant 0 : i32
        %cond3A_251 = arith.cmpi ne, %convert_element_type3A, %cond3A : i32
        scf.if %cond3A_251 {
          %dma_wait3A_751 = arith.constant 0 : i32
          %dma_wait3A_752 = arith.constant 0 : i32
          %dma_wait3A_753 = arith.constant 0 : i32
          %dma_wait3A_754 = tpu.memref_slice %arg8[%select_n3A_249, %dma_wait3A_752, %dma_wait3A_753] : memref<2x32x129xf32, #tpu.memory_space<vmem>> -> memref<1x8x128xf32, #tpu.memory_space<vmem>>
          %dma_wait3A_755 = tpu.memref_squeeze %dma_wait3A_754 : memref<1x8x128xf32, #tpu.memory_space<vmem>> -> memref<8x128xf32, #tpu.memory_space<vmem>>
          %dma_wait3A_756 = arith.constant 0 : i32
          %dma_wait3A_757 = arith.constant 0 : i32
          %dma_wait3A_758 = tpu.memref_slice %arg4[%add3A_240, %dma_wait3A_751, %add3A_9, %dma_wait3A_756, %dma_wait3A_757] : memref<200x4x128x8x128xf32, #tpu.memory_space<hbm>> -> memref<1x1x1x8x128xf32, #tpu.memory_space<hbm>>
          %dma_wait3A_759 = tpu.memref_squeeze %dma_wait3A_758 : memref<1x1x1x8x128xf32, #tpu.memory_space<hbm>> -> memref<8x128xf32, #tpu.memory_space<hbm>>
          %dma_wait3A_760 = tpu.memref_slice %arg11[%select_n3A_249] : memref<2x!tpu.dma_semaphore, #tpu.memory_space<semaphore_mem>> -> memref<1x!tpu.dma_semaphore, #tpu.memory_space<semaphore_mem>>
          %dma_wait3A_761 = tpu.memref_squeeze %dma_wait3A_760 : memref<1x!tpu.dma_semaphore, #tpu.memory_space<semaphore_mem>> -> memref<!tpu.dma_semaphore, #tpu.memory_space<semaphore_mem>>
          %dma_wait3A_762 = arith.constant 0 : i32
          %dma_wait3A_763 = arith.constant 0 : i32
          %dma_wait3A_764 = tpu.memref_slice %arg4[%add3A_240, %dma_wait3A_751, %add3A_9, %dma_wait3A_762, %dma_wait3A_763] : memref<200x4x128x8x128xf32, #tpu.memory_space<hbm>> -> memref<1x1x1x8x128xf32, #tpu.memory_space<hbm>>
          %dma_wait3A_765 = tpu.memref_squeeze %dma_wait3A_764 : memref<1x1x1x8x128xf32, #tpu.memory_space<hbm>> -> memref<8x128xf32, #tpu.memory_space<hbm>>
          %dma_wait3A_766 = arith.constant 0 : i32
          %dma_wait3A_767 = arith.constant 0 : i32
          %dma_wait3A_768 = tpu.memref_slice %arg8[%select_n3A_249, %dma_wait3A_766, %dma_wait3A_767] : memref<2x32x129xf32, #tpu.memory_space<vmem>> -> memref<1x8x128xf32, #tpu.memory_space<vmem>>
          %dma_wait3A_769 = tpu.memref_squeeze %dma_wait3A_768 : memref<1x8x128xf32, #tpu.memory_space<vmem>> -> memref<8x128xf32, #tpu.memory_space<vmem>>
          tpu.wait_dma2 semaphore(%dma_wait3A_761 : memref<!tpu.dma_semaphore, #tpu.memory_space<semaphore_mem>>) src(%dma_wait3A_769 : memref<8x128xf32, #tpu.memory_space<vmem>>) dst(%dma_wait3A_765 : memref<8x128xf32, #tpu.memory_space<hbm>>)
          %dma_wait3A_770 = arith.constant 1 : i32
          %dma_wait3A_771 = arith.constant 8 : i32
          %dma_wait3A_772 = arith.constant 0 : i32
          %dma_wait3A_773 = tpu.memref_slice %arg8[%select_n3A_249, %dma_wait3A_771, %dma_wait3A_772] : memref<2x32x129xf32, #tpu.memory_space<vmem>> -> memref<1x8x128xf32, #tpu.memory_space<vmem>>
          %dma_wait3A_774 = tpu.memref_squeeze %dma_wait3A_773 : memref<1x8x128xf32, #tpu.memory_space<vmem>> -> memref<8x128xf32, #tpu.memory_space<vmem>>
          %dma_wait3A_775 = arith.constant 0 : i32
          %dma_wait3A_776 = arith.constant 0 : i32
          %dma_wait3A_777 = tpu.memref_slice %arg4[%add3A_240, %dma_wait3A_770, %add3A_9, %dma_wait3A_775, %dma_wait3A_776] : memref<200x4x128x8x128xf32, #tpu.memory_space<hbm>> -> memref<1x1x1x8x128xf32, #tpu.memory_space<hbm>>
          %dma_wait3A_778 = tpu.memref_squeeze %dma_wait3A_777 : memref<1x1x1x8x128xf32, #tpu.memory_space<hbm>> -> memref<8x128xf32, #tpu.memory_space<hbm>>
          %dma_wait3A_779 = tpu.memref_slice %arg11[%select_n3A_249] : memref<2x!tpu.dma_semaphore, #tpu.memory_space<semaphore_mem>> -> memref<1x!tpu.dma_semaphore, #tpu.memory_space<semaphore_mem>>
          %dma_wait3A_780 = tpu.memref_squeeze %dma_wait3A_779 : memref<1x!tpu.dma_semaphore, #tpu.memory_space<semaphore_mem>> -> memref<!tpu.dma_semaphore, #tpu.memory_space<semaphore_mem>>
          %dma_wait3A_781 = arith.constant 0 : i32
          %dma_wait3A_782 = arith.constant 0 : i32
          %dma_wait3A_783 = tpu.memref_slice %arg4[%add3A_240, %dma_wait3A_770, %add3A_9, %dma_wait3A_781, %dma_wait3A_782] : memref<200x4x128x8x128xf32, #tpu.memory_space<hbm>> -> memref<1x1x1x8x128xf32, #tpu.memory_space<hbm>>
          %dma_wait3A_784 = tpu.memref_squeeze %dma_wait3A_783 : memref<1x1x1x8x128xf32, #tpu.memory_space<hbm>> -> memref<8x128xf32, #tpu.memory_space<hbm>>
          %dma_wait3A_785 = arith.constant 8 : i32
          %dma_wait3A_786 = arith.constant 0 : i32
          %dma_wait3A_787 = tpu.memref_slice %arg8[%select_n3A_249, %dma_wait3A_785, %dma_wait3A_786] : memref<2x32x129xf32, #tpu.memory_space<vmem>> -> memref<1x8x128xf32, #tpu.memory_space<vmem>>
          %dma_wait3A_788 = tpu.memref_squeeze %dma_wait3A_787 : memref<1x8x128xf32, #tpu.memory_space<vmem>> -> memref<8x128xf32, #tpu.memory_space<vmem>>
          tpu.wait_dma2 semaphore(%dma_wait3A_780 : memref<!tpu.dma_semaphore, #tpu.memory_space<semaphore_mem>>) src(%dma_wait3A_788 : memref<8x128xf32, #tpu.memory_space<vmem>>) dst(%dma_wait3A_784 : memref<8x128xf32, #tpu.memory_space<hbm>>)
          %dma_wait3A_789 = arith.constant 2 : i32
          %dma_wait3A_790 = arith.constant 16 : i32
          %dma_wait3A_791 = arith.constant 0 : i32
          %dma_wait3A_792 = tpu.memref_slice %arg8[%select_n3A_249, %dma_wait3A_790, %dma_wait3A_791] : memref<2x32x129xf32, #tpu.memory_space<vmem>> -> memref<1x8x128xf32, #tpu.memory_space<vmem>>
          %dma_wait3A_793 = tpu.memref_squeeze %dma_wait3A_792 : memref<1x8x128xf32, #tpu.memory_space<vmem>> -> memref<8x128xf32, #tpu.memory_space<vmem>>
          %dma_wait3A_794 = arith.constant 0 : i32
          %dma_wait3A_795 = arith.constant 0 : i32
          %dma_wait3A_796 = tpu.memref_slice %arg4[%add3A_240, %dma_wait3A_789, %add3A_9, %dma_wait3A_794, %dma_wait3A_795] : memref<200x4x128x8x128xf32, #tpu.memory_space<hbm>> -> memref<1x1x1x8x128xf32, #tpu.memory_space<hbm>>
          %dma_wait3A_797 = tpu.memref_squeeze %dma_wait3A_796 : memref<1x1x1x8x128xf32, #tpu.memory_space<hbm>> -> memref<8x128xf32, #tpu.memory_space<hbm>>
          %dma_wait3A_798 = tpu.memref_slice %arg11[%select_n3A_249] : memref<2x!tpu.dma_semaphore, #tpu.memory_space<semaphore_mem>> -> memref<1x!tpu.dma_semaphore, #tpu.memory_space<semaphore_mem>>
          %dma_wait3A_799 = tpu.memref_squeeze %dma_wait3A_798 : memref<1x!tpu.dma_semaphore, #tpu.memory_space<semaphore_mem>> -> memref<!tpu.dma_semaphore, #tpu.memory_space<semaphore_mem>>
          %dma_wait3A_800 = arith.constant 0 : i32
          %dma_wait3A_801 = arith.constant 0 : i32
          %dma_wait3A_802 = tpu.memref_slice %arg4[%add3A_240, %dma_wait3A_789, %add3A_9, %dma_wait3A_800, %dma_wait3A_801] : memref<200x4x128x8x128xf32, #tpu.memory_space<hbm>> -> memref<1x1x1x8x128xf32, #tpu.memory_space<hbm>>
          %dma_wait3A_803 = tpu.memref_squeeze %dma_wait3A_802 : memref<1x1x1x8x128xf32, #tpu.memory_space<hbm>> -> memref<8x128xf32, #tpu.memory_space<hbm>>
          %dma_wait3A_804 = arith.constant 16 : i32
          %dma_wait3A_805 = arith.constant 0 : i32
          %dma_wait3A_806 = tpu.memref_slice %arg8[%select_n3A_249, %dma_wait3A_804, %dma_wait3A_805] : memref<2x32x129xf32, #tpu.memory_space<vmem>> -> memref<1x8x128xf32, #tpu.memory_space<vmem>>
          %dma_wait3A_807 = tpu.memref_squeeze %dma_wait3A_806 : memref<1x8x128xf32, #tpu.memory_space<vmem>> -> memref<8x128xf32, #tpu.memory_space<vmem>>
          tpu.wait_dma2 semaphore(%dma_wait3A_799 : memref<!tpu.dma_semaphore, #tpu.memory_space<semaphore_mem>>) src(%dma_wait3A_807 : memref<8x128xf32, #tpu.memory_space<vmem>>) dst(%dma_wait3A_803 : memref<8x128xf32, #tpu.memory_space<hbm>>)
          %dma_wait3A_808 = arith.constant 3 : i32
          %dma_wait3A_809 = arith.constant 24 : i32
          %dma_wait3A_810 = arith.constant 0 : i32
          %dma_wait3A_811 = tpu.memref_slice %arg8[%select_n3A_249, %dma_wait3A_809, %dma_wait3A_810] : memref<2x32x129xf32, #tpu.memory_space<vmem>> -> memref<1x8x128xf32, #tpu.memory_space<vmem>>
          %dma_wait3A_812 = tpu.memref_squeeze %dma_wait3A_811 : memref<1x8x128xf32, #tpu.memory_space<vmem>> -> memref<8x128xf32, #tpu.memory_space<vmem>>
          %dma_wait3A_813 = arith.constant 0 : i32
          %dma_wait3A_814 = arith.constant 0 : i32
          %dma_wait3A_815 = tpu.memref_slice %arg4[%add3A_240, %dma_wait3A_808, %add3A_9, %dma_wait3A_813, %dma_wait3A_814] : memref<200x4x128x8x128xf32, #tpu.memory_space<hbm>> -> memref<1x1x1x8x128xf32, #tpu.memory_space<hbm>>
          %dma_wait3A_816 = tpu.memref_squeeze %dma_wait3A_815 : memref<1x1x1x8x128xf32, #tpu.memory_space<hbm>> -> memref<8x128xf32, #tpu.memory_space<hbm>>
          %dma_wait3A_817 = tpu.memref_slice %arg11[%select_n3A_249] : memref<2x!tpu.dma_semaphore, #tpu.memory_space<semaphore_mem>> -> memref<1x!tpu.dma_semaphore, #tpu.memory_space<semaphore_mem>>
          %dma_wait3A_818 = tpu.memref_squeeze %dma_wait3A_817 : memref<1x!tpu.dma_semaphore, #tpu.memory_space<semaphore_mem>> -> memref<!tpu.dma_semaphore, #tpu.memory_space<semaphore_mem>>
          %dma_wait3A_819 = arith.constant 0 : i32
          %dma_wait3A_820 = arith.constant 0 : i32
          %dma_wait3A_821 = tpu.memref_slice %arg4[%add3A_240, %dma_wait3A_808, %add3A_9, %dma_wait3A_819, %dma_wait3A_820] : memref<200x4x128x8x128xf32, #tpu.memory_space<hbm>> -> memref<1x1x1x8x128xf32, #tpu.memory_space<hbm>>
          %dma_wait3A_822 = tpu.memref_squeeze %dma_wait3A_821 : memref<1x1x1x8x128xf32, #tpu.memory_space<hbm>> -> memref<8x128xf32, #tpu.memory_space<hbm>>
          %dma_wait3A_823 = arith.constant 24 : i32
          %dma_wait3A_824 = arith.constant 0 : i32
          %dma_wait3A_825 = tpu.memref_slice %arg8[%select_n3A_249, %dma_wait3A_823, %dma_wait3A_824] : memref<2x32x129xf32, #tpu.memory_space<vmem>> -> memref<1x8x128xf32, #tpu.memory_space<vmem>>
          %dma_wait3A_826 = tpu.memref_squeeze %dma_wait3A_825 : memref<1x8x128xf32, #tpu.memory_space<vmem>> -> memref<8x128xf32, #tpu.memory_space<vmem>>
          tpu.wait_dma2 semaphore(%dma_wait3A_818 : memref<!tpu.dma_semaphore, #tpu.memory_space<semaphore_mem>>) src(%dma_wait3A_826 : memref<8x128xf32, #tpu.memory_space<vmem>>) dst(%dma_wait3A_822 : memref<8x128xf32, #tpu.memory_space<hbm>>)
        } else {
        }
        %dma_wait3A_252 = arith.constant 0 : i32
        %dma_wait3A_253 = arith.constant 0 : i32
        %dma_wait3A_254 = arith.constant 0 : i32
        %dma_wait3A_255 = arith.constant 0 : i32
        %dma_wait3A_256 = tpu.memref_slice %arg7[%dma_wait3A_252, %dma_wait3A_254, %dma_wait3A_255] : memref<4x128x32xf32, #tpu.memory_space<vmem>> -> memref<1x128x32xf32, #tpu.memory_space<vmem>>
        %dma_wait3A_257 = tpu.memref_squeeze %dma_wait3A_256 : memref<1x128x32xf32, #tpu.memory_space<vmem>> -> memref<128x32xf32, #tpu.memory_space<vmem>>
        %dma_wait3A_258 = arith.constant 0 : i32
        %dma_wait3A_259 = tpu.memref_slice %arg6[%add3A_240, %dma_wait3A_258] : memref<200x128xi32, #tpu.memory_space<vmem>> -> memref<1x128xi32, #tpu.memory_space<vmem>>
        %dma_wait3A_260 = tpu.memref_squeeze %dma_wait3A_259 : memref<1x128xi32, #tpu.memory_space<vmem>> -> memref<128xi32, #tpu.memory_space<vmem>>
        %dma_wait3A_261 = arith.constant 0 : i32
        %dma_wait3A_262 = arith.constant 0 : i32
        %dma_wait3A_263 = tpu.memref_slice %arg2[%dma_wait3A_261, %dma_wait3A_262] : memref<100000x32xf32, #tpu.memory_space<hbm>> -> memref<100000x32xf32, #tpu.memory_space<hbm>>
        %dma_wait3A_264 = tpu.memref_slice %arg10[%dma_wait3A_253] : memref<4x!tpu.dma_semaphore, #tpu.memory_space<semaphore_mem>> -> memref<1x!tpu.dma_semaphore, #tpu.memory_space<semaphore_mem>>
        %dma_wait3A_265 = tpu.memref_squeeze %dma_wait3A_264 : memref<1x!tpu.dma_semaphore, #tpu.memory_space<semaphore_mem>> -> memref<!tpu.dma_semaphore, #tpu.memory_space<semaphore_mem>>
        tpu.wait_indirect_dma semaphore(%dma_wait3A_265 : memref<!tpu.dma_semaphore, #tpu.memory_space<semaphore_mem>>) src(%dma_wait3A_263 : memref<100000x32xf32, #tpu.memory_space<hbm>>) dst(%dma_wait3A_257 : memref<128x32xf32, #tpu.memory_space<vmem>>)
        %add3A_266 = arith.constant 2 : i32
        %add3A_267 = arith.addi %add3A_240, %add3A_266 : i32
        %lt3A_268 = arith.constant 200 : i32
        %lt3A_269 = arith.cmpi slt, %add3A_267, %lt3A_268 : i32
        %convert_element_type3A_270 = arith.extui %lt3A_269 : i1 to i32
        %cond3A_271 = arith.constant 0 : i32
        %cond3A_272 = arith.cmpi ne, %convert_element_type3A_270, %cond3A_271 : i32
        scf.if %cond3A_272 {
          %add3A_751 = arith.constant 2 : i32
          %add3A_752 = arith.addi %add3A_240, %add3A_751 : i32
          %dma_start3A_753 = arith.constant 2 : i32
          %dma_start3A_754 = arith.constant 2 : i32
          %dma_start3A_755 = arith.constant 0 : i32
          %dma_start3A_756 = arith.constant 0 : i32
          %dma_start3A_757 = tpu.memref_slice %arg7[%dma_start3A_753, %dma_start3A_755, %dma_start3A_756] : memref<4x128x32xf32, #tpu.memory_space<vmem>> -> memref<1x128x32xf32, #tpu.memory_space<vmem>>
          %dma_start3A_758 = tpu.memref_squeeze %dma_start3A_757 : memref<1x128x32xf32, #tpu.memory_space<vmem>> -> memref<128x32xf32, #tpu.memory_space<vmem>>
          %dma_start3A_759 = arith.constant 0 : i32
          %dma_start3A_760 = tpu.memref_slice %arg6[%add3A_752, %dma_start3A_759] : memref<200x128xi32, #tpu.memory_space<vmem>> -> memref<1x128xi32, #tpu.memory_space<vmem>>
          %dma_start3A_761 = tpu.memref_squeeze %dma_start3A_760 : memref<1x128xi32, #tpu.memory_space<vmem>> -> memref<128xi32, #tpu.memory_space<vmem>>
          %dma_start3A_762 = arith.constant 0 : i32
          %dma_start3A_763 = arith.constant 0 : i32
          %dma_start3A_764 = tpu.memref_slice %arg2[%dma_start3A_762, %dma_start3A_763] : memref<100000x32xf32, #tpu.memory_space<hbm>> -> memref<100000x32xf32, #tpu.memory_space<hbm>>
          %dma_start3A_765 = tpu.memref_slice %arg10[%dma_start3A_754] : memref<4x!tpu.dma_semaphore, #tpu.memory_space<semaphore_mem>> -> memref<1x!tpu.dma_semaphore, #tpu.memory_space<semaphore_mem>>
          %dma_start3A_766 = tpu.memref_squeeze %dma_start3A_765 : memref<1x!tpu.dma_semaphore, #tpu.memory_space<semaphore_mem>> -> memref<!tpu.dma_semaphore, #tpu.memory_space<semaphore_mem>>
          tpu.enqueue_indirect_dma source(%dma_start3A_764 : memref<100000x32xf32, #tpu.memory_space<hbm>>) target(%dma_start3A_758 : memref<128x32xf32, #tpu.memory_space<vmem>>) offsets(%dma_start3A_761 : memref<128xi32, #tpu.memory_space<vmem>>) semaphore(%dma_start3A_766 : memref<!tpu.dma_semaphore, #tpu.memory_space<semaphore_mem>>)
        } else {
        }
        %add3A_273 = arith.constant 16 : i32
        %add3A_274 = vector.broadcast %add3A_273 : i32 to vector<16xi32>
        %add3A_275 = arith.addi %iota3A, %add3A_274 : vector<16xi32>
        %scan3A_276 = arith.constant 0 : i32
        %scan3A_277 = arith.constant 0 : i32
        %scan3A_278 = arith.constant 16 : i32
        %scan3A_279 = arith.addi %scan3A_277, %scan3A_278 : i32
        %scan3A_280 = arith.constant 1 : i32
        scf.for %scan3A_751 = %scan3A_277 to %scan3A_279 step %scan3A_280  : i32 {
          %mul3A_752 = arith.constant 8 : i32
          %mul3A_753 = arith.muli %scan3A_751, %mul3A_752 : i32
          %add3A_754 = arith.constant 0 : i32
          %add3A_755 = arith.addi %mul3A_753, %add3A_754 : i32
          %broadcast_in_dim3A = vector.broadcast %add3A_755 : i32 to vector<16xi32>
          %get3A = arith.constant 0 : i32
          %get3A_756 = arith.index_cast %get3A : i32 to index
          %get3A_757 = arith.index_cast %add3A_755 : i32 to index
          %get3A_758 = arith.constant 0 : index
          %get3A_759 = tpu.vector_load %arg7[%get3A_756, %get3A_757, %get3A_758] {strides = array<i32>} : memref<4x128x32xf32, #tpu.memory_space<vmem>>, vector<16xf32>,
          %scatter3A = arith.constant 0 : i32
          %scatter3A_760 = arith.constant 0 : i32
          %scatter3A_761 = tpu.memref_slice %arg8[%select_n3A_249, %scatter3A, %scatter3A_760] : memref<2x32x129xf32, #tpu.memory_space<vmem>> -> memref<1x32x129xf32, #tpu.memory_space<vmem>>
          %scatter3A_762 = tpu.memref_squeeze %scatter3A_761 : memref<1x32x129xf32, #tpu.memory_space<vmem>> -> memref<32x129xf32, #tpu.memory_space<vmem>>
          tpu.vector_store_idx %scatter3A_762[%iota3A, %broadcast_in_dim3A], %get3A_759 : memref<32x129xf32, #tpu.memory_space<vmem>>[vector<16xi32>, vector<16xi32>], vector<16xf32>,
          %get3A_763 = arith.constant 0 : i32
          %get3A_764 = arith.index_cast %get3A_763 : i32 to index
          %get3A_765 = arith.index_cast %add3A_755 : i32 to index
          %get3A_766 = arith.constant 16 : index
          %get3A_767 = tpu.vector_load %arg7[%get3A_764, %get3A_765, %get3A_766] {strides = array<i32>} : memref<4x128x32xf32, #tpu.memory_space<vmem>>, vector<16xf32>,
          %scatter3A_768 = arith.constant 0 : i32
          %scatter3A_769 = arith.constant 0 : i32
          %scatter3A_770 = tpu.memref_slice %arg8[%select_n3A_249, %scatter3A_768, %scatter3A_769] : memref<2x32x129xf32, #tpu.memory_space<vmem>> -> memref<1x32x129xf32, #tpu.memory_space<vmem>>
          %scatter3A_771 = tpu.memref_squeeze %scatter3A_770 : memref<1x32x129xf32, #tpu.memory_space<vmem>> -> memref<32x129xf32, #tpu.memory_space<vmem>>
          tpu.vector_store_idx %scatter3A_771[%add3A_275, %broadcast_in_dim3A], %get3A_767 : memref<32x129xf32, #tpu.memory_space<vmem>>[vector<16xi32>, vector<16xi32>], vector<16xf32>,
          %mul3A_772 = arith.constant 8 : i32
          %mul3A_773 = arith.muli %scan3A_751, %mul3A_772 : i32
          %add3A_774 = arith.constant 1 : i32
          %add3A_775 = arith.addi %mul3A_773, %add3A_774 : i32
          %broadcast_in_dim3A_776 = vector.broadcast %add3A_775 : i32 to vector<16xi32>
          %get3A_777 = arith.constant 0 : i32
          %get3A_778 = arith.index_cast %get3A_777 : i32 to index
          %get3A_779 = arith.index_cast %add3A_775 : i32 to index
          %get3A_780 = arith.constant 0 : index
          %get3A_781 = tpu.vector_load %arg7[%get3A_778, %get3A_779, %get3A_780] {strides = array<i32>} : memref<4x128x32xf32, #tpu.memory_space<vmem>>, vector<16xf32>,
          %scatter3A_782 = arith.constant 0 : i32
          %scatter3A_783 = arith.constant 0 : i32
          %scatter3A_784 = tpu.memref_slice %arg8[%select_n3A_249, %scatter3A_782, %scatter3A_783] : memref<2x32x129xf32, #tpu.memory_space<vmem>> -> memref<1x32x129xf32, #tpu.memory_space<vmem>>
          %scatter3A_785 = tpu.memref_squeeze %scatter3A_784 : memref<1x32x129xf32, #tpu.memory_space<vmem>> -> memref<32x129xf32, #tpu.memory_space<vmem>>
          tpu.vector_store_idx %scatter3A_785[%iota3A, %broadcast_in_dim3A_776], %get3A_781 : memref<32x129xf32, #tpu.memory_space<vmem>>[vector<16xi32>, vector<16xi32>], vector<16xf32>,
          %get3A_786 = arith.constant 0 : i32
          %get3A_787 = arith.index_cast %get3A_786 : i32 to index
          %get3A_788 = arith.index_cast %add3A_775 : i32 to index
          %get3A_789 = arith.constant 16 : index
          %get3A_790 = tpu.vector_load %arg7[%get3A_787, %get3A_788, %get3A_789] {strides = array<i32>} : memref<4x128x32xf32, #tpu.memory_space<vmem>>, vector<16xf32>,
          %scatter3A_791 = arith.constant 0 : i32
          %scatter3A_792 = arith.constant 0 : i32
          %scatter3A_793 = tpu.memref_slice %arg8[%select_n3A_249, %scatter3A_791, %scatter3A_792] : memref<2x32x129xf32, #tpu.memory_space<vmem>> -> memref<1x32x129xf32, #tpu.memory_space<vmem>>
          %scatter3A_794 = tpu.memref_squeeze %scatter3A_793 : memref<1x32x129xf32, #tpu.memory_space<vmem>> -> memref<32x129xf32, #tpu.memory_space<vmem>>
          tpu.vector_store_idx %scatter3A_794[%add3A_275, %broadcast_in_dim3A_776], %get3A_790 : memref<32x129xf32, #tpu.memory_space<vmem>>[vector<16xi32>, vector<16xi32>], vector<16xf32>,
          %mul3A_795 = arith.constant 8 : i32
          %mul3A_796 = arith.muli %scan3A_751, %mul3A_795 : i32
          %add3A_797 = arith.constant 2 : i32
          %add3A_798 = arith.addi %mul3A_796, %add3A_797 : i32
          %broadcast_in_dim3A_799 = vector.broadcast %add3A_798 : i32 to vector<16xi32>
          %get3A_800 = arith.constant 0 : i32
          %get3A_801 = arith.index_cast %get3A_800 : i32 to index
          %get3A_802 = arith.index_cast %add3A_798 : i32 to index
          %get3A_803 = arith.constant 0 : index
          %get3A_804 = tpu.vector_load %arg7[%get3A_801, %get3A_802, %get3A_803] {strides = array<i32>} : memref<4x128x32xf32, #tpu.memory_space<vmem>>, vector<16xf32>,
          %scatter3A_805 = arith.constant 0 : i32
          %scatter3A_806 = arith.constant 0 : i32
          %scatter3A_807 = tpu.memref_slice %arg8[%select_n3A_249, %scatter3A_805, %scatter3A_806] : memref<2x32x129xf32, #tpu.memory_space<vmem>> -> memref<1x32x129xf32, #tpu.memory_space<vmem>>
          %scatter3A_808 = tpu.memref_squeeze %scatter3A_807 : memref<1x32x129xf32, #tpu.memory_space<vmem>> -> memref<32x129xf32, #tpu.memory_space<vmem>>
          tpu.vector_store_idx %scatter3A_808[%iota3A, %broadcast_in_dim3A_799], %get3A_804 : memref<32x129xf32, #tpu.memory_space<vmem>>[vector<16xi32>, vector<16xi32>], vector<16xf32>,
          %get3A_809 = arith.constant 0 : i32
          %get3A_810 = arith.index_cast %get3A_809 : i32 to index
          %get3A_811 = arith.index_cast %add3A_798 : i32 to index
          %get3A_812 = arith.constant 16 : index
          %get3A_813 = tpu.vector_load %arg7[%get3A_810, %get3A_811, %get3A_812] {strides = array<i32>} : memref<4x128x32xf32, #tpu.memory_space<vmem>>, vector<16xf32>,
          %scatter3A_814 = arith.constant 0 : i32
          %scatter3A_815 = arith.constant 0 : i32
          %scatter3A_816 = tpu.memref_slice %arg8[%select_n3A_249, %scatter3A_814, %scatter3A_815] : memref<2x32x129xf32, #tpu.memory_space<vmem>> -> memref<1x32x129xf32, #tpu.memory_space<vmem>>
          %scatter3A_817 = tpu.memref_squeeze %scatter3A_816 : memref<1x32x129xf32, #tpu.memory_space<vmem>> -> memref<32x129xf32, #tpu.memory_space<vmem>>
          tpu.vector_store_idx %scatter3A_817[%add3A_275, %broadcast_in_dim3A_799], %get3A_813 : memref<32x129xf32, #tpu.memory_space<vmem>>[vector<16xi32>, vector<16xi32>], vector<16xf32>,
          %mul3A_818 = arith.constant 8 : i32
          %mul3A_819 = arith.muli %scan3A_751, %mul3A_818 : i32
          %add3A_820 = arith.constant 3 : i32
          %add3A_821 = arith.addi %mul3A_819, %add3A_820 : i32
          %broadcast_in_dim3A_822 = vector.broadcast %add3A_821 : i32 to vector<16xi32>
          %get3A_823 = arith.constant 0 : i32
          %get3A_824 = arith.index_cast %get3A_823 : i32 to index
          %get3A_825 = arith.index_cast %add3A_821 : i32 to index
          %get3A_826 = arith.constant 0 : index
          %get3A_827 = tpu.vector_load %arg7[%get3A_824, %get3A_825, %get3A_826] {strides = array<i32>} : memref<4x128x32xf32, #tpu.memory_space<vmem>>, vector<16xf32>,
          %scatter3A_828 = arith.constant 0 : i32
          %scatter3A_829 = arith.constant 0 : i32
          %scatter3A_830 = tpu.memref_slice %arg8[%select_n3A_249, %scatter3A_828, %scatter3A_829] : memref<2x32x129xf32, #tpu.memory_space<vmem>> -> memref<1x32x129xf32, #tpu.memory_space<vmem>>
          %scatter3A_831 = tpu.memref_squeeze %scatter3A_830 : memref<1x32x129xf32, #tpu.memory_space<vmem>> -> memref<32x129xf32, #tpu.memory_space<vmem>>
          tpu.vector_store_idx %scatter3A_831[%iota3A, %broadcast_in_dim3A_822], %get3A_827 : memref<32x129xf32, #tpu.memory_space<vmem>>[vector<16xi32>, vector<16xi32>], vector<16xf32>,
          %get3A_832 = arith.constant 0 : i32
          %get3A_833 = arith.index_cast %get3A_832 : i32 to index
          %get3A_834 = arith.index_cast %add3A_821 : i32 to index
          %get3A_835 = arith.constant 16 : index
          %get3A_836 = tpu.vector_load %arg7[%get3A_833, %get3A_834, %get3A_835] {strides = array<i32>} : memref<4x128x32xf32, #tpu.memory_space<vmem>>, vector<16xf32>,
          %scatter3A_837 = arith.constant 0 : i32
          %scatter3A_838 = arith.constant 0 : i32
          %scatter3A_839 = tpu.memref_slice %arg8[%select_n3A_249, %scatter3A_837, %scatter3A_838] : memref<2x32x129xf32, #tpu.memory_space<vmem>> -> memref<1x32x129xf32, #tpu.memory_space<vmem>>
          %scatter3A_840 = tpu.memref_squeeze %scatter3A_839 : memref<1x32x129xf32, #tpu.memory_space<vmem>> -> memref<32x129xf32, #tpu.memory_space<vmem>>
          tpu.vector_store_idx %scatter3A_840[%add3A_275, %broadcast_in_dim3A_822], %get3A_836 : memref<32x129xf32, #tpu.memory_space<vmem>>[vector<16xi32>, vector<16xi32>], vector<16xf32>,
          %mul3A_841 = arith.constant 8 : i32
          %mul3A_842 = arith.muli %scan3A_751, %mul3A_841 : i32
          %add3A_843 = arith.constant 4 : i32
          %add3A_844 = arith.addi %mul3A_842, %add3A_843 : i32
          %broadcast_in_dim3A_845 = vector.broadcast %add3A_844 : i32 to vector<16xi32>
          %get3A_846 = arith.constant 0 : i32
          %get3A_847 = arith.index_cast %get3A_846 : i32 to index
          %get3A_848 = arith.index_cast %add3A_844 : i32 to index
          %get3A_849 = arith.constant 0 : index
          %get3A_850 = tpu.vector_load %arg7[%get3A_847, %get3A_848, %get3A_849] {strides = array<i32>} : memref<4x128x32xf32, #tpu.memory_space<vmem>>, vector<16xf32>,
          %scatter3A_851 = arith.constant 0 : i32
          %scatter3A_852 = arith.constant 0 : i32
          %scatter3A_853 = tpu.memref_slice %arg8[%select_n3A_249, %scatter3A_851, %scatter3A_852] : memref<2x32x129xf32, #tpu.memory_space<vmem>> -> memref<1x32x129xf32, #tpu.memory_space<vmem>>
          %scatter3A_854 = tpu.memref_squeeze %scatter3A_853 : memref<1x32x129xf32, #tpu.memory_space<vmem>> -> memref<32x129xf32, #tpu.memory_space<vmem>>
          tpu.vector_store_idx %scatter3A_854[%iota3A, %broadcast_in_dim3A_845], %get3A_850 : memref<32x129xf32, #tpu.memory_space<vmem>>[vector<16xi32>, vector<16xi32>], vector<16xf32>,
          %get3A_855 = arith.constant 0 : i32
          %get3A_856 = arith.index_cast %get3A_855 : i32 to index
          %get3A_857 = arith.index_cast %add3A_844 : i32 to index
          %get3A_858 = arith.constant 16 : index
          %get3A_859 = tpu.vector_load %arg7[%get3A_856, %get3A_857, %get3A_858] {strides = array<i32>} : memref<4x128x32xf32, #tpu.memory_space<vmem>>, vector<16xf32>,
          %scatter3A_860 = arith.constant 0 : i32
          %scatter3A_861 = arith.constant 0 : i32
          %scatter3A_862 = tpu.memref_slice %arg8[%select_n3A_249, %scatter3A_860, %scatter3A_861] : memref<2x32x129xf32, #tpu.memory_space<vmem>> -> memref<1x32x129xf32, #tpu.memory_space<vmem>>
          %scatter3A_863 = tpu.memref_squeeze %scatter3A_862 : memref<1x32x129xf32, #tpu.memory_space<vmem>> -> memref<32x129xf32, #tpu.memory_space<vmem>>
          tpu.vector_store_idx %scatter3A_863[%add3A_275, %broadcast_in_dim3A_845], %get3A_859 : memref<32x129xf32, #tpu.memory_space<vmem>>[vector<16xi32>, vector<16xi32>], vector<16xf32>,
          %mul3A_864 = arith.constant 8 : i32
          %mul3A_865 = arith.muli %scan3A_751, %mul3A_864 : i32
          %add3A_866 = arith.constant 5 : i32
          %add3A_867 = arith.addi %mul3A_865, %add3A_866 : i32
          %broadcast_in_dim3A_868 = vector.broadcast %add3A_867 : i32 to vector<16xi32>
          %get3A_869 = arith.constant 0 : i32
          %get3A_870 = arith.index_cast %get3A_869 : i32 to index
          %get3A_871 = arith.index_cast %add3A_867 : i32 to index
          %get3A_872 = arith.constant 0 : index
          %get3A_873 = tpu.vector_load %arg7[%get3A_870, %get3A_871, %get3A_872] {strides = array<i32>} : memref<4x128x32xf32, #tpu.memory_space<vmem>>, vector<16xf32>,
          %scatter3A_874 = arith.constant 0 : i32
          %scatter3A_875 = arith.constant 0 : i32
          %scatter3A_876 = tpu.memref_slice %arg8[%select_n3A_249, %scatter3A_874, %scatter3A_875] : memref<2x32x129xf32, #tpu.memory_space<vmem>> -> memref<1x32x129xf32, #tpu.memory_space<vmem>>
          %scatter3A_877 = tpu.memref_squeeze %scatter3A_876 : memref<1x32x129xf32, #tpu.memory_space<vmem>> -> memref<32x129xf32, #tpu.memory_space<vmem>>
          tpu.vector_store_idx %scatter3A_877[%iota3A, %broadcast_in_dim3A_868], %get3A_873 : memref<32x129xf32, #tpu.memory_space<vmem>>[vector<16xi32>, vector<16xi32>], vector<16xf32>,
          %get3A_878 = arith.constant 0 : i32
          %get3A_879 = arith.index_cast %get3A_878 : i32 to index
          %get3A_880 = arith.index_cast %add3A_867 : i32 to index
          %get3A_881 = arith.constant 16 : index
          %get3A_882 = tpu.vector_load %arg7[%get3A_879, %get3A_880, %get3A_881] {strides = array<i32>} : memref<4x128x32xf32, #tpu.memory_space<vmem>>, vector<16xf32>,
          %scatter3A_883 = arith.constant 0 : i32
          %scatter3A_884 = arith.constant 0 : i32
          %scatter3A_885 = tpu.memref_slice %arg8[%select_n3A_249, %scatter3A_883, %scatter3A_884] : memref<2x32x129xf32, #tpu.memory_space<vmem>> -> memref<1x32x129xf32, #tpu.memory_space<vmem>>
          %scatter3A_886 = tpu.memref_squeeze %scatter3A_885 : memref<1x32x129xf32, #tpu.memory_space<vmem>> -> memref<32x129xf32, #tpu.memory_space<vmem>>
          tpu.vector_store_idx %scatter3A_886[%add3A_275, %broadcast_in_dim3A_868], %get3A_882 : memref<32x129xf32, #tpu.memory_space<vmem>>[vector<16xi32>, vector<16xi32>], vector<16xf32>,
          %mul3A_887 = arith.constant 8 : i32
          %mul3A_888 = arith.muli %scan3A_751, %mul3A_887 : i32
          %add3A_889 = arith.constant 6 : i32
          %add3A_890 = arith.addi %mul3A_888, %add3A_889 : i32
          %broadcast_in_dim3A_891 = vector.broadcast %add3A_890 : i32 to vector<16xi32>
          %get3A_892 = arith.constant 0 : i32
          %get3A_893 = arith.index_cast %get3A_892 : i32 to index
          %get3A_894 = arith.index_cast %add3A_890 : i32 to index
          %get3A_895 = arith.constant 0 : index
          %get3A_896 = tpu.vector_load %arg7[%get3A_893, %get3A_894, %get3A_895] {strides = array<i32>} : memref<4x128x32xf32, #tpu.memory_space<vmem>>, vector<16xf32>,
          %scatter3A_897 = arith.constant 0 : i32
          %scatter3A_898 = arith.constant 0 : i32
          %scatter3A_899 = tpu.memref_slice %arg8[%select_n3A_249, %scatter3A_897, %scatter3A_898] : memref<2x32x129xf32, #tpu.memory_space<vmem>> -> memref<1x32x129xf32, #tpu.memory_space<vmem>>
          %scatter3A_900 = tpu.memref_squeeze %scatter3A_899 : memref<1x32x129xf32, #tpu.memory_space<vmem>> -> memref<32x129xf32, #tpu.memory_space<vmem>>
          tpu.vector_store_idx %scatter3A_900[%iota3A, %broadcast_in_dim3A_891], %get3A_896 : memref<32x129xf32, #tpu.memory_space<vmem>>[vector<16xi32>, vector<16xi32>], vector<16xf32>,
          %get3A_901 = arith.constant 0 : i32
          %get3A_902 = arith.index_cast %get3A_901 : i32 to index
          %get3A_903 = arith.index_cast %add3A_890 : i32 to index
          %get3A_904 = arith.constant 16 : index
          %get3A_905 = tpu.vector_load %arg7[%get3A_902, %get3A_903, %get3A_904] {strides = array<i32>} : memref<4x128x32xf32, #tpu.memory_space<vmem>>, vector<16xf32>,
          %scatter3A_906 = arith.constant 0 : i32
          %scatter3A_907 = arith.constant 0 : i32
          %scatter3A_908 = tpu.memref_slice %arg8[%select_n3A_249, %scatter3A_906, %scatter3A_907] : memref<2x32x129xf32, #tpu.memory_space<vmem>> -> memref<1x32x129xf32, #tpu.memory_space<vmem>>
          %scatter3A_909 = tpu.memref_squeeze %scatter3A_908 : memref<1x32x129xf32, #tpu.memory_space<vmem>> -> memref<32x129xf32, #tpu.memory_space<vmem>>
          tpu.vector_store_idx %scatter3A_909[%add3A_275, %broadcast_in_dim3A_891], %get3A_905 : memref<32x129xf32, #tpu.memory_space<vmem>>[vector<16xi32>, vector<16xi32>], vector<16xf32>,
          %mul3A_910 = arith.constant 8 : i32
          %mul3A_911 = arith.muli %scan3A_751, %mul3A_910 : i32
          %add3A_912 = arith.constant 7 : i32
          %add3A_913 = arith.addi %mul3A_911, %add3A_912 : i32
          %broadcast_in_dim3A_914 = vector.broadcast %add3A_913 : i32 to vector<16xi32>
          %get3A_915 = arith.constant 0 : i32
          %get3A_916 = arith.index_cast %get3A_915 : i32 to index
          %get3A_917 = arith.index_cast %add3A_913 : i32 to index
          %get3A_918 = arith.constant 0 : index
          %get3A_919 = tpu.vector_load %arg7[%get3A_916, %get3A_917, %get3A_918] {strides = array<i32>} : memref<4x128x32xf32, #tpu.memory_space<vmem>>, vector<16xf32>,
          %scatter3A_920 = arith.constant 0 : i32
          %scatter3A_921 = arith.constant 0 : i32
          %scatter3A_922 = tpu.memref_slice %arg8[%select_n3A_249, %scatter3A_920, %scatter3A_921] : memref<2x32x129xf32, #tpu.memory_space<vmem>> -> memref<1x32x129xf32, #tpu.memory_space<vmem>>
          %scatter3A_923 = tpu.memref_squeeze %scatter3A_922 : memref<1x32x129xf32, #tpu.memory_space<vmem>> -> memref<32x129xf32, #tpu.memory_space<vmem>>
          tpu.vector_store_idx %scatter3A_923[%iota3A, %broadcast_in_dim3A_914], %get3A_919 : memref<32x129xf32, #tpu.memory_space<vmem>>[vector<16xi32>, vector<16xi32>], vector<16xf32>,
          %get3A_924 = arith.constant 0 : i32
          %get3A_925 = arith.index_cast %get3A_924 : i32 to index
          %get3A_926 = arith.index_cast %add3A_913 : i32 to index
          %get3A_927 = arith.constant 16 : index
          %get3A_928 = tpu.vector_load %arg7[%get3A_925, %get3A_926, %get3A_927] {strides = array<i32>} : memref<4x128x32xf32, #tpu.memory_space<vmem>>, vector<16xf32>,
          %scatter3A_929 = arith.constant 0 : i32
          %scatter3A_930 = arith.constant 0 : i32
          %scatter3A_931 = tpu.memref_slice %arg8[%select_n3A_249, %scatter3A_929, %scatter3A_930] : memref<2x32x129xf32, #tpu.memory_space<vmem>> -> memref<1x32x129xf32, #tpu.memory_space<vmem>>
          %scatter3A_932 = tpu.memref_squeeze %scatter3A_931 : memref<1x32x129xf32, #tpu.memory_space<vmem>> -> memref<32x129xf32, #tpu.memory_space<vmem>>
          tpu.vector_store_idx %scatter3A_932[%add3A_275, %broadcast_in_dim3A_914], %get3A_928 : memref<32x129xf32, #tpu.memory_space<vmem>>[vector<16xi32>, vector<16xi32>], vector<16xf32>,
        }
        %scan3A_281 = arith.constant 16 : i32
        %dma_start3A_282 = arith.constant 0 : i32
        %dma_start3A_283 = arith.constant 0 : i32
        %dma_start3A_284 = arith.constant 0 : i32
        %dma_start3A_285 = tpu.memref_slice %arg8[%select_n3A_249, %dma_start3A_283, %dma_start3A_284] : memref<2x32x129xf32, #tpu.memory_space<vmem>> -> memref<1x8x128xf32, #tpu.memory_space<vmem>>
        %dma_start3A_286 = tpu.memref_squeeze %dma_start3A_285 : memref<1x8x128xf32, #tpu.memory_space<vmem>> -> memref<8x128xf32, #tpu.memory_space<vmem>>
        %dma_start3A_287 = arith.constant 0 : i32
        %dma_start3A_288 = arith.constant 0 : i32
        %dma_start3A_289 = tpu.memref_slice %arg4[%add3A_240, %dma_start3A_282, %add3A_9, %dma_start3A_287, %dma_start3A_288] : memref<200x4x128x8x128xf32, #tpu.memory_space<hbm>> -> memref<1x1x1x8x128xf32, #tpu.memory_space<hbm>>
        %dma_start3A_290 = tpu.memref_squeeze %dma_start3A_289 : memref<1x1x1x8x128xf32, #tpu.memory_space<hbm>> -> memref<8x128xf32, #tpu.memory_space<hbm>>
        %dma_start3A_291 = tpu.memref_slice %arg11[%select_n3A_249] : memref<2x!tpu.dma_semaphore, #tpu.memory_space<semaphore_mem>> -> memref<1x!tpu.dma_semaphore, #tpu.memory_space<semaphore_mem>>
        %dma_start3A_292 = tpu.memref_squeeze %dma_start3A_291 : memref<1x!tpu.dma_semaphore, #tpu.memory_space<semaphore_mem>> -> memref<!tpu.dma_semaphore, #tpu.memory_space<semaphore_mem>>
        %dma_start3A_293 = arith.constant 0 : i32
        %dma_start3A_294 = arith.constant 0 : i32
        %dma_start3A_295 = tpu.memref_slice %arg4[%add3A_240, %dma_start3A_282, %add3A_9, %dma_start3A_293, %dma_start3A_294] : memref<200x4x128x8x128xf32, #tpu.memory_space<hbm>> -> memref<1x1x1x8x128xf32, #tpu.memory_space<hbm>>
        %dma_start3A_296 = tpu.memref_squeeze %dma_start3A_295 : memref<1x1x1x8x128xf32, #tpu.memory_space<hbm>> -> memref<8x128xf32, #tpu.memory_space<hbm>>
        %dma_start3A_297 = arith.constant 0 : i32
        %dma_start3A_298 = arith.constant 0 : i32
        %dma_start3A_299 = tpu.memref_slice %arg8[%select_n3A_249, %dma_start3A_297, %dma_start3A_298] : memref<2x32x129xf32, #tpu.memory_space<vmem>> -> memref<1x8x128xf32, #tpu.memory_space<vmem>>
        %dma_start3A_300 = tpu.memref_squeeze %dma_start3A_299 : memref<1x8x128xf32, #tpu.memory_space<vmem>> -> memref<8x128xf32, #tpu.memory_space<vmem>>
        tpu.enqueue_dma source(%dma_start3A_300 : memref<8x128xf32, #tpu.memory_space<vmem>>) target(%dma_start3A_296 : memref<8x128xf32, #tpu.memory_space<hbm>>) target_semaphore(%dma_start3A_292 : memref<!tpu.dma_semaphore, #tpu.memory_space<semaphore_mem>>)
        %dma_start3A_301 = arith.constant 1 : i32
        %dma_start3A_302 = arith.constant 8 : i32
        %dma_start3A_303 = arith.constant 0 : i32
        %dma_start3A_304 = tpu.memref_slice %arg8[%select_n3A_249, %dma_start3A_302, %dma_start3A_303] : memref<2x32x129xf32, #tpu.memory_space<vmem>> -> memref<1x8x128xf32, #tpu.memory_space<vmem>>
        %dma_start3A_305 = tpu.memref_squeeze %dma_start3A_304 : memref<1x8x128xf32, #tpu.memory_space<vmem>> -> memref<8x128xf32, #tpu.memory_space<vmem>>
        %dma_start3A_306 = arith.constant 0 : i32
        %dma_start3A_307 = arith.constant 0 : i32
        %dma_start3A_308 = tpu.memref_slice %arg4[%add3A_240, %dma_start3A_301, %add3A_9, %dma_start3A_306, %dma_start3A_307] : memref<200x4x128x8x128xf32, #tpu.memory_space<hbm>> -> memref<1x1x1x8x128xf32, #tpu.memory_space<hbm>>
        %dma_start3A_309 = tpu.memref_squeeze %dma_start3A_308 : memref<1x1x1x8x128xf32, #tpu.memory_space<hbm>> -> memref<8x128xf32, #tpu.memory_space<hbm>>
        %dma_start3A_310 = tpu.memref_slice %arg11[%select_n3A_249] : memref<2x!tpu.dma_semaphore, #tpu.memory_space<semaphore_mem>> -> memref<1x!tpu.dma_semaphore, #tpu.memory_space<semaphore_mem>>
        %dma_start3A_311 = tpu.memref_squeeze %dma_start3A_310 : memref<1x!tpu.dma_semaphore, #tpu.memory_space<semaphore_mem>> -> memref<!tpu.dma_semaphore, #tpu.memory_space<semaphore_mem>>
        %dma_start3A_312 = arith.constant 0 : i32
        %dma_start3A_313 = arith.constant 0 : i32
        %dma_start3A_314 = tpu.memref_slice %arg4[%add3A_240, %dma_start3A_301, %add3A_9, %dma_start3A_312, %dma_start3A_313] : memref<200x4x128x8x128xf32, #tpu.memory_space<hbm>> -> memref<1x1x1x8x128xf32, #tpu.memory_space<hbm>>
        %dma_start3A_315 = tpu.memref_squeeze %dma_start3A_314 : memref<1x1x1x8x128xf32, #tpu.memory_space<hbm>> -> memref<8x128xf32, #tpu.memory_space<hbm>>
        %dma_start3A_316 = arith.constant 8 : i32
        %dma_start3A_317 = arith.constant 0 : i32
        %dma_start3A_318 = tpu.memref_slice %arg8[%select_n3A_249, %dma_start3A_316, %dma_start3A_317] : memref<2x32x129xf32, #tpu.memory_space<vmem>> -> memref<1x8x128xf32, #tpu.memory_space<vmem>>
        %dma_start3A_319 = tpu.memref_squeeze %dma_start3A_318 : memref<1x8x128xf32, #tpu.memory_space<vmem>> -> memref<8x128xf32, #tpu.memory_space<vmem>>
        tpu.enqueue_dma source(%dma_start3A_319 : memref<8x128xf32, #tpu.memory_space<vmem>>) target(%dma_start3A_315 : memref<8x128xf32, #tpu.memory_space<hbm>>) target_semaphore(%dma_start3A_311 : memref<!tpu.dma_semaphore, #tpu.memory_space<semaphore_mem>>)
        %dma_start3A_320 = arith.constant 2 : i32
        %dma_start3A_321 = arith.constant 16 : i32
        %dma_start3A_322 = arith.constant 0 : i32
        %dma_start3A_323 = tpu.memref_slice %arg8[%select_n3A_249, %dma_start3A_321, %dma_start3A_322] : memref<2x32x129xf32, #tpu.memory_space<vmem>> -> memref<1x8x128xf32, #tpu.memory_space<vmem>>
        %dma_start3A_324 = tpu.memref_squeeze %dma_start3A_323 : memref<1x8x128xf32, #tpu.memory_space<vmem>> -> memref<8x128xf32, #tpu.memory_space<vmem>>
        %dma_start3A_325 = arith.constant 0 : i32
        %dma_start3A_326 = arith.constant 0 : i32
        %dma_start3A_327 = tpu.memref_slice %arg4[%add3A_240, %dma_start3A_320, %add3A_9, %dma_start3A_325, %dma_start3A_326] : memref<200x4x128x8x128xf32, #tpu.memory_space<hbm>> -> memref<1x1x1x8x128xf32, #tpu.memory_space<hbm>>
        %dma_start3A_328 = tpu.memref_squeeze %dma_start3A_327 : memref<1x1x1x8x128xf32, #tpu.memory_space<hbm>> -> memref<8x128xf32, #tpu.memory_space<hbm>>
        %dma_start3A_329 = tpu.memref_slice %arg11[%select_n3A_249] : memref<2x!tpu.dma_semaphore, #tpu.memory_space<semaphore_mem>> -> memref<1x!tpu.dma_semaphore, #tpu.memory_space<semaphore_mem>>
        %dma_start3A_330 = tpu.memref_squeeze %dma_start3A_329 : memref<1x!tpu.dma_semaphore, #tpu.memory_space<semaphore_mem>> -> memref<!tpu.dma_semaphore, #tpu.memory_space<semaphore_mem>>
        %dma_start3A_331 = arith.constant 0 : i32
        %dma_start3A_332 = arith.constant 0 : i32
        %dma_start3A_333 = tpu.memref_slice %arg4[%add3A_240, %dma_start3A_320, %add3A_9, %dma_start3A_331, %dma_start3A_332] : memref<200x4x128x8x128xf32, #tpu.memory_space<hbm>> -> memref<1x1x1x8x128xf32, #tpu.memory_space<hbm>>
        %dma_start3A_334 = tpu.memref_squeeze %dma_start3A_333 : memref<1x1x1x8x128xf32, #tpu.memory_space<hbm>> -> memref<8x128xf32, #tpu.memory_space<hbm>>
        %dma_start3A_335 = arith.constant 16 : i32
        %dma_start3A_336 = arith.constant 0 : i32
        %dma_start3A_337 = tpu.memref_slice %arg8[%select_n3A_249, %dma_start3A_335, %dma_start3A_336] : memref<2x32x129xf32, #tpu.memory_space<vmem>> -> memref<1x8x128xf32, #tpu.memory_space<vmem>>
        %dma_start3A_338 = tpu.memref_squeeze %dma_start3A_337 : memref<1x8x128xf32, #tpu.memory_space<vmem>> -> memref<8x128xf32, #tpu.memory_space<vmem>>
        tpu.enqueue_dma source(%dma_start3A_338 : memref<8x128xf32, #tpu.memory_space<vmem>>) target(%dma_start3A_334 : memref<8x128xf32, #tpu.memory_space<hbm>>) target_semaphore(%dma_start3A_330 : memref<!tpu.dma_semaphore, #tpu.memory_space<semaphore_mem>>)
        %dma_start3A_339 = arith.constant 3 : i32
        %dma_start3A_340 = arith.constant 24 : i32
        %dma_start3A_341 = arith.constant 0 : i32
        %dma_start3A_342 = tpu.memref_slice %arg8[%select_n3A_249, %dma_start3A_340, %dma_start3A_341] : memref<2x32x129xf32, #tpu.memory_space<vmem>> -> memref<1x8x128xf32, #tpu.memory_space<vmem>>
        %dma_start3A_343 = tpu.memref_squeeze %dma_start3A_342 : memref<1x8x128xf32, #tpu.memory_space<vmem>> -> memref<8x128xf32, #tpu.memory_space<vmem>>
        %dma_start3A_344 = arith.constant 0 : i32
        %dma_start3A_345 = arith.constant 0 : i32
        %dma_start3A_346 = tpu.memref_slice %arg4[%add3A_240, %dma_start3A_339, %add3A_9, %dma_start3A_344, %dma_start3A_345] : memref<200x4x128x8x128xf32, #tpu.memory_space<hbm>> -> memref<1x1x1x8x128xf32, #tpu.memory_space<hbm>>
        %dma_start3A_347 = tpu.memref_squeeze %dma_start3A_346 : memref<1x1x1x8x128xf32, #tpu.memory_space<hbm>> -> memref<8x128xf32, #tpu.memory_space<hbm>>
        %dma_start3A_348 = tpu.memref_slice %arg11[%select_n3A_249] : memref<2x!tpu.dma_semaphore, #tpu.memory_space<semaphore_mem>> -> memref<1x!tpu.dma_semaphore, #tpu.memory_space<semaphore_mem>>
        %dma_start3A_349 = tpu.memref_squeeze %dma_start3A_348 : memref<1x!tpu.dma_semaphore, #tpu.memory_space<semaphore_mem>> -> memref<!tpu.dma_semaphore, #tpu.memory_space<semaphore_mem>>
        %dma_start3A_350 = arith.constant 0 : i32
        %dma_start3A_351 = arith.constant 0 : i32
        %dma_start3A_352 = tpu.memref_slice %arg4[%add3A_240, %dma_start3A_339, %add3A_9, %dma_start3A_350, %dma_start3A_351] : memref<200x4x128x8x128xf32, #tpu.memory_space<hbm>> -> memref<1x1x1x8x128xf32, #tpu.memory_space<hbm>>
        %dma_start3A_353 = tpu.memref_squeeze %dma_start3A_352 : memref<1x1x1x8x128xf32, #tpu.memory_space<hbm>> -> memref<8x128xf32, #tpu.memory_space<hbm>>
        %dma_start3A_354 = arith.constant 24 : i32
        %dma_start3A_355 = arith.constant 0 : i32
        %dma_start3A_356 = tpu.memref_slice %arg8[%select_n3A_249, %dma_start3A_354, %dma_start3A_355] : memref<2x32x129xf32, #tpu.memory_space<vmem>> -> memref<1x8x128xf32, #tpu.memory_space<vmem>>
        %dma_start3A_357 = tpu.memref_squeeze %dma_start3A_356 : memref<1x8x128xf32, #tpu.memory_space<vmem>> -> memref<8x128xf32, #tpu.memory_space<vmem>>
        tpu.enqueue_dma source(%dma_start3A_357 : memref<8x128xf32, #tpu.memory_space<vmem>>) target(%dma_start3A_353 : memref<8x128xf32, #tpu.memory_space<hbm>>) target_semaphore(%dma_start3A_349 : memref<!tpu.dma_semaphore, #tpu.memory_space<semaphore_mem>>)
        %mul3A_358 = arith.constant 4 : i32
        %mul3A_359 = arith.muli %scan3A_236, %mul3A_358 : i32
        %add3A_360 = arith.constant 1 : i32
        %add3A_361 = arith.addi %mul3A_359, %add3A_360 : i32
        %jit3A_362 = arith.constant 2 : i32
        %eq3A_363 = arith.constant 0 : i32
        %eq3A_364 = arith.cmpi eq, %jit3A_362, %eq3A_363 : i32
        %jit3A_365 = arith.constant 1 : i32
        %select_n3A_366 = arith.select %eq3A_364, %jit3A_365, %jit3A_362 : i32
        %rem3A_367 = arith.remsi %add3A_361, %select_n3A_366 : i32
        %ne3A_368 = arith.constant 0 : i32
        %ne3A_369 = arith.cmpi ne, %rem3A_367, %ne3A_368 : i32
        %lt3A_370 = arith.constant 0 : i32
        %lt3A_371 = arith.cmpi slt, %rem3A_367, %lt3A_370 : i32
        %lt3A_372 = arith.constant 0 : i32
        %lt3A_373 = arith.cmpi slt, %select_n3A_366, %lt3A_372 : i32
        %ne3A_374 = arith.xori %lt3A_371, %lt3A_373 : i1
        %and3A_375 = arith.andi %ne3A_374, %ne3A_369 : i1
        %add3A_376 = arith.addi %rem3A_367, %select_n3A_366 : i32
        %select_n3A_377 = arith.select %and3A_375, %add3A_376, %rem3A_367 : i32
        %ge3A_378 = arith.constant 2 : i32
        %ge3A_379 = arith.cmpi sge, %add3A_361, %ge3A_378 : i32
        %convert_element_type3A_380 = arith.extui %ge3A_379 : i1 to i32
        %cond3A_381 = arith.constant 0 : i32
        %cond3A_382 = arith.cmpi ne, %convert_element_type3A_380, %cond3A_381 : i32
        scf.if %cond3A_382 {
          %dma_wait3A_751 = arith.constant 0 : i32
          %dma_wait3A_752 = arith.constant 0 : i32
          %dma_wait3A_753 = arith.constant 0 : i32
          %dma_wait3A_754 = tpu.memref_slice %arg8[%select_n3A_377, %dma_wait3A_752, %dma_wait3A_753] : memref<2x32x129xf32, #tpu.memory_space<vmem>> -> memref<1x8x128xf32, #tpu.memory_space<vmem>>
          %dma_wait3A_755 = tpu.memref_squeeze %dma_wait3A_754 : memref<1x8x128xf32, #tpu.memory_space<vmem>> -> memref<8x128xf32, #tpu.memory_space<vmem>>
          %dma_wait3A_756 = arith.constant 0 : i32
          %dma_wait3A_757 = arith.constant 0 : i32
          %dma_wait3A_758 = tpu.memref_slice %arg4[%add3A_361, %dma_wait3A_751, %add3A_9, %dma_wait3A_756, %dma_wait3A_757] : memref<200x4x128x8x128xf32, #tpu.memory_space<hbm>> -> memref<1x1x1x8x128xf32, #tpu.memory_space<hbm>>
          %dma_wait3A_759 = tpu.memref_squeeze %dma_wait3A_758 : memref<1x1x1x8x128xf32, #tpu.memory_space<hbm>> -> memref<8x128xf32, #tpu.memory_space<hbm>>
          %dma_wait3A_760 = tpu.memref_slice %arg11[%select_n3A_377] : memref<2x!tpu.dma_semaphore, #tpu.memory_space<semaphore_mem>> -> memref<1x!tpu.dma_semaphore, #tpu.memory_space<semaphore_mem>>
          %dma_wait3A_761 = tpu.memref_squeeze %dma_wait3A_760 : memref<1x!tpu.dma_semaphore, #tpu.memory_space<semaphore_mem>> -> memref<!tpu.dma_semaphore, #tpu.memory_space<semaphore_mem>>
          %dma_wait3A_762 = arith.constant 0 : i32
          %dma_wait3A_763 = arith.constant 0 : i32
          %dma_wait3A_764 = tpu.memref_slice %arg4[%add3A_361, %dma_wait3A_751, %add3A_9, %dma_wait3A_762, %dma_wait3A_763] : memref<200x4x128x8x128xf32, #tpu.memory_space<hbm>> -> memref<1x1x1x8x128xf32, #tpu.memory_space<hbm>>
          %dma_wait3A_765 = tpu.memref_squeeze %dma_wait3A_764 : memref<1x1x1x8x128xf32, #tpu.memory_space<hbm>> -> memref<8x128xf32, #tpu.memory_space<hbm>>
          %dma_wait3A_766 = arith.constant 0 : i32
          %dma_wait3A_767 = arith.constant 0 : i32
          %dma_wait3A_768 = tpu.memref_slice %arg8[%select_n3A_377, %dma_wait3A_766, %dma_wait3A_767] : memref<2x32x129xf32, #tpu.memory_space<vmem>> -> memref<1x8x128xf32, #tpu.memory_space<vmem>>
          %dma_wait3A_769 = tpu.memref_squeeze %dma_wait3A_768 : memref<1x8x128xf32, #tpu.memory_space<vmem>> -> memref<8x128xf32, #tpu.memory_space<vmem>>
          tpu.wait_dma2 semaphore(%dma_wait3A_761 : memref<!tpu.dma_semaphore, #tpu.memory_space<semaphore_mem>>) src(%dma_wait3A_769 : memref<8x128xf32, #tpu.memory_space<vmem>>) dst(%dma_wait3A_765 : memref<8x128xf32, #tpu.memory_space<hbm>>)
          %dma_wait3A_770 = arith.constant 1 : i32
          %dma_wait3A_771 = arith.constant 8 : i32
          %dma_wait3A_772 = arith.constant 0 : i32
          %dma_wait3A_773 = tpu.memref_slice %arg8[%select_n3A_377, %dma_wait3A_771, %dma_wait3A_772] : memref<2x32x129xf32, #tpu.memory_space<vmem>> -> memref<1x8x128xf32, #tpu.memory_space<vmem>>
          %dma_wait3A_774 = tpu.memref_squeeze %dma_wait3A_773 : memref<1x8x128xf32, #tpu.memory_space<vmem>> -> memref<8x128xf32, #tpu.memory_space<vmem>>
          %dma_wait3A_775 = arith.constant 0 : i32
          %dma_wait3A_776 = arith.constant 0 : i32
          %dma_wait3A_777 = tpu.memref_slice %arg4[%add3A_361, %dma_wait3A_770, %add3A_9, %dma_wait3A_775, %dma_wait3A_776] : memref<200x4x128x8x128xf32, #tpu.memory_space<hbm>> -> memref<1x1x1x8x128xf32, #tpu.memory_space<hbm>>
          %dma_wait3A_778 = tpu.memref_squeeze %dma_wait3A_777 : memref<1x1x1x8x128xf32, #tpu.memory_space<hbm>> -> memref<8x128xf32, #tpu.memory_space<hbm>>
          %dma_wait3A_779 = tpu.memref_slice %arg11[%select_n3A_377] : memref<2x!tpu.dma_semaphore, #tpu.memory_space<semaphore_mem>> -> memref<1x!tpu.dma_semaphore, #tpu.memory_space<semaphore_mem>>
          %dma_wait3A_780 = tpu.memref_squeeze %dma_wait3A_779 : memref<1x!tpu.dma_semaphore, #tpu.memory_space<semaphore_mem>> -> memref<!tpu.dma_semaphore, #tpu.memory_space<semaphore_mem>>
          %dma_wait3A_781 = arith.constant 0 : i32
          %dma_wait3A_782 = arith.constant 0 : i32
          %dma_wait3A_783 = tpu.memref_slice %arg4[%add3A_361, %dma_wait3A_770, %add3A_9, %dma_wait3A_781, %dma_wait3A_782] : memref<200x4x128x8x128xf32, #tpu.memory_space<hbm>> -> memref<1x1x1x8x128xf32, #tpu.memory_space<hbm>>
          %dma_wait3A_784 = tpu.memref_squeeze %dma_wait3A_783 : memref<1x1x1x8x128xf32, #tpu.memory_space<hbm>> -> memref<8x128xf32, #tpu.memory_space<hbm>>
          %dma_wait3A_785 = arith.constant 8 : i32
          %dma_wait3A_786 = arith.constant 0 : i32
          %dma_wait3A_787 = tpu.memref_slice %arg8[%select_n3A_377, %dma_wait3A_785, %dma_wait3A_786] : memref<2x32x129xf32, #tpu.memory_space<vmem>> -> memref<1x8x128xf32, #tpu.memory_space<vmem>>
          %dma_wait3A_788 = tpu.memref_squeeze %dma_wait3A_787 : memref<1x8x128xf32, #tpu.memory_space<vmem>> -> memref<8x128xf32, #tpu.memory_space<vmem>>
          tpu.wait_dma2 semaphore(%dma_wait3A_780 : memref<!tpu.dma_semaphore, #tpu.memory_space<semaphore_mem>>) src(%dma_wait3A_788 : memref<8x128xf32, #tpu.memory_space<vmem>>) dst(%dma_wait3A_784 : memref<8x128xf32, #tpu.memory_space<hbm>>)
          %dma_wait3A_789 = arith.constant 2 : i32
          %dma_wait3A_790 = arith.constant 16 : i32
          %dma_wait3A_791 = arith.constant 0 : i32
          %dma_wait3A_792 = tpu.memref_slice %arg8[%select_n3A_377, %dma_wait3A_790, %dma_wait3A_791] : memref<2x32x129xf32, #tpu.memory_space<vmem>> -> memref<1x8x128xf32, #tpu.memory_space<vmem>>
          %dma_wait3A_793 = tpu.memref_squeeze %dma_wait3A_792 : memref<1x8x128xf32, #tpu.memory_space<vmem>> -> memref<8x128xf32, #tpu.memory_space<vmem>>
          %dma_wait3A_794 = arith.constant 0 : i32
          %dma_wait3A_795 = arith.constant 0 : i32
          %dma_wait3A_796 = tpu.memref_slice %arg4[%add3A_361, %dma_wait3A_789, %add3A_9, %dma_wait3A_794, %dma_wait3A_795] : memref<200x4x128x8x128xf32, #tpu.memory_space<hbm>> -> memref<1x1x1x8x128xf32, #tpu.memory_space<hbm>>
          %dma_wait3A_797 = tpu.memref_squeeze %dma_wait3A_796 : memref<1x1x1x8x128xf32, #tpu.memory_space<hbm>> -> memref<8x128xf32, #tpu.memory_space<hbm>>
          %dma_wait3A_798 = tpu.memref_slice %arg11[%select_n3A_377] : memref<2x!tpu.dma_semaphore, #tpu.memory_space<semaphore_mem>> -> memref<1x!tpu.dma_semaphore, #tpu.memory_space<semaphore_mem>>
          %dma_wait3A_799 = tpu.memref_squeeze %dma_wait3A_798 : memref<1x!tpu.dma_semaphore, #tpu.memory_space<semaphore_mem>> -> memref<!tpu.dma_semaphore, #tpu.memory_space<semaphore_mem>>
          %dma_wait3A_800 = arith.constant 0 : i32
          %dma_wait3A_801 = arith.constant 0 : i32
          %dma_wait3A_802 = tpu.memref_slice %arg4[%add3A_361, %dma_wait3A_789, %add3A_9, %dma_wait3A_800, %dma_wait3A_801] : memref<200x4x128x8x128xf32, #tpu.memory_space<hbm>> -> memref<1x1x1x8x128xf32, #tpu.memory_space<hbm>>
          %dma_wait3A_803 = tpu.memref_squeeze %dma_wait3A_802 : memref<1x1x1x8x128xf32, #tpu.memory_space<hbm>> -> memref<8x128xf32, #tpu.memory_space<hbm>>
          %dma_wait3A_804 = arith.constant 16 : i32
          %dma_wait3A_805 = arith.constant 0 : i32
          %dma_wait3A_806 = tpu.memref_slice %arg8[%select_n3A_377, %dma_wait3A_804, %dma_wait3A_805] : memref<2x32x129xf32, #tpu.memory_space<vmem>> -> memref<1x8x128xf32, #tpu.memory_space<vmem>>
          %dma_wait3A_807 = tpu.memref_squeeze %dma_wait3A_806 : memref<1x8x128xf32, #tpu.memory_space<vmem>> -> memref<8x128xf32, #tpu.memory_space<vmem>>
          tpu.wait_dma2 semaphore(%dma_wait3A_799 : memref<!tpu.dma_semaphore, #tpu.memory_space<semaphore_mem>>) src(%dma_wait3A_807 : memref<8x128xf32, #tpu.memory_space<vmem>>) dst(%dma_wait3A_803 : memref<8x128xf32, #tpu.memory_space<hbm>>)
          %dma_wait3A_808 = arith.constant 3 : i32
          %dma_wait3A_809 = arith.constant 24 : i32
          %dma_wait3A_810 = arith.constant 0 : i32
          %dma_wait3A_811 = tpu.memref_slice %arg8[%select_n3A_377, %dma_wait3A_809, %dma_wait3A_810] : memref<2x32x129xf32, #tpu.memory_space<vmem>> -> memref<1x8x128xf32, #tpu.memory_space<vmem>>
          %dma_wait3A_812 = tpu.memref_squeeze %dma_wait3A_811 : memref<1x8x128xf32, #tpu.memory_space<vmem>> -> memref<8x128xf32, #tpu.memory_space<vmem>>
          %dma_wait3A_813 = arith.constant 0 : i32
          %dma_wait3A_814 = arith.constant 0 : i32
          %dma_wait3A_815 = tpu.memref_slice %arg4[%add3A_361, %dma_wait3A_808, %add3A_9, %dma_wait3A_813, %dma_wait3A_814] : memref<200x4x128x8x128xf32, #tpu.memory_space<hbm>> -> memref<1x1x1x8x128xf32, #tpu.memory_space<hbm>>
          %dma_wait3A_816 = tpu.memref_squeeze %dma_wait3A_815 : memref<1x1x1x8x128xf32, #tpu.memory_space<hbm>> -> memref<8x128xf32, #tpu.memory_space<hbm>>
          %dma_wait3A_817 = tpu.memref_slice %arg11[%select_n3A_377] : memref<2x!tpu.dma_semaphore, #tpu.memory_space<semaphore_mem>> -> memref<1x!tpu.dma_semaphore, #tpu.memory_space<semaphore_mem>>
          %dma_wait3A_818 = tpu.memref_squeeze %dma_wait3A_817 : memref<1x!tpu.dma_semaphore, #tpu.memory_space<semaphore_mem>> -> memref<!tpu.dma_semaphore, #tpu.memory_space<semaphore_mem>>
          %dma_wait3A_819 = arith.constant 0 : i32
          %dma_wait3A_820 = arith.constant 0 : i32
          %dma_wait3A_821 = tpu.memref_slice %arg4[%add3A_361, %dma_wait3A_808, %add3A_9, %dma_wait3A_819, %dma_wait3A_820] : memref<200x4x128x8x128xf32, #tpu.memory_space<hbm>> -> memref<1x1x1x8x128xf32, #tpu.memory_space<hbm>>
          %dma_wait3A_822 = tpu.memref_squeeze %dma_wait3A_821 : memref<1x1x1x8x128xf32, #tpu.memory_space<hbm>> -> memref<8x128xf32, #tpu.memory_space<hbm>>
          %dma_wait3A_823 = arith.constant 24 : i32
          %dma_wait3A_824 = arith.constant 0 : i32
          %dma_wait3A_825 = tpu.memref_slice %arg8[%select_n3A_377, %dma_wait3A_823, %dma_wait3A_824] : memref<2x32x129xf32, #tpu.memory_space<vmem>> -> memref<1x8x128xf32, #tpu.memory_space<vmem>>
          %dma_wait3A_826 = tpu.memref_squeeze %dma_wait3A_825 : memref<1x8x128xf32, #tpu.memory_space<vmem>> -> memref<8x128xf32, #tpu.memory_space<vmem>>
          tpu.wait_dma2 semaphore(%dma_wait3A_818 : memref<!tpu.dma_semaphore, #tpu.memory_space<semaphore_mem>>) src(%dma_wait3A_826 : memref<8x128xf32, #tpu.memory_space<vmem>>) dst(%dma_wait3A_822 : memref<8x128xf32, #tpu.memory_space<hbm>>)
        } else {
        }
        %dma_wait3A_383 = arith.constant 1 : i32
        %dma_wait3A_384 = arith.constant 1 : i32
        %dma_wait3A_385 = arith.constant 0 : i32
        %dma_wait3A_386 = arith.constant 0 : i32
        %dma_wait3A_387 = tpu.memref_slice %arg7[%dma_wait3A_383, %dma_wait3A_385, %dma_wait3A_386] : memref<4x128x32xf32, #tpu.memory_space<vmem>> -> memref<1x128x32xf32, #tpu.memory_space<vmem>>
        %dma_wait3A_388 = tpu.memref_squeeze %dma_wait3A_387 : memref<1x128x32xf32, #tpu.memory_space<vmem>> -> memref<128x32xf32, #tpu.memory_space<vmem>>
        %dma_wait3A_389 = arith.constant 0 : i32
        %dma_wait3A_390 = tpu.memref_slice %arg6[%add3A_361, %dma_wait3A_389] : memref<200x128xi32, #tpu.memory_space<vmem>> -> memref<1x128xi32, #tpu.memory_space<vmem>>
        %dma_wait3A_391 = tpu.memref_squeeze %dma_wait3A_390 : memref<1x128xi32, #tpu.memory_space<vmem>> -> memref<128xi32, #tpu.memory_space<vmem>>
        %dma_wait3A_392 = arith.constant 0 : i32
        %dma_wait3A_393 = arith.constant 0 : i32
        %dma_wait3A_394 = tpu.memref_slice %arg2[%dma_wait3A_392, %dma_wait3A_393] : memref<100000x32xf32, #tpu.memory_space<hbm>> -> memref<100000x32xf32, #tpu.memory_space<hbm>>
        %dma_wait3A_395 = tpu.memref_slice %arg10[%dma_wait3A_384] : memref<4x!tpu.dma_semaphore, #tpu.memory_space<semaphore_mem>> -> memref<1x!tpu.dma_semaphore, #tpu.memory_space<semaphore_mem>>
        %dma_wait3A_396 = tpu.memref_squeeze %dma_wait3A_395 : memref<1x!tpu.dma_semaphore, #tpu.memory_space<semaphore_mem>> -> memref<!tpu.dma_semaphore, #tpu.memory_space<semaphore_mem>>
        tpu.wait_indirect_dma semaphore(%dma_wait3A_396 : memref<!tpu.dma_semaphore, #tpu.memory_space<semaphore_mem>>) src(%dma_wait3A_394 : memref<100000x32xf32, #tpu.memory_space<hbm>>) dst(%dma_wait3A_388 : memref<128x32xf32, #tpu.memory_space<vmem>>)
        %add3A_397 = arith.constant 2 : i32
        %add3A_398 = arith.addi %add3A_361, %add3A_397 : i32
        %lt3A_399 = arith.constant 200 : i32
        %lt3A_400 = arith.cmpi slt, %add3A_398, %lt3A_399 : i32
        %convert_element_type3A_401 = arith.extui %lt3A_400 : i1 to i32
        %cond3A_402 = arith.constant 0 : i32
        %cond3A_403 = arith.cmpi ne, %convert_element_type3A_401, %cond3A_402 : i32
        scf.if %cond3A_403 {
          %add3A_751 = arith.constant 2 : i32
          %add3A_752 = arith.addi %add3A_361, %add3A_751 : i32
          %dma_start3A_753 = arith.constant 3 : i32
          %dma_start3A_754 = arith.constant 3 : i32
          %dma_start3A_755 = arith.constant 0 : i32
          %dma_start3A_756 = arith.constant 0 : i32
          %dma_start3A_757 = tpu.memref_slice %arg7[%dma_start3A_753, %dma_start3A_755, %dma_start3A_756] : memref<4x128x32xf32, #tpu.memory_space<vmem>> -> memref<1x128x32xf32, #tpu.memory_space<vmem>>
          %dma_start3A_758 = tpu.memref_squeeze %dma_start3A_757 : memref<1x128x32xf32, #tpu.memory_space<vmem>> -> memref<128x32xf32, #tpu.memory_space<vmem>>
          %dma_start3A_759 = arith.constant 0 : i32
          %dma_start3A_760 = tpu.memref_slice %arg6[%add3A_752, %dma_start3A_759] : memref<200x128xi32, #tpu.memory_space<vmem>> -> memref<1x128xi32, #tpu.memory_space<vmem>>
          %dma_start3A_761 = tpu.memref_squeeze %dma_start3A_760 : memref<1x128xi32, #tpu.memory_space<vmem>> -> memref<128xi32, #tpu.memory_space<vmem>>
          %dma_start3A_762 = arith.constant 0 : i32
          %dma_start3A_763 = arith.constant 0 : i32
          %dma_start3A_764 = tpu.memref_slice %arg2[%dma_start3A_762, %dma_start3A_763] : memref<100000x32xf32, #tpu.memory_space<hbm>> -> memref<100000x32xf32, #tpu.memory_space<hbm>>
          %dma_start3A_765 = tpu.memref_slice %arg10[%dma_start3A_754] : memref<4x!tpu.dma_semaphore, #tpu.memory_space<semaphore_mem>> -> memref<1x!tpu.dma_semaphore, #tpu.memory_space<semaphore_mem>>
          %dma_start3A_766 = tpu.memref_squeeze %dma_start3A_765 : memref<1x!tpu.dma_semaphore, #tpu.memory_space<semaphore_mem>> -> memref<!tpu.dma_semaphore, #tpu.memory_space<semaphore_mem>>
          tpu.enqueue_indirect_dma source(%dma_start3A_764 : memref<100000x32xf32, #tpu.memory_space<hbm>>) target(%dma_start3A_758 : memref<128x32xf32, #tpu.memory_space<vmem>>) offsets(%dma_start3A_761 : memref<128xi32, #tpu.memory_space<vmem>>) semaphore(%dma_start3A_766 : memref<!tpu.dma_semaphore, #tpu.memory_space<semaphore_mem>>)
        } else {
        }
        %add3A_404 = arith.constant 16 : i32
        %add3A_405 = vector.broadcast %add3A_404 : i32 to vector<16xi32>
        %add3A_406 = arith.addi %iota3A, %add3A_405 : vector<16xi32>
        %scan3A_407 = arith.constant 0 : i32
        %scan3A_408 = arith.constant 0 : i32
        %scan3A_409 = arith.constant 16 : i32
        %scan3A_410 = arith.addi %scan3A_408, %scan3A_409 : i32
        %scan3A_411 = arith.constant 1 : i32
        scf.for %scan3A_751 = %scan3A_408 to %scan3A_410 step %scan3A_411  : i32 {
          %mul3A_752 = arith.constant 8 : i32
          %mul3A_753 = arith.muli %scan3A_751, %mul3A_752 : i32
          %add3A_754 = arith.constant 0 : i32
          %add3A_755 = arith.addi %mul3A_753, %add3A_754 : i32
          %broadcast_in_dim3A = vector.broadcast %add3A_755 : i32 to vector<16xi32>
          %get3A = arith.constant 1 : i32
          %get3A_756 = arith.index_cast %get3A : i32 to index
          %get3A_757 = arith.index_cast %add3A_755 : i32 to index
          %get3A_758 = arith.constant 0 : index
          %get3A_759 = tpu.vector_load %arg7[%get3A_756, %get3A_757, %get3A_758] {strides = array<i32>} : memref<4x128x32xf32, #tpu.memory_space<vmem>>, vector<16xf32>,
          %scatter3A = arith.constant 0 : i32
          %scatter3A_760 = arith.constant 0 : i32
          %scatter3A_761 = tpu.memref_slice %arg8[%select_n3A_377, %scatter3A, %scatter3A_760] : memref<2x32x129xf32, #tpu.memory_space<vmem>> -> memref<1x32x129xf32, #tpu.memory_space<vmem>>
          %scatter3A_762 = tpu.memref_squeeze %scatter3A_761 : memref<1x32x129xf32, #tpu.memory_space<vmem>> -> memref<32x129xf32, #tpu.memory_space<vmem>>
          tpu.vector_store_idx %scatter3A_762[%iota3A, %broadcast_in_dim3A], %get3A_759 : memref<32x129xf32, #tpu.memory_space<vmem>>[vector<16xi32>, vector<16xi32>], vector<16xf32>,
          %get3A_763 = arith.constant 1 : i32
          %get3A_764 = arith.index_cast %get3A_763 : i32 to index
          %get3A_765 = arith.index_cast %add3A_755 : i32 to index
          %get3A_766 = arith.constant 16 : index
          %get3A_767 = tpu.vector_load %arg7[%get3A_764, %get3A_765, %get3A_766] {strides = array<i32>} : memref<4x128x32xf32, #tpu.memory_space<vmem>>, vector<16xf32>,
          %scatter3A_768 = arith.constant 0 : i32
          %scatter3A_769 = arith.constant 0 : i32
          %scatter3A_770 = tpu.memref_slice %arg8[%select_n3A_377, %scatter3A_768, %scatter3A_769] : memref<2x32x129xf32, #tpu.memory_space<vmem>> -> memref<1x32x129xf32, #tpu.memory_space<vmem>>
          %scatter3A_771 = tpu.memref_squeeze %scatter3A_770 : memref<1x32x129xf32, #tpu.memory_space<vmem>> -> memref<32x129xf32, #tpu.memory_space<vmem>>
          tpu.vector_store_idx %scatter3A_771[%add3A_406, %broadcast_in_dim3A], %get3A_767 : memref<32x129xf32, #tpu.memory_space<vmem>>[vector<16xi32>, vector<16xi32>], vector<16xf32>,
          %mul3A_772 = arith.constant 8 : i32
          %mul3A_773 = arith.muli %scan3A_751, %mul3A_772 : i32
          %add3A_774 = arith.constant 1 : i32
          %add3A_775 = arith.addi %mul3A_773, %add3A_774 : i32
          %broadcast_in_dim3A_776 = vector.broadcast %add3A_775 : i32 to vector<16xi32>
          %get3A_777 = arith.constant 1 : i32
          %get3A_778 = arith.index_cast %get3A_777 : i32 to index
          %get3A_779 = arith.index_cast %add3A_775 : i32 to index
          %get3A_780 = arith.constant 0 : index
          %get3A_781 = tpu.vector_load %arg7[%get3A_778, %get3A_779, %get3A_780] {strides = array<i32>} : memref<4x128x32xf32, #tpu.memory_space<vmem>>, vector<16xf32>,
          %scatter3A_782 = arith.constant 0 : i32
          %scatter3A_783 = arith.constant 0 : i32
          %scatter3A_784 = tpu.memref_slice %arg8[%select_n3A_377, %scatter3A_782, %scatter3A_783] : memref<2x32x129xf32, #tpu.memory_space<vmem>> -> memref<1x32x129xf32, #tpu.memory_space<vmem>>
          %scatter3A_785 = tpu.memref_squeeze %scatter3A_784 : memref<1x32x129xf32, #tpu.memory_space<vmem>> -> memref<32x129xf32, #tpu.memory_space<vmem>>
          tpu.vector_store_idx %scatter3A_785[%iota3A, %broadcast_in_dim3A_776], %get3A_781 : memref<32x129xf32, #tpu.memory_space<vmem>>[vector<16xi32>, vector<16xi32>], vector<16xf32>,
          %get3A_786 = arith.constant 1 : i32
          %get3A_787 = arith.index_cast %get3A_786 : i32 to index
          %get3A_788 = arith.index_cast %add3A_775 : i32 to index
          %get3A_789 = arith.constant 16 : index
          %get3A_790 = tpu.vector_load %arg7[%get3A_787, %get3A_788, %get3A_789] {strides = array<i32>} : memref<4x128x32xf32, #tpu.memory_space<vmem>>, vector<16xf32>,
          %scatter3A_791 = arith.constant 0 : i32
          %scatter3A_792 = arith.constant 0 : i32
          %scatter3A_793 = tpu.memref_slice %arg8[%select_n3A_377, %scatter3A_791, %scatter3A_792] : memref<2x32x129xf32, #tpu.memory_space<vmem>> -> memref<1x32x129xf32, #tpu.memory_space<vmem>>
          %scatter3A_794 = tpu.memref_squeeze %scatter3A_793 : memref<1x32x129xf32, #tpu.memory_space<vmem>> -> memref<32x129xf32, #tpu.memory_space<vmem>>
          tpu.vector_store_idx %scatter3A_794[%add3A_406, %broadcast_in_dim3A_776], %get3A_790 : memref<32x129xf32, #tpu.memory_space<vmem>>[vector<16xi32>, vector<16xi32>], vector<16xf32>,
          %mul3A_795 = arith.constant 8 : i32
          %mul3A_796 = arith.muli %scan3A_751, %mul3A_795 : i32
          %add3A_797 = arith.constant 2 : i32
          %add3A_798 = arith.addi %mul3A_796, %add3A_797 : i32
          %broadcast_in_dim3A_799 = vector.broadcast %add3A_798 : i32 to vector<16xi32>
          %get3A_800 = arith.constant 1 : i32
          %get3A_801 = arith.index_cast %get3A_800 : i32 to index
          %get3A_802 = arith.index_cast %add3A_798 : i32 to index
          %get3A_803 = arith.constant 0 : index
          %get3A_804 = tpu.vector_load %arg7[%get3A_801, %get3A_802, %get3A_803] {strides = array<i32>} : memref<4x128x32xf32, #tpu.memory_space<vmem>>, vector<16xf32>,
          %scatter3A_805 = arith.constant 0 : i32
          %scatter3A_806 = arith.constant 0 : i32
          %scatter3A_807 = tpu.memref_slice %arg8[%select_n3A_377, %scatter3A_805, %scatter3A_806] : memref<2x32x129xf32, #tpu.memory_space<vmem>> -> memref<1x32x129xf32, #tpu.memory_space<vmem>>
          %scatter3A_808 = tpu.memref_squeeze %scatter3A_807 : memref<1x32x129xf32, #tpu.memory_space<vmem>> -> memref<32x129xf32, #tpu.memory_space<vmem>>
          tpu.vector_store_idx %scatter3A_808[%iota3A, %broadcast_in_dim3A_799], %get3A_804 : memref<32x129xf32, #tpu.memory_space<vmem>>[vector<16xi32>, vector<16xi32>], vector<16xf32>,
          %get3A_809 = arith.constant 1 : i32
          %get3A_810 = arith.index_cast %get3A_809 : i32 to index
          %get3A_811 = arith.index_cast %add3A_798 : i32 to index
          %get3A_812 = arith.constant 16 : index
          %get3A_813 = tpu.vector_load %arg7[%get3A_810, %get3A_811, %get3A_812] {strides = array<i32>} : memref<4x128x32xf32, #tpu.memory_space<vmem>>, vector<16xf32>,
          %scatter3A_814 = arith.constant 0 : i32
          %scatter3A_815 = arith.constant 0 : i32
          %scatter3A_816 = tpu.memref_slice %arg8[%select_n3A_377, %scatter3A_814, %scatter3A_815] : memref<2x32x129xf32, #tpu.memory_space<vmem>> -> memref<1x32x129xf32, #tpu.memory_space<vmem>>
          %scatter3A_817 = tpu.memref_squeeze %scatter3A_816 : memref<1x32x129xf32, #tpu.memory_space<vmem>> -> memref<32x129xf32, #tpu.memory_space<vmem>>
          tpu.vector_store_idx %scatter3A_817[%add3A_406, %broadcast_in_dim3A_799], %get3A_813 : memref<32x129xf32, #tpu.memory_space<vmem>>[vector<16xi32>, vector<16xi32>], vector<16xf32>,
          %mul3A_818 = arith.constant 8 : i32
          %mul3A_819 = arith.muli %scan3A_751, %mul3A_818 : i32
          %add3A_820 = arith.constant 3 : i32
          %add3A_821 = arith.addi %mul3A_819, %add3A_820 : i32
          %broadcast_in_dim3A_822 = vector.broadcast %add3A_821 : i32 to vector<16xi32>
          %get3A_823 = arith.constant 1 : i32
          %get3A_824 = arith.index_cast %get3A_823 : i32 to index
          %get3A_825 = arith.index_cast %add3A_821 : i32 to index
          %get3A_826 = arith.constant 0 : index
          %get3A_827 = tpu.vector_load %arg7[%get3A_824, %get3A_825, %get3A_826] {strides = array<i32>} : memref<4x128x32xf32, #tpu.memory_space<vmem>>, vector<16xf32>,
          %scatter3A_828 = arith.constant 0 : i32
          %scatter3A_829 = arith.constant 0 : i32
          %scatter3A_830 = tpu.memref_slice %arg8[%select_n3A_377, %scatter3A_828, %scatter3A_829] : memref<2x32x129xf32, #tpu.memory_space<vmem>> -> memref<1x32x129xf32, #tpu.memory_space<vmem>>
          %scatter3A_831 = tpu.memref_squeeze %scatter3A_830 : memref<1x32x129xf32, #tpu.memory_space<vmem>> -> memref<32x129xf32, #tpu.memory_space<vmem>>
          tpu.vector_store_idx %scatter3A_831[%iota3A, %broadcast_in_dim3A_822], %get3A_827 : memref<32x129xf32, #tpu.memory_space<vmem>>[vector<16xi32>, vector<16xi32>], vector<16xf32>,
          %get3A_832 = arith.constant 1 : i32
          %get3A_833 = arith.index_cast %get3A_832 : i32 to index
          %get3A_834 = arith.index_cast %add3A_821 : i32 to index
          %get3A_835 = arith.constant 16 : index
          %get3A_836 = tpu.vector_load %arg7[%get3A_833, %get3A_834, %get3A_835] {strides = array<i32>} : memref<4x128x32xf32, #tpu.memory_space<vmem>>, vector<16xf32>,
          %scatter3A_837 = arith.constant 0 : i32
          %scatter3A_838 = arith.constant 0 : i32
          %scatter3A_839 = tpu.memref_slice %arg8[%select_n3A_377, %scatter3A_837, %scatter3A_838] : memref<2x32x129xf32, #tpu.memory_space<vmem>> -> memref<1x32x129xf32, #tpu.memory_space<vmem>>
          %scatter3A_840 = tpu.memref_squeeze %scatter3A_839 : memref<1x32x129xf32, #tpu.memory_space<vmem>> -> memref<32x129xf32, #tpu.memory_space<vmem>>
          tpu.vector_store_idx %scatter3A_840[%add3A_406, %broadcast_in_dim3A_822], %get3A_836 : memref<32x129xf32, #tpu.memory_space<vmem>>[vector<16xi32>, vector<16xi32>], vector<16xf32>,
          %mul3A_841 = arith.constant 8 : i32
          %mul3A_842 = arith.muli %scan3A_751, %mul3A_841 : i32
          %add3A_843 = arith.constant 4 : i32
          %add3A_844 = arith.addi %mul3A_842, %add3A_843 : i32
          %broadcast_in_dim3A_845 = vector.broadcast %add3A_844 : i32 to vector<16xi32>
          %get3A_846 = arith.constant 1 : i32
          %get3A_847 = arith.index_cast %get3A_846 : i32 to index
          %get3A_848 = arith.index_cast %add3A_844 : i32 to index
          %get3A_849 = arith.constant 0 : index
          %get3A_850 = tpu.vector_load %arg7[%get3A_847, %get3A_848, %get3A_849] {strides = array<i32>} : memref<4x128x32xf32, #tpu.memory_space<vmem>>, vector<16xf32>,
          %scatter3A_851 = arith.constant 0 : i32
          %scatter3A_852 = arith.constant 0 : i32
          %scatter3A_853 = tpu.memref_slice %arg8[%select_n3A_377, %scatter3A_851, %scatter3A_852] : memref<2x32x129xf32, #tpu.memory_space<vmem>> -> memref<1x32x129xf32, #tpu.memory_space<vmem>>
          %scatter3A_854 = tpu.memref_squeeze %scatter3A_853 : memref<1x32x129xf32, #tpu.memory_space<vmem>> -> memref<32x129xf32, #tpu.memory_space<vmem>>
          tpu.vector_store_idx %scatter3A_854[%iota3A, %broadcast_in_dim3A_845], %get3A_850 : memref<32x129xf32, #tpu.memory_space<vmem>>[vector<16xi32>, vector<16xi32>], vector<16xf32>,
          %get3A_855 = arith.constant 1 : i32
          %get3A_856 = arith.index_cast %get3A_855 : i32 to index
          %get3A_857 = arith.index_cast %add3A_844 : i32 to index
          %get3A_858 = arith.constant 16 : index
          %get3A_859 = tpu.vector_load %arg7[%get3A_856, %get3A_857, %get3A_858] {strides = array<i32>} : memref<4x128x32xf32, #tpu.memory_space<vmem>>, vector<16xf32>,
          %scatter3A_860 = arith.constant 0 : i32
          %scatter3A_861 = arith.constant 0 : i32
          %scatter3A_862 = tpu.memref_slice %arg8[%select_n3A_377, %scatter3A_860, %scatter3A_861] : memref<2x32x129xf32, #tpu.memory_space<vmem>> -> memref<1x32x129xf32, #tpu.memory_space<vmem>>
          %scatter3A_863 = tpu.memref_squeeze %scatter3A_862 : memref<1x32x129xf32, #tpu.memory_space<vmem>> -> memref<32x129xf32, #tpu.memory_space<vmem>>
          tpu.vector_store_idx %scatter3A_863[%add3A_406, %broadcast_in_dim3A_845], %get3A_859 : memref<32x129xf32, #tpu.memory_space<vmem>>[vector<16xi32>, vector<16xi32>], vector<16xf32>,
          %mul3A_864 = arith.constant 8 : i32
          %mul3A_865 = arith.muli %scan3A_751, %mul3A_864 : i32
          %add3A_866 = arith.constant 5 : i32
          %add3A_867 = arith.addi %mul3A_865, %add3A_866 : i32
          %broadcast_in_dim3A_868 = vector.broadcast %add3A_867 : i32 to vector<16xi32>
          %get3A_869 = arith.constant 1 : i32
          %get3A_870 = arith.index_cast %get3A_869 : i32 to index
          %get3A_871 = arith.index_cast %add3A_867 : i32 to index
          %get3A_872 = arith.constant 0 : index
          %get3A_873 = tpu.vector_load %arg7[%get3A_870, %get3A_871, %get3A_872] {strides = array<i32>} : memref<4x128x32xf32, #tpu.memory_space<vmem>>, vector<16xf32>,
          %scatter3A_874 = arith.constant 0 : i32
          %scatter3A_875 = arith.constant 0 : i32
          %scatter3A_876 = tpu.memref_slice %arg8[%select_n3A_377, %scatter3A_874, %scatter3A_875] : memref<2x32x129xf32, #tpu.memory_space<vmem>> -> memref<1x32x129xf32, #tpu.memory_space<vmem>>
          %scatter3A_877 = tpu.memref_squeeze %scatter3A_876 : memref<1x32x129xf32, #tpu.memory_space<vmem>> -> memref<32x129xf32, #tpu.memory_space<vmem>>
          tpu.vector_store_idx %scatter3A_877[%iota3A, %broadcast_in_dim3A_868], %get3A_873 : memref<32x129xf32, #tpu.memory_space<vmem>>[vector<16xi32>, vector<16xi32>], vector<16xf32>,
          %get3A_878 = arith.constant 1 : i32
          %get3A_879 = arith.index_cast %get3A_878 : i32 to index
          %get3A_880 = arith.index_cast %add3A_867 : i32 to index
          %get3A_881 = arith.constant 16 : index
          %get3A_882 = tpu.vector_load %arg7[%get3A_879, %get3A_880, %get3A_881] {strides = array<i32>} : memref<4x128x32xf32, #tpu.memory_space<vmem>>, vector<16xf32>,
          %scatter3A_883 = arith.constant 0 : i32
          %scatter3A_884 = arith.constant 0 : i32
          %scatter3A_885 = tpu.memref_slice %arg8[%select_n3A_377, %scatter3A_883, %scatter3A_884] : memref<2x32x129xf32, #tpu.memory_space<vmem>> -> memref<1x32x129xf32, #tpu.memory_space<vmem>>
          %scatter3A_886 = tpu.memref_squeeze %scatter3A_885 : memref<1x32x129xf32, #tpu.memory_space<vmem>> -> memref<32x129xf32, #tpu.memory_space<vmem>>
          tpu.vector_store_idx %scatter3A_886[%add3A_406, %broadcast_in_dim3A_868], %get3A_882 : memref<32x129xf32, #tpu.memory_space<vmem>>[vector<16xi32>, vector<16xi32>], vector<16xf32>,
          %mul3A_887 = arith.constant 8 : i32
          %mul3A_888 = arith.muli %scan3A_751, %mul3A_887 : i32
          %add3A_889 = arith.constant 6 : i32
          %add3A_890 = arith.addi %mul3A_888, %add3A_889 : i32
          %broadcast_in_dim3A_891 = vector.broadcast %add3A_890 : i32 to vector<16xi32>
          %get3A_892 = arith.constant 1 : i32
          %get3A_893 = arith.index_cast %get3A_892 : i32 to index
          %get3A_894 = arith.index_cast %add3A_890 : i32 to index
          %get3A_895 = arith.constant 0 : index
          %get3A_896 = tpu.vector_load %arg7[%get3A_893, %get3A_894, %get3A_895] {strides = array<i32>} : memref<4x128x32xf32, #tpu.memory_space<vmem>>, vector<16xf32>,
          %scatter3A_897 = arith.constant 0 : i32
          %scatter3A_898 = arith.constant 0 : i32
          %scatter3A_899 = tpu.memref_slice %arg8[%select_n3A_377, %scatter3A_897, %scatter3A_898] : memref<2x32x129xf32, #tpu.memory_space<vmem>> -> memref<1x32x129xf32, #tpu.memory_space<vmem>>
          %scatter3A_900 = tpu.memref_squeeze %scatter3A_899 : memref<1x32x129xf32, #tpu.memory_space<vmem>> -> memref<32x129xf32, #tpu.memory_space<vmem>>
          tpu.vector_store_idx %scatter3A_900[%iota3A, %broadcast_in_dim3A_891], %get3A_896 : memref<32x129xf32, #tpu.memory_space<vmem>>[vector<16xi32>, vector<16xi32>], vector<16xf32>,
          %get3A_901 = arith.constant 1 : i32
          %get3A_902 = arith.index_cast %get3A_901 : i32 to index
          %get3A_903 = arith.index_cast %add3A_890 : i32 to index
          %get3A_904 = arith.constant 16 : index
          %get3A_905 = tpu.vector_load %arg7[%get3A_902, %get3A_903, %get3A_904] {strides = array<i32>} : memref<4x128x32xf32, #tpu.memory_space<vmem>>, vector<16xf32>,
          %scatter3A_906 = arith.constant 0 : i32
          %scatter3A_907 = arith.constant 0 : i32
          %scatter3A_908 = tpu.memref_slice %arg8[%select_n3A_377, %scatter3A_906, %scatter3A_907] : memref<2x32x129xf32, #tpu.memory_space<vmem>> -> memref<1x32x129xf32, #tpu.memory_space<vmem>>
          %scatter3A_909 = tpu.memref_squeeze %scatter3A_908 : memref<1x32x129xf32, #tpu.memory_space<vmem>> -> memref<32x129xf32, #tpu.memory_space<vmem>>
          tpu.vector_store_idx %scatter3A_909[%add3A_406, %broadcast_in_dim3A_891], %get3A_905 : memref<32x129xf32, #tpu.memory_space<vmem>>[vector<16xi32>, vector<16xi32>], vector<16xf32>,
          %mul3A_910 = arith.constant 8 : i32
          %mul3A_911 = arith.muli %scan3A_751, %mul3A_910 : i32
          %add3A_912 = arith.constant 7 : i32
          %add3A_913 = arith.addi %mul3A_911, %add3A_912 : i32
          %broadcast_in_dim3A_914 = vector.broadcast %add3A_913 : i32 to vector<16xi32>
          %get3A_915 = arith.constant 1 : i32
          %get3A_916 = arith.index_cast %get3A_915 : i32 to index
          %get3A_917 = arith.index_cast %add3A_913 : i32 to index
          %get3A_918 = arith.constant 0 : index
          %get3A_919 = tpu.vector_load %arg7[%get3A_916, %get3A_917, %get3A_918] {strides = array<i32>} : memref<4x128x32xf32, #tpu.memory_space<vmem>>, vector<16xf32>,
          %scatter3A_920 = arith.constant 0 : i32
          %scatter3A_921 = arith.constant 0 : i32
          %scatter3A_922 = tpu.memref_slice %arg8[%select_n3A_377, %scatter3A_920, %scatter3A_921] : memref<2x32x129xf32, #tpu.memory_space<vmem>> -> memref<1x32x129xf32, #tpu.memory_space<vmem>>
          %scatter3A_923 = tpu.memref_squeeze %scatter3A_922 : memref<1x32x129xf32, #tpu.memory_space<vmem>> -> memref<32x129xf32, #tpu.memory_space<vmem>>
          tpu.vector_store_idx %scatter3A_923[%iota3A, %broadcast_in_dim3A_914], %get3A_919 : memref<32x129xf32, #tpu.memory_space<vmem>>[vector<16xi32>, vector<16xi32>], vector<16xf32>,
          %get3A_924 = arith.constant 1 : i32
          %get3A_925 = arith.index_cast %get3A_924 : i32 to index
          %get3A_926 = arith.index_cast %add3A_913 : i32 to index
          %get3A_927 = arith.constant 16 : index
          %get3A_928 = tpu.vector_load %arg7[%get3A_925, %get3A_926, %get3A_927] {strides = array<i32>} : memref<4x128x32xf32, #tpu.memory_space<vmem>>, vector<16xf32>,
          %scatter3A_929 = arith.constant 0 : i32
          %scatter3A_930 = arith.constant 0 : i32
          %scatter3A_931 = tpu.memref_slice %arg8[%select_n3A_377, %scatter3A_929, %scatter3A_930] : memref<2x32x129xf32, #tpu.memory_space<vmem>> -> memref<1x32x129xf32, #tpu.memory_space<vmem>>
          %scatter3A_932 = tpu.memref_squeeze %scatter3A_931 : memref<1x32x129xf32, #tpu.memory_space<vmem>> -> memref<32x129xf32, #tpu.memory_space<vmem>>
          tpu.vector_store_idx %scatter3A_932[%add3A_406, %broadcast_in_dim3A_914], %get3A_928 : memref<32x129xf32, #tpu.memory_space<vmem>>[vector<16xi32>, vector<16xi32>], vector<16xf32>,
        }
        %scan3A_412 = arith.constant 16 : i32
        %dma_start3A_413 = arith.constant 0 : i32
        %dma_start3A_414 = arith.constant 0 : i32
        %dma_start3A_415 = arith.constant 0 : i32
        %dma_start3A_416 = tpu.memref_slice %arg8[%select_n3A_377, %dma_start3A_414, %dma_start3A_415] : memref<2x32x129xf32, #tpu.memory_space<vmem>> -> memref<1x8x128xf32, #tpu.memory_space<vmem>>
        %dma_start3A_417 = tpu.memref_squeeze %dma_start3A_416 : memref<1x8x128xf32, #tpu.memory_space<vmem>> -> memref<8x128xf32, #tpu.memory_space<vmem>>
        %dma_start3A_418 = arith.constant 0 : i32
        %dma_start3A_419 = arith.constant 0 : i32
        %dma_start3A_420 = tpu.memref_slice %arg4[%add3A_361, %dma_start3A_413, %add3A_9, %dma_start3A_418, %dma_start3A_419] : memref<200x4x128x8x128xf32, #tpu.memory_space<hbm>> -> memref<1x1x1x8x128xf32, #tpu.memory_space<hbm>>
        %dma_start3A_421 = tpu.memref_squeeze %dma_start3A_420 : memref<1x1x1x8x128xf32, #tpu.memory_space<hbm>> -> memref<8x128xf32, #tpu.memory_space<hbm>>
        %dma_start3A_422 = tpu.memref_slice %arg11[%select_n3A_377] : memref<2x!tpu.dma_semaphore, #tpu.memory_space<semaphore_mem>> -> memref<1x!tpu.dma_semaphore, #tpu.memory_space<semaphore_mem>>
        %dma_start3A_423 = tpu.memref_squeeze %dma_start3A_422 : memref<1x!tpu.dma_semaphore, #tpu.memory_space<semaphore_mem>> -> memref<!tpu.dma_semaphore, #tpu.memory_space<semaphore_mem>>
        %dma_start3A_424 = arith.constant 0 : i32
        %dma_start3A_425 = arith.constant 0 : i32
        %dma_start3A_426 = tpu.memref_slice %arg4[%add3A_361, %dma_start3A_413, %add3A_9, %dma_start3A_424, %dma_start3A_425] : memref<200x4x128x8x128xf32, #tpu.memory_space<hbm>> -> memref<1x1x1x8x128xf32, #tpu.memory_space<hbm>>
        %dma_start3A_427 = tpu.memref_squeeze %dma_start3A_426 : memref<1x1x1x8x128xf32, #tpu.memory_space<hbm>> -> memref<8x128xf32, #tpu.memory_space<hbm>>
        %dma_start3A_428 = arith.constant 0 : i32
        %dma_start3A_429 = arith.constant 0 : i32
        %dma_start3A_430 = tpu.memref_slice %arg8[%select_n3A_377, %dma_start3A_428, %dma_start3A_429] : memref<2x32x129xf32, #tpu.memory_space<vmem>> -> memref<1x8x128xf32, #tpu.memory_space<vmem>>
        %dma_start3A_431 = tpu.memref_squeeze %dma_start3A_430 : memref<1x8x128xf32, #tpu.memory_space<vmem>> -> memref<8x128xf32, #tpu.memory_space<vmem>>
        tpu.enqueue_dma source(%dma_start3A_431 : memref<8x128xf32, #tpu.memory_space<vmem>>) target(%dma_start3A_427 : memref<8x128xf32, #tpu.memory_space<hbm>>) target_semaphore(%dma_start3A_423 : memref<!tpu.dma_semaphore, #tpu.memory_space<semaphore_mem>>)
        %dma_start3A_432 = arith.constant 1 : i32
        %dma_start3A_433 = arith.constant 8 : i32
        %dma_start3A_434 = arith.constant 0 : i32
        %dma_start3A_435 = tpu.memref_slice %arg8[%select_n3A_377, %dma_start3A_433, %dma_start3A_434] : memref<2x32x129xf32, #tpu.memory_space<vmem>> -> memref<1x8x128xf32, #tpu.memory_space<vmem>>
        %dma_start3A_436 = tpu.memref_squeeze %dma_start3A_435 : memref<1x8x128xf32, #tpu.memory_space<vmem>> -> memref<8x128xf32, #tpu.memory_space<vmem>>
        %dma_start3A_437 = arith.constant 0 : i32
        %dma_start3A_438 = arith.constant 0 : i32
        %dma_start3A_439 = tpu.memref_slice %arg4[%add3A_361, %dma_start3A_432, %add3A_9, %dma_start3A_437, %dma_start3A_438] : memref<200x4x128x8x128xf32, #tpu.memory_space<hbm>> -> memref<1x1x1x8x128xf32, #tpu.memory_space<hbm>>
        %dma_start3A_440 = tpu.memref_squeeze %dma_start3A_439 : memref<1x1x1x8x128xf32, #tpu.memory_space<hbm>> -> memref<8x128xf32, #tpu.memory_space<hbm>>
        %dma_start3A_441 = tpu.memref_slice %arg11[%select_n3A_377] : memref<2x!tpu.dma_semaphore, #tpu.memory_space<semaphore_mem>> -> memref<1x!tpu.dma_semaphore, #tpu.memory_space<semaphore_mem>>
        %dma_start3A_442 = tpu.memref_squeeze %dma_start3A_441 : memref<1x!tpu.dma_semaphore, #tpu.memory_space<semaphore_mem>> -> memref<!tpu.dma_semaphore, #tpu.memory_space<semaphore_mem>>
        %dma_start3A_443 = arith.constant 0 : i32
        %dma_start3A_444 = arith.constant 0 : i32
        %dma_start3A_445 = tpu.memref_slice %arg4[%add3A_361, %dma_start3A_432, %add3A_9, %dma_start3A_443, %dma_start3A_444] : memref<200x4x128x8x128xf32, #tpu.memory_space<hbm>> -> memref<1x1x1x8x128xf32, #tpu.memory_space<hbm>>
        %dma_start3A_446 = tpu.memref_squeeze %dma_start3A_445 : memref<1x1x1x8x128xf32, #tpu.memory_space<hbm>> -> memref<8x128xf32, #tpu.memory_space<hbm>>
        %dma_start3A_447 = arith.constant 8 : i32
        %dma_start3A_448 = arith.constant 0 : i32
        %dma_start3A_449 = tpu.memref_slice %arg8[%select_n3A_377, %dma_start3A_447, %dma_start3A_448] : memref<2x32x129xf32, #tpu.memory_space<vmem>> -> memref<1x8x128xf32, #tpu.memory_space<vmem>>
        %dma_start3A_450 = tpu.memref_squeeze %dma_start3A_449 : memref<1x8x128xf32, #tpu.memory_space<vmem>> -> memref<8x128xf32, #tpu.memory_space<vmem>>
        tpu.enqueue_dma source(%dma_start3A_450 : memref<8x128xf32, #tpu.memory_space<vmem>>) target(%dma_start3A_446 : memref<8x128xf32, #tpu.memory_space<hbm>>) target_semaphore(%dma_start3A_442 : memref<!tpu.dma_semaphore, #tpu.memory_space<semaphore_mem>>)
        %dma_start3A_451 = arith.constant 2 : i32
        %dma_start3A_452 = arith.constant 16 : i32
        %dma_start3A_453 = arith.constant 0 : i32
        %dma_start3A_454 = tpu.memref_slice %arg8[%select_n3A_377, %dma_start3A_452, %dma_start3A_453] : memref<2x32x129xf32, #tpu.memory_space<vmem>> -> memref<1x8x128xf32, #tpu.memory_space<vmem>>
        %dma_start3A_455 = tpu.memref_squeeze %dma_start3A_454 : memref<1x8x128xf32, #tpu.memory_space<vmem>> -> memref<8x128xf32, #tpu.memory_space<vmem>>
        %dma_start3A_456 = arith.constant 0 : i32
        %dma_start3A_457 = arith.constant 0 : i32
        %dma_start3A_458 = tpu.memref_slice %arg4[%add3A_361, %dma_start3A_451, %add3A_9, %dma_start3A_456, %dma_start3A_457] : memref<200x4x128x8x128xf32, #tpu.memory_space<hbm>> -> memref<1x1x1x8x128xf32, #tpu.memory_space<hbm>>
        %dma_start3A_459 = tpu.memref_squeeze %dma_start3A_458 : memref<1x1x1x8x128xf32, #tpu.memory_space<hbm>> -> memref<8x128xf32, #tpu.memory_space<hbm>>
        %dma_start3A_460 = tpu.memref_slice %arg11[%select_n3A_377] : memref<2x!tpu.dma_semaphore, #tpu.memory_space<semaphore_mem>> -> memref<1x!tpu.dma_semaphore, #tpu.memory_space<semaphore_mem>>
        %dma_start3A_461 = tpu.memref_squeeze %dma_start3A_460 : memref<1x!tpu.dma_semaphore, #tpu.memory_space<semaphore_mem>> -> memref<!tpu.dma_semaphore, #tpu.memory_space<semaphore_mem>>
        %dma_start3A_462 = arith.constant 0 : i32
        %dma_start3A_463 = arith.constant 0 : i32
        %dma_start3A_464 = tpu.memref_slice %arg4[%add3A_361, %dma_start3A_451, %add3A_9, %dma_start3A_462, %dma_start3A_463] : memref<200x4x128x8x128xf32, #tpu.memory_space<hbm>> -> memref<1x1x1x8x128xf32, #tpu.memory_space<hbm>>
        %dma_start3A_465 = tpu.memref_squeeze %dma_start3A_464 : memref<1x1x1x8x128xf32, #tpu.memory_space<hbm>> -> memref<8x128xf32, #tpu.memory_space<hbm>>
        %dma_start3A_466 = arith.constant 16 : i32
        %dma_start3A_467 = arith.constant 0 : i32
        %dma_start3A_468 = tpu.memref_slice %arg8[%select_n3A_377, %dma_start3A_466, %dma_start3A_467] : memref<2x32x129xf32, #tpu.memory_space<vmem>> -> memref<1x8x128xf32, #tpu.memory_space<vmem>>
        %dma_start3A_469 = tpu.memref_squeeze %dma_start3A_468 : memref<1x8x128xf32, #tpu.memory_space<vmem>> -> memref<8x128xf32, #tpu.memory_space<vmem>>
        tpu.enqueue_dma source(%dma_start3A_469 : memref<8x128xf32, #tpu.memory_space<vmem>>) target(%dma_start3A_465 : memref<8x128xf32, #tpu.memory_space<hbm>>) target_semaphore(%dma_start3A_461 : memref<!tpu.dma_semaphore, #tpu.memory_space<semaphore_mem>>)
        %dma_start3A_470 = arith.constant 3 : i32
        %dma_start3A_471 = arith.constant 24 : i32
        %dma_start3A_472 = arith.constant 0 : i32
        %dma_start3A_473 = tpu.memref_slice %arg8[%select_n3A_377, %dma_start3A_471, %dma_start3A_472] : memref<2x32x129xf32, #tpu.memory_space<vmem>> -> memref<1x8x128xf32, #tpu.memory_space<vmem>>
        %dma_start3A_474 = tpu.memref_squeeze %dma_start3A_473 : memref<1x8x128xf32, #tpu.memory_space<vmem>> -> memref<8x128xf32, #tpu.memory_space<vmem>>
        %dma_start3A_475 = arith.constant 0 : i32
        %dma_start3A_476 = arith.constant 0 : i32
        %dma_start3A_477 = tpu.memref_slice %arg4[%add3A_361, %dma_start3A_470, %add3A_9, %dma_start3A_475, %dma_start3A_476] : memref<200x4x128x8x128xf32, #tpu.memory_space<hbm>> -> memref<1x1x1x8x128xf32, #tpu.memory_space<hbm>>
        %dma_start3A_478 = tpu.memref_squeeze %dma_start3A_477 : memref<1x1x1x8x128xf32, #tpu.memory_space<hbm>> -> memref<8x128xf32, #tpu.memory_space<hbm>>
        %dma_start3A_479 = tpu.memref_slice %arg11[%select_n3A_377] : memref<2x!tpu.dma_semaphore, #tpu.memory_space<semaphore_mem>> -> memref<1x!tpu.dma_semaphore, #tpu.memory_space<semaphore_mem>>
        %dma_start3A_480 = tpu.memref_squeeze %dma_start3A_479 : memref<1x!tpu.dma_semaphore, #tpu.memory_space<semaphore_mem>> -> memref<!tpu.dma_semaphore, #tpu.memory_space<semaphore_mem>>
        %dma_start3A_481 = arith.constant 0 : i32
        %dma_start3A_482 = arith.constant 0 : i32
        %dma_start3A_483 = tpu.memref_slice %arg4[%add3A_361, %dma_start3A_470, %add3A_9, %dma_start3A_481, %dma_start3A_482] : memref<200x4x128x8x128xf32, #tpu.memory_space<hbm>> -> memref<1x1x1x8x128xf32, #tpu.memory_space<hbm>>
        %dma_start3A_484 = tpu.memref_squeeze %dma_start3A_483 : memref<1x1x1x8x128xf32, #tpu.memory_space<hbm>> -> memref<8x128xf32, #tpu.memory_space<hbm>>
        %dma_start3A_485 = arith.constant 24 : i32
        %dma_start3A_486 = arith.constant 0 : i32
        %dma_start3A_487 = tpu.memref_slice %arg8[%select_n3A_377, %dma_start3A_485, %dma_start3A_486] : memref<2x32x129xf32, #tpu.memory_space<vmem>> -> memref<1x8x128xf32, #tpu.memory_space<vmem>>
        %dma_start3A_488 = tpu.memref_squeeze %dma_start3A_487 : memref<1x8x128xf32, #tpu.memory_space<vmem>> -> memref<8x128xf32, #tpu.memory_space<vmem>>
        tpu.enqueue_dma source(%dma_start3A_488 : memref<8x128xf32, #tpu.memory_space<vmem>>) target(%dma_start3A_484 : memref<8x128xf32, #tpu.memory_space<hbm>>) target_semaphore(%dma_start3A_480 : memref<!tpu.dma_semaphore, #tpu.memory_space<semaphore_mem>>)
        %mul3A_489 = arith.constant 4 : i32
        %mul3A_490 = arith.muli %scan3A_236, %mul3A_489 : i32
        %add3A_491 = arith.constant 2 : i32
        %add3A_492 = arith.addi %mul3A_490, %add3A_491 : i32
        %jit3A_493 = arith.constant 2 : i32
        %eq3A_494 = arith.constant 0 : i32
        %eq3A_495 = arith.cmpi eq, %jit3A_493, %eq3A_494 : i32
        %jit3A_496 = arith.constant 1 : i32
        %select_n3A_497 = arith.select %eq3A_495, %jit3A_496, %jit3A_493 : i32
        %rem3A_498 = arith.remsi %add3A_492, %select_n3A_497 : i32
        %ne3A_499 = arith.constant 0 : i32
        %ne3A_500 = arith.cmpi ne, %rem3A_498, %ne3A_499 : i32
        %lt3A_501 = arith.constant 0 : i32
        %lt3A_502 = arith.cmpi slt, %rem3A_498, %lt3A_501 : i32
        %lt3A_503 = arith.constant 0 : i32
        %lt3A_504 = arith.cmpi slt, %select_n3A_497, %lt3A_503 : i32
        %ne3A_505 = arith.xori %lt3A_502, %lt3A_504 : i1
        %and3A_506 = arith.andi %ne3A_505, %ne3A_500 : i1
        %add3A_507 = arith.addi %rem3A_498, %select_n3A_497 : i32
        %select_n3A_508 = arith.select %and3A_506, %add3A_507, %rem3A_498 : i32
        %ge3A_509 = arith.constant 2 : i32
        %ge3A_510 = arith.cmpi sge, %add3A_492, %ge3A_509 : i32
        %convert_element_type3A_511 = arith.extui %ge3A_510 : i1 to i32
        %cond3A_512 = arith.constant 0 : i32
        %cond3A_513 = arith.cmpi ne, %convert_element_type3A_511, %cond3A_512 : i32
        scf.if %cond3A_513 {
          %dma_wait3A_751 = arith.constant 0 : i32
          %dma_wait3A_752 = arith.constant 0 : i32
          %dma_wait3A_753 = arith.constant 0 : i32
          %dma_wait3A_754 = tpu.memref_slice %arg8[%select_n3A_508, %dma_wait3A_752, %dma_wait3A_753] : memref<2x32x129xf32, #tpu.memory_space<vmem>> -> memref<1x8x128xf32, #tpu.memory_space<vmem>>
          %dma_wait3A_755 = tpu.memref_squeeze %dma_wait3A_754 : memref<1x8x128xf32, #tpu.memory_space<vmem>> -> memref<8x128xf32, #tpu.memory_space<vmem>>
          %dma_wait3A_756 = arith.constant 0 : i32
          %dma_wait3A_757 = arith.constant 0 : i32
          %dma_wait3A_758 = tpu.memref_slice %arg4[%add3A_492, %dma_wait3A_751, %add3A_9, %dma_wait3A_756, %dma_wait3A_757] : memref<200x4x128x8x128xf32, #tpu.memory_space<hbm>> -> memref<1x1x1x8x128xf32, #tpu.memory_space<hbm>>
          %dma_wait3A_759 = tpu.memref_squeeze %dma_wait3A_758 : memref<1x1x1x8x128xf32, #tpu.memory_space<hbm>> -> memref<8x128xf32, #tpu.memory_space<hbm>>
          %dma_wait3A_760 = tpu.memref_slice %arg11[%select_n3A_508] : memref<2x!tpu.dma_semaphore, #tpu.memory_space<semaphore_mem>> -> memref<1x!tpu.dma_semaphore, #tpu.memory_space<semaphore_mem>>
          %dma_wait3A_761 = tpu.memref_squeeze %dma_wait3A_760 : memref<1x!tpu.dma_semaphore, #tpu.memory_space<semaphore_mem>> -> memref<!tpu.dma_semaphore, #tpu.memory_space<semaphore_mem>>
          %dma_wait3A_762 = arith.constant 0 : i32
          %dma_wait3A_763 = arith.constant 0 : i32
          %dma_wait3A_764 = tpu.memref_slice %arg4[%add3A_492, %dma_wait3A_751, %add3A_9, %dma_wait3A_762, %dma_wait3A_763] : memref<200x4x128x8x128xf32, #tpu.memory_space<hbm>> -> memref<1x1x1x8x128xf32, #tpu.memory_space<hbm>>
          %dma_wait3A_765 = tpu.memref_squeeze %dma_wait3A_764 : memref<1x1x1x8x128xf32, #tpu.memory_space<hbm>> -> memref<8x128xf32, #tpu.memory_space<hbm>>
          %dma_wait3A_766 = arith.constant 0 : i32
          %dma_wait3A_767 = arith.constant 0 : i32
          %dma_wait3A_768 = tpu.memref_slice %arg8[%select_n3A_508, %dma_wait3A_766, %dma_wait3A_767] : memref<2x32x129xf32, #tpu.memory_space<vmem>> -> memref<1x8x128xf32, #tpu.memory_space<vmem>>
          %dma_wait3A_769 = tpu.memref_squeeze %dma_wait3A_768 : memref<1x8x128xf32, #tpu.memory_space<vmem>> -> memref<8x128xf32, #tpu.memory_space<vmem>>
          tpu.wait_dma2 semaphore(%dma_wait3A_761 : memref<!tpu.dma_semaphore, #tpu.memory_space<semaphore_mem>>) src(%dma_wait3A_769 : memref<8x128xf32, #tpu.memory_space<vmem>>) dst(%dma_wait3A_765 : memref<8x128xf32, #tpu.memory_space<hbm>>)
          %dma_wait3A_770 = arith.constant 1 : i32
          %dma_wait3A_771 = arith.constant 8 : i32
          %dma_wait3A_772 = arith.constant 0 : i32
          %dma_wait3A_773 = tpu.memref_slice %arg8[%select_n3A_508, %dma_wait3A_771, %dma_wait3A_772] : memref<2x32x129xf32, #tpu.memory_space<vmem>> -> memref<1x8x128xf32, #tpu.memory_space<vmem>>
          %dma_wait3A_774 = tpu.memref_squeeze %dma_wait3A_773 : memref<1x8x128xf32, #tpu.memory_space<vmem>> -> memref<8x128xf32, #tpu.memory_space<vmem>>
          %dma_wait3A_775 = arith.constant 0 : i32
          %dma_wait3A_776 = arith.constant 0 : i32
          %dma_wait3A_777 = tpu.memref_slice %arg4[%add3A_492, %dma_wait3A_770, %add3A_9, %dma_wait3A_775, %dma_wait3A_776] : memref<200x4x128x8x128xf32, #tpu.memory_space<hbm>> -> memref<1x1x1x8x128xf32, #tpu.memory_space<hbm>>
          %dma_wait3A_778 = tpu.memref_squeeze %dma_wait3A_777 : memref<1x1x1x8x128xf32, #tpu.memory_space<hbm>> -> memref<8x128xf32, #tpu.memory_space<hbm>>
          %dma_wait3A_779 = tpu.memref_slice %arg11[%select_n3A_508] : memref<2x!tpu.dma_semaphore, #tpu.memory_space<semaphore_mem>> -> memref<1x!tpu.dma_semaphore, #tpu.memory_space<semaphore_mem>>
          %dma_wait3A_780 = tpu.memref_squeeze %dma_wait3A_779 : memref<1x!tpu.dma_semaphore, #tpu.memory_space<semaphore_mem>> -> memref<!tpu.dma_semaphore, #tpu.memory_space<semaphore_mem>>
          %dma_wait3A_781 = arith.constant 0 : i32
          %dma_wait3A_782 = arith.constant 0 : i32
          %dma_wait3A_783 = tpu.memref_slice %arg4[%add3A_492, %dma_wait3A_770, %add3A_9, %dma_wait3A_781, %dma_wait3A_782] : memref<200x4x128x8x128xf32, #tpu.memory_space<hbm>> -> memref<1x1x1x8x128xf32, #tpu.memory_space<hbm>>
          %dma_wait3A_784 = tpu.memref_squeeze %dma_wait3A_783 : memref<1x1x1x8x128xf32, #tpu.memory_space<hbm>> -> memref<8x128xf32, #tpu.memory_space<hbm>>
          %dma_wait3A_785 = arith.constant 8 : i32
          %dma_wait3A_786 = arith.constant 0 : i32
          %dma_wait3A_787 = tpu.memref_slice %arg8[%select_n3A_508, %dma_wait3A_785, %dma_wait3A_786] : memref<2x32x129xf32, #tpu.memory_space<vmem>> -> memref<1x8x128xf32, #tpu.memory_space<vmem>>
          %dma_wait3A_788 = tpu.memref_squeeze %dma_wait3A_787 : memref<1x8x128xf32, #tpu.memory_space<vmem>> -> memref<8x128xf32, #tpu.memory_space<vmem>>
          tpu.wait_dma2 semaphore(%dma_wait3A_780 : memref<!tpu.dma_semaphore, #tpu.memory_space<semaphore_mem>>) src(%dma_wait3A_788 : memref<8x128xf32, #tpu.memory_space<vmem>>) dst(%dma_wait3A_784 : memref<8x128xf32, #tpu.memory_space<hbm>>)
          %dma_wait3A_789 = arith.constant 2 : i32
          %dma_wait3A_790 = arith.constant 16 : i32
          %dma_wait3A_791 = arith.constant 0 : i32
          %dma_wait3A_792 = tpu.memref_slice %arg8[%select_n3A_508, %dma_wait3A_790, %dma_wait3A_791] : memref<2x32x129xf32, #tpu.memory_space<vmem>> -> memref<1x8x128xf32, #tpu.memory_space<vmem>>
          %dma_wait3A_793 = tpu.memref_squeeze %dma_wait3A_792 : memref<1x8x128xf32, #tpu.memory_space<vmem>> -> memref<8x128xf32, #tpu.memory_space<vmem>>
          %dma_wait3A_794 = arith.constant 0 : i32
          %dma_wait3A_795 = arith.constant 0 : i32
          %dma_wait3A_796 = tpu.memref_slice %arg4[%add3A_492, %dma_wait3A_789, %add3A_9, %dma_wait3A_794, %dma_wait3A_795] : memref<200x4x128x8x128xf32, #tpu.memory_space<hbm>> -> memref<1x1x1x8x128xf32, #tpu.memory_space<hbm>>
          %dma_wait3A_797 = tpu.memref_squeeze %dma_wait3A_796 : memref<1x1x1x8x128xf32, #tpu.memory_space<hbm>> -> memref<8x128xf32, #tpu.memory_space<hbm>>
          %dma_wait3A_798 = tpu.memref_slice %arg11[%select_n3A_508] : memref<2x!tpu.dma_semaphore, #tpu.memory_space<semaphore_mem>> -> memref<1x!tpu.dma_semaphore, #tpu.memory_space<semaphore_mem>>
          %dma_wait3A_799 = tpu.memref_squeeze %dma_wait3A_798 : memref<1x!tpu.dma_semaphore, #tpu.memory_space<semaphore_mem>> -> memref<!tpu.dma_semaphore, #tpu.memory_space<semaphore_mem>>
          %dma_wait3A_800 = arith.constant 0 : i32
          %dma_wait3A_801 = arith.constant 0 : i32
          %dma_wait3A_802 = tpu.memref_slice %arg4[%add3A_492, %dma_wait3A_789, %add3A_9, %dma_wait3A_800, %dma_wait3A_801] : memref<200x4x128x8x128xf32, #tpu.memory_space<hbm>> -> memref<1x1x1x8x128xf32, #tpu.memory_space<hbm>>
          %dma_wait3A_803 = tpu.memref_squeeze %dma_wait3A_802 : memref<1x1x1x8x128xf32, #tpu.memory_space<hbm>> -> memref<8x128xf32, #tpu.memory_space<hbm>>
          %dma_wait3A_804 = arith.constant 16 : i32
          %dma_wait3A_805 = arith.constant 0 : i32
          %dma_wait3A_806 = tpu.memref_slice %arg8[%select_n3A_508, %dma_wait3A_804, %dma_wait3A_805] : memref<2x32x129xf32, #tpu.memory_space<vmem>> -> memref<1x8x128xf32, #tpu.memory_space<vmem>>
          %dma_wait3A_807 = tpu.memref_squeeze %dma_wait3A_806 : memref<1x8x128xf32, #tpu.memory_space<vmem>> -> memref<8x128xf32, #tpu.memory_space<vmem>>
          tpu.wait_dma2 semaphore(%dma_wait3A_799 : memref<!tpu.dma_semaphore, #tpu.memory_space<semaphore_mem>>) src(%dma_wait3A_807 : memref<8x128xf32, #tpu.memory_space<vmem>>) dst(%dma_wait3A_803 : memref<8x128xf32, #tpu.memory_space<hbm>>)
          %dma_wait3A_808 = arith.constant 3 : i32
          %dma_wait3A_809 = arith.constant 24 : i32
          %dma_wait3A_810 = arith.constant 0 : i32
          %dma_wait3A_811 = tpu.memref_slice %arg8[%select_n3A_508, %dma_wait3A_809, %dma_wait3A_810] : memref<2x32x129xf32, #tpu.memory_space<vmem>> -> memref<1x8x128xf32, #tpu.memory_space<vmem>>
          %dma_wait3A_812 = tpu.memref_squeeze %dma_wait3A_811 : memref<1x8x128xf32, #tpu.memory_space<vmem>> -> memref<8x128xf32, #tpu.memory_space<vmem>>
          %dma_wait3A_813 = arith.constant 0 : i32
          %dma_wait3A_814 = arith.constant 0 : i32
          %dma_wait3A_815 = tpu.memref_slice %arg4[%add3A_492, %dma_wait3A_808, %add3A_9, %dma_wait3A_813, %dma_wait3A_814] : memref<200x4x128x8x128xf32, #tpu.memory_space<hbm>> -> memref<1x1x1x8x128xf32, #tpu.memory_space<hbm>>
          %dma_wait3A_816 = tpu.memref_squeeze %dma_wait3A_815 : memref<1x1x1x8x128xf32, #tpu.memory_space<hbm>> -> memref<8x128xf32, #tpu.memory_space<hbm>>
          %dma_wait3A_817 = tpu.memref_slice %arg11[%select_n3A_508] : memref<2x!tpu.dma_semaphore, #tpu.memory_space<semaphore_mem>> -> memref<1x!tpu.dma_semaphore, #tpu.memory_space<semaphore_mem>>
          %dma_wait3A_818 = tpu.memref_squeeze %dma_wait3A_817 : memref<1x!tpu.dma_semaphore, #tpu.memory_space<semaphore_mem>> -> memref<!tpu.dma_semaphore, #tpu.memory_space<semaphore_mem>>
          %dma_wait3A_819 = arith.constant 0 : i32
          %dma_wait3A_820 = arith.constant 0 : i32
          %dma_wait3A_821 = tpu.memref_slice %arg4[%add3A_492, %dma_wait3A_808, %add3A_9, %dma_wait3A_819, %dma_wait3A_820] : memref<200x4x128x8x128xf32, #tpu.memory_space<hbm>> -> memref<1x1x1x8x128xf32, #tpu.memory_space<hbm>>
          %dma_wait3A_822 = tpu.memref_squeeze %dma_wait3A_821 : memref<1x1x1x8x128xf32, #tpu.memory_space<hbm>> -> memref<8x128xf32, #tpu.memory_space<hbm>>
          %dma_wait3A_823 = arith.constant 24 : i32
          %dma_wait3A_824 = arith.constant 0 : i32
          %dma_wait3A_825 = tpu.memref_slice %arg8[%select_n3A_508, %dma_wait3A_823, %dma_wait3A_824] : memref<2x32x129xf32, #tpu.memory_space<vmem>> -> memref<1x8x128xf32, #tpu.memory_space<vmem>>
          %dma_wait3A_826 = tpu.memref_squeeze %dma_wait3A_825 : memref<1x8x128xf32, #tpu.memory_space<vmem>> -> memref<8x128xf32, #tpu.memory_space<vmem>>
          tpu.wait_dma2 semaphore(%dma_wait3A_818 : memref<!tpu.dma_semaphore, #tpu.memory_space<semaphore_mem>>) src(%dma_wait3A_826 : memref<8x128xf32, #tpu.memory_space<vmem>>) dst(%dma_wait3A_822 : memref<8x128xf32, #tpu.memory_space<hbm>>)
        } else {
        }
        %dma_wait3A_514 = arith.constant 2 : i32
        %dma_wait3A_515 = arith.constant 2 : i32
        %dma_wait3A_516 = arith.constant 0 : i32
        %dma_wait3A_517 = arith.constant 0 : i32
        %dma_wait3A_518 = tpu.memref_slice %arg7[%dma_wait3A_514, %dma_wait3A_516, %dma_wait3A_517] : memref<4x128x32xf32, #tpu.memory_space<vmem>> -> memref<1x128x32xf32, #tpu.memory_space<vmem>>
        %dma_wait3A_519 = tpu.memref_squeeze %dma_wait3A_518 : memref<1x128x32xf32, #tpu.memory_space<vmem>> -> memref<128x32xf32, #tpu.memory_space<vmem>>
        %dma_wait3A_520 = arith.constant 0 : i32
        %dma_wait3A_521 = tpu.memref_slice %arg6[%add3A_492, %dma_wait3A_520] : memref<200x128xi32, #tpu.memory_space<vmem>> -> memref<1x128xi32, #tpu.memory_space<vmem>>
        %dma_wait3A_522 = tpu.memref_squeeze %dma_wait3A_521 : memref<1x128xi32, #tpu.memory_space<vmem>> -> memref<128xi32, #tpu.memory_space<vmem>>
        %dma_wait3A_523 = arith.constant 0 : i32
        %dma_wait3A_524 = arith.constant 0 : i32
        %dma_wait3A_525 = tpu.memref_slice %arg2[%dma_wait3A_523, %dma_wait3A_524] : memref<100000x32xf32, #tpu.memory_space<hbm>> -> memref<100000x32xf32, #tpu.memory_space<hbm>>
        %dma_wait3A_526 = tpu.memref_slice %arg10[%dma_wait3A_515] : memref<4x!tpu.dma_semaphore, #tpu.memory_space<semaphore_mem>> -> memref<1x!tpu.dma_semaphore, #tpu.memory_space<semaphore_mem>>
        %dma_wait3A_527 = tpu.memref_squeeze %dma_wait3A_526 : memref<1x!tpu.dma_semaphore, #tpu.memory_space<semaphore_mem>> -> memref<!tpu.dma_semaphore, #tpu.memory_space<semaphore_mem>>
        tpu.wait_indirect_dma semaphore(%dma_wait3A_527 : memref<!tpu.dma_semaphore, #tpu.memory_space<semaphore_mem>>) src(%dma_wait3A_525 : memref<100000x32xf32, #tpu.memory_space<hbm>>) dst(%dma_wait3A_519 : memref<128x32xf32, #tpu.memory_space<vmem>>)
        %add3A_528 = arith.constant 2 : i32
        %add3A_529 = arith.addi %add3A_492, %add3A_528 : i32
        %lt3A_530 = arith.constant 200 : i32
        %lt3A_531 = arith.cmpi slt, %add3A_529, %lt3A_530 : i32
        %convert_element_type3A_532 = arith.extui %lt3A_531 : i1 to i32
        %cond3A_533 = arith.constant 0 : i32
        %cond3A_534 = arith.cmpi ne, %convert_element_type3A_532, %cond3A_533 : i32
        scf.if %cond3A_534 {
          %add3A_751 = arith.constant 2 : i32
          %add3A_752 = arith.addi %add3A_492, %add3A_751 : i32
          %dma_start3A_753 = arith.constant 0 : i32
          %dma_start3A_754 = arith.constant 0 : i32
          %dma_start3A_755 = arith.constant 0 : i32
          %dma_start3A_756 = arith.constant 0 : i32
          %dma_start3A_757 = tpu.memref_slice %arg7[%dma_start3A_753, %dma_start3A_755, %dma_start3A_756] : memref<4x128x32xf32, #tpu.memory_space<vmem>> -> memref<1x128x32xf32, #tpu.memory_space<vmem>>
          %dma_start3A_758 = tpu.memref_squeeze %dma_start3A_757 : memref<1x128x32xf32, #tpu.memory_space<vmem>> -> memref<128x32xf32, #tpu.memory_space<vmem>>
          %dma_start3A_759 = arith.constant 0 : i32
          %dma_start3A_760 = tpu.memref_slice %arg6[%add3A_752, %dma_start3A_759] : memref<200x128xi32, #tpu.memory_space<vmem>> -> memref<1x128xi32, #tpu.memory_space<vmem>>
          %dma_start3A_761 = tpu.memref_squeeze %dma_start3A_760 : memref<1x128xi32, #tpu.memory_space<vmem>> -> memref<128xi32, #tpu.memory_space<vmem>>
          %dma_start3A_762 = arith.constant 0 : i32
          %dma_start3A_763 = arith.constant 0 : i32
          %dma_start3A_764 = tpu.memref_slice %arg2[%dma_start3A_762, %dma_start3A_763] : memref<100000x32xf32, #tpu.memory_space<hbm>> -> memref<100000x32xf32, #tpu.memory_space<hbm>>
          %dma_start3A_765 = tpu.memref_slice %arg10[%dma_start3A_754] : memref<4x!tpu.dma_semaphore, #tpu.memory_space<semaphore_mem>> -> memref<1x!tpu.dma_semaphore, #tpu.memory_space<semaphore_mem>>
          %dma_start3A_766 = tpu.memref_squeeze %dma_start3A_765 : memref<1x!tpu.dma_semaphore, #tpu.memory_space<semaphore_mem>> -> memref<!tpu.dma_semaphore, #tpu.memory_space<semaphore_mem>>
          tpu.enqueue_indirect_dma source(%dma_start3A_764 : memref<100000x32xf32, #tpu.memory_space<hbm>>) target(%dma_start3A_758 : memref<128x32xf32, #tpu.memory_space<vmem>>) offsets(%dma_start3A_761 : memref<128xi32, #tpu.memory_space<vmem>>) semaphore(%dma_start3A_766 : memref<!tpu.dma_semaphore, #tpu.memory_space<semaphore_mem>>)
        } else {
        }
        %add3A_535 = arith.constant 16 : i32
        %add3A_536 = vector.broadcast %add3A_535 : i32 to vector<16xi32>
        %add3A_537 = arith.addi %iota3A, %add3A_536 : vector<16xi32>
        %scan3A_538 = arith.constant 0 : i32
        %scan3A_539 = arith.constant 0 : i32
        %scan3A_540 = arith.constant 16 : i32
        %scan3A_541 = arith.addi %scan3A_539, %scan3A_540 : i32
        %scan3A_542 = arith.constant 1 : i32
        scf.for %scan3A_751 = %scan3A_539 to %scan3A_541 step %scan3A_542  : i32 {
          %mul3A_752 = arith.constant 8 : i32
          %mul3A_753 = arith.muli %scan3A_751, %mul3A_752 : i32
          %add3A_754 = arith.constant 0 : i32
          %add3A_755 = arith.addi %mul3A_753, %add3A_754 : i32
          %broadcast_in_dim3A = vector.broadcast %add3A_755 : i32 to vector<16xi32>
          %get3A = arith.constant 2 : i32
          %get3A_756 = arith.index_cast %get3A : i32 to index
          %get3A_757 = arith.index_cast %add3A_755 : i32 to index
          %get3A_758 = arith.constant 0 : index
          %get3A_759 = tpu.vector_load %arg7[%get3A_756, %get3A_757, %get3A_758] {strides = array<i32>} : memref<4x128x32xf32, #tpu.memory_space<vmem>>, vector<16xf32>,
          %scatter3A = arith.constant 0 : i32
          %scatter3A_760 = arith.constant 0 : i32
          %scatter3A_761 = tpu.memref_slice %arg8[%select_n3A_508, %scatter3A, %scatter3A_760] : memref<2x32x129xf32, #tpu.memory_space<vmem>> -> memref<1x32x129xf32, #tpu.memory_space<vmem>>
          %scatter3A_762 = tpu.memref_squeeze %scatter3A_761 : memref<1x32x129xf32, #tpu.memory_space<vmem>> -> memref<32x129xf32, #tpu.memory_space<vmem>>
          tpu.vector_store_idx %scatter3A_762[%iota3A, %broadcast_in_dim3A], %get3A_759 : memref<32x129xf32, #tpu.memory_space<vmem>>[vector<16xi32>, vector<16xi32>], vector<16xf32>,
          %get3A_763 = arith.constant 2 : i32
          %get3A_764 = arith.index_cast %get3A_763 : i32 to index
          %get3A_765 = arith.index_cast %add3A_755 : i32 to index
          %get3A_766 = arith.constant 16 : index
          %get3A_767 = tpu.vector_load %arg7[%get3A_764, %get3A_765, %get3A_766] {strides = array<i32>} : memref<4x128x32xf32, #tpu.memory_space<vmem>>, vector<16xf32>,
          %scatter3A_768 = arith.constant 0 : i32
          %scatter3A_769 = arith.constant 0 : i32
          %scatter3A_770 = tpu.memref_slice %arg8[%select_n3A_508, %scatter3A_768, %scatter3A_769] : memref<2x32x129xf32, #tpu.memory_space<vmem>> -> memref<1x32x129xf32, #tpu.memory_space<vmem>>
          %scatter3A_771 = tpu.memref_squeeze %scatter3A_770 : memref<1x32x129xf32, #tpu.memory_space<vmem>> -> memref<32x129xf32, #tpu.memory_space<vmem>>
          tpu.vector_store_idx %scatter3A_771[%add3A_537, %broadcast_in_dim3A], %get3A_767 : memref<32x129xf32, #tpu.memory_space<vmem>>[vector<16xi32>, vector<16xi32>], vector<16xf32>,
          %mul3A_772 = arith.constant 8 : i32
          %mul3A_773 = arith.muli %scan3A_751, %mul3A_772 : i32
          %add3A_774 = arith.constant 1 : i32
          %add3A_775 = arith.addi %mul3A_773, %add3A_774 : i32
          %broadcast_in_dim3A_776 = vector.broadcast %add3A_775 : i32 to vector<16xi32>
          %get3A_777 = arith.constant 2 : i32
          %get3A_778 = arith.index_cast %get3A_777 : i32 to index
          %get3A_779 = arith.index_cast %add3A_775 : i32 to index
          %get3A_780 = arith.constant 0 : index
          %get3A_781 = tpu.vector_load %arg7[%get3A_778, %get3A_779, %get3A_780] {strides = array<i32>} : memref<4x128x32xf32, #tpu.memory_space<vmem>>, vector<16xf32>,
          %scatter3A_782 = arith.constant 0 : i32
          %scatter3A_783 = arith.constant 0 : i32
          %scatter3A_784 = tpu.memref_slice %arg8[%select_n3A_508, %scatter3A_782, %scatter3A_783] : memref<2x32x129xf32, #tpu.memory_space<vmem>> -> memref<1x32x129xf32, #tpu.memory_space<vmem>>
          %scatter3A_785 = tpu.memref_squeeze %scatter3A_784 : memref<1x32x129xf32, #tpu.memory_space<vmem>> -> memref<32x129xf32, #tpu.memory_space<vmem>>
          tpu.vector_store_idx %scatter3A_785[%iota3A, %broadcast_in_dim3A_776], %get3A_781 : memref<32x129xf32, #tpu.memory_space<vmem>>[vector<16xi32>, vector<16xi32>], vector<16xf32>,
          %get3A_786 = arith.constant 2 : i32
          %get3A_787 = arith.index_cast %get3A_786 : i32 to index
          %get3A_788 = arith.index_cast %add3A_775 : i32 to index
          %get3A_789 = arith.constant 16 : index
          %get3A_790 = tpu.vector_load %arg7[%get3A_787, %get3A_788, %get3A_789] {strides = array<i32>} : memref<4x128x32xf32, #tpu.memory_space<vmem>>, vector<16xf32>,
          %scatter3A_791 = arith.constant 0 : i32
          %scatter3A_792 = arith.constant 0 : i32
          %scatter3A_793 = tpu.memref_slice %arg8[%select_n3A_508, %scatter3A_791, %scatter3A_792] : memref<2x32x129xf32, #tpu.memory_space<vmem>> -> memref<1x32x129xf32, #tpu.memory_space<vmem>>
          %scatter3A_794 = tpu.memref_squeeze %scatter3A_793 : memref<1x32x129xf32, #tpu.memory_space<vmem>> -> memref<32x129xf32, #tpu.memory_space<vmem>>
          tpu.vector_store_idx %scatter3A_794[%add3A_537, %broadcast_in_dim3A_776], %get3A_790 : memref<32x129xf32, #tpu.memory_space<vmem>>[vector<16xi32>, vector<16xi32>], vector<16xf32>,
          %mul3A_795 = arith.constant 8 : i32
          %mul3A_796 = arith.muli %scan3A_751, %mul3A_795 : i32
          %add3A_797 = arith.constant 2 : i32
          %add3A_798 = arith.addi %mul3A_796, %add3A_797 : i32
          %broadcast_in_dim3A_799 = vector.broadcast %add3A_798 : i32 to vector<16xi32>
          %get3A_800 = arith.constant 2 : i32
          %get3A_801 = arith.index_cast %get3A_800 : i32 to index
          %get3A_802 = arith.index_cast %add3A_798 : i32 to index
          %get3A_803 = arith.constant 0 : index
          %get3A_804 = tpu.vector_load %arg7[%get3A_801, %get3A_802, %get3A_803] {strides = array<i32>} : memref<4x128x32xf32, #tpu.memory_space<vmem>>, vector<16xf32>,
          %scatter3A_805 = arith.constant 0 : i32
          %scatter3A_806 = arith.constant 0 : i32
          %scatter3A_807 = tpu.memref_slice %arg8[%select_n3A_508, %scatter3A_805, %scatter3A_806] : memref<2x32x129xf32, #tpu.memory_space<vmem>> -> memref<1x32x129xf32, #tpu.memory_space<vmem>>
          %scatter3A_808 = tpu.memref_squeeze %scatter3A_807 : memref<1x32x129xf32, #tpu.memory_space<vmem>> -> memref<32x129xf32, #tpu.memory_space<vmem>>
          tpu.vector_store_idx %scatter3A_808[%iota3A, %broadcast_in_dim3A_799], %get3A_804 : memref<32x129xf32, #tpu.memory_space<vmem>>[vector<16xi32>, vector<16xi32>], vector<16xf32>,
          %get3A_809 = arith.constant 2 : i32
          %get3A_810 = arith.index_cast %get3A_809 : i32 to index
          %get3A_811 = arith.index_cast %add3A_798 : i32 to index
          %get3A_812 = arith.constant 16 : index
          %get3A_813 = tpu.vector_load %arg7[%get3A_810, %get3A_811, %get3A_812] {strides = array<i32>} : memref<4x128x32xf32, #tpu.memory_space<vmem>>, vector<16xf32>,
          %scatter3A_814 = arith.constant 0 : i32
          %scatter3A_815 = arith.constant 0 : i32
          %scatter3A_816 = tpu.memref_slice %arg8[%select_n3A_508, %scatter3A_814, %scatter3A_815] : memref<2x32x129xf32, #tpu.memory_space<vmem>> -> memref<1x32x129xf32, #tpu.memory_space<vmem>>
          %scatter3A_817 = tpu.memref_squeeze %scatter3A_816 : memref<1x32x129xf32, #tpu.memory_space<vmem>> -> memref<32x129xf32, #tpu.memory_space<vmem>>
          tpu.vector_store_idx %scatter3A_817[%add3A_537, %broadcast_in_dim3A_799], %get3A_813 : memref<32x129xf32, #tpu.memory_space<vmem>>[vector<16xi32>, vector<16xi32>], vector<16xf32>,
          %mul3A_818 = arith.constant 8 : i32
          %mul3A_819 = arith.muli %scan3A_751, %mul3A_818 : i32
          %add3A_820 = arith.constant 3 : i32
          %add3A_821 = arith.addi %mul3A_819, %add3A_820 : i32
          %broadcast_in_dim3A_822 = vector.broadcast %add3A_821 : i32 to vector<16xi32>
          %get3A_823 = arith.constant 2 : i32
          %get3A_824 = arith.index_cast %get3A_823 : i32 to index
          %get3A_825 = arith.index_cast %add3A_821 : i32 to index
          %get3A_826 = arith.constant 0 : index
          %get3A_827 = tpu.vector_load %arg7[%get3A_824, %get3A_825, %get3A_826] {strides = array<i32>} : memref<4x128x32xf32, #tpu.memory_space<vmem>>, vector<16xf32>,
          %scatter3A_828 = arith.constant 0 : i32
          %scatter3A_829 = arith.constant 0 : i32
          %scatter3A_830 = tpu.memref_slice %arg8[%select_n3A_508, %scatter3A_828, %scatter3A_829] : memref<2x32x129xf32, #tpu.memory_space<vmem>> -> memref<1x32x129xf32, #tpu.memory_space<vmem>>
          %scatter3A_831 = tpu.memref_squeeze %scatter3A_830 : memref<1x32x129xf32, #tpu.memory_space<vmem>> -> memref<32x129xf32, #tpu.memory_space<vmem>>
          tpu.vector_store_idx %scatter3A_831[%iota3A, %broadcast_in_dim3A_822], %get3A_827 : memref<32x129xf32, #tpu.memory_space<vmem>>[vector<16xi32>, vector<16xi32>], vector<16xf32>,
          %get3A_832 = arith.constant 2 : i32
          %get3A_833 = arith.index_cast %get3A_832 : i32 to index
          %get3A_834 = arith.index_cast %add3A_821 : i32 to index
          %get3A_835 = arith.constant 16 : index
          %get3A_836 = tpu.vector_load %arg7[%get3A_833, %get3A_834, %get3A_835] {strides = array<i32>} : memref<4x128x32xf32, #tpu.memory_space<vmem>>, vector<16xf32>,
          %scatter3A_837 = arith.constant 0 : i32
          %scatter3A_838 = arith.constant 0 : i32
          %scatter3A_839 = tpu.memref_slice %arg8[%select_n3A_508, %scatter3A_837, %scatter3A_838] : memref<2x32x129xf32, #tpu.memory_space<vmem>> -> memref<1x32x129xf32, #tpu.memory_space<vmem>>
          %scatter3A_840 = tpu.memref_squeeze %scatter3A_839 : memref<1x32x129xf32, #tpu.memory_space<vmem>> -> memref<32x129xf32, #tpu.memory_space<vmem>>
          tpu.vector_store_idx %scatter3A_840[%add3A_537, %broadcast_in_dim3A_822], %get3A_836 : memref<32x129xf32, #tpu.memory_space<vmem>>[vector<16xi32>, vector<16xi32>], vector<16xf32>,
          %mul3A_841 = arith.constant 8 : i32
          %mul3A_842 = arith.muli %scan3A_751, %mul3A_841 : i32
          %add3A_843 = arith.constant 4 : i32
          %add3A_844 = arith.addi %mul3A_842, %add3A_843 : i32
          %broadcast_in_dim3A_845 = vector.broadcast %add3A_844 : i32 to vector<16xi32>
          %get3A_846 = arith.constant 2 : i32
          %get3A_847 = arith.index_cast %get3A_846 : i32 to index
          %get3A_848 = arith.index_cast %add3A_844 : i32 to index
          %get3A_849 = arith.constant 0 : index
          %get3A_850 = tpu.vector_load %arg7[%get3A_847, %get3A_848, %get3A_849] {strides = array<i32>} : memref<4x128x32xf32, #tpu.memory_space<vmem>>, vector<16xf32>,
          %scatter3A_851 = arith.constant 0 : i32
          %scatter3A_852 = arith.constant 0 : i32
          %scatter3A_853 = tpu.memref_slice %arg8[%select_n3A_508, %scatter3A_851, %scatter3A_852] : memref<2x32x129xf32, #tpu.memory_space<vmem>> -> memref<1x32x129xf32, #tpu.memory_space<vmem>>
          %scatter3A_854 = tpu.memref_squeeze %scatter3A_853 : memref<1x32x129xf32, #tpu.memory_space<vmem>> -> memref<32x129xf32, #tpu.memory_space<vmem>>
          tpu.vector_store_idx %scatter3A_854[%iota3A, %broadcast_in_dim3A_845], %get3A_850 : memref<32x129xf32, #tpu.memory_space<vmem>>[vector<16xi32>, vector<16xi32>], vector<16xf32>,
          %get3A_855 = arith.constant 2 : i32
          %get3A_856 = arith.index_cast %get3A_855 : i32 to index
          %get3A_857 = arith.index_cast %add3A_844 : i32 to index
          %get3A_858 = arith.constant 16 : index
          %get3A_859 = tpu.vector_load %arg7[%get3A_856, %get3A_857, %get3A_858] {strides = array<i32>} : memref<4x128x32xf32, #tpu.memory_space<vmem>>, vector<16xf32>,
          %scatter3A_860 = arith.constant 0 : i32
          %scatter3A_861 = arith.constant 0 : i32
          %scatter3A_862 = tpu.memref_slice %arg8[%select_n3A_508, %scatter3A_860, %scatter3A_861] : memref<2x32x129xf32, #tpu.memory_space<vmem>> -> memref<1x32x129xf32, #tpu.memory_space<vmem>>
          %scatter3A_863 = tpu.memref_squeeze %scatter3A_862 : memref<1x32x129xf32, #tpu.memory_space<vmem>> -> memref<32x129xf32, #tpu.memory_space<vmem>>
          tpu.vector_store_idx %scatter3A_863[%add3A_537, %broadcast_in_dim3A_845], %get3A_859 : memref<32x129xf32, #tpu.memory_space<vmem>>[vector<16xi32>, vector<16xi32>], vector<16xf32>,
          %mul3A_864 = arith.constant 8 : i32
          %mul3A_865 = arith.muli %scan3A_751, %mul3A_864 : i32
          %add3A_866 = arith.constant 5 : i32
          %add3A_867 = arith.addi %mul3A_865, %add3A_866 : i32
          %broadcast_in_dim3A_868 = vector.broadcast %add3A_867 : i32 to vector<16xi32>
          %get3A_869 = arith.constant 2 : i32
          %get3A_870 = arith.index_cast %get3A_869 : i32 to index
          %get3A_871 = arith.index_cast %add3A_867 : i32 to index
          %get3A_872 = arith.constant 0 : index
          %get3A_873 = tpu.vector_load %arg7[%get3A_870, %get3A_871, %get3A_872] {strides = array<i32>} : memref<4x128x32xf32, #tpu.memory_space<vmem>>, vector<16xf32>,
          %scatter3A_874 = arith.constant 0 : i32
          %scatter3A_875 = arith.constant 0 : i32
          %scatter3A_876 = tpu.memref_slice %arg8[%select_n3A_508, %scatter3A_874, %scatter3A_875] : memref<2x32x129xf32, #tpu.memory_space<vmem>> -> memref<1x32x129xf32, #tpu.memory_space<vmem>>
          %scatter3A_877 = tpu.memref_squeeze %scatter3A_876 : memref<1x32x129xf32, #tpu.memory_space<vmem>> -> memref<32x129xf32, #tpu.memory_space<vmem>>
          tpu.vector_store_idx %scatter3A_877[%iota3A, %broadcast_in_dim3A_868], %get3A_873 : memref<32x129xf32, #tpu.memory_space<vmem>>[vector<16xi32>, vector<16xi32>], vector<16xf32>,
          %get3A_878 = arith.constant 2 : i32
          %get3A_879 = arith.index_cast %get3A_878 : i32 to index
          %get3A_880 = arith.index_cast %add3A_867 : i32 to index
          %get3A_881 = arith.constant 16 : index
          %get3A_882 = tpu.vector_load %arg7[%get3A_879, %get3A_880, %get3A_881] {strides = array<i32>} : memref<4x128x32xf32, #tpu.memory_space<vmem>>, vector<16xf32>,
          %scatter3A_883 = arith.constant 0 : i32
          %scatter3A_884 = arith.constant 0 : i32
          %scatter3A_885 = tpu.memref_slice %arg8[%select_n3A_508, %scatter3A_883, %scatter3A_884] : memref<2x32x129xf32, #tpu.memory_space<vmem>> -> memref<1x32x129xf32, #tpu.memory_space<vmem>>
          %scatter3A_886 = tpu.memref_squeeze %scatter3A_885 : memref<1x32x129xf32, #tpu.memory_space<vmem>> -> memref<32x129xf32, #tpu.memory_space<vmem>>
          tpu.vector_store_idx %scatter3A_886[%add3A_537, %broadcast_in_dim3A_868], %get3A_882 : memref<32x129xf32, #tpu.memory_space<vmem>>[vector<16xi32>, vector<16xi32>], vector<16xf32>,
          %mul3A_887 = arith.constant 8 : i32
          %mul3A_888 = arith.muli %scan3A_751, %mul3A_887 : i32
          %add3A_889 = arith.constant 6 : i32
          %add3A_890 = arith.addi %mul3A_888, %add3A_889 : i32
          %broadcast_in_dim3A_891 = vector.broadcast %add3A_890 : i32 to vector<16xi32>
          %get3A_892 = arith.constant 2 : i32
          %get3A_893 = arith.index_cast %get3A_892 : i32 to index
          %get3A_894 = arith.index_cast %add3A_890 : i32 to index
          %get3A_895 = arith.constant 0 : index
          %get3A_896 = tpu.vector_load %arg7[%get3A_893, %get3A_894, %get3A_895] {strides = array<i32>} : memref<4x128x32xf32, #tpu.memory_space<vmem>>, vector<16xf32>,
          %scatter3A_897 = arith.constant 0 : i32
          %scatter3A_898 = arith.constant 0 : i32
          %scatter3A_899 = tpu.memref_slice %arg8[%select_n3A_508, %scatter3A_897, %scatter3A_898] : memref<2x32x129xf32, #tpu.memory_space<vmem>> -> memref<1x32x129xf32, #tpu.memory_space<vmem>>
          %scatter3A_900 = tpu.memref_squeeze %scatter3A_899 : memref<1x32x129xf32, #tpu.memory_space<vmem>> -> memref<32x129xf32, #tpu.memory_space<vmem>>
          tpu.vector_store_idx %scatter3A_900[%iota3A, %broadcast_in_dim3A_891], %get3A_896 : memref<32x129xf32, #tpu.memory_space<vmem>>[vector<16xi32>, vector<16xi32>], vector<16xf32>,
          %get3A_901 = arith.constant 2 : i32
          %get3A_902 = arith.index_cast %get3A_901 : i32 to index
          %get3A_903 = arith.index_cast %add3A_890 : i32 to index
          %get3A_904 = arith.constant 16 : index
          %get3A_905 = tpu.vector_load %arg7[%get3A_902, %get3A_903, %get3A_904] {strides = array<i32>} : memref<4x128x32xf32, #tpu.memory_space<vmem>>, vector<16xf32>,
          %scatter3A_906 = arith.constant 0 : i32
          %scatter3A_907 = arith.constant 0 : i32
          %scatter3A_908 = tpu.memref_slice %arg8[%select_n3A_508, %scatter3A_906, %scatter3A_907] : memref<2x32x129xf32, #tpu.memory_space<vmem>> -> memref<1x32x129xf32, #tpu.memory_space<vmem>>
          %scatter3A_909 = tpu.memref_squeeze %scatter3A_908 : memref<1x32x129xf32, #tpu.memory_space<vmem>> -> memref<32x129xf32, #tpu.memory_space<vmem>>
          tpu.vector_store_idx %scatter3A_909[%add3A_537, %broadcast_in_dim3A_891], %get3A_905 : memref<32x129xf32, #tpu.memory_space<vmem>>[vector<16xi32>, vector<16xi32>], vector<16xf32>,
          %mul3A_910 = arith.constant 8 : i32
          %mul3A_911 = arith.muli %scan3A_751, %mul3A_910 : i32
          %add3A_912 = arith.constant 7 : i32
          %add3A_913 = arith.addi %mul3A_911, %add3A_912 : i32
          %broadcast_in_dim3A_914 = vector.broadcast %add3A_913 : i32 to vector<16xi32>
          %get3A_915 = arith.constant 2 : i32
          %get3A_916 = arith.index_cast %get3A_915 : i32 to index
          %get3A_917 = arith.index_cast %add3A_913 : i32 to index
          %get3A_918 = arith.constant 0 : index
          %get3A_919 = tpu.vector_load %arg7[%get3A_916, %get3A_917, %get3A_918] {strides = array<i32>} : memref<4x128x32xf32, #tpu.memory_space<vmem>>, vector<16xf32>,
          %scatter3A_920 = arith.constant 0 : i32
          %scatter3A_921 = arith.constant 0 : i32
          %scatter3A_922 = tpu.memref_slice %arg8[%select_n3A_508, %scatter3A_920, %scatter3A_921] : memref<2x32x129xf32, #tpu.memory_space<vmem>> -> memref<1x32x129xf32, #tpu.memory_space<vmem>>
          %scatter3A_923 = tpu.memref_squeeze %scatter3A_922 : memref<1x32x129xf32, #tpu.memory_space<vmem>> -> memref<32x129xf32, #tpu.memory_space<vmem>>
          tpu.vector_store_idx %scatter3A_923[%iota3A, %broadcast_in_dim3A_914], %get3A_919 : memref<32x129xf32, #tpu.memory_space<vmem>>[vector<16xi32>, vector<16xi32>], vector<16xf32>,
          %get3A_924 = arith.constant 2 : i32
          %get3A_925 = arith.index_cast %get3A_924 : i32 to index
          %get3A_926 = arith.index_cast %add3A_913 : i32 to index
          %get3A_927 = arith.constant 16 : index
          %get3A_928 = tpu.vector_load %arg7[%get3A_925, %get3A_926, %get3A_927] {strides = array<i32>} : memref<4x128x32xf32, #tpu.memory_space<vmem>>, vector<16xf32>,
          %scatter3A_929 = arith.constant 0 : i32
          %scatter3A_930 = arith.constant 0 : i32
          %scatter3A_931 = tpu.memref_slice %arg8[%select_n3A_508, %scatter3A_929, %scatter3A_930] : memref<2x32x129xf32, #tpu.memory_space<vmem>> -> memref<1x32x129xf32, #tpu.memory_space<vmem>>
          %scatter3A_932 = tpu.memref_squeeze %scatter3A_931 : memref<1x32x129xf32, #tpu.memory_space<vmem>> -> memref<32x129xf32, #tpu.memory_space<vmem>>
          tpu.vector_store_idx %scatter3A_932[%add3A_537, %broadcast_in_dim3A_914], %get3A_928 : memref<32x129xf32, #tpu.memory_space<vmem>>[vector<16xi32>, vector<16xi32>], vector<16xf32>,
        }
        %scan3A_543 = arith.constant 16 : i32
        %dma_start3A_544 = arith.constant 0 : i32
        %dma_start3A_545 = arith.constant 0 : i32
        %dma_start3A_546 = arith.constant 0 : i32
        %dma_start3A_547 = tpu.memref_slice %arg8[%select_n3A_508, %dma_start3A_545, %dma_start3A_546] : memref<2x32x129xf32, #tpu.memory_space<vmem>> -> memref<1x8x128xf32, #tpu.memory_space<vmem>>
        %dma_start3A_548 = tpu.memref_squeeze %dma_start3A_547 : memref<1x8x128xf32, #tpu.memory_space<vmem>> -> memref<8x128xf32, #tpu.memory_space<vmem>>
        %dma_start3A_549 = arith.constant 0 : i32
        %dma_start3A_550 = arith.constant 0 : i32
        %dma_start3A_551 = tpu.memref_slice %arg4[%add3A_492, %dma_start3A_544, %add3A_9, %dma_start3A_549, %dma_start3A_550] : memref<200x4x128x8x128xf32, #tpu.memory_space<hbm>> -> memref<1x1x1x8x128xf32, #tpu.memory_space<hbm>>
        %dma_start3A_552 = tpu.memref_squeeze %dma_start3A_551 : memref<1x1x1x8x128xf32, #tpu.memory_space<hbm>> -> memref<8x128xf32, #tpu.memory_space<hbm>>
        %dma_start3A_553 = tpu.memref_slice %arg11[%select_n3A_508] : memref<2x!tpu.dma_semaphore, #tpu.memory_space<semaphore_mem>> -> memref<1x!tpu.dma_semaphore, #tpu.memory_space<semaphore_mem>>
        %dma_start3A_554 = tpu.memref_squeeze %dma_start3A_553 : memref<1x!tpu.dma_semaphore, #tpu.memory_space<semaphore_mem>> -> memref<!tpu.dma_semaphore, #tpu.memory_space<semaphore_mem>>
        %dma_start3A_555 = arith.constant 0 : i32
        %dma_start3A_556 = arith.constant 0 : i32
        %dma_start3A_557 = tpu.memref_slice %arg4[%add3A_492, %dma_start3A_544, %add3A_9, %dma_start3A_555, %dma_start3A_556] : memref<200x4x128x8x128xf32, #tpu.memory_space<hbm>> -> memref<1x1x1x8x128xf32, #tpu.memory_space<hbm>>
        %dma_start3A_558 = tpu.memref_squeeze %dma_start3A_557 : memref<1x1x1x8x128xf32, #tpu.memory_space<hbm>> -> memref<8x128xf32, #tpu.memory_space<hbm>>
        %dma_start3A_559 = arith.constant 0 : i32
        %dma_start3A_560 = arith.constant 0 : i32
        %dma_start3A_561 = tpu.memref_slice %arg8[%select_n3A_508, %dma_start3A_559, %dma_start3A_560] : memref<2x32x129xf32, #tpu.memory_space<vmem>> -> memref<1x8x128xf32, #tpu.memory_space<vmem>>
        %dma_start3A_562 = tpu.memref_squeeze %dma_start3A_561 : memref<1x8x128xf32, #tpu.memory_space<vmem>> -> memref<8x128xf32, #tpu.memory_space<vmem>>
        tpu.enqueue_dma source(%dma_start3A_562 : memref<8x128xf32, #tpu.memory_space<vmem>>) target(%dma_start3A_558 : memref<8x128xf32, #tpu.memory_space<hbm>>) target_semaphore(%dma_start3A_554 : memref<!tpu.dma_semaphore, #tpu.memory_space<semaphore_mem>>)
        %dma_start3A_563 = arith.constant 1 : i32
        %dma_start3A_564 = arith.constant 8 : i32
        %dma_start3A_565 = arith.constant 0 : i32
        %dma_start3A_566 = tpu.memref_slice %arg8[%select_n3A_508, %dma_start3A_564, %dma_start3A_565] : memref<2x32x129xf32, #tpu.memory_space<vmem>> -> memref<1x8x128xf32, #tpu.memory_space<vmem>>
        %dma_start3A_567 = tpu.memref_squeeze %dma_start3A_566 : memref<1x8x128xf32, #tpu.memory_space<vmem>> -> memref<8x128xf32, #tpu.memory_space<vmem>>
        %dma_start3A_568 = arith.constant 0 : i32
        %dma_start3A_569 = arith.constant 0 : i32
        %dma_start3A_570 = tpu.memref_slice %arg4[%add3A_492, %dma_start3A_563, %add3A_9, %dma_start3A_568, %dma_start3A_569] : memref<200x4x128x8x128xf32, #tpu.memory_space<hbm>> -> memref<1x1x1x8x128xf32, #tpu.memory_space<hbm>>
        %dma_start3A_571 = tpu.memref_squeeze %dma_start3A_570 : memref<1x1x1x8x128xf32, #tpu.memory_space<hbm>> -> memref<8x128xf32, #tpu.memory_space<hbm>>
        %dma_start3A_572 = tpu.memref_slice %arg11[%select_n3A_508] : memref<2x!tpu.dma_semaphore, #tpu.memory_space<semaphore_mem>> -> memref<1x!tpu.dma_semaphore, #tpu.memory_space<semaphore_mem>>
        %dma_start3A_573 = tpu.memref_squeeze %dma_start3A_572 : memref<1x!tpu.dma_semaphore, #tpu.memory_space<semaphore_mem>> -> memref<!tpu.dma_semaphore, #tpu.memory_space<semaphore_mem>>
        %dma_start3A_574 = arith.constant 0 : i32
        %dma_start3A_575 = arith.constant 0 : i32
        %dma_start3A_576 = tpu.memref_slice %arg4[%add3A_492, %dma_start3A_563, %add3A_9, %dma_start3A_574, %dma_start3A_575] : memref<200x4x128x8x128xf32, #tpu.memory_space<hbm>> -> memref<1x1x1x8x128xf32, #tpu.memory_space<hbm>>
        %dma_start3A_577 = tpu.memref_squeeze %dma_start3A_576 : memref<1x1x1x8x128xf32, #tpu.memory_space<hbm>> -> memref<8x128xf32, #tpu.memory_space<hbm>>
        %dma_start3A_578 = arith.constant 8 : i32
        %dma_start3A_579 = arith.constant 0 : i32
        %dma_start3A_580 = tpu.memref_slice %arg8[%select_n3A_508, %dma_start3A_578, %dma_start3A_579] : memref<2x32x129xf32, #tpu.memory_space<vmem>> -> memref<1x8x128xf32, #tpu.memory_space<vmem>>
        %dma_start3A_581 = tpu.memref_squeeze %dma_start3A_580 : memref<1x8x128xf32, #tpu.memory_space<vmem>> -> memref<8x128xf32, #tpu.memory_space<vmem>>
        tpu.enqueue_dma source(%dma_start3A_581 : memref<8x128xf32, #tpu.memory_space<vmem>>) target(%dma_start3A_577 : memref<8x128xf32, #tpu.memory_space<hbm>>) target_semaphore(%dma_start3A_573 : memref<!tpu.dma_semaphore, #tpu.memory_space<semaphore_mem>>)
        %dma_start3A_582 = arith.constant 2 : i32
        %dma_start3A_583 = arith.constant 16 : i32
        %dma_start3A_584 = arith.constant 0 : i32
        %dma_start3A_585 = tpu.memref_slice %arg8[%select_n3A_508, %dma_start3A_583, %dma_start3A_584] : memref<2x32x129xf32, #tpu.memory_space<vmem>> -> memref<1x8x128xf32, #tpu.memory_space<vmem>>
        %dma_start3A_586 = tpu.memref_squeeze %dma_start3A_585 : memref<1x8x128xf32, #tpu.memory_space<vmem>> -> memref<8x128xf32, #tpu.memory_space<vmem>>
        %dma_start3A_587 = arith.constant 0 : i32
        %dma_start3A_588 = arith.constant 0 : i32
        %dma_start3A_589 = tpu.memref_slice %arg4[%add3A_492, %dma_start3A_582, %add3A_9, %dma_start3A_587, %dma_start3A_588] : memref<200x4x128x8x128xf32, #tpu.memory_space<hbm>> -> memref<1x1x1x8x128xf32, #tpu.memory_space<hbm>>
        %dma_start3A_590 = tpu.memref_squeeze %dma_start3A_589 : memref<1x1x1x8x128xf32, #tpu.memory_space<hbm>> -> memref<8x128xf32, #tpu.memory_space<hbm>>
        %dma_start3A_591 = tpu.memref_slice %arg11[%select_n3A_508] : memref<2x!tpu.dma_semaphore, #tpu.memory_space<semaphore_mem>> -> memref<1x!tpu.dma_semaphore, #tpu.memory_space<semaphore_mem>>
        %dma_start3A_592 = tpu.memref_squeeze %dma_start3A_591 : memref<1x!tpu.dma_semaphore, #tpu.memory_space<semaphore_mem>> -> memref<!tpu.dma_semaphore, #tpu.memory_space<semaphore_mem>>
        %dma_start3A_593 = arith.constant 0 : i32
        %dma_start3A_594 = arith.constant 0 : i32
        %dma_start3A_595 = tpu.memref_slice %arg4[%add3A_492, %dma_start3A_582, %add3A_9, %dma_start3A_593, %dma_start3A_594] : memref<200x4x128x8x128xf32, #tpu.memory_space<hbm>> -> memref<1x1x1x8x128xf32, #tpu.memory_space<hbm>>
        %dma_start3A_596 = tpu.memref_squeeze %dma_start3A_595 : memref<1x1x1x8x128xf32, #tpu.memory_space<hbm>> -> memref<8x128xf32, #tpu.memory_space<hbm>>
        %dma_start3A_597 = arith.constant 16 : i32
        %dma_start3A_598 = arith.constant 0 : i32
        %dma_start3A_599 = tpu.memref_slice %arg8[%select_n3A_508, %dma_start3A_597, %dma_start3A_598] : memref<2x32x129xf32, #tpu.memory_space<vmem>> -> memref<1x8x128xf32, #tpu.memory_space<vmem>>
        %dma_start3A_600 = tpu.memref_squeeze %dma_start3A_599 : memref<1x8x128xf32, #tpu.memory_space<vmem>> -> memref<8x128xf32, #tpu.memory_space<vmem>>
        tpu.enqueue_dma source(%dma_start3A_600 : memref<8x128xf32, #tpu.memory_space<vmem>>) target(%dma_start3A_596 : memref<8x128xf32, #tpu.memory_space<hbm>>) target_semaphore(%dma_start3A_592 : memref<!tpu.dma_semaphore, #tpu.memory_space<semaphore_mem>>)
        %dma_start3A_601 = arith.constant 3 : i32
        %dma_start3A_602 = arith.constant 24 : i32
        %dma_start3A_603 = arith.constant 0 : i32
        %dma_start3A_604 = tpu.memref_slice %arg8[%select_n3A_508, %dma_start3A_602, %dma_start3A_603] : memref<2x32x129xf32, #tpu.memory_space<vmem>> -> memref<1x8x128xf32, #tpu.memory_space<vmem>>
        %dma_start3A_605 = tpu.memref_squeeze %dma_start3A_604 : memref<1x8x128xf32, #tpu.memory_space<vmem>> -> memref<8x128xf32, #tpu.memory_space<vmem>>
        %dma_start3A_606 = arith.constant 0 : i32
        %dma_start3A_607 = arith.constant 0 : i32
        %dma_start3A_608 = tpu.memref_slice %arg4[%add3A_492, %dma_start3A_601, %add3A_9, %dma_start3A_606, %dma_start3A_607] : memref<200x4x128x8x128xf32, #tpu.memory_space<hbm>> -> memref<1x1x1x8x128xf32, #tpu.memory_space<hbm>>
        %dma_start3A_609 = tpu.memref_squeeze %dma_start3A_608 : memref<1x1x1x8x128xf32, #tpu.memory_space<hbm>> -> memref<8x128xf32, #tpu.memory_space<hbm>>
        %dma_start3A_610 = tpu.memref_slice %arg11[%select_n3A_508] : memref<2x!tpu.dma_semaphore, #tpu.memory_space<semaphore_mem>> -> memref<1x!tpu.dma_semaphore, #tpu.memory_space<semaphore_mem>>
        %dma_start3A_611 = tpu.memref_squeeze %dma_start3A_610 : memref<1x!tpu.dma_semaphore, #tpu.memory_space<semaphore_mem>> -> memref<!tpu.dma_semaphore, #tpu.memory_space<semaphore_mem>>
        %dma_start3A_612 = arith.constant 0 : i32
        %dma_start3A_613 = arith.constant 0 : i32
        %dma_start3A_614 = tpu.memref_slice %arg4[%add3A_492, %dma_start3A_601, %add3A_9, %dma_start3A_612, %dma_start3A_613] : memref<200x4x128x8x128xf32, #tpu.memory_space<hbm>> -> memref<1x1x1x8x128xf32, #tpu.memory_space<hbm>>
        %dma_start3A_615 = tpu.memref_squeeze %dma_start3A_614 : memref<1x1x1x8x128xf32, #tpu.memory_space<hbm>> -> memref<8x128xf32, #tpu.memory_space<hbm>>
        %dma_start3A_616 = arith.constant 24 : i32
        %dma_start3A_617 = arith.constant 0 : i32
        %dma_start3A_618 = tpu.memref_slice %arg8[%select_n3A_508, %dma_start3A_616, %dma_start3A_617] : memref<2x32x129xf32, #tpu.memory_space<vmem>> -> memref<1x8x128xf32, #tpu.memory_space<vmem>>
        %dma_start3A_619 = tpu.memref_squeeze %dma_start3A_618 : memref<1x8x128xf32, #tpu.memory_space<vmem>> -> memref<8x128xf32, #tpu.memory_space<vmem>>
        tpu.enqueue_dma source(%dma_start3A_619 : memref<8x128xf32, #tpu.memory_space<vmem>>) target(%dma_start3A_615 : memref<8x128xf32, #tpu.memory_space<hbm>>) target_semaphore(%dma_start3A_611 : memref<!tpu.dma_semaphore, #tpu.memory_space<semaphore_mem>>)
        %mul3A_620 = arith.constant 4 : i32
        %mul3A_621 = arith.muli %scan3A_236, %mul3A_620 : i32
        %add3A_622 = arith.constant 3 : i32
        %add3A_623 = arith.addi %mul3A_621, %add3A_622 : i32
        %jit3A_624 = arith.constant 2 : i32
        %eq3A_625 = arith.constant 0 : i32
        %eq3A_626 = arith.cmpi eq, %jit3A_624, %eq3A_625 : i32
        %jit3A_627 = arith.constant 1 : i32
        %select_n3A_628 = arith.select %eq3A_626, %jit3A_627, %jit3A_624 : i32
        %rem3A_629 = arith.remsi %add3A_623, %select_n3A_628 : i32
        %ne3A_630 = arith.constant 0 : i32
        %ne3A_631 = arith.cmpi ne, %rem3A_629, %ne3A_630 : i32
        %lt3A_632 = arith.constant 0 : i32
        %lt3A_633 = arith.cmpi slt, %rem3A_629, %lt3A_632 : i32
        %lt3A_634 = arith.constant 0 : i32
        %lt3A_635 = arith.cmpi slt, %select_n3A_628, %lt3A_634 : i32
        %ne3A_636 = arith.xori %lt3A_633, %lt3A_635 : i1
        %and3A_637 = arith.andi %ne3A_636, %ne3A_631 : i1
        %add3A_638 = arith.addi %rem3A_629, %select_n3A_628 : i32
        %select_n3A_639 = arith.select %and3A_637, %add3A_638, %rem3A_629 : i32
        %ge3A_640 = arith.constant 2 : i32
        %ge3A_641 = arith.cmpi sge, %add3A_623, %ge3A_640 : i32
        %convert_element_type3A_642 = arith.extui %ge3A_641 : i1 to i32
        %cond3A_643 = arith.constant 0 : i32
        %cond3A_644 = arith.cmpi ne, %convert_element_type3A_642, %cond3A_643 : i32
        scf.if %cond3A_644 {
          %dma_wait3A_751 = arith.constant 0 : i32
          %dma_wait3A_752 = arith.constant 0 : i32
          %dma_wait3A_753 = arith.constant 0 : i32
          %dma_wait3A_754 = tpu.memref_slice %arg8[%select_n3A_639, %dma_wait3A_752, %dma_wait3A_753] : memref<2x32x129xf32, #tpu.memory_space<vmem>> -> memref<1x8x128xf32, #tpu.memory_space<vmem>>
          %dma_wait3A_755 = tpu.memref_squeeze %dma_wait3A_754 : memref<1x8x128xf32, #tpu.memory_space<vmem>> -> memref<8x128xf32, #tpu.memory_space<vmem>>
          %dma_wait3A_756 = arith.constant 0 : i32
          %dma_wait3A_757 = arith.constant 0 : i32
          %dma_wait3A_758 = tpu.memref_slice %arg4[%add3A_623, %dma_wait3A_751, %add3A_9, %dma_wait3A_756, %dma_wait3A_757] : memref<200x4x128x8x128xf32, #tpu.memory_space<hbm>> -> memref<1x1x1x8x128xf32, #tpu.memory_space<hbm>>
          %dma_wait3A_759 = tpu.memref_squeeze %dma_wait3A_758 : memref<1x1x1x8x128xf32, #tpu.memory_space<hbm>> -> memref<8x128xf32, #tpu.memory_space<hbm>>
          %dma_wait3A_760 = tpu.memref_slice %arg11[%select_n3A_639] : memref<2x!tpu.dma_semaphore, #tpu.memory_space<semaphore_mem>> -> memref<1x!tpu.dma_semaphore, #tpu.memory_space<semaphore_mem>>
          %dma_wait3A_761 = tpu.memref_squeeze %dma_wait3A_760 : memref<1x!tpu.dma_semaphore, #tpu.memory_space<semaphore_mem>> -> memref<!tpu.dma_semaphore, #tpu.memory_space<semaphore_mem>>
          %dma_wait3A_762 = arith.constant 0 : i32
          %dma_wait3A_763 = arith.constant 0 : i32
          %dma_wait3A_764 = tpu.memref_slice %arg4[%add3A_623, %dma_wait3A_751, %add3A_9, %dma_wait3A_762, %dma_wait3A_763] : memref<200x4x128x8x128xf32, #tpu.memory_space<hbm>> -> memref<1x1x1x8x128xf32, #tpu.memory_space<hbm>>
          %dma_wait3A_765 = tpu.memref_squeeze %dma_wait3A_764 : memref<1x1x1x8x128xf32, #tpu.memory_space<hbm>> -> memref<8x128xf32, #tpu.memory_space<hbm>>
          %dma_wait3A_766 = arith.constant 0 : i32
          %dma_wait3A_767 = arith.constant 0 : i32
          %dma_wait3A_768 = tpu.memref_slice %arg8[%select_n3A_639, %dma_wait3A_766, %dma_wait3A_767] : memref<2x32x129xf32, #tpu.memory_space<vmem>> -> memref<1x8x128xf32, #tpu.memory_space<vmem>>
          %dma_wait3A_769 = tpu.memref_squeeze %dma_wait3A_768 : memref<1x8x128xf32, #tpu.memory_space<vmem>> -> memref<8x128xf32, #tpu.memory_space<vmem>>
          tpu.wait_dma2 semaphore(%dma_wait3A_761 : memref<!tpu.dma_semaphore, #tpu.memory_space<semaphore_mem>>) src(%dma_wait3A_769 : memref<8x128xf32, #tpu.memory_space<vmem>>) dst(%dma_wait3A_765 : memref<8x128xf32, #tpu.memory_space<hbm>>)
          %dma_wait3A_770 = arith.constant 1 : i32
          %dma_wait3A_771 = arith.constant 8 : i32
          %dma_wait3A_772 = arith.constant 0 : i32
          %dma_wait3A_773 = tpu.memref_slice %arg8[%select_n3A_639, %dma_wait3A_771, %dma_wait3A_772] : memref<2x32x129xf32, #tpu.memory_space<vmem>> -> memref<1x8x128xf32, #tpu.memory_space<vmem>>
          %dma_wait3A_774 = tpu.memref_squeeze %dma_wait3A_773 : memref<1x8x128xf32, #tpu.memory_space<vmem>> -> memref<8x128xf32, #tpu.memory_space<vmem>>
          %dma_wait3A_775 = arith.constant 0 : i32
          %dma_wait3A_776 = arith.constant 0 : i32
          %dma_wait3A_777 = tpu.memref_slice %arg4[%add3A_623, %dma_wait3A_770, %add3A_9, %dma_wait3A_775, %dma_wait3A_776] : memref<200x4x128x8x128xf32, #tpu.memory_space<hbm>> -> memref<1x1x1x8x128xf32, #tpu.memory_space<hbm>>
          %dma_wait3A_778 = tpu.memref_squeeze %dma_wait3A_777 : memref<1x1x1x8x128xf32, #tpu.memory_space<hbm>> -> memref<8x128xf32, #tpu.memory_space<hbm>>
          %dma_wait3A_779 = tpu.memref_slice %arg11[%select_n3A_639] : memref<2x!tpu.dma_semaphore, #tpu.memory_space<semaphore_mem>> -> memref<1x!tpu.dma_semaphore, #tpu.memory_space<semaphore_mem>>
          %dma_wait3A_780 = tpu.memref_squeeze %dma_wait3A_779 : memref<1x!tpu.dma_semaphore, #tpu.memory_space<semaphore_mem>> -> memref<!tpu.dma_semaphore, #tpu.memory_space<semaphore_mem>>
          %dma_wait3A_781 = arith.constant 0 : i32
          %dma_wait3A_782 = arith.constant 0 : i32
          %dma_wait3A_783 = tpu.memref_slice %arg4[%add3A_623, %dma_wait3A_770, %add3A_9, %dma_wait3A_781, %dma_wait3A_782] : memref<200x4x128x8x128xf32, #tpu.memory_space<hbm>> -> memref<1x1x1x8x128xf32, #tpu.memory_space<hbm>>
          %dma_wait3A_784 = tpu.memref_squeeze %dma_wait3A_783 : memref<1x1x1x8x128xf32, #tpu.memory_space<hbm>> -> memref<8x128xf32, #tpu.memory_space<hbm>>
          %dma_wait3A_785 = arith.constant 8 : i32
          %dma_wait3A_786 = arith.constant 0 : i32
          %dma_wait3A_787 = tpu.memref_slice %arg8[%select_n3A_639, %dma_wait3A_785, %dma_wait3A_786] : memref<2x32x129xf32, #tpu.memory_space<vmem>> -> memref<1x8x128xf32, #tpu.memory_space<vmem>>
          %dma_wait3A_788 = tpu.memref_squeeze %dma_wait3A_787 : memref<1x8x128xf32, #tpu.memory_space<vmem>> -> memref<8x128xf32, #tpu.memory_space<vmem>>
          tpu.wait_dma2 semaphore(%dma_wait3A_780 : memref<!tpu.dma_semaphore, #tpu.memory_space<semaphore_mem>>) src(%dma_wait3A_788 : memref<8x128xf32, #tpu.memory_space<vmem>>) dst(%dma_wait3A_784 : memref<8x128xf32, #tpu.memory_space<hbm>>)
          %dma_wait3A_789 = arith.constant 2 : i32
          %dma_wait3A_790 = arith.constant 16 : i32
          %dma_wait3A_791 = arith.constant 0 : i32
          %dma_wait3A_792 = tpu.memref_slice %arg8[%select_n3A_639, %dma_wait3A_790, %dma_wait3A_791] : memref<2x32x129xf32, #tpu.memory_space<vmem>> -> memref<1x8x128xf32, #tpu.memory_space<vmem>>
          %dma_wait3A_793 = tpu.memref_squeeze %dma_wait3A_792 : memref<1x8x128xf32, #tpu.memory_space<vmem>> -> memref<8x128xf32, #tpu.memory_space<vmem>>
          %dma_wait3A_794 = arith.constant 0 : i32
          %dma_wait3A_795 = arith.constant 0 : i32
          %dma_wait3A_796 = tpu.memref_slice %arg4[%add3A_623, %dma_wait3A_789, %add3A_9, %dma_wait3A_794, %dma_wait3A_795] : memref<200x4x128x8x128xf32, #tpu.memory_space<hbm>> -> memref<1x1x1x8x128xf32, #tpu.memory_space<hbm>>
          %dma_wait3A_797 = tpu.memref_squeeze %dma_wait3A_796 : memref<1x1x1x8x128xf32, #tpu.memory_space<hbm>> -> memref<8x128xf32, #tpu.memory_space<hbm>>
          %dma_wait3A_798 = tpu.memref_slice %arg11[%select_n3A_639] : memref<2x!tpu.dma_semaphore, #tpu.memory_space<semaphore_mem>> -> memref<1x!tpu.dma_semaphore, #tpu.memory_space<semaphore_mem>>
          %dma_wait3A_799 = tpu.memref_squeeze %dma_wait3A_798 : memref<1x!tpu.dma_semaphore, #tpu.memory_space<semaphore_mem>> -> memref<!tpu.dma_semaphore, #tpu.memory_space<semaphore_mem>>
          %dma_wait3A_800 = arith.constant 0 : i32
          %dma_wait3A_801 = arith.constant 0 : i32
          %dma_wait3A_802 = tpu.memref_slice %arg4[%add3A_623, %dma_wait3A_789, %add3A_9, %dma_wait3A_800, %dma_wait3A_801] : memref<200x4x128x8x128xf32, #tpu.memory_space<hbm>> -> memref<1x1x1x8x128xf32, #tpu.memory_space<hbm>>
          %dma_wait3A_803 = tpu.memref_squeeze %dma_wait3A_802 : memref<1x1x1x8x128xf32, #tpu.memory_space<hbm>> -> memref<8x128xf32, #tpu.memory_space<hbm>>
          %dma_wait3A_804 = arith.constant 16 : i32
          %dma_wait3A_805 = arith.constant 0 : i32
          %dma_wait3A_806 = tpu.memref_slice %arg8[%select_n3A_639, %dma_wait3A_804, %dma_wait3A_805] : memref<2x32x129xf32, #tpu.memory_space<vmem>> -> memref<1x8x128xf32, #tpu.memory_space<vmem>>
          %dma_wait3A_807 = tpu.memref_squeeze %dma_wait3A_806 : memref<1x8x128xf32, #tpu.memory_space<vmem>> -> memref<8x128xf32, #tpu.memory_space<vmem>>
          tpu.wait_dma2 semaphore(%dma_wait3A_799 : memref<!tpu.dma_semaphore, #tpu.memory_space<semaphore_mem>>) src(%dma_wait3A_807 : memref<8x128xf32, #tpu.memory_space<vmem>>) dst(%dma_wait3A_803 : memref<8x128xf32, #tpu.memory_space<hbm>>)
          %dma_wait3A_808 = arith.constant 3 : i32
          %dma_wait3A_809 = arith.constant 24 : i32
          %dma_wait3A_810 = arith.constant 0 : i32
          %dma_wait3A_811 = tpu.memref_slice %arg8[%select_n3A_639, %dma_wait3A_809, %dma_wait3A_810] : memref<2x32x129xf32, #tpu.memory_space<vmem>> -> memref<1x8x128xf32, #tpu.memory_space<vmem>>
          %dma_wait3A_812 = tpu.memref_squeeze %dma_wait3A_811 : memref<1x8x128xf32, #tpu.memory_space<vmem>> -> memref<8x128xf32, #tpu.memory_space<vmem>>
          %dma_wait3A_813 = arith.constant 0 : i32
          %dma_wait3A_814 = arith.constant 0 : i32
          %dma_wait3A_815 = tpu.memref_slice %arg4[%add3A_623, %dma_wait3A_808, %add3A_9, %dma_wait3A_813, %dma_wait3A_814] : memref<200x4x128x8x128xf32, #tpu.memory_space<hbm>> -> memref<1x1x1x8x128xf32, #tpu.memory_space<hbm>>
          %dma_wait3A_816 = tpu.memref_squeeze %dma_wait3A_815 : memref<1x1x1x8x128xf32, #tpu.memory_space<hbm>> -> memref<8x128xf32, #tpu.memory_space<hbm>>
          %dma_wait3A_817 = tpu.memref_slice %arg11[%select_n3A_639] : memref<2x!tpu.dma_semaphore, #tpu.memory_space<semaphore_mem>> -> memref<1x!tpu.dma_semaphore, #tpu.memory_space<semaphore_mem>>
          %dma_wait3A_818 = tpu.memref_squeeze %dma_wait3A_817 : memref<1x!tpu.dma_semaphore, #tpu.memory_space<semaphore_mem>> -> memref<!tpu.dma_semaphore, #tpu.memory_space<semaphore_mem>>
          %dma_wait3A_819 = arith.constant 0 : i32
          %dma_wait3A_820 = arith.constant 0 : i32
          %dma_wait3A_821 = tpu.memref_slice %arg4[%add3A_623, %dma_wait3A_808, %add3A_9, %dma_wait3A_819, %dma_wait3A_820] : memref<200x4x128x8x128xf32, #tpu.memory_space<hbm>> -> memref<1x1x1x8x128xf32, #tpu.memory_space<hbm>>
          %dma_wait3A_822 = tpu.memref_squeeze %dma_wait3A_821 : memref<1x1x1x8x128xf32, #tpu.memory_space<hbm>> -> memref<8x128xf32, #tpu.memory_space<hbm>>
          %dma_wait3A_823 = arith.constant 24 : i32
          %dma_wait3A_824 = arith.constant 0 : i32
          %dma_wait3A_825 = tpu.memref_slice %arg8[%select_n3A_639, %dma_wait3A_823, %dma_wait3A_824] : memref<2x32x129xf32, #tpu.memory_space<vmem>> -> memref<1x8x128xf32, #tpu.memory_space<vmem>>
          %dma_wait3A_826 = tpu.memref_squeeze %dma_wait3A_825 : memref<1x8x128xf32, #tpu.memory_space<vmem>> -> memref<8x128xf32, #tpu.memory_space<vmem>>
          tpu.wait_dma2 semaphore(%dma_wait3A_818 : memref<!tpu.dma_semaphore, #tpu.memory_space<semaphore_mem>>) src(%dma_wait3A_826 : memref<8x128xf32, #tpu.memory_space<vmem>>) dst(%dma_wait3A_822 : memref<8x128xf32, #tpu.memory_space<hbm>>)
        } else {
        }
        %dma_wait3A_645 = arith.constant 3 : i32
        %dma_wait3A_646 = arith.constant 3 : i32
        %dma_wait3A_647 = arith.constant 0 : i32
        %dma_wait3A_648 = arith.constant 0 : i32
        %dma_wait3A_649 = tpu.memref_slice %arg7[%dma_wait3A_645, %dma_wait3A_647, %dma_wait3A_648] : memref<4x128x32xf32, #tpu.memory_space<vmem>> -> memref<1x128x32xf32, #tpu.memory_space<vmem>>
        %dma_wait3A_650 = tpu.memref_squeeze %dma_wait3A_649 : memref<1x128x32xf32, #tpu.memory_space<vmem>> -> memref<128x32xf32, #tpu.memory_space<vmem>>
        %dma_wait3A_651 = arith.constant 0 : i32
        %dma_wait3A_652 = tpu.memref_slice %arg6[%add3A_623, %dma_wait3A_651] : memref<200x128xi32, #tpu.memory_space<vmem>> -> memref<1x128xi32, #tpu.memory_space<vmem>>
        %dma_wait3A_653 = tpu.memref_squeeze %dma_wait3A_652 : memref<1x128xi32, #tpu.memory_space<vmem>> -> memref<128xi32, #tpu.memory_space<vmem>>
        %dma_wait3A_654 = arith.constant 0 : i32
        %dma_wait3A_655 = arith.constant 0 : i32
        %dma_wait3A_656 = tpu.memref_slice %arg2[%dma_wait3A_654, %dma_wait3A_655] : memref<100000x32xf32, #tpu.memory_space<hbm>> -> memref<100000x32xf32, #tpu.memory_space<hbm>>
        %dma_wait3A_657 = tpu.memref_slice %arg10[%dma_wait3A_646] : memref<4x!tpu.dma_semaphore, #tpu.memory_space<semaphore_mem>> -> memref<1x!tpu.dma_semaphore, #tpu.memory_space<semaphore_mem>>
        %dma_wait3A_658 = tpu.memref_squeeze %dma_wait3A_657 : memref<1x!tpu.dma_semaphore, #tpu.memory_space<semaphore_mem>> -> memref<!tpu.dma_semaphore, #tpu.memory_space<semaphore_mem>>
        tpu.wait_indirect_dma semaphore(%dma_wait3A_658 : memref<!tpu.dma_semaphore, #tpu.memory_space<semaphore_mem>>) src(%dma_wait3A_656 : memref<100000x32xf32, #tpu.memory_space<hbm>>) dst(%dma_wait3A_650 : memref<128x32xf32, #tpu.memory_space<vmem>>)
        %add3A_659 = arith.constant 2 : i32
        %add3A_660 = arith.addi %add3A_623, %add3A_659 : i32
        %lt3A_661 = arith.constant 200 : i32
        %lt3A_662 = arith.cmpi slt, %add3A_660, %lt3A_661 : i32
        %convert_element_type3A_663 = arith.extui %lt3A_662 : i1 to i32
        %cond3A_664 = arith.constant 0 : i32
        %cond3A_665 = arith.cmpi ne, %convert_element_type3A_663, %cond3A_664 : i32
        scf.if %cond3A_665 {
          %add3A_751 = arith.constant 2 : i32
          %add3A_752 = arith.addi %add3A_623, %add3A_751 : i32
          %dma_start3A_753 = arith.constant 1 : i32
          %dma_start3A_754 = arith.constant 1 : i32
          %dma_start3A_755 = arith.constant 0 : i32
          %dma_start3A_756 = arith.constant 0 : i32
          %dma_start3A_757 = tpu.memref_slice %arg7[%dma_start3A_753, %dma_start3A_755, %dma_start3A_756] : memref<4x128x32xf32, #tpu.memory_space<vmem>> -> memref<1x128x32xf32, #tpu.memory_space<vmem>>
          %dma_start3A_758 = tpu.memref_squeeze %dma_start3A_757 : memref<1x128x32xf32, #tpu.memory_space<vmem>> -> memref<128x32xf32, #tpu.memory_space<vmem>>
          %dma_start3A_759 = arith.constant 0 : i32
          %dma_start3A_760 = tpu.memref_slice %arg6[%add3A_752, %dma_start3A_759] : memref<200x128xi32, #tpu.memory_space<vmem>> -> memref<1x128xi32, #tpu.memory_space<vmem>>
          %dma_start3A_761 = tpu.memref_squeeze %dma_start3A_760 : memref<1x128xi32, #tpu.memory_space<vmem>> -> memref<128xi32, #tpu.memory_space<vmem>>
          %dma_start3A_762 = arith.constant 0 : i32
          %dma_start3A_763 = arith.constant 0 : i32
          %dma_start3A_764 = tpu.memref_slice %arg2[%dma_start3A_762, %dma_start3A_763] : memref<100000x32xf32, #tpu.memory_space<hbm>> -> memref<100000x32xf32, #tpu.memory_space<hbm>>
          %dma_start3A_765 = tpu.memref_slice %arg10[%dma_start3A_754] : memref<4x!tpu.dma_semaphore, #tpu.memory_space<semaphore_mem>> -> memref<1x!tpu.dma_semaphore, #tpu.memory_space<semaphore_mem>>
          %dma_start3A_766 = tpu.memref_squeeze %dma_start3A_765 : memref<1x!tpu.dma_semaphore, #tpu.memory_space<semaphore_mem>> -> memref<!tpu.dma_semaphore, #tpu.memory_space<semaphore_mem>>
          tpu.enqueue_indirect_dma source(%dma_start3A_764 : memref<100000x32xf32, #tpu.memory_space<hbm>>) target(%dma_start3A_758 : memref<128x32xf32, #tpu.memory_space<vmem>>) offsets(%dma_start3A_761 : memref<128xi32, #tpu.memory_space<vmem>>) semaphore(%dma_start3A_766 : memref<!tpu.dma_semaphore, #tpu.memory_space<semaphore_mem>>)
        } else {
        }
        %add3A_666 = arith.constant 16 : i32
        %add3A_667 = vector.broadcast %add3A_666 : i32 to vector<16xi32>
        %add3A_668 = arith.addi %iota3A, %add3A_667 : vector<16xi32>
        %scan3A_669 = arith.constant 0 : i32
        %scan3A_670 = arith.constant 0 : i32
        %scan3A_671 = arith.constant 16 : i32
        %scan3A_672 = arith.addi %scan3A_670, %scan3A_671 : i32
        %scan3A_673 = arith.constant 1 : i32
        scf.for %scan3A_751 = %scan3A_670 to %scan3A_672 step %scan3A_673  : i32 {
          %mul3A_752 = arith.constant 8 : i32
          %mul3A_753 = arith.muli %scan3A_751, %mul3A_752 : i32
          %add3A_754 = arith.constant 0 : i32
          %add3A_755 = arith.addi %mul3A_753, %add3A_754 : i32
          %broadcast_in_dim3A = vector.broadcast %add3A_755 : i32 to vector<16xi32>
          %get3A = arith.constant 3 : i32
          %get3A_756 = arith.index_cast %get3A : i32 to index
          %get3A_757 = arith.index_cast %add3A_755 : i32 to index
          %get3A_758 = arith.constant 0 : index
          %get3A_759 = tpu.vector_load %arg7[%get3A_756, %get3A_757, %get3A_758] {strides = array<i32>} : memref<4x128x32xf32, #tpu.memory_space<vmem>>, vector<16xf32>,
          %scatter3A = arith.constant 0 : i32
          %scatter3A_760 = arith.constant 0 : i32
          %scatter3A_761 = tpu.memref_slice %arg8[%select_n3A_639, %scatter3A, %scatter3A_760] : memref<2x32x129xf32, #tpu.memory_space<vmem>> -> memref<1x32x129xf32, #tpu.memory_space<vmem>>
          %scatter3A_762 = tpu.memref_squeeze %scatter3A_761 : memref<1x32x129xf32, #tpu.memory_space<vmem>> -> memref<32x129xf32, #tpu.memory_space<vmem>>
          tpu.vector_store_idx %scatter3A_762[%iota3A, %broadcast_in_dim3A], %get3A_759 : memref<32x129xf32, #tpu.memory_space<vmem>>[vector<16xi32>, vector<16xi32>], vector<16xf32>,
          %get3A_763 = arith.constant 3 : i32
          %get3A_764 = arith.index_cast %get3A_763 : i32 to index
          %get3A_765 = arith.index_cast %add3A_755 : i32 to index
          %get3A_766 = arith.constant 16 : index
          %get3A_767 = tpu.vector_load %arg7[%get3A_764, %get3A_765, %get3A_766] {strides = array<i32>} : memref<4x128x32xf32, #tpu.memory_space<vmem>>, vector<16xf32>,
          %scatter3A_768 = arith.constant 0 : i32
          %scatter3A_769 = arith.constant 0 : i32
          %scatter3A_770 = tpu.memref_slice %arg8[%select_n3A_639, %scatter3A_768, %scatter3A_769] : memref<2x32x129xf32, #tpu.memory_space<vmem>> -> memref<1x32x129xf32, #tpu.memory_space<vmem>>
          %scatter3A_771 = tpu.memref_squeeze %scatter3A_770 : memref<1x32x129xf32, #tpu.memory_space<vmem>> -> memref<32x129xf32, #tpu.memory_space<vmem>>
          tpu.vector_store_idx %scatter3A_771[%add3A_668, %broadcast_in_dim3A], %get3A_767 : memref<32x129xf32, #tpu.memory_space<vmem>>[vector<16xi32>, vector<16xi32>], vector<16xf32>,
          %mul3A_772 = arith.constant 8 : i32
          %mul3A_773 = arith.muli %scan3A_751, %mul3A_772 : i32
          %add3A_774 = arith.constant 1 : i32
          %add3A_775 = arith.addi %mul3A_773, %add3A_774 : i32
          %broadcast_in_dim3A_776 = vector.broadcast %add3A_775 : i32 to vector<16xi32>
          %get3A_777 = arith.constant 3 : i32
          %get3A_778 = arith.index_cast %get3A_777 : i32 to index
          %get3A_779 = arith.index_cast %add3A_775 : i32 to index
          %get3A_780 = arith.constant 0 : index
          %get3A_781 = tpu.vector_load %arg7[%get3A_778, %get3A_779, %get3A_780] {strides = array<i32>} : memref<4x128x32xf32, #tpu.memory_space<vmem>>, vector<16xf32>,
          %scatter3A_782 = arith.constant 0 : i32
          %scatter3A_783 = arith.constant 0 : i32
          %scatter3A_784 = tpu.memref_slice %arg8[%select_n3A_639, %scatter3A_782, %scatter3A_783] : memref<2x32x129xf32, #tpu.memory_space<vmem>> -> memref<1x32x129xf32, #tpu.memory_space<vmem>>
          %scatter3A_785 = tpu.memref_squeeze %scatter3A_784 : memref<1x32x129xf32, #tpu.memory_space<vmem>> -> memref<32x129xf32, #tpu.memory_space<vmem>>
          tpu.vector_store_idx %scatter3A_785[%iota3A, %broadcast_in_dim3A_776], %get3A_781 : memref<32x129xf32, #tpu.memory_space<vmem>>[vector<16xi32>, vector<16xi32>], vector<16xf32>,
          %get3A_786 = arith.constant 3 : i32
          %get3A_787 = arith.index_cast %get3A_786 : i32 to index
          %get3A_788 = arith.index_cast %add3A_775 : i32 to index
          %get3A_789 = arith.constant 16 : index
          %get3A_790 = tpu.vector_load %arg7[%get3A_787, %get3A_788, %get3A_789] {strides = array<i32>} : memref<4x128x32xf32, #tpu.memory_space<vmem>>, vector<16xf32>,
          %scatter3A_791 = arith.constant 0 : i32
          %scatter3A_792 = arith.constant 0 : i32
          %scatter3A_793 = tpu.memref_slice %arg8[%select_n3A_639, %scatter3A_791, %scatter3A_792] : memref<2x32x129xf32, #tpu.memory_space<vmem>> -> memref<1x32x129xf32, #tpu.memory_space<vmem>>
          %scatter3A_794 = tpu.memref_squeeze %scatter3A_793 : memref<1x32x129xf32, #tpu.memory_space<vmem>> -> memref<32x129xf32, #tpu.memory_space<vmem>>
          tpu.vector_store_idx %scatter3A_794[%add3A_668, %broadcast_in_dim3A_776], %get3A_790 : memref<32x129xf32, #tpu.memory_space<vmem>>[vector<16xi32>, vector<16xi32>], vector<16xf32>,
          %mul3A_795 = arith.constant 8 : i32
          %mul3A_796 = arith.muli %scan3A_751, %mul3A_795 : i32
          %add3A_797 = arith.constant 2 : i32
          %add3A_798 = arith.addi %mul3A_796, %add3A_797 : i32
          %broadcast_in_dim3A_799 = vector.broadcast %add3A_798 : i32 to vector<16xi32>
          %get3A_800 = arith.constant 3 : i32
          %get3A_801 = arith.index_cast %get3A_800 : i32 to index
          %get3A_802 = arith.index_cast %add3A_798 : i32 to index
          %get3A_803 = arith.constant 0 : index
          %get3A_804 = tpu.vector_load %arg7[%get3A_801, %get3A_802, %get3A_803] {strides = array<i32>} : memref<4x128x32xf32, #tpu.memory_space<vmem>>, vector<16xf32>,
          %scatter3A_805 = arith.constant 0 : i32
          %scatter3A_806 = arith.constant 0 : i32
          %scatter3A_807 = tpu.memref_slice %arg8[%select_n3A_639, %scatter3A_805, %scatter3A_806] : memref<2x32x129xf32, #tpu.memory_space<vmem>> -> memref<1x32x129xf32, #tpu.memory_space<vmem>>
          %scatter3A_808 = tpu.memref_squeeze %scatter3A_807 : memref<1x32x129xf32, #tpu.memory_space<vmem>> -> memref<32x129xf32, #tpu.memory_space<vmem>>
          tpu.vector_store_idx %scatter3A_808[%iota3A, %broadcast_in_dim3A_799], %get3A_804 : memref<32x129xf32, #tpu.memory_space<vmem>>[vector<16xi32>, vector<16xi32>], vector<16xf32>,
          %get3A_809 = arith.constant 3 : i32
          %get3A_810 = arith.index_cast %get3A_809 : i32 to index
          %get3A_811 = arith.index_cast %add3A_798 : i32 to index
          %get3A_812 = arith.constant 16 : index
          %get3A_813 = tpu.vector_load %arg7[%get3A_810, %get3A_811, %get3A_812] {strides = array<i32>} : memref<4x128x32xf32, #tpu.memory_space<vmem>>, vector<16xf32>,
          %scatter3A_814 = arith.constant 0 : i32
          %scatter3A_815 = arith.constant 0 : i32
          %scatter3A_816 = tpu.memref_slice %arg8[%select_n3A_639, %scatter3A_814, %scatter3A_815] : memref<2x32x129xf32, #tpu.memory_space<vmem>> -> memref<1x32x129xf32, #tpu.memory_space<vmem>>
          %scatter3A_817 = tpu.memref_squeeze %scatter3A_816 : memref<1x32x129xf32, #tpu.memory_space<vmem>> -> memref<32x129xf32, #tpu.memory_space<vmem>>
          tpu.vector_store_idx %scatter3A_817[%add3A_668, %broadcast_in_dim3A_799], %get3A_813 : memref<32x129xf32, #tpu.memory_space<vmem>>[vector<16xi32>, vector<16xi32>], vector<16xf32>,
          %mul3A_818 = arith.constant 8 : i32
          %mul3A_819 = arith.muli %scan3A_751, %mul3A_818 : i32
          %add3A_820 = arith.constant 3 : i32
          %add3A_821 = arith.addi %mul3A_819, %add3A_820 : i32
          %broadcast_in_dim3A_822 = vector.broadcast %add3A_821 : i32 to vector<16xi32>
          %get3A_823 = arith.constant 3 : i32
          %get3A_824 = arith.index_cast %get3A_823 : i32 to index
          %get3A_825 = arith.index_cast %add3A_821 : i32 to index
          %get3A_826 = arith.constant 0 : index
          %get3A_827 = tpu.vector_load %arg7[%get3A_824, %get3A_825, %get3A_826] {strides = array<i32>} : memref<4x128x32xf32, #tpu.memory_space<vmem>>, vector<16xf32>,
          %scatter3A_828 = arith.constant 0 : i32
          %scatter3A_829 = arith.constant 0 : i32
          %scatter3A_830 = tpu.memref_slice %arg8[%select_n3A_639, %scatter3A_828, %scatter3A_829] : memref<2x32x129xf32, #tpu.memory_space<vmem>> -> memref<1x32x129xf32, #tpu.memory_space<vmem>>
          %scatter3A_831 = tpu.memref_squeeze %scatter3A_830 : memref<1x32x129xf32, #tpu.memory_space<vmem>> -> memref<32x129xf32, #tpu.memory_space<vmem>>
          tpu.vector_store_idx %scatter3A_831[%iota3A, %broadcast_in_dim3A_822], %get3A_827 : memref<32x129xf32, #tpu.memory_space<vmem>>[vector<16xi32>, vector<16xi32>], vector<16xf32>,
          %get3A_832 = arith.constant 3 : i32
          %get3A_833 = arith.index_cast %get3A_832 : i32 to index
          %get3A_834 = arith.index_cast %add3A_821 : i32 to index
          %get3A_835 = arith.constant 16 : index
          %get3A_836 = tpu.vector_load %arg7[%get3A_833, %get3A_834, %get3A_835] {strides = array<i32>} : memref<4x128x32xf32, #tpu.memory_space<vmem>>, vector<16xf32>,
          %scatter3A_837 = arith.constant 0 : i32
          %scatter3A_838 = arith.constant 0 : i32
          %scatter3A_839 = tpu.memref_slice %arg8[%select_n3A_639, %scatter3A_837, %scatter3A_838] : memref<2x32x129xf32, #tpu.memory_space<vmem>> -> memref<1x32x129xf32, #tpu.memory_space<vmem>>
          %scatter3A_840 = tpu.memref_squeeze %scatter3A_839 : memref<1x32x129xf32, #tpu.memory_space<vmem>> -> memref<32x129xf32, #tpu.memory_space<vmem>>
          tpu.vector_store_idx %scatter3A_840[%add3A_668, %broadcast_in_dim3A_822], %get3A_836 : memref<32x129xf32, #tpu.memory_space<vmem>>[vector<16xi32>, vector<16xi32>], vector<16xf32>,
          %mul3A_841 = arith.constant 8 : i32
          %mul3A_842 = arith.muli %scan3A_751, %mul3A_841 : i32
          %add3A_843 = arith.constant 4 : i32
          %add3A_844 = arith.addi %mul3A_842, %add3A_843 : i32
          %broadcast_in_dim3A_845 = vector.broadcast %add3A_844 : i32 to vector<16xi32>
          %get3A_846 = arith.constant 3 : i32
          %get3A_847 = arith.index_cast %get3A_846 : i32 to index
          %get3A_848 = arith.index_cast %add3A_844 : i32 to index
          %get3A_849 = arith.constant 0 : index
          %get3A_850 = tpu.vector_load %arg7[%get3A_847, %get3A_848, %get3A_849] {strides = array<i32>} : memref<4x128x32xf32, #tpu.memory_space<vmem>>, vector<16xf32>,
          %scatter3A_851 = arith.constant 0 : i32
          %scatter3A_852 = arith.constant 0 : i32
          %scatter3A_853 = tpu.memref_slice %arg8[%select_n3A_639, %scatter3A_851, %scatter3A_852] : memref<2x32x129xf32, #tpu.memory_space<vmem>> -> memref<1x32x129xf32, #tpu.memory_space<vmem>>
          %scatter3A_854 = tpu.memref_squeeze %scatter3A_853 : memref<1x32x129xf32, #tpu.memory_space<vmem>> -> memref<32x129xf32, #tpu.memory_space<vmem>>
          tpu.vector_store_idx %scatter3A_854[%iota3A, %broadcast_in_dim3A_845], %get3A_850 : memref<32x129xf32, #tpu.memory_space<vmem>>[vector<16xi32>, vector<16xi32>], vector<16xf32>,
          %get3A_855 = arith.constant 3 : i32
          %get3A_856 = arith.index_cast %get3A_855 : i32 to index
          %get3A_857 = arith.index_cast %add3A_844 : i32 to index
          %get3A_858 = arith.constant 16 : index
          %get3A_859 = tpu.vector_load %arg7[%get3A_856, %get3A_857, %get3A_858] {strides = array<i32>} : memref<4x128x32xf32, #tpu.memory_space<vmem>>, vector<16xf32>,
          %scatter3A_860 = arith.constant 0 : i32
          %scatter3A_861 = arith.constant 0 : i32
          %scatter3A_862 = tpu.memref_slice %arg8[%select_n3A_639, %scatter3A_860, %scatter3A_861] : memref<2x32x129xf32, #tpu.memory_space<vmem>> -> memref<1x32x129xf32, #tpu.memory_space<vmem>>
          %scatter3A_863 = tpu.memref_squeeze %scatter3A_862 : memref<1x32x129xf32, #tpu.memory_space<vmem>> -> memref<32x129xf32, #tpu.memory_space<vmem>>
          tpu.vector_store_idx %scatter3A_863[%add3A_668, %broadcast_in_dim3A_845], %get3A_859 : memref<32x129xf32, #tpu.memory_space<vmem>>[vector<16xi32>, vector<16xi32>], vector<16xf32>,
          %mul3A_864 = arith.constant 8 : i32
          %mul3A_865 = arith.muli %scan3A_751, %mul3A_864 : i32
          %add3A_866 = arith.constant 5 : i32
          %add3A_867 = arith.addi %mul3A_865, %add3A_866 : i32
          %broadcast_in_dim3A_868 = vector.broadcast %add3A_867 : i32 to vector<16xi32>
          %get3A_869 = arith.constant 3 : i32
          %get3A_870 = arith.index_cast %get3A_869 : i32 to index
          %get3A_871 = arith.index_cast %add3A_867 : i32 to index
          %get3A_872 = arith.constant 0 : index
          %get3A_873 = tpu.vector_load %arg7[%get3A_870, %get3A_871, %get3A_872] {strides = array<i32>} : memref<4x128x32xf32, #tpu.memory_space<vmem>>, vector<16xf32>,
          %scatter3A_874 = arith.constant 0 : i32
          %scatter3A_875 = arith.constant 0 : i32
          %scatter3A_876 = tpu.memref_slice %arg8[%select_n3A_639, %scatter3A_874, %scatter3A_875] : memref<2x32x129xf32, #tpu.memory_space<vmem>> -> memref<1x32x129xf32, #tpu.memory_space<vmem>>
          %scatter3A_877 = tpu.memref_squeeze %scatter3A_876 : memref<1x32x129xf32, #tpu.memory_space<vmem>> -> memref<32x129xf32, #tpu.memory_space<vmem>>
          tpu.vector_store_idx %scatter3A_877[%iota3A, %broadcast_in_dim3A_868], %get3A_873 : memref<32x129xf32, #tpu.memory_space<vmem>>[vector<16xi32>, vector<16xi32>], vector<16xf32>,
          %get3A_878 = arith.constant 3 : i32
          %get3A_879 = arith.index_cast %get3A_878 : i32 to index
          %get3A_880 = arith.index_cast %add3A_867 : i32 to index
          %get3A_881 = arith.constant 16 : index
          %get3A_882 = tpu.vector_load %arg7[%get3A_879, %get3A_880, %get3A_881] {strides = array<i32>} : memref<4x128x32xf32, #tpu.memory_space<vmem>>, vector<16xf32>,
          %scatter3A_883 = arith.constant 0 : i32
          %scatter3A_884 = arith.constant 0 : i32
          %scatter3A_885 = tpu.memref_slice %arg8[%select_n3A_639, %scatter3A_883, %scatter3A_884] : memref<2x32x129xf32, #tpu.memory_space<vmem>> -> memref<1x32x129xf32, #tpu.memory_space<vmem>>
          %scatter3A_886 = tpu.memref_squeeze %scatter3A_885 : memref<1x32x129xf32, #tpu.memory_space<vmem>> -> memref<32x129xf32, #tpu.memory_space<vmem>>
          tpu.vector_store_idx %scatter3A_886[%add3A_668, %broadcast_in_dim3A_868], %get3A_882 : memref<32x129xf32, #tpu.memory_space<vmem>>[vector<16xi32>, vector<16xi32>], vector<16xf32>,
          %mul3A_887 = arith.constant 8 : i32
          %mul3A_888 = arith.muli %scan3A_751, %mul3A_887 : i32
          %add3A_889 = arith.constant 6 : i32
          %add3A_890 = arith.addi %mul3A_888, %add3A_889 : i32
          %broadcast_in_dim3A_891 = vector.broadcast %add3A_890 : i32 to vector<16xi32>
          %get3A_892 = arith.constant 3 : i32
          %get3A_893 = arith.index_cast %get3A_892 : i32 to index
          %get3A_894 = arith.index_cast %add3A_890 : i32 to index
          %get3A_895 = arith.constant 0 : index
          %get3A_896 = tpu.vector_load %arg7[%get3A_893, %get3A_894, %get3A_895] {strides = array<i32>} : memref<4x128x32xf32, #tpu.memory_space<vmem>>, vector<16xf32>,
          %scatter3A_897 = arith.constant 0 : i32
          %scatter3A_898 = arith.constant 0 : i32
          %scatter3A_899 = tpu.memref_slice %arg8[%select_n3A_639, %scatter3A_897, %scatter3A_898] : memref<2x32x129xf32, #tpu.memory_space<vmem>> -> memref<1x32x129xf32, #tpu.memory_space<vmem>>
          %scatter3A_900 = tpu.memref_squeeze %scatter3A_899 : memref<1x32x129xf32, #tpu.memory_space<vmem>> -> memref<32x129xf32, #tpu.memory_space<vmem>>
          tpu.vector_store_idx %scatter3A_900[%iota3A, %broadcast_in_dim3A_891], %get3A_896 : memref<32x129xf32, #tpu.memory_space<vmem>>[vector<16xi32>, vector<16xi32>], vector<16xf32>,
          %get3A_901 = arith.constant 3 : i32
          %get3A_902 = arith.index_cast %get3A_901 : i32 to index
          %get3A_903 = arith.index_cast %add3A_890 : i32 to index
          %get3A_904 = arith.constant 16 : index
          %get3A_905 = tpu.vector_load %arg7[%get3A_902, %get3A_903, %get3A_904] {strides = array<i32>} : memref<4x128x32xf32, #tpu.memory_space<vmem>>, vector<16xf32>,
          %scatter3A_906 = arith.constant 0 : i32
          %scatter3A_907 = arith.constant 0 : i32
          %scatter3A_908 = tpu.memref_slice %arg8[%select_n3A_639, %scatter3A_906, %scatter3A_907] : memref<2x32x129xf32, #tpu.memory_space<vmem>> -> memref<1x32x129xf32, #tpu.memory_space<vmem>>
          %scatter3A_909 = tpu.memref_squeeze %scatter3A_908 : memref<1x32x129xf32, #tpu.memory_space<vmem>> -> memref<32x129xf32, #tpu.memory_space<vmem>>
          tpu.vector_store_idx %scatter3A_909[%add3A_668, %broadcast_in_dim3A_891], %get3A_905 : memref<32x129xf32, #tpu.memory_space<vmem>>[vector<16xi32>, vector<16xi32>], vector<16xf32>,
          %mul3A_910 = arith.constant 8 : i32
          %mul3A_911 = arith.muli %scan3A_751, %mul3A_910 : i32
          %add3A_912 = arith.constant 7 : i32
          %add3A_913 = arith.addi %mul3A_911, %add3A_912 : i32
          %broadcast_in_dim3A_914 = vector.broadcast %add3A_913 : i32 to vector<16xi32>
          %get3A_915 = arith.constant 3 : i32
          %get3A_916 = arith.index_cast %get3A_915 : i32 to index
          %get3A_917 = arith.index_cast %add3A_913 : i32 to index
          %get3A_918 = arith.constant 0 : index
          %get3A_919 = tpu.vector_load %arg7[%get3A_916, %get3A_917, %get3A_918] {strides = array<i32>} : memref<4x128x32xf32, #tpu.memory_space<vmem>>, vector<16xf32>,
          %scatter3A_920 = arith.constant 0 : i32
          %scatter3A_921 = arith.constant 0 : i32
          %scatter3A_922 = tpu.memref_slice %arg8[%select_n3A_639, %scatter3A_920, %scatter3A_921] : memref<2x32x129xf32, #tpu.memory_space<vmem>> -> memref<1x32x129xf32, #tpu.memory_space<vmem>>
          %scatter3A_923 = tpu.memref_squeeze %scatter3A_922 : memref<1x32x129xf32, #tpu.memory_space<vmem>> -> memref<32x129xf32, #tpu.memory_space<vmem>>
          tpu.vector_store_idx %scatter3A_923[%iota3A, %broadcast_in_dim3A_914], %get3A_919 : memref<32x129xf32, #tpu.memory_space<vmem>>[vector<16xi32>, vector<16xi32>], vector<16xf32>,
          %get3A_924 = arith.constant 3 : i32
          %get3A_925 = arith.index_cast %get3A_924 : i32 to index
          %get3A_926 = arith.index_cast %add3A_913 : i32 to index
          %get3A_927 = arith.constant 16 : index
          %get3A_928 = tpu.vector_load %arg7[%get3A_925, %get3A_926, %get3A_927] {strides = array<i32>} : memref<4x128x32xf32, #tpu.memory_space<vmem>>, vector<16xf32>,
          %scatter3A_929 = arith.constant 0 : i32
          %scatter3A_930 = arith.constant 0 : i32
          %scatter3A_931 = tpu.memref_slice %arg8[%select_n3A_639, %scatter3A_929, %scatter3A_930] : memref<2x32x129xf32, #tpu.memory_space<vmem>> -> memref<1x32x129xf32, #tpu.memory_space<vmem>>
          %scatter3A_932 = tpu.memref_squeeze %scatter3A_931 : memref<1x32x129xf32, #tpu.memory_space<vmem>> -> memref<32x129xf32, #tpu.memory_space<vmem>>
          tpu.vector_store_idx %scatter3A_932[%add3A_668, %broadcast_in_dim3A_914], %get3A_928 : memref<32x129xf32, #tpu.memory_space<vmem>>[vector<16xi32>, vector<16xi32>], vector<16xf32>,
        }
        %scan3A_674 = arith.constant 16 : i32
        %dma_start3A_675 = arith.constant 0 : i32
        %dma_start3A_676 = arith.constant 0 : i32
        %dma_start3A_677 = arith.constant 0 : i32
        %dma_start3A_678 = tpu.memref_slice %arg8[%select_n3A_639, %dma_start3A_676, %dma_start3A_677] : memref<2x32x129xf32, #tpu.memory_space<vmem>> -> memref<1x8x128xf32, #tpu.memory_space<vmem>>
        %dma_start3A_679 = tpu.memref_squeeze %dma_start3A_678 : memref<1x8x128xf32, #tpu.memory_space<vmem>> -> memref<8x128xf32, #tpu.memory_space<vmem>>
        %dma_start3A_680 = arith.constant 0 : i32
        %dma_start3A_681 = arith.constant 0 : i32
        %dma_start3A_682 = tpu.memref_slice %arg4[%add3A_623, %dma_start3A_675, %add3A_9, %dma_start3A_680, %dma_start3A_681] : memref<200x4x128x8x128xf32, #tpu.memory_space<hbm>> -> memref<1x1x1x8x128xf32, #tpu.memory_space<hbm>>
        %dma_start3A_683 = tpu.memref_squeeze %dma_start3A_682 : memref<1x1x1x8x128xf32, #tpu.memory_space<hbm>> -> memref<8x128xf32, #tpu.memory_space<hbm>>
        %dma_start3A_684 = tpu.memref_slice %arg11[%select_n3A_639] : memref<2x!tpu.dma_semaphore, #tpu.memory_space<semaphore_mem>> -> memref<1x!tpu.dma_semaphore, #tpu.memory_space<semaphore_mem>>
        %dma_start3A_685 = tpu.memref_squeeze %dma_start3A_684 : memref<1x!tpu.dma_semaphore, #tpu.memory_space<semaphore_mem>> -> memref<!tpu.dma_semaphore, #tpu.memory_space<semaphore_mem>>
        %dma_start3A_686 = arith.constant 0 : i32
        %dma_start3A_687 = arith.constant 0 : i32
        %dma_start3A_688 = tpu.memref_slice %arg4[%add3A_623, %dma_start3A_675, %add3A_9, %dma_start3A_686, %dma_start3A_687] : memref<200x4x128x8x128xf32, #tpu.memory_space<hbm>> -> memref<1x1x1x8x128xf32, #tpu.memory_space<hbm>>
        %dma_start3A_689 = tpu.memref_squeeze %dma_start3A_688 : memref<1x1x1x8x128xf32, #tpu.memory_space<hbm>> -> memref<8x128xf32, #tpu.memory_space<hbm>>
        %dma_start3A_690 = arith.constant 0 : i32
        %dma_start3A_691 = arith.constant 0 : i32
        %dma_start3A_692 = tpu.memref_slice %arg8[%select_n3A_639, %dma_start3A_690, %dma_start3A_691] : memref<2x32x129xf32, #tpu.memory_space<vmem>> -> memref<1x8x128xf32, #tpu.memory_space<vmem>>
        %dma_start3A_693 = tpu.memref_squeeze %dma_start3A_692 : memref<1x8x128xf32, #tpu.memory_space<vmem>> -> memref<8x128xf32, #tpu.memory_space<vmem>>
        tpu.enqueue_dma source(%dma_start3A_693 : memref<8x128xf32, #tpu.memory_space<vmem>>) target(%dma_start3A_689 : memref<8x128xf32, #tpu.memory_space<hbm>>) target_semaphore(%dma_start3A_685 : memref<!tpu.dma_semaphore, #tpu.memory_space<semaphore_mem>>)
        %dma_start3A_694 = arith.constant 1 : i32
        %dma_start3A_695 = arith.constant 8 : i32
        %dma_start3A_696 = arith.constant 0 : i32
        %dma_start3A_697 = tpu.memref_slice %arg8[%select_n3A_639, %dma_start3A_695, %dma_start3A_696] : memref<2x32x129xf32, #tpu.memory_space<vmem>> -> memref<1x8x128xf32, #tpu.memory_space<vmem>>
        %dma_start3A_698 = tpu.memref_squeeze %dma_start3A_697 : memref<1x8x128xf32, #tpu.memory_space<vmem>> -> memref<8x128xf32, #tpu.memory_space<vmem>>
        %dma_start3A_699 = arith.constant 0 : i32
        %dma_start3A_700 = arith.constant 0 : i32
        %dma_start3A_701 = tpu.memref_slice %arg4[%add3A_623, %dma_start3A_694, %add3A_9, %dma_start3A_699, %dma_start3A_700] : memref<200x4x128x8x128xf32, #tpu.memory_space<hbm>> -> memref<1x1x1x8x128xf32, #tpu.memory_space<hbm>>
        %dma_start3A_702 = tpu.memref_squeeze %dma_start3A_701 : memref<1x1x1x8x128xf32, #tpu.memory_space<hbm>> -> memref<8x128xf32, #tpu.memory_space<hbm>>
        %dma_start3A_703 = tpu.memref_slice %arg11[%select_n3A_639] : memref<2x!tpu.dma_semaphore, #tpu.memory_space<semaphore_mem>> -> memref<1x!tpu.dma_semaphore, #tpu.memory_space<semaphore_mem>>
        %dma_start3A_704 = tpu.memref_squeeze %dma_start3A_703 : memref<1x!tpu.dma_semaphore, #tpu.memory_space<semaphore_mem>> -> memref<!tpu.dma_semaphore, #tpu.memory_space<semaphore_mem>>
        %dma_start3A_705 = arith.constant 0 : i32
        %dma_start3A_706 = arith.constant 0 : i32
        %dma_start3A_707 = tpu.memref_slice %arg4[%add3A_623, %dma_start3A_694, %add3A_9, %dma_start3A_705, %dma_start3A_706] : memref<200x4x128x8x128xf32, #tpu.memory_space<hbm>> -> memref<1x1x1x8x128xf32, #tpu.memory_space<hbm>>
        %dma_start3A_708 = tpu.memref_squeeze %dma_start3A_707 : memref<1x1x1x8x128xf32, #tpu.memory_space<hbm>> -> memref<8x128xf32, #tpu.memory_space<hbm>>
        %dma_start3A_709 = arith.constant 8 : i32
        %dma_start3A_710 = arith.constant 0 : i32
        %dma_start3A_711 = tpu.memref_slice %arg8[%select_n3A_639, %dma_start3A_709, %dma_start3A_710] : memref<2x32x129xf32, #tpu.memory_space<vmem>> -> memref<1x8x128xf32, #tpu.memory_space<vmem>>
        %dma_start3A_712 = tpu.memref_squeeze %dma_start3A_711 : memref<1x8x128xf32, #tpu.memory_space<vmem>> -> memref<8x128xf32, #tpu.memory_space<vmem>>
        tpu.enqueue_dma source(%dma_start3A_712 : memref<8x128xf32, #tpu.memory_space<vmem>>) target(%dma_start3A_708 : memref<8x128xf32, #tpu.memory_space<hbm>>) target_semaphore(%dma_start3A_704 : memref<!tpu.dma_semaphore, #tpu.memory_space<semaphore_mem>>)
        %dma_start3A_713 = arith.constant 2 : i32
        %dma_start3A_714 = arith.constant 16 : i32
        %dma_start3A_715 = arith.constant 0 : i32
        %dma_start3A_716 = tpu.memref_slice %arg8[%select_n3A_639, %dma_start3A_714, %dma_start3A_715] : memref<2x32x129xf32, #tpu.memory_space<vmem>> -> memref<1x8x128xf32, #tpu.memory_space<vmem>>
        %dma_start3A_717 = tpu.memref_squeeze %dma_start3A_716 : memref<1x8x128xf32, #tpu.memory_space<vmem>> -> memref<8x128xf32, #tpu.memory_space<vmem>>
        %dma_start3A_718 = arith.constant 0 : i32
        %dma_start3A_719 = arith.constant 0 : i32
        %dma_start3A_720 = tpu.memref_slice %arg4[%add3A_623, %dma_start3A_713, %add3A_9, %dma_start3A_718, %dma_start3A_719] : memref<200x4x128x8x128xf32, #tpu.memory_space<hbm>> -> memref<1x1x1x8x128xf32, #tpu.memory_space<hbm>>
        %dma_start3A_721 = tpu.memref_squeeze %dma_start3A_720 : memref<1x1x1x8x128xf32, #tpu.memory_space<hbm>> -> memref<8x128xf32, #tpu.memory_space<hbm>>
        %dma_start3A_722 = tpu.memref_slice %arg11[%select_n3A_639] : memref<2x!tpu.dma_semaphore, #tpu.memory_space<semaphore_mem>> -> memref<1x!tpu.dma_semaphore, #tpu.memory_space<semaphore_mem>>
        %dma_start3A_723 = tpu.memref_squeeze %dma_start3A_722 : memref<1x!tpu.dma_semaphore, #tpu.memory_space<semaphore_mem>> -> memref<!tpu.dma_semaphore, #tpu.memory_space<semaphore_mem>>
        %dma_start3A_724 = arith.constant 0 : i32
        %dma_start3A_725 = arith.constant 0 : i32
        %dma_start3A_726 = tpu.memref_slice %arg4[%add3A_623, %dma_start3A_713, %add3A_9, %dma_start3A_724, %dma_start3A_725] : memref<200x4x128x8x128xf32, #tpu.memory_space<hbm>> -> memref<1x1x1x8x128xf32, #tpu.memory_space<hbm>>
        %dma_start3A_727 = tpu.memref_squeeze %dma_start3A_726 : memref<1x1x1x8x128xf32, #tpu.memory_space<hbm>> -> memref<8x128xf32, #tpu.memory_space<hbm>>
        %dma_start3A_728 = arith.constant 16 : i32
        %dma_start3A_729 = arith.constant 0 : i32
        %dma_start3A_730 = tpu.memref_slice %arg8[%select_n3A_639, %dma_start3A_728, %dma_start3A_729] : memref<2x32x129xf32, #tpu.memory_space<vmem>> -> memref<1x8x128xf32, #tpu.memory_space<vmem>>
        %dma_start3A_731 = tpu.memref_squeeze %dma_start3A_730 : memref<1x8x128xf32, #tpu.memory_space<vmem>> -> memref<8x128xf32, #tpu.memory_space<vmem>>
        tpu.enqueue_dma source(%dma_start3A_731 : memref<8x128xf32, #tpu.memory_space<vmem>>) target(%dma_start3A_727 : memref<8x128xf32, #tpu.memory_space<hbm>>) target_semaphore(%dma_start3A_723 : memref<!tpu.dma_semaphore, #tpu.memory_space<semaphore_mem>>)
        %dma_start3A_732 = arith.constant 3 : i32
        %dma_start3A_733 = arith.constant 24 : i32
        %dma_start3A_734 = arith.constant 0 : i32
        %dma_start3A_735 = tpu.memref_slice %arg8[%select_n3A_639, %dma_start3A_733, %dma_start3A_734] : memref<2x32x129xf32, #tpu.memory_space<vmem>> -> memref<1x8x128xf32, #tpu.memory_space<vmem>>
        %dma_start3A_736 = tpu.memref_squeeze %dma_start3A_735 : memref<1x8x128xf32, #tpu.memory_space<vmem>> -> memref<8x128xf32, #tpu.memory_space<vmem>>
        %dma_start3A_737 = arith.constant 0 : i32
        %dma_start3A_738 = arith.constant 0 : i32
        %dma_start3A_739 = tpu.memref_slice %arg4[%add3A_623, %dma_start3A_732, %add3A_9, %dma_start3A_737, %dma_start3A_738] : memref<200x4x128x8x128xf32, #tpu.memory_space<hbm>> -> memref<1x1x1x8x128xf32, #tpu.memory_space<hbm>>
        %dma_start3A_740 = tpu.memref_squeeze %dma_start3A_739 : memref<1x1x1x8x128xf32, #tpu.memory_space<hbm>> -> memref<8x128xf32, #tpu.memory_space<hbm>>
        %dma_start3A_741 = tpu.memref_slice %arg11[%select_n3A_639] : memref<2x!tpu.dma_semaphore, #tpu.memory_space<semaphore_mem>> -> memref<1x!tpu.dma_semaphore, #tpu.memory_space<semaphore_mem>>
        %dma_start3A_742 = tpu.memref_squeeze %dma_start3A_741 : memref<1x!tpu.dma_semaphore, #tpu.memory_space<semaphore_mem>> -> memref<!tpu.dma_semaphore, #tpu.memory_space<semaphore_mem>>
        %dma_start3A_743 = arith.constant 0 : i32
        %dma_start3A_744 = arith.constant 0 : i32
        %dma_start3A_745 = tpu.memref_slice %arg4[%add3A_623, %dma_start3A_732, %add3A_9, %dma_start3A_743, %dma_start3A_744] : memref<200x4x128x8x128xf32, #tpu.memory_space<hbm>> -> memref<1x1x1x8x128xf32, #tpu.memory_space<hbm>>
        %dma_start3A_746 = tpu.memref_squeeze %dma_start3A_745 : memref<1x1x1x8x128xf32, #tpu.memory_space<hbm>> -> memref<8x128xf32, #tpu.memory_space<hbm>>
        %dma_start3A_747 = arith.constant 24 : i32
        %dma_start3A_748 = arith.constant 0 : i32
        %dma_start3A_749 = tpu.memref_slice %arg8[%select_n3A_639, %dma_start3A_747, %dma_start3A_748] : memref<2x32x129xf32, #tpu.memory_space<vmem>> -> memref<1x8x128xf32, #tpu.memory_space<vmem>>
        %dma_start3A_750 = tpu.memref_squeeze %dma_start3A_749 : memref<1x8x128xf32, #tpu.memory_space<vmem>> -> memref<8x128xf32, #tpu.memory_space<vmem>>
        tpu.enqueue_dma source(%dma_start3A_750 : memref<8x128xf32, #tpu.memory_space<vmem>>) target(%dma_start3A_746 : memref<8x128xf32, #tpu.memory_space<hbm>>) target_semaphore(%dma_start3A_742 : memref<!tpu.dma_semaphore, #tpu.memory_space<semaphore_mem>>)
      }
      %scan3A_59 = arith.constant 50 : i32
      %dma_wait3A_60 = arith.constant 0 : i32
      %dma_wait3A_61 = arith.constant 198 : i32
      %dma_wait3A_62 = arith.constant 0 : i32
      %dma_wait3A_63 = arith.constant 0 : i32
      %dma_wait3A_64 = arith.constant 0 : i32
      %dma_wait3A_65 = arith.constant 0 : i32
      %dma_wait3A_66 = tpu.memref_slice %arg8[%dma_wait3A_60, %dma_wait3A_64, %dma_wait3A_65] : memref<2x32x129xf32, #tpu.memory_space<vmem>> -> memref<1x8x128xf32, #tpu.memory_space<vmem>>
      %dma_wait3A_67 = tpu.memref_squeeze %dma_wait3A_66 : memref<1x8x128xf32, #tpu.memory_space<vmem>> -> memref<8x128xf32, #tpu.memory_space<vmem>>
      %dma_wait3A_68 = arith.constant 0 : i32
      %dma_wait3A_69 = arith.constant 0 : i32
      %dma_wait3A_70 = tpu.memref_slice %arg4[%dma_wait3A_61, %dma_wait3A_62, %add3A_9, %dma_wait3A_68, %dma_wait3A_69] : memref<200x4x128x8x128xf32, #tpu.memory_space<hbm>> -> memref<1x1x1x8x128xf32, #tpu.memory_space<hbm>>
      %dma_wait3A_71 = tpu.memref_squeeze %dma_wait3A_70 : memref<1x1x1x8x128xf32, #tpu.memory_space<hbm>> -> memref<8x128xf32, #tpu.memory_space<hbm>>
      %dma_wait3A_72 = tpu.memref_slice %arg11[%dma_wait3A_63] : memref<2x!tpu.dma_semaphore, #tpu.memory_space<semaphore_mem>> -> memref<1x!tpu.dma_semaphore, #tpu.memory_space<semaphore_mem>>
      %dma_wait3A_73 = tpu.memref_squeeze %dma_wait3A_72 : memref<1x!tpu.dma_semaphore, #tpu.memory_space<semaphore_mem>> -> memref<!tpu.dma_semaphore, #tpu.memory_space<semaphore_mem>>
      %dma_wait3A_74 = arith.constant 0 : i32
      %dma_wait3A_75 = arith.constant 0 : i32
      %dma_wait3A_76 = tpu.memref_slice %arg4[%dma_wait3A_61, %dma_wait3A_62, %add3A_9, %dma_wait3A_74, %dma_wait3A_75] : memref<200x4x128x8x128xf32, #tpu.memory_space<hbm>> -> memref<1x1x1x8x128xf32, #tpu.memory_space<hbm>>
      %dma_wait3A_77 = tpu.memref_squeeze %dma_wait3A_76 : memref<1x1x1x8x128xf32, #tpu.memory_space<hbm>> -> memref<8x128xf32, #tpu.memory_space<hbm>>
      %dma_wait3A_78 = arith.constant 0 : i32
      %dma_wait3A_79 = arith.constant 0 : i32
      %dma_wait3A_80 = tpu.memref_slice %arg8[%dma_wait3A_60, %dma_wait3A_78, %dma_wait3A_79] : memref<2x32x129xf32, #tpu.memory_space<vmem>> -> memref<1x8x128xf32, #tpu.memory_space<vmem>>
      %dma_wait3A_81 = tpu.memref_squeeze %dma_wait3A_80 : memref<1x8x128xf32, #tpu.memory_space<vmem>> -> memref<8x128xf32, #tpu.memory_space<vmem>>
      tpu.wait_dma2 semaphore(%dma_wait3A_73 : memref<!tpu.dma_semaphore, #tpu.memory_space<semaphore_mem>>) src(%dma_wait3A_81 : memref<8x128xf32, #tpu.memory_space<vmem>>) dst(%dma_wait3A_77 : memref<8x128xf32, #tpu.memory_space<hbm>>)
      %dma_wait3A_82 = arith.constant 0 : i32
      %dma_wait3A_83 = arith.constant 198 : i32
      %dma_wait3A_84 = arith.constant 1 : i32
      %dma_wait3A_85 = arith.constant 0 : i32
      %dma_wait3A_86 = arith.constant 8 : i32
      %dma_wait3A_87 = arith.constant 0 : i32
      %dma_wait3A_88 = tpu.memref_slice %arg8[%dma_wait3A_82, %dma_wait3A_86, %dma_wait3A_87] : memref<2x32x129xf32, #tpu.memory_space<vmem>> -> memref<1x8x128xf32, #tpu.memory_space<vmem>>
      %dma_wait3A_89 = tpu.memref_squeeze %dma_wait3A_88 : memref<1x8x128xf32, #tpu.memory_space<vmem>> -> memref<8x128xf32, #tpu.memory_space<vmem>>
      %dma_wait3A_90 = arith.constant 0 : i32
      %dma_wait3A_91 = arith.constant 0 : i32
      %dma_wait3A_92 = tpu.memref_slice %arg4[%dma_wait3A_83, %dma_wait3A_84, %add3A_9, %dma_wait3A_90, %dma_wait3A_91] : memref<200x4x128x8x128xf32, #tpu.memory_space<hbm>> -> memref<1x1x1x8x128xf32, #tpu.memory_space<hbm>>
      %dma_wait3A_93 = tpu.memref_squeeze %dma_wait3A_92 : memref<1x1x1x8x128xf32, #tpu.memory_space<hbm>> -> memref<8x128xf32, #tpu.memory_space<hbm>>
      %dma_wait3A_94 = tpu.memref_slice %arg11[%dma_wait3A_85] : memref<2x!tpu.dma_semaphore, #tpu.memory_space<semaphore_mem>> -> memref<1x!tpu.dma_semaphore, #tpu.memory_space<semaphore_mem>>
      %dma_wait3A_95 = tpu.memref_squeeze %dma_wait3A_94 : memref<1x!tpu.dma_semaphore, #tpu.memory_space<semaphore_mem>> -> memref<!tpu.dma_semaphore, #tpu.memory_space<semaphore_mem>>
      %dma_wait3A_96 = arith.constant 0 : i32
      %dma_wait3A_97 = arith.constant 0 : i32
      %dma_wait3A_98 = tpu.memref_slice %arg4[%dma_wait3A_83, %dma_wait3A_84, %add3A_9, %dma_wait3A_96, %dma_wait3A_97] : memref<200x4x128x8x128xf32, #tpu.memory_space<hbm>> -> memref<1x1x1x8x128xf32, #tpu.memory_space<hbm>>
      %dma_wait3A_99 = tpu.memref_squeeze %dma_wait3A_98 : memref<1x1x1x8x128xf32, #tpu.memory_space<hbm>> -> memref<8x128xf32, #tpu.memory_space<hbm>>
      %dma_wait3A_100 = arith.constant 8 : i32
      %dma_wait3A_101 = arith.constant 0 : i32
      %dma_wait3A_102 = tpu.memref_slice %arg8[%dma_wait3A_82, %dma_wait3A_100, %dma_wait3A_101] : memref<2x32x129xf32, #tpu.memory_space<vmem>> -> memref<1x8x128xf32, #tpu.memory_space<vmem>>
      %dma_wait3A_103 = tpu.memref_squeeze %dma_wait3A_102 : memref<1x8x128xf32, #tpu.memory_space<vmem>> -> memref<8x128xf32, #tpu.memory_space<vmem>>
      tpu.wait_dma2 semaphore(%dma_wait3A_95 : memref<!tpu.dma_semaphore, #tpu.memory_space<semaphore_mem>>) src(%dma_wait3A_103 : memref<8x128xf32, #tpu.memory_space<vmem>>) dst(%dma_wait3A_99 : memref<8x128xf32, #tpu.memory_space<hbm>>)
      %dma_wait3A_104 = arith.constant 0 : i32
      %dma_wait3A_105 = arith.constant 198 : i32
      %dma_wait3A_106 = arith.constant 2 : i32
      %dma_wait3A_107 = arith.constant 0 : i32
      %dma_wait3A_108 = arith.constant 16 : i32
      %dma_wait3A_109 = arith.constant 0 : i32
      %dma_wait3A_110 = tpu.memref_slice %arg8[%dma_wait3A_104, %dma_wait3A_108, %dma_wait3A_109] : memref<2x32x129xf32, #tpu.memory_space<vmem>> -> memref<1x8x128xf32, #tpu.memory_space<vmem>>
      %dma_wait3A_111 = tpu.memref_squeeze %dma_wait3A_110 : memref<1x8x128xf32, #tpu.memory_space<vmem>> -> memref<8x128xf32, #tpu.memory_space<vmem>>
      %dma_wait3A_112 = arith.constant 0 : i32
      %dma_wait3A_113 = arith.constant 0 : i32
      %dma_wait3A_114 = tpu.memref_slice %arg4[%dma_wait3A_105, %dma_wait3A_106, %add3A_9, %dma_wait3A_112, %dma_wait3A_113] : memref<200x4x128x8x128xf32, #tpu.memory_space<hbm>> -> memref<1x1x1x8x128xf32, #tpu.memory_space<hbm>>
      %dma_wait3A_115 = tpu.memref_squeeze %dma_wait3A_114 : memref<1x1x1x8x128xf32, #tpu.memory_space<hbm>> -> memref<8x128xf32, #tpu.memory_space<hbm>>
      %dma_wait3A_116 = tpu.memref_slice %arg11[%dma_wait3A_107] : memref<2x!tpu.dma_semaphore, #tpu.memory_space<semaphore_mem>> -> memref<1x!tpu.dma_semaphore, #tpu.memory_space<semaphore_mem>>
      %dma_wait3A_117 = tpu.memref_squeeze %dma_wait3A_116 : memref<1x!tpu.dma_semaphore, #tpu.memory_space<semaphore_mem>> -> memref<!tpu.dma_semaphore, #tpu.memory_space<semaphore_mem>>
      %dma_wait3A_118 = arith.constant 0 : i32
      %dma_wait3A_119 = arith.constant 0 : i32
      %dma_wait3A_120 = tpu.memref_slice %arg4[%dma_wait3A_105, %dma_wait3A_106, %add3A_9, %dma_wait3A_118, %dma_wait3A_119] : memref<200x4x128x8x128xf32, #tpu.memory_space<hbm>> -> memref<1x1x1x8x128xf32, #tpu.memory_space<hbm>>
      %dma_wait3A_121 = tpu.memref_squeeze %dma_wait3A_120 : memref<1x1x1x8x128xf32, #tpu.memory_space<hbm>> -> memref<8x128xf32, #tpu.memory_space<hbm>>
      %dma_wait3A_122 = arith.constant 16 : i32
      %dma_wait3A_123 = arith.constant 0 : i32
      %dma_wait3A_124 = tpu.memref_slice %arg8[%dma_wait3A_104, %dma_wait3A_122, %dma_wait3A_123] : memref<2x32x129xf32, #tpu.memory_space<vmem>> -> memref<1x8x128xf32, #tpu.memory_space<vmem>>
      %dma_wait3A_125 = tpu.memref_squeeze %dma_wait3A_124 : memref<1x8x128xf32, #tpu.memory_space<vmem>> -> memref<8x128xf32, #tpu.memory_space<vmem>>
      tpu.wait_dma2 semaphore(%dma_wait3A_117 : memref<!tpu.dma_semaphore, #tpu.memory_space<semaphore_mem>>) src(%dma_wait3A_125 : memref<8x128xf32, #tpu.memory_space<vmem>>) dst(%dma_wait3A_121 : memref<8x128xf32, #tpu.memory_space<hbm>>)
      %dma_wait3A_126 = arith.constant 0 : i32
      %dma_wait3A_127 = arith.constant 198 : i32
      %dma_wait3A_128 = arith.constant 3 : i32
      %dma_wait3A_129 = arith.constant 0 : i32
      %dma_wait3A_130 = arith.constant 24 : i32
      %dma_wait3A_131 = arith.constant 0 : i32
      %dma_wait3A_132 = tpu.memref_slice %arg8[%dma_wait3A_126, %dma_wait3A_130, %dma_wait3A_131] : memref<2x32x129xf32, #tpu.memory_space<vmem>> -> memref<1x8x128xf32, #tpu.memory_space<vmem>>
      %dma_wait3A_133 = tpu.memref_squeeze %dma_wait3A_132 : memref<1x8x128xf32, #tpu.memory_space<vmem>> -> memref<8x128xf32, #tpu.memory_space<vmem>>
      %dma_wait3A_134 = arith.constant 0 : i32
      %dma_wait3A_135 = arith.constant 0 : i32
      %dma_wait3A_136 = tpu.memref_slice %arg4[%dma_wait3A_127, %dma_wait3A_128, %add3A_9, %dma_wait3A_134, %dma_wait3A_135] : memref<200x4x128x8x128xf32, #tpu.memory_space<hbm>> -> memref<1x1x1x8x128xf32, #tpu.memory_space<hbm>>
      %dma_wait3A_137 = tpu.memref_squeeze %dma_wait3A_136 : memref<1x1x1x8x128xf32, #tpu.memory_space<hbm>> -> memref<8x128xf32, #tpu.memory_space<hbm>>
      %dma_wait3A_138 = tpu.memref_slice %arg11[%dma_wait3A_129] : memref<2x!tpu.dma_semaphore, #tpu.memory_space<semaphore_mem>> -> memref<1x!tpu.dma_semaphore, #tpu.memory_space<semaphore_mem>>
      %dma_wait3A_139 = tpu.memref_squeeze %dma_wait3A_138 : memref<1x!tpu.dma_semaphore, #tpu.memory_space<semaphore_mem>> -> memref<!tpu.dma_semaphore, #tpu.memory_space<semaphore_mem>>
      %dma_wait3A_140 = arith.constant 0 : i32
      %dma_wait3A_141 = arith.constant 0 : i32
      %dma_wait3A_142 = tpu.memref_slice %arg4[%dma_wait3A_127, %dma_wait3A_128, %add3A_9, %dma_wait3A_140, %dma_wait3A_141] : memref<200x4x128x8x128xf32, #tpu.memory_space<hbm>> -> memref<1x1x1x8x128xf32, #tpu.memory_space<hbm>>
      %dma_wait3A_143 = tpu.memref_squeeze %dma_wait3A_142 : memref<1x1x1x8x128xf32, #tpu.memory_space<hbm>> -> memref<8x128xf32, #tpu.memory_space<hbm>>
      %dma_wait3A_144 = arith.constant 24 : i32
      %dma_wait3A_145 = arith.constant 0 : i32
      %dma_wait3A_146 = tpu.memref_slice %arg8[%dma_wait3A_126, %dma_wait3A_144, %dma_wait3A_145] : memref<2x32x129xf32, #tpu.memory_space<vmem>> -> memref<1x8x128xf32, #tpu.memory_space<vmem>>
      %dma_wait3A_147 = tpu.memref_squeeze %dma_wait3A_146 : memref<1x8x128xf32, #tpu.memory_space<vmem>> -> memref<8x128xf32, #tpu.memory_space<vmem>>
      tpu.wait_dma2 semaphore(%dma_wait3A_139 : memref<!tpu.dma_semaphore, #tpu.memory_space<semaphore_mem>>) src(%dma_wait3A_147 : memref<8x128xf32, #tpu.memory_space<vmem>>) dst(%dma_wait3A_143 : memref<8x128xf32, #tpu.memory_space<hbm>>)
      %dma_wait3A_148 = arith.constant 1 : i32
      %dma_wait3A_149 = arith.constant 199 : i32
      %dma_wait3A_150 = arith.constant 0 : i32
      %dma_wait3A_151 = arith.constant 1 : i32
      %dma_wait3A_152 = arith.constant 0 : i32
      %dma_wait3A_153 = arith.constant 0 : i32
      %dma_wait3A_154 = tpu.memref_slice %arg8[%dma_wait3A_148, %dma_wait3A_152, %dma_wait3A_153] : memref<2x32x129xf32, #tpu.memory_space<vmem>> -> memref<1x8x128xf32, #tpu.memory_space<vmem>>
      %dma_wait3A_155 = tpu.memref_squeeze %dma_wait3A_154 : memref<1x8x128xf32, #tpu.memory_space<vmem>> -> memref<8x128xf32, #tpu.memory_space<vmem>>
      %dma_wait3A_156 = arith.constant 0 : i32
      %dma_wait3A_157 = arith.constant 0 : i32
      %dma_wait3A_158 = tpu.memref_slice %arg4[%dma_wait3A_149, %dma_wait3A_150, %add3A_9, %dma_wait3A_156, %dma_wait3A_157] : memref<200x4x128x8x128xf32, #tpu.memory_space<hbm>> -> memref<1x1x1x8x128xf32, #tpu.memory_space<hbm>>
      %dma_wait3A_159 = tpu.memref_squeeze %dma_wait3A_158 : memref<1x1x1x8x128xf32, #tpu.memory_space<hbm>> -> memref<8x128xf32, #tpu.memory_space<hbm>>
      %dma_wait3A_160 = tpu.memref_slice %arg11[%dma_wait3A_151] : memref<2x!tpu.dma_semaphore, #tpu.memory_space<semaphore_mem>> -> memref<1x!tpu.dma_semaphore, #tpu.memory_space<semaphore_mem>>
      %dma_wait3A_161 = tpu.memref_squeeze %dma_wait3A_160 : memref<1x!tpu.dma_semaphore, #tpu.memory_space<semaphore_mem>> -> memref<!tpu.dma_semaphore, #tpu.memory_space<semaphore_mem>>
      %dma_wait3A_162 = arith.constant 0 : i32
      %dma_wait3A_163 = arith.constant 0 : i32
      %dma_wait3A_164 = tpu.memref_slice %arg4[%dma_wait3A_149, %dma_wait3A_150, %add3A_9, %dma_wait3A_162, %dma_wait3A_163] : memref<200x4x128x8x128xf32, #tpu.memory_space<hbm>> -> memref<1x1x1x8x128xf32, #tpu.memory_space<hbm>>
      %dma_wait3A_165 = tpu.memref_squeeze %dma_wait3A_164 : memref<1x1x1x8x128xf32, #tpu.memory_space<hbm>> -> memref<8x128xf32, #tpu.memory_space<hbm>>
      %dma_wait3A_166 = arith.constant 0 : i32
      %dma_wait3A_167 = arith.constant 0 : i32
      %dma_wait3A_168 = tpu.memref_slice %arg8[%dma_wait3A_148, %dma_wait3A_166, %dma_wait3A_167] : memref<2x32x129xf32, #tpu.memory_space<vmem>> -> memref<1x8x128xf32, #tpu.memory_space<vmem>>
      %dma_wait3A_169 = tpu.memref_squeeze %dma_wait3A_168 : memref<1x8x128xf32, #tpu.memory_space<vmem>> -> memref<8x128xf32, #tpu.memory_space<vmem>>
      tpu.wait_dma2 semaphore(%dma_wait3A_161 : memref<!tpu.dma_semaphore, #tpu.memory_space<semaphore_mem>>) src(%dma_wait3A_169 : memref<8x128xf32, #tpu.memory_space<vmem>>) dst(%dma_wait3A_165 : memref<8x128xf32, #tpu.memory_space<hbm>>)
      %dma_wait3A_170 = arith.constant 1 : i32
      %dma_wait3A_171 = arith.constant 199 : i32
      %dma_wait3A_172 = arith.constant 1 : i32
      %dma_wait3A_173 = arith.constant 1 : i32
      %dma_wait3A_174 = arith.constant 8 : i32
      %dma_wait3A_175 = arith.constant 0 : i32
      %dma_wait3A_176 = tpu.memref_slice %arg8[%dma_wait3A_170, %dma_wait3A_174, %dma_wait3A_175] : memref<2x32x129xf32, #tpu.memory_space<vmem>> -> memref<1x8x128xf32, #tpu.memory_space<vmem>>
      %dma_wait3A_177 = tpu.memref_squeeze %dma_wait3A_176 : memref<1x8x128xf32, #tpu.memory_space<vmem>> -> memref<8x128xf32, #tpu.memory_space<vmem>>
      %dma_wait3A_178 = arith.constant 0 : i32
      %dma_wait3A_179 = arith.constant 0 : i32
      %dma_wait3A_180 = tpu.memref_slice %arg4[%dma_wait3A_171, %dma_wait3A_172, %add3A_9, %dma_wait3A_178, %dma_wait3A_179] : memref<200x4x128x8x128xf32, #tpu.memory_space<hbm>> -> memref<1x1x1x8x128xf32, #tpu.memory_space<hbm>>
      %dma_wait3A_181 = tpu.memref_squeeze %dma_wait3A_180 : memref<1x1x1x8x128xf32, #tpu.memory_space<hbm>> -> memref<8x128xf32, #tpu.memory_space<hbm>>
      %dma_wait3A_182 = tpu.memref_slice %arg11[%dma_wait3A_173] : memref<2x!tpu.dma_semaphore, #tpu.memory_space<semaphore_mem>> -> memref<1x!tpu.dma_semaphore, #tpu.memory_space<semaphore_mem>>
      %dma_wait3A_183 = tpu.memref_squeeze %dma_wait3A_182 : memref<1x!tpu.dma_semaphore, #tpu.memory_space<semaphore_mem>> -> memref<!tpu.dma_semaphore, #tpu.memory_space<semaphore_mem>>
      %dma_wait3A_184 = arith.constant 0 : i32
      %dma_wait3A_185 = arith.constant 0 : i32
      %dma_wait3A_186 = tpu.memref_slice %arg4[%dma_wait3A_171, %dma_wait3A_172, %add3A_9, %dma_wait3A_184, %dma_wait3A_185] : memref<200x4x128x8x128xf32, #tpu.memory_space<hbm>> -> memref<1x1x1x8x128xf32, #tpu.memory_space<hbm>>
      %dma_wait3A_187 = tpu.memref_squeeze %dma_wait3A_186 : memref<1x1x1x8x128xf32, #tpu.memory_space<hbm>> -> memref<8x128xf32, #tpu.memory_space<hbm>>
      %dma_wait3A_188 = arith.constant 8 : i32
      %dma_wait3A_189 = arith.constant 0 : i32
      %dma_wait3A_190 = tpu.memref_slice %arg8[%dma_wait3A_170, %dma_wait3A_188, %dma_wait3A_189] : memref<2x32x129xf32, #tpu.memory_space<vmem>> -> memref<1x8x128xf32, #tpu.memory_space<vmem>>
      %dma_wait3A_191 = tpu.memref_squeeze %dma_wait3A_190 : memref<1x8x128xf32, #tpu.memory_space<vmem>> -> memref<8x128xf32, #tpu.memory_space<vmem>>
      tpu.wait_dma2 semaphore(%dma_wait3A_183 : memref<!tpu.dma_semaphore, #tpu.memory_space<semaphore_mem>>) src(%dma_wait3A_191 : memref<8x128xf32, #tpu.memory_space<vmem>>) dst(%dma_wait3A_187 : memref<8x128xf32, #tpu.memory_space<hbm>>)
      %dma_wait3A_192 = arith.constant 1 : i32
      %dma_wait3A_193 = arith.constant 199 : i32
      %dma_wait3A_194 = arith.constant 2 : i32
      %dma_wait3A_195 = arith.constant 1 : i32
      %dma_wait3A_196 = arith.constant 16 : i32
      %dma_wait3A_197 = arith.constant 0 : i32
      %dma_wait3A_198 = tpu.memref_slice %arg8[%dma_wait3A_192, %dma_wait3A_196, %dma_wait3A_197] : memref<2x32x129xf32, #tpu.memory_space<vmem>> -> memref<1x8x128xf32, #tpu.memory_space<vmem>>
      %dma_wait3A_199 = tpu.memref_squeeze %dma_wait3A_198 : memref<1x8x128xf32, #tpu.memory_space<vmem>> -> memref<8x128xf32, #tpu.memory_space<vmem>>
      %dma_wait3A_200 = arith.constant 0 : i32
      %dma_wait3A_201 = arith.constant 0 : i32
      %dma_wait3A_202 = tpu.memref_slice %arg4[%dma_wait3A_193, %dma_wait3A_194, %add3A_9, %dma_wait3A_200, %dma_wait3A_201] : memref<200x4x128x8x128xf32, #tpu.memory_space<hbm>> -> memref<1x1x1x8x128xf32, #tpu.memory_space<hbm>>
      %dma_wait3A_203 = tpu.memref_squeeze %dma_wait3A_202 : memref<1x1x1x8x128xf32, #tpu.memory_space<hbm>> -> memref<8x128xf32, #tpu.memory_space<hbm>>
      %dma_wait3A_204 = tpu.memref_slice %arg11[%dma_wait3A_195] : memref<2x!tpu.dma_semaphore, #tpu.memory_space<semaphore_mem>> -> memref<1x!tpu.dma_semaphore, #tpu.memory_space<semaphore_mem>>
      %dma_wait3A_205 = tpu.memref_squeeze %dma_wait3A_204 : memref<1x!tpu.dma_semaphore, #tpu.memory_space<semaphore_mem>> -> memref<!tpu.dma_semaphore, #tpu.memory_space<semaphore_mem>>
      %dma_wait3A_206 = arith.constant 0 : i32
      %dma_wait3A_207 = arith.constant 0 : i32
      %dma_wait3A_208 = tpu.memref_slice %arg4[%dma_wait3A_193, %dma_wait3A_194, %add3A_9, %dma_wait3A_206, %dma_wait3A_207] : memref<200x4x128x8x128xf32, #tpu.memory_space<hbm>> -> memref<1x1x1x8x128xf32, #tpu.memory_space<hbm>>
      %dma_wait3A_209 = tpu.memref_squeeze %dma_wait3A_208 : memref<1x1x1x8x128xf32, #tpu.memory_space<hbm>> -> memref<8x128xf32, #tpu.memory_space<hbm>>
      %dma_wait3A_210 = arith.constant 16 : i32
      %dma_wait3A_211 = arith.constant 0 : i32
      %dma_wait3A_212 = tpu.memref_slice %arg8[%dma_wait3A_192, %dma_wait3A_210, %dma_wait3A_211] : memref<2x32x129xf32, #tpu.memory_space<vmem>> -> memref<1x8x128xf32, #tpu.memory_space<vmem>>
      %dma_wait3A_213 = tpu.memref_squeeze %dma_wait3A_212 : memref<1x8x128xf32, #tpu.memory_space<vmem>> -> memref<8x128xf32, #tpu.memory_space<vmem>>
      tpu.wait_dma2 semaphore(%dma_wait3A_205 : memref<!tpu.dma_semaphore, #tpu.memory_space<semaphore_mem>>) src(%dma_wait3A_213 : memref<8x128xf32, #tpu.memory_space<vmem>>) dst(%dma_wait3A_209 : memref<8x128xf32, #tpu.memory_space<hbm>>)
      %dma_wait3A_214 = arith.constant 1 : i32
      %dma_wait3A_215 = arith.constant 199 : i32
      %dma_wait3A_216 = arith.constant 3 : i32
      %dma_wait3A_217 = arith.constant 1 : i32
      %dma_wait3A_218 = arith.constant 24 : i32
      %dma_wait3A_219 = arith.constant 0 : i32
      %dma_wait3A_220 = tpu.memref_slice %arg8[%dma_wait3A_214, %dma_wait3A_218, %dma_wait3A_219] : memref<2x32x129xf32, #tpu.memory_space<vmem>> -> memref<1x8x128xf32, #tpu.memory_space<vmem>>
      %dma_wait3A_221 = tpu.memref_squeeze %dma_wait3A_220 : memref<1x8x128xf32, #tpu.memory_space<vmem>> -> memref<8x128xf32, #tpu.memory_space<vmem>>
      %dma_wait3A_222 = arith.constant 0 : i32
      %dma_wait3A_223 = arith.constant 0 : i32
      %dma_wait3A_224 = tpu.memref_slice %arg4[%dma_wait3A_215, %dma_wait3A_216, %add3A_9, %dma_wait3A_222, %dma_wait3A_223] : memref<200x4x128x8x128xf32, #tpu.memory_space<hbm>> -> memref<1x1x1x8x128xf32, #tpu.memory_space<hbm>>
      %dma_wait3A_225 = tpu.memref_squeeze %dma_wait3A_224 : memref<1x1x1x8x128xf32, #tpu.memory_space<hbm>> -> memref<8x128xf32, #tpu.memory_space<hbm>>
      %dma_wait3A_226 = tpu.memref_slice %arg11[%dma_wait3A_217] : memref<2x!tpu.dma_semaphore, #tpu.memory_space<semaphore_mem>> -> memref<1x!tpu.dma_semaphore, #tpu.memory_space<semaphore_mem>>
      %dma_wait3A_227 = tpu.memref_squeeze %dma_wait3A_226 : memref<1x!tpu.dma_semaphore, #tpu.memory_space<semaphore_mem>> -> memref<!tpu.dma_semaphore, #tpu.memory_space<semaphore_mem>>
      %dma_wait3A_228 = arith.constant 0 : i32
      %dma_wait3A_229 = arith.constant 0 : i32
      %dma_wait3A_230 = tpu.memref_slice %arg4[%dma_wait3A_215, %dma_wait3A_216, %add3A_9, %dma_wait3A_228, %dma_wait3A_229] : memref<200x4x128x8x128xf32, #tpu.memory_space<hbm>> -> memref<1x1x1x8x128xf32, #tpu.memory_space<hbm>>
      %dma_wait3A_231 = tpu.memref_squeeze %dma_wait3A_230 : memref<1x1x1x8x128xf32, #tpu.memory_space<hbm>> -> memref<8x128xf32, #tpu.memory_space<hbm>>
      %dma_wait3A_232 = arith.constant 24 : i32
      %dma_wait3A_233 = arith.constant 0 : i32
      %dma_wait3A_234 = tpu.memref_slice %arg8[%dma_wait3A_214, %dma_wait3A_232, %dma_wait3A_233] : memref<2x32x129xf32, #tpu.memory_space<vmem>> -> memref<1x8x128xf32, #tpu.memory_space<vmem>>
      %dma_wait3A_235 = tpu.memref_squeeze %dma_wait3A_234 : memref<1x8x128xf32, #tpu.memory_space<vmem>> -> memref<8x128xf32, #tpu.memory_space<vmem>>
      tpu.wait_dma2 semaphore(%dma_wait3A_227 : memref<!tpu.dma_semaphore, #tpu.memory_space<semaphore_mem>>) src(%dma_wait3A_235 : memref<8x128xf32, #tpu.memory_space<vmem>>) dst(%dma_wait3A_231 : memref<8x128xf32, #tpu.memory_space<hbm>>)
    }
    %scan3A_5 = arith.constant 4 : i32
    return
  }
}

</mosaic_0001>

<sc_bundles>
// kernel: _gather.3.cloned.1.call-start
scs
__scs_entry_jumppad:
0x0: {  	(pc) =	sbr.rel $0x88, $3  }
0x1: {  	(tag) =	ssettag $0x0;
	lr =	simm.s32 $0x1  }
0x2: {  	[smem:$0x3F9F] =	sst lr;
	_ =	strace $0xD0000000  }
0x3: {  	_ = 	snop  }
0x4: {  	_ = 	snop  }
0x5: {  	_ = 	snop  }
0x6: {  	_ = 	snop  }
0x7: {  	_ = 	snop  }
__scs_overlays_trampoline_lowered:
0x8: {  	[smem:$0x3FAE] =	sst s0  }
0x9: {  	[smem:$0x3FAF] =	sst s1  }
0xa: {  	[smem:$0x3FB0] =	sst s2  }
0xb: {  	[smem:$0x3FB1] =	sst s3  }
0xc: {  	[smem:$0x3FB2] =	sst s4  }
0xd: {  	[smem:$0x3FB3] =	sst s5  }
0xe: {  	[smem:$0x3FB4] =	sst s6  }
0xf: {  	[smem:$0x3FB5] =	sst s7  }
0x10: {  	[smem:$0x3FB6] =	sst s8  }
0x11: {  	[smem:$0x3FB7] =	sst s9;
	s0 =	simm.s32 @!p0 $0x0  }
0x12: {  	s1 =	sld [smem:$0x3F9D];
	s0 =	simm.s32 @p0 $0x1  }
0x13: {  	[smem:$0x3FB8] =	sst s0;
	s0 =	simm.s32 @!p1 $0x0  }
0x14: {  	s2 =	sld [smem:$0x3F9C];
	s0 =	simm.s32 @p1 $0x1  }
0x15: {  	[smem:$0x3FB9] =	sst s0;
	s0 =	simm.s32 @!p2 $0x0  }
0x16: {  	s3 =	sld [smem:$0x3FDB];
	s0 =	simm.s32 @p2 $0x1  }
0x17: {  	s4 =	simm.s32 $0x1BF5;
	[smem:$0x3FBB] =	sst s0  }
0x18: {  	s0 =	sld [smem:$0x3F9E];
	_ =	swait.ge [sflag:s4], $0x0  }
0x19: {  	s7 =	sld [smem:$0x3F9F]  }
0x1a: {  	s8 =	sadd.s32 $0xFFFFE003, lr  }
0x1b: {  	s9 =	sadd.s32 $0xFFFFFEF7, lr;
	s5 =	simm.s32 $0xFFFFFFFF;
	p2 =	slt.u32 s8, $0xFFFFF086  }
0x1c: {  	p1 =	slt.u32 s9, $0xF7A;
	s5 =	simm.s32 @!p2 $0x0  }
0x1d: {  	s5 =	simm.s32 @p1 $0x1;
	p0 =	seq.s32 s7, s2  }
0x1e: {  	s7 =	smul.u32 @!p0 $0xF7A, s2;
	p2 =	seq.s32 @!p0 s5, $0x0  }
0x1f: {  	s9 =	smul.u32 $0xF7A, s1;
	s8 =	simm.s32 @!p0 $0x1BF5;
	p2 =	por !p2, p0  }
0x20: {  	[sflag:s8] =	ssyncset.s32 @!p0 $0xFFFFF086;
	s6 =	sadd.s32 @!p0 s3, s7;
	s7 =	simm.s32 @!p0 $0x108  }
0x21: {  	s3 =	sadd.s32 s3, s9;
	s6 =	sadd.s32 @!p0 $0x88, s6;
	s7 =	simm.s32 @p2 $0x1082  }
0x22: {  	[simem:s7], [sflag:s8] =	dma.local @!p0 [hbm:s6], $0xF7A  }
0x23: {  	s9 =	sor.u32 $0xD0000000, s2;
	s6 =	simm.s32 $0x108;
	_ =	swait.ge @!p0 [sflag:s8], $0x0  }
0x24: {  	s3 =	sadd.s32 $0x88, s3;
	s6 =	simm.s32 @!p1 $0x1082;
	[sflag:s4] =	ssyncset.s32 $0xFFFFF086  }
0x25: {  	[simem:s6], [sflag:s4] =	dma.local [hbm:s3], $0xF7A  }
0x26: {  	[smem:$0x3F9F] =	sst s1;
	(tag) =	ssettag s2;
	_ =	strace s9  }
0x27: {  	s1 =	sld [smem:$0x3FAF]  }
0x28: {  	s2 =	sld [smem:$0x3FB0]  }
0x29: {  	s4 =	sld [smem:$0x3FB2]  }
0x2a: {  	p0 =	seq.s32 s5, $0x0;
	s5 =	sld [smem:$0x3FB3]  }
0x2b: {  	s6 =	sld [smem:$0x3FB4]  }
0x2c: {  	s7 =	sld [smem:$0x3FB5]  }
0x2d: {  	s3 =	simm.s32 $0x108;
	s8 =	sld [smem:$0x3FB6]  }
0x2e: {  	s3 =	simm.s32 @!p0 $0x1082;
	s9 =	sld [smem:$0x3FB7]  }
0x2f: {  	lr =	sadd.s32 s0, s3;
	s0 =	sld [smem:$0x3FAE]  }
0x30: {  	s3 =	sld [smem:$0x3FB1]  }
0x31: {  	[smem:$0x3FBA] =	sst s10  }
0x32: {  	s10 =	sld [smem:$0x3FB8];
	_ =	sdelay $0x3  }
0x33: {  	p0 =	seq.s32 s10, $0x1;
	s10 =	sld [smem:$0x3FBA];
	_ =	sdelay $0x3  }
0x34: {  	[smem:$0x3FBA] =	sst s10  }
0x35: {  	s10 =	sld [smem:$0x3FB9];
	_ =	sdelay $0x3  }
0x36: {  	p1 =	seq.s32 s10, $0x1;
	s10 =	sld [smem:$0x3FBA];
	_ =	sdelay $0x3  }
0x37: {  	[smem:$0x3FBA] =	sst s10  }
0x38: {  	s10 =	sld [smem:$0x3FBB]  }
0x39: {  	_ = 	snop;
	(pc) =	sbr.ind lr, $3  }
0x3a: {  	_ = 	snop  }
0x3b: {  	_ = 	snop  }
0x3c: {  	p2 =	seq.s32 s10, $0x1;
	s10 =	sld [smem:$0x3FBA]  }
0x3d: {  	_ =	shalt  }
0x3e: {  	_ =	shalt  }
0x3f: {  	_ =	shalt  }
0x40: {  	_ =	shalt  }
0x41: {  	_ =	shalt  }
0x42: {  	_ =	shalt  }
0x43: {  	_ =	shalt  }
0x44: {  	_ =	shalt  }
0x45: {  	_ =	shalt  }
0x46: {  	_ =	shalt  }
0x47: {  	_ =	shalt  }
0x48: {  	_ =	shalt  }
0x49: {  	_ =	shalt  }
0x4a: {  	_ =	shalt  }
0x4b: {  	_ =	shalt  }
0x4c: {  	_ =	shalt  }
0x4d: {  	_ =	shalt  }
0x4e: {  	_ =	shalt  }
0x4f: {  	_ =	shalt  }
0x50: {  	_ =	shalt  }
0x51: {  	_ =	shalt  }
0x52: {  	_ =	shalt  }
0x53: {  	_ =	shalt  }
0x54: {  	_ =	shalt  }
0x55: {  	_ =	shalt  }
0x56: {  	_ =	shalt  }
0x57: {  	_ =	shalt  }
0x58: {  	_ =	shalt  }
0x59: {  	_ =	shalt  }
0x5a: {  	_ =	shalt  }
0x5b: {  	_ =	shalt  }
0x5c: {  	_ =	shalt  }
0x5d: {  	_ =	shalt  }
0x5e: {  	_ =	shalt  }
0x5f: {  	_ =	shalt  }
0x60: {  	_ =	shalt  }
0x61: {  	_ =	shalt  }
0x62: {  	_ =	shalt  }
0x63: {  	_ =	shalt  }
0x64: {  	_ =	shalt  }
0x65: {  	_ =	shalt  }
0x66: {  	_ =	shalt  }
0x67: {  	_ =	shalt  }
0x68: {  	_ =	shalt  }
0x69: {  	_ =	shalt  }
0x6a: {  	_ =	shalt  }
0x6b: {  	_ =	shalt  }
0x6c: {  	_ =	shalt  }
0x6d: {  	_ =	shalt  }
0x6e: {  	_ =	shalt  }
0x6f: {  	_ =	shalt  }
0x70: {  	_ =	shalt  }
0x71: {  	_ =	shalt  }
0x72: {  	_ =	shalt  }
0x73: {  	_ =	shalt  }
0x74: {  	_ =	shalt  }
0x75: {  	_ =	shalt  }
0x76: {  	_ =	shalt  }
0x77: {  	_ =	shalt  }
0x78: {  	_ =	shalt  }
0x79: {  	_ =	shalt  }
0x7a: {  	_ =	shalt  }
0x7b: {  	_ =	shalt  }
0x7c: {  	_ =	shalt  }
0x7d: {  	_ =	shalt  }
0x7e: {  	_ =	shalt  }
0x7f: {  	_ =	shalt  }
0x80: {  	_ =	shalt  }
0x81: {  	_ =	shalt  }
0x82: {  	_ =	shalt  }
0x83: {  	_ =	shalt  }
0x84: {  	_ =	shalt  }
0x85: {  	_ =	shalt  }
0x86: {  	_ =	shalt  }
0x87: {  	_ =	shalt  }
.Lfunc_end0:
.L_simem_size_0:
called_computation_lowered:
.L_overlay_start_0:
0x88: {  	s2 =	sld [smem:$0x3FD9]  }
0x89: {  	s3 =	sld [smem:$0x3FFE];
	_ =	sdelay $0x1  }
0x8a: {  	s1 =	srdreg.scid  }
0x8b: {  	s0 =	sand.u32 $0x1, s1  }
0x8c: {  	s17 =	sshll.u32 s0, $0xA;
	s2 =	sadd.s32 s3, s2  }
0x8d: {  	s2 =	sadd.s32 s2, s17  }
0x8e: {  	[smem:$0x3FC6] =	sst s2  }
0x8f: {  	_ = 	snop  }
0x90: {  	s2 =	sld [smem:$0x3FD0];
	(tm) =	ssettm $0x1  }
0x91: {  	s18 =	sld [smem:$0x3FFB];
	_ =	sdelay $0x3  }
0x92: {  	_ =	strace s18  }
0x93: {  	s3 =	sld [smem:$0x3FFC];
	_ =	sdelay $0x3  }
0x94: {  	_ =	strace s3  }
0x95: {  	s3 =	sld [smem:$0x3FFD];
	_ =	sdelay $0x3  }
0x96: {  	_ =	strace s3  }
0x97: {  	_ =	strace $0x8FFFFFFF  }
0x98: {  	s19 =	sld [smem:$0x3FDB];
	_ =	sdelay $0x1  }
0x99: {  	s4 =	simm.s32 $_scs_section_size  }
0x9a: {  	s5 =	simm.s32 $_size__tile_overlayer_lowered;
	s6 =	simm.s32 $_tile_overlayer_lowered  }
0x9b: {  	s22 =	simm.s32 $0x1BFF;
	s21 =	sshll.u32 s6, $0x1;
	s3 =	sadd.s32 s4, s19  }
0x9c: {  	s7 =	simm.s32 $0x0;
	s20 =	sshll.u32 s5, $0x1;
	s5 =	sadd.s32 s21, s3  }
0x9d: {  	[timem:s7], [sflag:s22] =	dma.local [hbm:s5], s20  }
0x9e: {  	_ =	swait.ge [sflag:s22], s20  }
0x9f: {  	s4 =	ssub.s32 $0x0, s20;
	[sflag:s22] =	ssyncset.done $0x0  }
0xa0: {  	[sflag:s22] =	ssyncadd.s32 s4;
	_ =	sdelay $0x1  }
0xa1: {  	s23 =	simm.s32 $0x1B8B  }
0xa2: {  	_ =	swait.ge [sflag:s23], $0x1  }
0xa3: {  	[sflag:s23] =	ssyncset.done $0x0  }
0xa4: {  	s25 =	simm.s32 $0x1B8E;
	s24 =	sld [smem:$0x3FFE];
	[sflag:s23] =	ssyncadd.s32 $0xFFFFFFFF  }
0xa5: {  	s26 =	simm.s32 $execute0_lowered;
	[smem:$0x3FD2] =	sst s25  }
0xa6: {  	s5 =	sshll.u32 s26, $0x1;
	_ =	strace $0x80000046;
	[dreg:$0x1] =	wrdreg $0xFFFFFFFF  }
0xa7: {  	s28 =	simm.s32 $_size_execute0_lowered;
	s3 =	sadd.s32 s3, s5;
	[dreg:$0x0] =	wrdreg $0x0  }
0xa8: {  	s5 =	sshll.u32 s28, $0x1;
	[dreg:$0x2] =	wrdreg s3  }
0xa9: {  	[dreg:$0x3] =	wrdreg s5  }
0xaa: {  	[dreg:$0x4] =	wrdreg $0xC0  }
0xab: {  	_ =	task [dreg:s7], $0x5FFFF  }
0xac: {  	[dreg:$0x1] =	wrdreg $0xFFFFFFFF  }
0xad: {  	[dreg:$0x0] =	wrdreg $0x60  }
0xae: {  	[dreg:$0x2] =	wrdreg s24  }
0xaf: {  	[dreg:$0x3] =	wrdreg s2  }
0xb0: {  	[dreg:$0x4] =	wrdreg $0x9  }
0xb1: {  	_ =	task.clear_ibuf [dreg:s7], $0x5FFFF;
	_ =	strace $0x90000046  }
0xb2: {  	s29 =	simm.s32 $0x9;
	_ =	strace $0x80000048  }
0xb3: {  	_ =	swait.ge [sflag:s29], $0x1  }
0xb4: {  	[sflag:s29] =	ssyncadd.s32 $0xFFFFFFFF  }
0xb5: {  	_ =	strace $0x90000048  }
0xb6: {  	_ =	sfence  }
0xb7: {  	s30 =	sld [smem:$0x0];
	_ =	sdelay $0x2  }
0xb8: {  	s31 =	sshll.u32 s1, $0xD;
	s1 =	sshrl.u32 s1, $0x2  }
0xb9: {  	s3 =	sand.u32 $0x4000, s31;
	s1 =	sadd.s32 s1, s30  }
0xba: {  	s0 =	sor.u32 s3, s0;
	s1 =	sshll.u32 s1, $0x11  }
0xbb: {  	s0 =	sor.u32 s1, s0  }
0xbc: {  	s0 =	sadd.s32 $0x8F2B, s0  }
0xbd: {  	[sflag:s0] =	ssyncadd.remote.s32 $0x1  }
0xbe: {  	_ =	sfence.sel $0xFFFF  }
0xbf: {  	[dreg:$0x0] =	wrdreg $0xFFFFFFFF;
	(pc) =	sbr.abs _section_cstart, $3  }
0xc0: {  	[dreg:$0x1] =	wrdreg $0xFFFFFFFF  }
0xc1: {  	_ =	task.clear_ibuf [dreg:s7], $0x2FFFF;
	_ =	strace $0x9FFFFFFF  }
0xc2: {  	(tm) =	ssettm $0x7FFFFFFF  }
0xc3: {  	_ =	shalt  }
tec
execute0_lowered:
.L_overlay_start_1:
0x0: {  	(tag) =	ssettag $0x1  }
0x1: {  	s0 =	rddreg [dreg:$0x0]  }
0x2: {  	s1 =	rddreg [dreg:$0x1]  }
0x3: {  	s2 =	simm.s32 $0x0;
	s3 =	srdreg.scid;
	s6 =	stileid.u32  }
0x4: {  	s19 =	simm.s32 $0x80;
	s14 =	simm.s32 $0x2;
	s16 =	simm.s32 $0x10800  }
0x5: {  	s23 =	simm.s32 $0x3;
	s24 =	simm.s32 $0x11900;
	v6 =	vlaneseq.u32;
	s20 =	simm.s32 $0x12428  }
0x6: {  	s21 =	simm.s32 $0x124B0;
	s22 =	simm.s32 $0x12538;
	s28 =	simm.s32 $0x126D0;
	v0 =	vmul.u32 $0xC8, v6  }
0x7: {  	v9 =	vimm.s32 $0x0;
	vm0 =	vcmask $0x300;
	s29 =	simm.s32 $0x12758;
	s30 =	simm.s32 $0x127E0;
	s31 =	simm.s32 $0x12868  }
0x8: {  	s7 =	simm.s32 $0x6;
	s10 =	simm.s32 $0x4;
	s11 =	simm.s32 $0x7;
	v6 =	vmul.u32 $0x88, v6;
	v9 =	vsel vm0, $0x3, v9;
	v1 =	vadd.s32 $0xC80, v0  }
0x9: {  	s12 =	simm.s32 $0x5;
	[smem:$0x7FF] =	sst s2;
	s3 =	sand.u32 $0x1, s3;
	v2 =	vadd.s32 $0x1900, v0;
	v3 =	vadd.s32 $0x2580, v0;
	v4 =	vadd.s32 $0x3200, v0  }
0xa: {  	s4 =	sadd.s32 $0x65400, s0;
	s0 =	sadd.s32 $0x1400, s0;
	s26 =	sshll.u32 s6, $0x3;
	v5 =	vadd.s32 $0x3E80, v0;
	v7 =	vadd.s32 $0x4B00, v0;
	v8 =	vadd.s32 $0x5780, v0  }
0xb: {  	s6 =	simm.s32 $0x0;
	_ =	strace $0x80000047;
	s5 =	ssub.s32 $0x2, s3;
	v10 =	vadd.s32 $0x880, v6;
	v11 =	vor.u32 $0x1, v6;
	v12 =	vadd.s32 $0x881, v6  }
0xc: {  	[dreg:$0x3] =	wrdreg s0;
	s3 =	sshll.u32 s3, $0x2;
	s25 =	sshrl.u32 s5, $0x1;
	v13 =	vor.u32 $0x2, v6;
	v14 =	vadd.s32 $0x882, v6;
	v15 =	vor.u32 $0x3, v6  }
0xd: {  	s3 =	sor.u32 s3, s26;
	s26 =	simm.s32 $0x12648;
	v16 =	vadd.s32 $0x883, v6;
	v17 =	vor.u32 $0x4, v6;
	v18 =	vadd.s32 $0x884, v6;
	s0 =	ssub.s32 s5, s25  }
0xe: {  	v19 =	vor.u32 $0x5, v6;
	v20 =	vadd.s32 $0x885, v6;
	v21 =	vor.u32 $0x6, v6;
	[dreg:$0x4] =	wrdreg s3;
	s25 =	simm.s32 $0x125C0;
	s0 =	smax.u32 s0, $0x1  }
0xf: {  	v22 =	vadd.s32 $0x886, v6;
	v23 =	vor.u32 $0x7, v6;
	v24 =	vadd.s32 $0x887, v6;
	s3 =	simm.s32 $0x12978;
	[dreg:$0x5] =	wrdreg s0;
	s0 =	simm.s32 $0x128F0  }
.LBB2_1:
0x10: {  	[dreg:$0x6] =	wrdreg s6;
	s6 =	simm.s32 $0x0  }
.LBB2_2:
0x11: {  	s5 =	rddreg [dreg:$0x4]  }
0x12: {  	s15 =	simm.s32 $0x0;
	s5 =	sadd.s32 s5, s6  }
0x13: {  	v25 =	vmov s15;
	s8 =	smul.u32 $0xC80, s5  }
0x14: {  	s9 =	rddreg [dreg:$0x3];
	v25 =	vand.u32 $0xFF, v25  }
0x15: {  	[dreg:$0x7] =	wrdreg s6;
	s17 =	simm.s32 $0x1;
	v26 =	vadd.s32 v0, v25;
	s8 =	sadd.s32 s9, s8  }
0x16: {  	[tilespmem:s15], [sflag:$0x1] =	stream.linear.gather [hbm4b:s8+s15], $0x6400, $0x38;
	[tilespmem:$0x12A00] =	vst v63  }
0x17: {  	_ =	swait.ge [sflag:s17], $0x6400  }
0x18: {  	[sflag:s17] =	ssyncset.done $0x0  }
0x19: {  	[sflag:s17] =	ssyncadd.s32 $0xFFFF9C00  }
0x1a: {  	v26 =	vld.idx.msk [tilespmem:v26+s2+$0x0], $0xffff  }
0x1b: {  	v27 =	vadd.s32 v1, v25;
	_ =	sdelay $0x2  }
0x1c: {  	s6 =	simm.s32 $0x6440  }
0x1d: {  	[tilespmem:s6+$0xFFFFFFC0] =	vst v26  }
0x1e: {  	v26 =	vld.idx.msk [tilespmem:v27+s2+$0x0], $0xffff  }
0x1f: {  	v27 =	vadd.s32 v2, v25;
	_ =	sdelay $0x3  }
0x20: {  	[tilespmem:s6+$0xFFFFFFD0] =	vst v26  }
0x21: {  	v26 =	vld.idx.msk [tilespmem:v27+s2+$0x0], $0xffff  }
0x22: {  	v27 =	vadd.s32 v3, v25;
	_ =	sdelay $0x3  }
0x23: {  	[tilespmem:s6+$0xFFFFFFE0] =	vst v26  }
0x24: {  	v26 =	vld.idx.msk [tilespmem:v27+s2+$0x0], $0xffff  }
0x25: {  	v27 =	vadd.s32 v4, v25;
	_ =	sdelay $0x3  }
0x26: {  	[tilespmem:s6+$0xFFFFFFF0] =	vst v26  }
0x27: {  	v26 =	vld.idx.msk [tilespmem:v27+s2+$0x0], $0xffff  }
0x28: {  	v27 =	vadd.s32 v5, v25;
	_ =	sdelay $0x3  }
0x29: {  	[tilespmem:s6+$0x0] =	vst v26  }
0x2a: {  	v26 =	vld.idx.msk [tilespmem:v27+s2+$0x0], $0xffff  }
0x2b: {  	v27 =	vadd.s32 v7, v25;
	_ =	sdelay $0x3  }
0x2c: {  	[tilespmem:s6+$0x10] =	vst v26  }
0x2d: {  	v26 =	vld.idx.msk [tilespmem:v27+s2+$0x0], $0xffff  }
0x2e: {  	v25 =	vadd.s32 v8, v25;
	_ =	sdelay $0x3  }
0x2f: {  	s18 =	simm.s32 $0x1;
	[tilespmem:s6+$0x20] =	vst v26  }
0x30: {  	s8 =	simm.s32 $0x2;
	v26 =	vmov s18;
	v25 =	vld.idx.msk [tilespmem:v25+s2+$0x0], $0xffff  }
.LBB2_3:
0x31: {  	p0 =	sne.s32 s8, $0xC7;
	v26 =	vand.u32 $0xFF, v26  }
0x32: {  	v27 =	vadd.s32 v0, v26;
	_ =	sdelay $0x3  }
0x33: {  	[tilespmem:s6+$0x30] =	vst v25  }
0x34: {  	v25 =	vld.idx.msk [tilespmem:v27+s2+$0x0], $0xffff;
	_ =	sdelay $0x1  }
0x35: {  	v27 =	vadd.s32 v1, v26;
	_ =	sdelay $0x2  }
0x36: {  	s6 =	sadd.s32 $0x80, s6  }
0x37: {  	[tilespmem:s6+$0xFFFFFFC0] =	vst v25  }
0x38: {  	v25 =	vld.idx.msk [tilespmem:v27+s2+$0x0], $0xffff;
	_ =	sdelay $0x1  }
0x39: {  	v27 =	vadd.s32 v2, v26;
	_ =	sdelay $0x3  }
0x3a: {  	[tilespmem:s6+$0xFFFFFFD0] =	vst v25  }
0x3b: {  	v25 =	vld.idx.msk [tilespmem:v27+s2+$0x0], $0xffff;
	_ =	sdelay $0x1  }
0x3c: {  	v27 =	vadd.s32 v3, v26;
	_ =	sdelay $0x3  }
0x3d: {  	[tilespmem:s6+$0xFFFFFFE0] =	vst v25  }
0x3e: {  	v25 =	vld.idx.msk [tilespmem:v27+s2+$0x0], $0xffff;
	_ =	sdelay $0x1  }
0x3f: {  	v27 =	vadd.s32 v4, v26;
	_ =	sdelay $0x3  }
0x40: {  	[tilespmem:s6+$0xFFFFFFF0] =	vst v25  }
0x41: {  	v25 =	vld.idx.msk [tilespmem:v27+s2+$0x0], $0xffff;
	_ =	sdelay $0x1  }
0x42: {  	v27 =	vadd.s32 v5, v26;
	_ =	sdelay $0x3  }
0x43: {  	[tilespmem:s6+$0x0] =	vst v25  }
0x44: {  	v25 =	vld.idx.msk [tilespmem:v27+s2+$0x0], $0xffff;
	_ =	sdelay $0x1  }
0x45: {  	v27 =	vadd.s32 v7, v26;
	_ =	sdelay $0x3  }
0x46: {  	[tilespmem:s6+$0x10] =	vst v25  }
0x47: {  	v25 =	vld.idx.msk [tilespmem:v27+s2+$0x0], $0xffff;
	_ =	sdelay $0x1  }
0x48: {  	v27 =	vadd.s32 v8, v26  }
.Ltmp0:
0x49: {  	(pc) =	sbr.rel @p0 .LBB2_3-.Ltmp0, $3  }
0x4a: {  	_ =	sdelay $0x1  }
0x4b: {  	[tilespmem:s6+$0x20] =	vst v25  }
0x4c: {  	v26 =	vmov s8;
	s8 =	sadd.s32 $0x1, s8;
	v25 =	vld.idx.msk [tilespmem:v27+s2+$0x0], $0xffff  }
0x4d: {  	v26 =	vand.u32 $0xFF, v26  }
0x4e: {  	v27 =	vadd.s32 v0, v26;
	_ =	sdelay $0x3  }
0x4f: {  	[tilespmem:s6+$0x30] =	vst v25  }
0x50: {  	v25 =	vld.idx.msk [tilespmem:v27+s2+$0x0], $0xffff  }
0x51: {  	v27 =	vadd.s32 v1, v26;
	_ =	sdelay $0x2  }
0x52: {  	s13 =	sadd.s32 $0x80, s6  }
0x53: {  	[tilespmem:s13+$0xFFFFFFC0] =	vst v25  }
0x54: {  	v25 =	vld.idx.msk [tilespmem:v27+s2+$0x0], $0xffff  }
0x55: {  	v27 =	vadd.s32 v2, v26;
	_ =	sdelay $0x3  }
0x56: {  	[tilespmem:s13+$0xFFFFFFD0] =	vst v25  }
0x57: {  	v25 =	vld.idx.msk [tilespmem:v27+s2+$0x0], $0xffff  }
0x58: {  	v27 =	vadd.s32 v3, v26;
	_ =	sdelay $0x3  }
0x59: {  	[tilespmem:s13+$0xFFFFFFE0] =	vst v25  }
0x5a: {  	v25 =	vld.idx.msk [tilespmem:v27+s2+$0x0], $0xffff  }
0x5b: {  	v27 =	vadd.s32 v4, v26;
	_ =	sdelay $0x3  }
0x5c: {  	[tilespmem:s13+$0xFFFFFFF0] =	vst v25  }
0x5d: {  	v25 =	vld.idx.msk [tilespmem:v27+s2+$0x0], $0xffff  }
0x5e: {  	v27 =	vadd.s32 v5, v26;
	_ =	sdelay $0x3  }
0x5f: {  	[tilespmem:s13+$0x0] =	vst v25  }
0x60: {  	v25 =	vld.idx.msk [tilespmem:v27+s2+$0x0], $0xffff  }
0x61: {  	v27 =	vadd.s32 v7, v26;
	_ =	sdelay $0x3  }
0x62: {  	[tilespmem:s13+$0x10] =	vst v25  }
0x63: {  	v25 =	vld.idx.msk [tilespmem:v27+s2+$0x0], $0xffff  }
0x64: {  	v26 =	vadd.s32 v8, v26;
	_ =	sdelay $0x3  }
0x65: {  	[tilespmem:s13+$0x20] =	vst v25  }
0x66: {  	v25 =	vld.idx.msk [tilespmem:v26+s2+$0x0], $0xffff;
	_ =	sdelay $0x4  }
0x67: {  	s15 =	simm.s32 $0x6400;
	s8 =	simm.s32 $0xC800;
	s17 =	simm.s32 $0x6480;
	[tilespmem:s13+$0x30] =	vst v25  }
0x68: {  	[tilespmem:s8], [sflag:$0x2] =	stream.indirect.gather [hbm4b:s4+s19], $0x20, s15, s19, $0xb8;
	[tilespmem:$0x12A00] =	vst v63  }
0x69: {  	s18 =	simm.s32 $0xD800;
	s13 =	sshll.u32 s5, $0xA;
	s5 =	simm.s32 $0x0  }
0x6a: {  	[tilespmem:s18], [sflag:$0x3] =	stream.indirect.gather [hbm4b:s4+s19], $0x20, s17, s19, $0xb8;
	[tilespmem:$0x12A00] =	vst v63  }
.LBB2_5:
0x6b: {  	p0 =	seq.s32 s5, $0x0  }
0x6c: {  	s6 =	simm.s32 @!p0 $0x6  }
0x6d: {  	_ =	swait.ge @!p0 [sflag:s6], $0x400  }
0x6e: {  	[sflag:s6] =	ssyncset.done @!p0 $0x0  }
0x6f: {  	[sflag:s6] =	ssyncadd.s32 @!p0 $0xFFFFFC00  }
0x70: {  	_ =	swait.ge @!p0 [sflag:s6], $0x400  }
0x71: {  	[sflag:s6] =	ssyncset.done @!p0 $0x0  }
0x72: {  	[sflag:s6] =	ssyncadd.s32 @!p0 $0xFFFFFC00  }
0x73: {  	_ =	swait.ge @!p0 [sflag:s6], $0x400  }
0x74: {  	[sflag:s6] =	ssyncset.done @!p0 $0x0  }
0x75: {  	[sflag:s6] =	ssyncadd.s32 @!p0 $0xFFFFFC00  }
0x76: {  	_ =	swait.ge @!p0 [sflag:s6], $0x400  }
0x77: {  	s9 =	sshll.u32 s5, $0x2;
	[sflag:s6] =	ssyncset.done @!p0 $0x0  }
0x78: {  	s8 =	simm.s32 $0x0;
	[sflag:s6] =	ssyncadd.s32 @!p0 $0xFFFFFC00;
	s6 =	sor.u32 $0x2, s9  }
0x79: {  	v25 =	vmov s8;
	_ =	swait.ge [sflag:s14], $0x1000;
	s15 =	sshll.u32 s6, $0x7  }
0x7a: {  	v25 =	vshrl.u32 v25, $0x3;
	[sflag:s14] =	ssyncset.done $0x0;
	s15 =	sand.u32 $0x3FFFFF80, s15  }
0x7b: {  	s17 =	simm.s32 $0xE800;
	v25 =	vshll.u32 v25, v9;
	[sflag:s14] =	ssyncadd.s32 $0xFFFFF000;
	s8 =	sadd.s32 $0x6400, s15  }
0x7c: {  	v25 =	vbroadcast v25, $0x0;
	[tilespmem:s17], [sflag:$0x4] =	stream.indirect.gather [hbm4b:s4+s19], $0x20, s8, s19, $0xb8;
	[tilespmem:$0x12A00] =	vst v63  }
0x7d: {  	s8 =	simm.s32 $0xC880  }
0x7e: {  	v27 =	vadd.s32 v6, v25;
	v26 =	vld [tilespmem:s8+$0xFFFFFF80];
	_ =	sdelay $0x4  }
0x7f: {  	[tilespmem:v27+s16+$0x0] =	vst.idx.msk $0xffff, v26  }
0x80: {  	s18 =	simm.s32 $0x1;
	v25 =	vadd.s32 v10, v25;
	v26 =	vld [tilespmem:s8+$0xFFFFFF90]  }
0x81: {  	v27 =	vmov s18  }
0x82: {  	v27 =	vshrl.u32 v27, $0x3  }
0x83: {  	v27 =	vshll.u32 v27, v9  }
0x84: {  	v27 =	vbroadcast v27, $0x0  }
0x85: {  	[tilespmem:v25+s16+$0x0] =	vst.idx.msk $0xffff, v26  }
0x86: {  	v26 =	vadd.s32 v11, v27;
	v25 =	vld [tilespmem:s8+$0xFFFFFFA0];
	_ =	sdelay $0x4  }
0x87: {  	[tilespmem:v26+s16+$0x0] =	vst.idx.msk $0xffff, v25  }
0x88: {  	s17 =	simm.s32 $0x2;
	v26 =	vadd.s32 v12, v27;
	v25 =	vld [tilespmem:s8+$0xFFFFFFB0]  }
0x89: {  	v27 =	vmov s17  }
0x8a: {  	v27 =	vshrl.u32 v27, $0x3  }
0x8b: {  	v27 =	vshll.u32 v27, v9  }
0x8c: {  	v27 =	vbroadcast v27, $0x0  }
0x8d: {  	[tilespmem:v26+s16+$0x0] =	vst.idx.msk $0xffff, v25  }
0x8e: {  	v26 =	vadd.s32 v13, v27;
	v25 =	vld [tilespmem:s8+$0xFFFFFFC0];
	_ =	sdelay $0x4  }
0x8f: {  	[tilespmem:v26+s16+$0x0] =	vst.idx.msk $0xffff, v25  }
0x90: {  	s18 =	simm.s32 $0x3;
	v26 =	vadd.s32 v14, v27;
	v25 =	vld [tilespmem:s8+$0xFFFFFFD0]  }
0x91: {  	v27 =	vmov s18  }
0x92: {  	v27 =	vshrl.u32 v27, $0x3  }
0x93: {  	v27 =	vshll.u32 v27, v9  }
0x94: {  	v27 =	vbroadcast v27, $0x0  }
0x95: {  	[tilespmem:v26+s16+$0x0] =	vst.idx.msk $0xffff, v25  }
0x96: {  	v26 =	vadd.s32 v15, v27;
	v25 =	vld [tilespmem:s8+$0xFFFFFFE0];
	_ =	sdelay $0x4  }
0x97: {  	[tilespmem:v26+s16+$0x0] =	vst.idx.msk $0xffff, v25  }
0x98: {  	s17 =	simm.s32 $0x4;
	v26 =	vadd.s32 v16, v27;
	v25 =	vld [tilespmem:s8+$0xFFFFFFF0]  }
0x99: {  	v27 =	vmov s17  }
0x9a: {  	v27 =	vshrl.u32 v27, $0x3  }
0x9b: {  	v27 =	vshll.u32 v27, v9  }
0x9c: {  	v27 =	vbroadcast v27, $0x0  }
0x9d: {  	[tilespmem:v26+s16+$0x0] =	vst.idx.msk $0xffff, v25  }
0x9e: {  	v26 =	vadd.s32 v17, v27;
	v25 =	vld [tilespmem:s8+$0x0];
	_ =	sdelay $0x4  }
0x9f: {  	[tilespmem:v26+s16+$0x0] =	vst.idx.msk $0xffff, v25  }
0xa0: {  	s18 =	simm.s32 $0x5;
	v26 =	vadd.s32 v18, v27;
	v25 =	vld [tilespmem:s8+$0x10]  }
0xa1: {  	v27 =	vmov s18  }
0xa2: {  	v27 =	vshrl.u32 v27, $0x3  }
0xa3: {  	v27 =	vshll.u32 v27, v9  }
0xa4: {  	v27 =	vbroadcast v27, $0x0  }
0xa5: {  	[tilespmem:v26+s16+$0x0] =	vst.idx.msk $0xffff, v25  }
0xa6: {  	v26 =	vadd.s32 v19, v27;
	v25 =	vld [tilespmem:s8+$0x20];
	_ =	sdelay $0x4  }
0xa7: {  	[tilespmem:v26+s16+$0x0] =	vst.idx.msk $0xffff, v25  }
0xa8: {  	s17 =	simm.s32 $0x6;
	v26 =	vadd.s32 v20, v27;
	v25 =	vld [tilespmem:s8+$0x30]  }
0xa9: {  	v27 =	vmov s17  }
0xaa: {  	v27 =	vshrl.u32 v27, $0x3  }
0xab: {  	v27 =	vshll.u32 v27, v9  }
0xac: {  	v27 =	vbroadcast v27, $0x0  }
0xad: {  	[tilespmem:v26+s16+$0x0] =	vst.idx.msk $0xffff, v25  }
0xae: {  	v26 =	vadd.s32 v21, v27;
	v25 =	vld [tilespmem:s8+$0x40];
	_ =	sdelay $0x4  }
0xaf: {  	[tilespmem:v26+s16+$0x0] =	vst.idx.msk $0xffff, v25  }
0xb0: {  	s18 =	simm.s32 $0x7;
	v26 =	vadd.s32 v22, v27;
	v25 =	vld [tilespmem:s8+$0x50]  }
0xb1: {  	v27 =	vmov s18  }
0xb2: {  	v27 =	vshrl.u32 v27, $0x3  }
0xb3: {  	v27 =	vshll.u32 v27, v9  }
0xb4: {  	v27 =	vbroadcast v27, $0x0  }
0xb5: {  	[tilespmem:v26+s16+$0x0] =	vst.idx.msk $0xffff, v25  }
0xb6: {  	v26 =	vadd.s32 v23, v27;
	v25 =	vld [tilespmem:s8+$0x60];
	_ =	sdelay $0x4  }
0xb7: {  	[tilespmem:v26+s16+$0x0] =	vst.idx.msk $0xffff, v25  }
0xb8: {  	s15 =	simm.s32 $0xF;
	s17 =	simm.s32 $0x17;
	s18 =	simm.s32 $0x8;
	v26 =	vadd.s32 v24, v27;
	v25 =	vld [tilespmem:s8+$0x70]  }
.LBB2_6:
0xb9: {  	p1 =	sne.s32 s17, $0x7F;
	v27 =	vmov s18  }
0xba: {  	v27 =	vshrl.u32 v27, $0x3  }
0xbb: {  	v27 =	vshll.u32 v27, v9  }
0xbc: {  	v27 =	vbroadcast v27, $0x0  }
0xbd: {  	s8 =	sadd.s32 $0x100, s8;
	[tilespmem:v26+s16+$0x0] =	vst.idx.msk $0xffff, v25  }
0xbe: {  	v25 =	vld [tilespmem:s8+$0xFFFFFF80];
	v26 =	vadd.s32 v6, v27;
	_ =	sdelay $0x4  }
0xbf: {  	[tilespmem:v26+s16+$0x0] =	vst.idx.msk $0xffff, v25  }
0xc0: {  	s18 =	sadd.s32 $0xFFFFFFFA, s15;
	v26 =	vadd.s32 v10, v27;
	v25 =	vld [tilespmem:s8+$0xFFFFFF90]  }
0xc1: {  	v27 =	vmov s18  }
0xc2: {  	v27 =	vshrl.u32 v27, $0x3  }
0xc3: {  	v27 =	vshll.u32 v27, v9  }
0xc4: {  	v27 =	vbroadcast v27, $0x0  }
0xc5: {  	[tilespmem:v26+s16+$0x0] =	vst.idx.msk $0xffff, v25  }
0xc6: {  	v26 =	vadd.s32 v11, v27;
	v25 =	vld [tilespmem:s8+$0xFFFFFFA0];
	_ =	sdelay $0x4  }
0xc7: {  	[tilespmem:v26+s16+$0x0] =	vst.idx.msk $0xffff, v25  }
0xc8: {  	s18 =	sadd.s32 $0xFFFFFFFB, s15;
	v26 =	vadd.s32 v12, v27;
	v25 =	vld [tilespmem:s8+$0xFFFFFFB0]  }
0xc9: {  	v27 =	vmov s18  }
0xca: {  	v27 =	vshrl.u32 v27, $0x3  }
0xcb: {  	v27 =	vshll.u32 v27, v9  }
0xcc: {  	v27 =	vbroadcast v27, $0x0  }
0xcd: {  	[tilespmem:v26+s16+$0x0] =	vst.idx.msk $0xffff, v25  }
0xce: {  	v26 =	vadd.s32 v13, v27;
	v25 =	vld [tilespmem:s8+$0xFFFFFFC0];
	_ =	sdelay $0x4  }
0xcf: {  	[tilespmem:v26+s16+$0x0] =	vst.idx.msk $0xffff, v25  }
0xd0: {  	s18 =	sadd.s32 $0xFFFFFFFC, s15;
	v26 =	vadd.s32 v14, v27;
	v25 =	vld [tilespmem:s8+$0xFFFFFFD0]  }
0xd1: {  	v27 =	vmov s18  }
0xd2: {  	v27 =	vshrl.u32 v27, $0x3  }
0xd3: {  	v27 =	vshll.u32 v27, v9  }
0xd4: {  	v27 =	vbroadcast v27, $0x0  }
0xd5: {  	[tilespmem:v26+s16+$0x0] =	vst.idx.msk $0xffff, v25  }
0xd6: {  	v26 =	vadd.s32 v15, v27;
	v25 =	vld [tilespmem:s8+$0xFFFFFFE0];
	_ =	sdelay $0x4  }
0xd7: {  	[tilespmem:v26+s16+$0x0] =	vst.idx.msk $0xffff, v25  }
0xd8: {  	s18 =	sadd.s32 $0xFFFFFFFD, s15;
	v26 =	vadd.s32 v16, v27;
	v25 =	vld [tilespmem:s8+$0xFFFFFFF0]  }
0xd9: {  	v27 =	vmov s18  }
0xda: {  	v27 =	vshrl.u32 v27, $0x3  }
0xdb: {  	v27 =	vshll.u32 v27, v9  }
0xdc: {  	v27 =	vbroadcast v27, $0x0  }
0xdd: {  	[tilespmem:v26+s16+$0x0] =	vst.idx.msk $0xffff, v25  }
0xde: {  	v26 =	vadd.s32 v17, v27;
	v25 =	vld [tilespmem:s8+$0x0];
	_ =	sdelay $0x4  }
0xdf: {  	[tilespmem:v26+s16+$0x0] =	vst.idx.msk $0xffff, v25  }
0xe0: {  	s18 =	sadd.s32 $0xFFFFFFFE, s15;
	v26 =	vadd.s32 v18, v27;
	v25 =	vld [tilespmem:s8+$0x10]  }
0xe1: {  	v27 =	vmov s18  }
0xe2: {  	v27 =	vshrl.u32 v27, $0x3  }
0xe3: {  	v27 =	vshll.u32 v27, v9  }
0xe4: {  	v27 =	vbroadcast v27, $0x0  }
0xe5: {  	[tilespmem:v26+s16+$0x0] =	vst.idx.msk $0xffff, v25  }
0xe6: {  	v26 =	vadd.s32 v19, v27;
	v25 =	vld [tilespmem:s8+$0x20];
	_ =	sdelay $0x4  }
0xe7: {  	[tilespmem:v26+s16+$0x0] =	vst.idx.msk $0xffff, v25  }
0xe8: {  	s18 =	sadd.s32 $0xFFFFFFFF, s15;
	v26 =	vadd.s32 v20, v27;
	v25 =	vld [tilespmem:s8+$0x30]  }
0xe9: {  	v27 =	vmov s18  }
0xea: {  	v27 =	vshrl.u32 v27, $0x3  }
0xeb: {  	v27 =	vshll.u32 v27, v9  }
0xec: {  	v27 =	vbroadcast v27, $0x0  }
0xed: {  	[tilespmem:v26+s16+$0x0] =	vst.idx.msk $0xffff, v25  }
0xee: {  	v26 =	vadd.s32 v21, v27;
	v25 =	vld [tilespmem:s8+$0x40];
	_ =	sdelay $0x4  }
0xef: {  	[tilespmem:v26+s16+$0x0] =	vst.idx.msk $0xffff, v25  }
0xf0: {  	v26 =	vadd.s32 v22, v27;
	v25 =	vld [tilespmem:s8+$0x50]  }
0xf1: {  	v27 =	vmov s15;
	s15 =	smov.u32 s17  }
0xf2: {  	v27 =	vshrl.u32 v27, $0x3  }
0xf3: {  	v27 =	vshll.u32 v27, v9  }
0xf4: {  	v27 =	vbroadcast v27, $0x0  }
0xf5: {  	[tilespmem:v26+s16+$0x0] =	vst.idx.msk $0xffff, v25  }
0xf6: {  	v26 =	vadd.s32 v23, v27;
	v25 =	vld [tilespmem:s8+$0x60];
	_ =	sdelay $0x1  }
.Ltmp1:
0xf7: {  	(pc) =	sbr.rel @p1 .LBB2_6-.Ltmp1, $3  }
0xf8: {  	_ =	sdelay $0x1  }
0xf9: {  	[tilespmem:v26+s16+$0x0] =	vst.idx.msk $0xffff, v25  }
0xfa: {  	s17 =	sadd.s32 $0x8, s17;
	s18 =	sadd.s32 $0xFFFFFFF9, s15;
	v26 =	vadd.s32 v24, v27;
	v25 =	vld [tilespmem:s8+$0x70]  }
0xfb: {  	v27 =	vmov s18  }
0xfc: {  	v27 =	vshrl.u32 v27, $0x3  }
0xfd: {  	v27 =	vshll.u32 v27, v9  }
0xfe: {  	v27 =	vbroadcast v27, $0x0  }
0xff: {  	s8 =	sadd.s32 $0x100, s8;
	[tilespmem:v26+s16+$0x0] =	vst.idx.msk $0xffff, v25  }
0x100: {  	v25 =	vld [tilespmem:s8+$0xFFFFFF80];
	v26 =	vadd.s32 v6, v27;
	_ =	sdelay $0x4  }
0x101: {  	[tilespmem:v26+s16+$0x0] =	vst.idx.msk $0xffff, v25  }
0x102: {  	s17 =	sadd.s32 $0xFFFFFFFA, s15;
	v26 =	vadd.s32 v10, v27;
	v25 =	vld [tilespmem:s8+$0xFFFFFF90]  }
0x103: {  	v27 =	vmov s17  }
0x104: {  	v27 =	vshrl.u32 v27, $0x3  }
0x105: {  	v27 =	vshll.u32 v27, v9  }
0x106: {  	v27 =	vbroadcast v27, $0x0  }
0x107: {  	[tilespmem:v26+s16+$0x0] =	vst.idx.msk $0xffff, v25  }
0x108: {  	v26 =	vadd.s32 v11, v27;
	v25 =	vld [tilespmem:s8+$0xFFFFFFA0];
	_ =	sdelay $0x4  }
0x109: {  	[tilespmem:v26+s16+$0x0] =	vst.idx.msk $0xffff, v25  }
0x10a: {  	s18 =	sadd.s32 $0xFFFFFFFB, s15;
	v26 =	vadd.s32 v12, v27;
	v25 =	vld [tilespmem:s8+$0xFFFFFFB0]  }
0x10b: {  	v27 =	vmov s18  }
0x10c: {  	v27 =	vshrl.u32 v27, $0x3  }
0x10d: {  	v27 =	vshll.u32 v27, v9  }
0x10e: {  	v27 =	vbroadcast v27, $0x0  }
0x10f: {  	[tilespmem:v26+s16+$0x0] =	vst.idx.msk $0xffff, v25  }
0x110: {  	v26 =	vadd.s32 v13, v27;
	v25 =	vld [tilespmem:s8+$0xFFFFFFC0];
	_ =	sdelay $0x4  }
0x111: {  	[tilespmem:v26+s16+$0x0] =	vst.idx.msk $0xffff, v25  }
0x112: {  	s18 =	sadd.s32 $0xFFFFFFFC, s15;
	v26 =	vadd.s32 v14, v27;
	v25 =	vld [tilespmem:s8+$0xFFFFFFD0]  }
0x113: {  	v27 =	vmov s18  }
0x114: {  	v27 =	vshrl.u32 v27, $0x3  }
0x115: {  	v27 =	vshll.u32 v27, v9  }
0x116: {  	v27 =	vbroadcast v27, $0x0  }
0x117: {  	[tilespmem:v26+s16+$0x0] =	vst.idx.msk $0xffff, v25  }
0x118: {  	v26 =	vadd.s32 v15, v27;
	v25 =	vld [tilespmem:s8+$0xFFFFFFE0];
	_ =	sdelay $0x4  }
0x119: {  	[tilespmem:v26+s16+$0x0] =	vst.idx.msk $0xffff, v25  }
0x11a: {  	s18 =	sadd.s32 $0xFFFFFFFD, s15;
	v26 =	vadd.s32 v16, v27;
	v25 =	vld [tilespmem:s8+$0xFFFFFFF0]  }
0x11b: {  	v27 =	vmov s18  }
0x11c: {  	v27 =	vshrl.u32 v27, $0x3  }
0x11d: {  	v27 =	vshll.u32 v27, v9  }
0x11e: {  	v27 =	vbroadcast v27, $0x0  }
0x11f: {  	[tilespmem:v26+s16+$0x0] =	vst.idx.msk $0xffff, v25  }
0x120: {  	v26 =	vadd.s32 v17, v27;
	v25 =	vld [tilespmem:s8+$0x0];
	_ =	sdelay $0x4  }
0x121: {  	[tilespmem:v26+s16+$0x0] =	vst.idx.msk $0xffff, v25  }
0x122: {  	s18 =	sadd.s32 $0xFFFFFFFE, s15;
	v26 =	vadd.s32 v18, v27;
	v25 =	vld [tilespmem:s8+$0x10]  }
0x123: {  	v27 =	vmov s18  }
0x124: {  	v27 =	vshrl.u32 v27, $0x3  }
0x125: {  	v27 =	vshll.u32 v27, v9  }
0x126: {  	v27 =	vbroadcast v27, $0x0  }
0x127: {  	[tilespmem:v26+s16+$0x0] =	vst.idx.msk $0xffff, v25  }
0x128: {  	v26 =	vadd.s32 v19, v27;
	v25 =	vld [tilespmem:s8+$0x20];
	_ =	sdelay $0x4  }
0x129: {  	[tilespmem:v26+s16+$0x0] =	vst.idx.msk $0xffff, v25  }
0x12a: {  	s18 =	sadd.s32 $0xFFFFFFFF, s15;
	v26 =	vadd.s32 v20, v27;
	v25 =	vld [tilespmem:s8+$0x30]  }
0x12b: {  	v27 =	vmov s18  }
0x12c: {  	v27 =	vshrl.u32 v27, $0x3  }
0x12d: {  	v27 =	vshll.u32 v27, v9  }
0x12e: {  	v27 =	vbroadcast v27, $0x0  }
0x12f: {  	[tilespmem:v26+s16+$0x0] =	vst.idx.msk $0xffff, v25  }
0x130: {  	v26 =	vadd.s32 v21, v27;
	v25 =	vld [tilespmem:s8+$0x40];
	_ =	sdelay $0x4  }
0x131: {  	[tilespmem:v26+s16+$0x0] =	vst.idx.msk $0xffff, v25  }
0x132: {  	v26 =	vadd.s32 v22, v27;
	v25 =	vld [tilespmem:s8+$0x50]  }
0x133: {  	v27 =	vmov s15  }
0x134: {  	v27 =	vshrl.u32 v27, $0x3  }
0x135: {  	v27 =	vshll.u32 v27, v9  }
0x136: {  	v27 =	vbroadcast v27, $0x0  }
0x137: {  	[tilespmem:v26+s16+$0x0] =	vst.idx.msk $0xffff, v25  }
0x138: {  	v26 =	vadd.s32 v23, v27;
	v25 =	vld [tilespmem:s8+$0x60];
	_ =	sdelay $0x4  }
0x139: {  	[tilespmem:v26+s16+$0x0] =	vst.idx.msk $0xffff, v25  }
0x13a: {  	v26 =	vadd.s32 v24, v27;
	v25 =	vld [tilespmem:s8+$0x70];
	_ =	sdelay $0x1  }
0x13b: {  	s17 =	sshll.u32 s5, $0x15  }
0x13c: {  	s8 =	sadd.s32 s13, s17  }
0x13d: {  	s8 =	sshrl.u32 s8, $0x3  }
0x13e: {  	s15 =	sadd.s32 s1, s8;
	[tilespmem:v26+s16+$0x0] =	vst.idx.msk $0xffff, v25  }
0x13f: {  	[hbm4b:s15+s2] =	stream.linear.scatter [tilespmem:s16], [sflag:$0x6], $0x80, $0x38;
	[tilespmem:$0x12A00] =	vst v63  }
0x140: {  	s18 =	simm.s32 $0x10888;
	s17 =	sadd.s32 $0x10, s15  }
0x141: {  	[hbm4b:s17+s2] =	stream.linear.scatter [tilespmem:s18], [sflag:$0x6], $0x80, $0x38;
	[tilespmem:$0x12A00] =	vst v63  }
0x142: {  	s17 =	sadd.s32 $0x20, s15;
	s18 =	simm.s32 $0x10910  }
0x143: {  	[hbm4b:s17+s2] =	stream.linear.scatter [tilespmem:s18], [sflag:$0x6], $0x80, $0x38;
	[tilespmem:$0x12A00] =	vst v63  }
0x144: {  	s17 =	sadd.s32 $0x30, s15;
	s18 =	simm.s32 $0x10998  }
0x145: {  	[hbm4b:s17+s2] =	stream.linear.scatter [tilespmem:s18], [sflag:$0x6], $0x80, $0x38;
	[tilespmem:$0x12A00] =	vst v63  }
0x146: {  	s17 =	sadd.s32 $0x40, s15;
	s18 =	simm.s32 $0x10A20  }
0x147: {  	[hbm4b:s17+s2] =	stream.linear.scatter [tilespmem:s18], [sflag:$0x6], $0x80, $0x38;
	[tilespmem:$0x12A00] =	vst v63  }
0x148: {  	s17 =	sadd.s32 $0x50, s15;
	s18 =	simm.s32 $0x10AA8  }
0x149: {  	[hbm4b:s17+s2] =	stream.linear.scatter [tilespmem:s18], [sflag:$0x6], $0x80, $0x38;
	[tilespmem:$0x12A00] =	vst v63  }
0x14a: {  	s17 =	sadd.s32 $0x60, s15;
	s18 =	simm.s32 $0x10B30  }
0x14b: {  	[hbm4b:s17+s2] =	stream.linear.scatter [tilespmem:s18], [sflag:$0x6], $0x80, $0x38;
	[tilespmem:$0x12A00] =	vst v63  }
0x14c: {  	s15 =	sadd.s32 $0x70, s15;
	s18 =	simm.s32 $0x10BB8;
	s17 =	sor.u32 $0x4000, s8  }
0x14d: {  	[hbm4b:s15+s2] =	stream.linear.scatter [tilespmem:s18], [sflag:$0x6], $0x80, $0x38;
	[tilespmem:$0x12A00] =	vst v63  }
0x14e: {  	s15 =	sadd.s32 s1, s17;
	s18 =	simm.s32 $0x10C40  }
0x14f: {  	[hbm4b:s15+s2] =	stream.linear.scatter [tilespmem:s18], [sflag:$0x6], $0x80, $0x38;
	[tilespmem:$0x12A00] =	vst v63  }
0x150: {  	s17 =	sadd.s32 $0x10, s15;
	s18 =	simm.s32 $0x10CC8  }
0x151: {  	[hbm4b:s17+s2] =	stream.linear.scatter [tilespmem:s18], [sflag:$0x6], $0x80, $0x38;
	[tilespmem:$0x12A00] =	vst v63  }
0x152: {  	s17 =	sadd.s32 $0x20, s15;
	s18 =	simm.s32 $0x10D50  }
0x153: {  	[hbm4b:s17+s2] =	stream.linear.scatter [tilespmem:s18], [sflag:$0x6], $0x80, $0x38;
	[tilespmem:$0x12A00] =	vst v63  }
0x154: {  	s17 =	sadd.s32 $0x30, s15;
	s18 =	simm.s32 $0x10DD8  }
0x155: {  	[hbm4b:s17+s2] =	stream.linear.scatter [tilespmem:s18], [sflag:$0x6], $0x80, $0x38;
	[tilespmem:$0x12A00] =	vst v63  }
0x156: {  	s17 =	sadd.s32 $0x40, s15;
	s18 =	simm.s32 $0x10E60  }
0x157: {  	[hbm4b:s17+s2] =	stream.linear.scatter [tilespmem:s18], [sflag:$0x6], $0x80, $0x38;
	[tilespmem:$0x12A00] =	vst v63  }
0x158: {  	s17 =	sadd.s32 $0x50, s15;
	s18 =	simm.s32 $0x10EE8  }
0x159: {  	[hbm4b:s17+s2] =	stream.linear.scatter [tilespmem:s18], [sflag:$0x6], $0x80, $0x38;
	[tilespmem:$0x12A00] =	vst v63  }
0x15a: {  	s17 =	sadd.s32 $0x60, s15;
	s18 =	simm.s32 $0x10F70  }
0x15b: {  	[hbm4b:s17+s2] =	stream.linear.scatter [tilespmem:s18], [sflag:$0x6], $0x80, $0x38;
	[tilespmem:$0x12A00] =	vst v63  }
0x15c: {  	s15 =	sadd.s32 $0x70, s15;
	s18 =	simm.s32 $0x10FF8;
	s17 =	sor.u32 $0x8000, s8  }
0x15d: {  	[hbm4b:s15+s2] =	stream.linear.scatter [tilespmem:s18], [sflag:$0x6], $0x80, $0x38;
	[tilespmem:$0x12A00] =	vst v63  }
0x15e: {  	s15 =	sadd.s32 s1, s17;
	s18 =	simm.s32 $0x11080  }
0x15f: {  	[hbm4b:s15+s2] =	stream.linear.scatter [tilespmem:s18], [sflag:$0x6], $0x80, $0x38;
	[tilespmem:$0x12A00] =	vst v63  }
0x160: {  	s17 =	sadd.s32 $0x10, s15;
	s18 =	simm.s32 $0x11108  }
0x161: {  	[hbm4b:s17+s2] =	stream.linear.scatter [tilespmem:s18], [sflag:$0x6], $0x80, $0x38;
	[tilespmem:$0x12A00] =	vst v63  }
0x162: {  	s17 =	sadd.s32 $0x20, s15;
	s18 =	simm.s32 $0x11190  }
0x163: {  	[hbm4b:s17+s2] =	stream.linear.scatter [tilespmem:s18], [sflag:$0x6], $0x80, $0x38;
	[tilespmem:$0x12A00] =	vst v63  }
0x164: {  	s17 =	sadd.s32 $0x30, s15;
	s18 =	simm.s32 $0x11218  }
0x165: {  	[hbm4b:s17+s2] =	stream.linear.scatter [tilespmem:s18], [sflag:$0x6], $0x80, $0x38;
	[tilespmem:$0x12A00] =	vst v63  }
0x166: {  	s17 =	sadd.s32 $0x40, s15;
	s18 =	simm.s32 $0x112A0  }
0x167: {  	[hbm4b:s17+s2] =	stream.linear.scatter [tilespmem:s18], [sflag:$0x6], $0x80, $0x38;
	[tilespmem:$0x12A00] =	vst v63  }
0x168: {  	s17 =	sadd.s32 $0x50, s15;
	s18 =	simm.s32 $0x11328  }
0x169: {  	[hbm4b:s17+s2] =	stream.linear.scatter [tilespmem:s18], [sflag:$0x6], $0x80, $0x38;
	[tilespmem:$0x12A00] =	vst v63  }
0x16a: {  	s17 =	sadd.s32 $0x60, s15;
	s18 =	simm.s32 $0x113B0  }
0x16b: {  	[hbm4b:s17+s2] =	stream.linear.scatter [tilespmem:s18], [sflag:$0x6], $0x80, $0x38;
	[tilespmem:$0x12A00] =	vst v63  }
0x16c: {  	s15 =	sadd.s32 $0x70, s15;
	s18 =	simm.s32 $0x11438;
	s17 =	sor.u32 $0xC000, s8  }
0x16d: {  	[hbm4b:s15+s2] =	stream.linear.scatter [tilespmem:s18], [sflag:$0x6], $0x80, $0x38;
	[tilespmem:$0x12A00] =	vst v63  }
0x16e: {  	s15 =	sadd.s32 s1, s17;
	s18 =	simm.s32 $0x114C0  }
0x16f: {  	[hbm4b:s15+s2] =	stream.linear.scatter [tilespmem:s18], [sflag:$0x6], $0x80, $0x38;
	[tilespmem:$0x12A00] =	vst v63  }
0x170: {  	s17 =	sadd.s32 $0x10, s15;
	s18 =	simm.s32 $0x11548  }
0x171: {  	[hbm4b:s17+s2] =	stream.linear.scatter [tilespmem:s18], [sflag:$0x6], $0x80, $0x38;
	[tilespmem:$0x12A00] =	vst v63  }
0x172: {  	s17 =	sadd.s32 $0x20, s15;
	s18 =	simm.s32 $0x115D0  }
0x173: {  	[hbm4b:s17+s2] =	stream.linear.scatter [tilespmem:s18], [sflag:$0x6], $0x80, $0x38;
	[tilespmem:$0x12A00] =	vst v63  }
0x174: {  	s17 =	sadd.s32 $0x30, s15;
	s18 =	simm.s32 $0x11658  }
0x175: {  	[hbm4b:s17+s2] =	stream.linear.scatter [tilespmem:s18], [sflag:$0x6], $0x80, $0x38;
	[tilespmem:$0x12A00] =	vst v63  }
0x176: {  	s17 =	sadd.s32 $0x40, s15;
	s18 =	simm.s32 $0x116E0  }
0x177: {  	[hbm4b:s17+s2] =	stream.linear.scatter [tilespmem:s18], [sflag:$0x6], $0x80, $0x38;
	[tilespmem:$0x12A00] =	vst v63  }
0x178: {  	s17 =	sadd.s32 $0x50, s15;
	s18 =	simm.s32 $0x11768  }
0x179: {  	[hbm4b:s17+s2] =	stream.linear.scatter [tilespmem:s18], [sflag:$0x6], $0x80, $0x38;
	[tilespmem:$0x12A00] =	vst v63  }
0x17a: {  	s17 =	sadd.s32 $0x60, s15;
	s18 =	simm.s32 $0x117F0  }
0x17b: {  	[hbm4b:s17+s2] =	stream.linear.scatter [tilespmem:s18], [sflag:$0x6], $0x80, $0x38;
	[tilespmem:$0x12A00] =	vst v63  }
0x17c: {  	s15 =	sadd.s32 $0x70, s15;
	s18 =	simm.s32 $0x11878  }
0x17d: {  	[hbm4b:s15+s2] =	stream.linear.scatter [tilespmem:s18], [sflag:$0x6], $0x80, $0x38;
	[tilespmem:$0x12A00] =	vst v63  }
0x17e: {  	s15 =	simm.s32 @!p0 $0x7  }
0x17f: {  	_ =	swait.ge @!p0 [sflag:s15], $0x400  }
0x180: {  	[sflag:s15] =	ssyncset.done @!p0 $0x0  }
0x181: {  	[sflag:s15] =	ssyncadd.s32 @!p0 $0xFFFFFC00  }
0x182: {  	_ =	swait.ge @!p0 [sflag:s15], $0x400  }
0x183: {  	[sflag:s15] =	ssyncset.done @!p0 $0x0  }
0x184: {  	[sflag:s15] =	ssyncadd.s32 @!p0 $0xFFFFFC00  }
0x185: {  	_ =	swait.ge @!p0 [sflag:s15], $0x400  }
0x186: {  	[sflag:s15] =	ssyncset.done @!p0 $0x0  }
0x187: {  	[sflag:s15] =	ssyncadd.s32 @!p0 $0xFFFFFC00  }
0x188: {  	_ =	swait.ge @!p0 [sflag:s15], $0x400  }
0x189: {  	[sflag:s15] =	ssyncset.done @!p0 $0x0  }
0x18a: {  	s9 =	sor.u32 $0x3, s9;
	s17 =	simm.s32 $0x0;
	[sflag:s15] =	ssyncadd.s32 @!p0 $0xFFFFFC00  }
0x18b: {  	v25 =	vmov s17;
	s18 =	sshll.u32 s9, $0x7;
	_ =	swait.ge [sflag:s23], $0x1000  }
0x18c: {  	v25 =	vshrl.u32 v25, $0x3;
	s17 =	sand.u32 $0x3FFFFF80, s18;
	[sflag:s23] =	ssyncset.done $0x0  }
0x18d: {  	v25 =	vshll.u32 v25, v9;
	s18 =	simm.s32 $0xF800;
	s15 =	sadd.s32 $0x6400, s17;
	[sflag:s23] =	ssyncadd.s32 $0xFFFFF000  }
0x18e: {  	v25 =	vbroadcast v25, $0x0;
	[tilespmem:s18], [sflag:$0x5] =	stream.indirect.gather [hbm4b:s4+s19], $0x20, s15, s19, $0xb8;
	[tilespmem:$0x12A00] =	vst v63  }
0x18f: {  	s15 =	simm.s32 $0xD8F0  }
0x190: {  	v27 =	vadd.s32 v6, v25;
	v26 =	vld [tilespmem:s15+$0xFFFFFF10];
	_ =	sdelay $0x4  }
0x191: {  	[tilespmem:v27+s24+$0x0] =	vst.idx.msk $0xffff, v26  }
0x192: {  	v25 =	vadd.s32 v10, v25;
	s19 =	simm.s32 $0x1;
	v26 =	vld [tilespmem:s15+$0xFFFFFF20]  }
0x193: {  	v27 =	vmov s19  }
0x194: {  	v27 =	vshrl.u32 v27, $0x3  }
0x195: {  	v27 =	vshll.u32 v27, v9  }
0x196: {  	v27 =	vbroadcast v27, $0x0  }
0x197: {  	[tilespmem:v25+s24+$0x0] =	vst.idx.msk $0xffff, v26  }
0x198: {  	v26 =	vadd.s32 v11, v27;
	v25 =	vld [tilespmem:s15+$0xFFFFFF30];
	_ =	sdelay $0x4  }
0x199: {  	[tilespmem:v26+s24+$0x0] =	vst.idx.msk $0xffff, v25  }
0x19a: {  	s18 =	simm.s32 $0x2;
	v26 =	vadd.s32 v12, v27;
	v25 =	vld [tilespmem:s15+$0xFFFFFF40]  }
0x19b: {  	v27 =	vmov s18  }
0x19c: {  	v27 =	vshrl.u32 v27, $0x3  }
0x19d: {  	v27 =	vshll.u32 v27, v9  }
0x19e: {  	v27 =	vbroadcast v27, $0x0  }
0x19f: {  	[tilespmem:v26+s24+$0x0] =	vst.idx.msk $0xffff, v25  }
0x1a0: {  	v26 =	vadd.s32 v13, v27;
	v25 =	vld [tilespmem:s15+$0xFFFFFF50];
	_ =	sdelay $0x4  }
0x1a1: {  	[tilespmem:v26+s24+$0x0] =	vst.idx.msk $0xffff, v25  }
0x1a2: {  	s19 =	simm.s32 $0x3;
	v26 =	vadd.s32 v14, v27;
	v25 =	vld [tilespmem:s15+$0xFFFFFF60]  }
0x1a3: {  	v27 =	vmov s19  }
0x1a4: {  	v27 =	vshrl.u32 v27, $0x3  }
0x1a5: {  	v27 =	vshll.u32 v27, v9  }
0x1a6: {  	v27 =	vbroadcast v27, $0x0  }
0x1a7: {  	[tilespmem:v26+s24+$0x0] =	vst.idx.msk $0xffff, v25  }
0x1a8: {  	v26 =	vadd.s32 v15, v27;
	v25 =	vld [tilespmem:s15+$0xFFFFFF70];
	_ =	sdelay $0x4  }
0x1a9: {  	[tilespmem:v26+s24+$0x0] =	vst.idx.msk $0xffff, v25  }
0x1aa: {  	s18 =	simm.s32 $0x4;
	v26 =	vadd.s32 v16, v27;
	v25 =	vld [tilespmem:s15+$0xFFFFFF80]  }
0x1ab: {  	v27 =	vmov s18  }
0x1ac: {  	v27 =	vshrl.u32 v27, $0x3  }
0x1ad: {  	v27 =	vshll.u32 v27, v9  }
0x1ae: {  	v27 =	vbroadcast v27, $0x0  }
0x1af: {  	[tilespmem:v26+s24+$0x0] =	vst.idx.msk $0xffff, v25  }
0x1b0: {  	v26 =	vadd.s32 v17, v27;
	v25 =	vld [tilespmem:s15+$0xFFFFFF90];
	_ =	sdelay $0x4  }
0x1b1: {  	[tilespmem:v26+s24+$0x0] =	vst.idx.msk $0xffff, v25  }
0x1b2: {  	s19 =	simm.s32 $0x5;
	v26 =	vadd.s32 v18, v27;
	v25 =	vld [tilespmem:s15+$0xFFFFFFA0]  }
0x1b3: {  	v27 =	vmov s19  }
0x1b4: {  	v27 =	vshrl.u32 v27, $0x3  }
0x1b5: {  	v27 =	vshll.u32 v27, v9  }
0x1b6: {  	v27 =	vbroadcast v27, $0x0  }
0x1b7: {  	[tilespmem:v26+s24+$0x0] =	vst.idx.msk $0xffff, v25  }
0x1b8: {  	v26 =	vadd.s32 v19, v27;
	v25 =	vld [tilespmem:s15+$0xFFFFFFB0];
	_ =	sdelay $0x4  }
0x1b9: {  	[tilespmem:v26+s24+$0x0] =	vst.idx.msk $0xffff, v25  }
0x1ba: {  	s18 =	simm.s32 $0x6;
	v26 =	vadd.s32 v20, v27;
	v25 =	vld [tilespmem:s15+$0xFFFFFFC0]  }
0x1bb: {  	v27 =	vmov s18  }
0x1bc: {  	v27 =	vshrl.u32 v27, $0x3  }
0x1bd: {  	v27 =	vshll.u32 v27, v9  }
0x1be: {  	v27 =	vbroadcast v27, $0x0  }
0x1bf: {  	[tilespmem:v26+s24+$0x0] =	vst.idx.msk $0xffff, v25  }
0x1c0: {  	v26 =	vadd.s32 v21, v27;
	v25 =	vld [tilespmem:s15+$0xFFFFFFD0];
	_ =	sdelay $0x4  }
0x1c1: {  	[tilespmem:v26+s24+$0x0] =	vst.idx.msk $0xffff, v25  }
0x1c2: {  	s19 =	simm.s32 $0x7;
	v26 =	vadd.s32 v22, v27;
	v25 =	vld [tilespmem:s15+$0xFFFFFFE0]  }
0x1c3: {  	v27 =	vmov s19  }
0x1c4: {  	v27 =	vshrl.u32 v27, $0x3  }
0x1c5: {  	v27 =	vshll.u32 v27, v9  }
0x1c6: {  	v27 =	vbroadcast v27, $0x0  }
0x1c7: {  	[tilespmem:v26+s24+$0x0] =	vst.idx.msk $0xffff, v25  }
0x1c8: {  	v26 =	vadd.s32 v23, v27;
	v25 =	vld [tilespmem:s15+$0xFFFFFFF0];
	_ =	sdelay $0x4  }
0x1c9: {  	[tilespmem:v26+s24+$0x0] =	vst.idx.msk $0xffff, v25  }
0x1ca: {  	s17 =	simm.s32 $0xF;
	s18 =	simm.s32 $0x17;
	s19 =	simm.s32 $0x8;
	v26 =	vadd.s32 v24, v27;
	v25 =	vld [tilespmem:s15+$0x0]  }
.LBB2_8:
0x1cb: {  	p0 =	sne.s32 s18, $0x7F;
	v27 =	vmov s19  }
0x1cc: {  	v27 =	vshrl.u32 v27, $0x3  }
0x1cd: {  	v27 =	vshll.u32 v27, v9  }
0x1ce: {  	v27 =	vbroadcast v27, $0x0  }
0x1cf: {  	s15 =	sadd.s32 $0x100, s15;
	[tilespmem:v26+s24+$0x0] =	vst.idx.msk $0xffff, v25  }
0x1d0: {  	v25 =	vld [tilespmem:s15+$0xFFFFFF10];
	v26 =	vadd.s32 v6, v27;
	_ =	sdelay $0x4  }
0x1d1: {  	[tilespmem:v26+s24+$0x0] =	vst.idx.msk $0xffff, v25  }
0x1d2: {  	s19 =	sadd.s32 $0xFFFFFFFA, s17;
	v26 =	vadd.s32 v10, v27;
	v25 =	vld [tilespmem:s15+$0xFFFFFF20]  }
0x1d3: {  	v27 =	vmov s19  }
0x1d4: {  	v27 =	vshrl.u32 v27, $0x3  }
0x1d5: {  	v27 =	vshll.u32 v27, v9  }
0x1d6: {  	v27 =	vbroadcast v27, $0x0  }
0x1d7: {  	[tilespmem:v26+s24+$0x0] =	vst.idx.msk $0xffff, v25  }
0x1d8: {  	v26 =	vadd.s32 v11, v27;
	v25 =	vld [tilespmem:s15+$0xFFFFFF30];
	_ =	sdelay $0x4  }
0x1d9: {  	[tilespmem:v26+s24+$0x0] =	vst.idx.msk $0xffff, v25  }
0x1da: {  	s19 =	sadd.s32 $0xFFFFFFFB, s17;
	v26 =	vadd.s32 v12, v27;
	v25 =	vld [tilespmem:s15+$0xFFFFFF40]  }
0x1db: {  	v27 =	vmov s19  }
0x1dc: {  	v27 =	vshrl.u32 v27, $0x3  }
0x1dd: {  	v27 =	vshll.u32 v27, v9  }
0x1de: {  	v27 =	vbroadcast v27, $0x0  }
0x1df: {  	[tilespmem:v26+s24+$0x0] =	vst.idx.msk $0xffff, v25  }
0x1e0: {  	v26 =	vadd.s32 v13, v27;
	v25 =	vld [tilespmem:s15+$0xFFFFFF50];
	_ =	sdelay $0x4  }
0x1e1: {  	[tilespmem:v26+s24+$0x0] =	vst.idx.msk $0xffff, v25  }
0x1e2: {  	s19 =	sadd.s32 $0xFFFFFFFC, s17;
	v26 =	vadd.s32 v14, v27;
	v25 =	vld [tilespmem:s15+$0xFFFFFF60]  }
0x1e3: {  	v27 =	vmov s19  }
0x1e4: {  	v27 =	vshrl.u32 v27, $0x3  }
0x1e5: {  	v27 =	vshll.u32 v27, v9  }
0x1e6: {  	v27 =	vbroadcast v27, $0x0  }
0x1e7: {  	[tilespmem:v26+s24+$0x0] =	vst.idx.msk $0xffff, v25  }
0x1e8: {  	v26 =	vadd.s32 v15, v27;
	v25 =	vld [tilespmem:s15+$0xFFFFFF70];
	_ =	sdelay $0x4  }
0x1e9: {  	[tilespmem:v26+s24+$0x0] =	vst.idx.msk $0xffff, v25  }
0x1ea: {  	s19 =	sadd.s32 $0xFFFFFFFD, s17;
	v26 =	vadd.s32 v16, v27;
	v25 =	vld [tilespmem:s15+$0xFFFFFF80]  }
0x1eb: {  	v27 =	vmov s19  }
0x1ec: {  	v27 =	vshrl.u32 v27, $0x3  }
0x1ed: {  	v27 =	vshll.u32 v27, v9  }
0x1ee: {  	v27 =	vbroadcast v27, $0x0  }
0x1ef: {  	[tilespmem:v26+s24+$0x0] =	vst.idx.msk $0xffff, v25  }
0x1f0: {  	v26 =	vadd.s32 v17, v27;
	v25 =	vld [tilespmem:s15+$0xFFFFFF90];
	_ =	sdelay $0x4  }
0x1f1: {  	[tilespmem:v26+s24+$0x0] =	vst.idx.msk $0xffff, v25  }
0x1f2: {  	s19 =	sadd.s32 $0xFFFFFFFE, s17;
	v26 =	vadd.s32 v18, v27;
	v25 =	vld [tilespmem:s15+$0xFFFFFFA0]  }
0x1f3: {  	v27 =	vmov s19  }
0x1f4: {  	v27 =	vshrl.u32 v27, $0x3  }
0x1f5: {  	v27 =	vshll.u32 v27, v9  }
0x1f6: {  	v27 =	vbroadcast v27, $0x0  }
0x1f7: {  	[tilespmem:v26+s24+$0x0] =	vst.idx.msk $0xffff, v25  }
0x1f8: {  	v26 =	vadd.s32 v19, v27;
	v25 =	vld [tilespmem:s15+$0xFFFFFFB0];
	_ =	sdelay $0x4  }
0x1f9: {  	[tilespmem:v26+s24+$0x0] =	vst.idx.msk $0xffff, v25  }
0x1fa: {  	s19 =	sadd.s32 $0xFFFFFFFF, s17;
	v26 =	vadd.s32 v20, v27;
	v25 =	vld [tilespmem:s15+$0xFFFFFFC0]  }
0x1fb: {  	v27 =	vmov s19  }
0x1fc: {  	v27 =	vshrl.u32 v27, $0x3  }
0x1fd: {  	v27 =	vshll.u32 v27, v9  }
0x1fe: {  	v27 =	vbroadcast v27, $0x0  }
0x1ff: {  	[tilespmem:v26+s24+$0x0] =	vst.idx.msk $0xffff, v25  }
0x200: {  	v26 =	vadd.s32 v21, v27;
	v25 =	vld [tilespmem:s15+$0xFFFFFFD0];
	_ =	sdelay $0x4  }
0x201: {  	[tilespmem:v26+s24+$0x0] =	vst.idx.msk $0xffff, v25  }
0x202: {  	v26 =	vadd.s32 v22, v27;
	v25 =	vld [tilespmem:s15+$0xFFFFFFE0]  }
0x203: {  	v27 =	vmov s17;
	s17 =	smov.u32 s18  }
0x204: {  	v27 =	vshrl.u32 v27, $0x3  }
0x205: {  	v27 =	vshll.u32 v27, v9  }
0x206: {  	v27 =	vbroadcast v27, $0x0  }
0x207: {  	[tilespmem:v26+s24+$0x0] =	vst.idx.msk $0xffff, v25  }
0x208: {  	v26 =	vadd.s32 v23, v27;
	v25 =	vld [tilespmem:s15+$0xFFFFFFF0];
	_ =	sdelay $0x1  }
.Ltmp2:
0x209: {  	(pc) =	sbr.rel @p0 .LBB2_8-.Ltmp2, $3  }
0x20a: {  	_ =	sdelay $0x1  }
0x20b: {  	[tilespmem:v26+s24+$0x0] =	vst.idx.msk $0xffff, v25  }
0x20c: {  	s18 =	sadd.s32 $0x8, s18;
	s19 =	sadd.s32 $0xFFFFFFF9, s17;
	v26 =	vadd.s32 v24, v27;
	v25 =	vld [tilespmem:s15+$0x0]  }
0x20d: {  	v27 =	vmov s19  }
0x20e: {  	v27 =	vshrl.u32 v27, $0x3  }
0x20f: {  	v27 =	vshll.u32 v27, v9  }
0x210: {  	v27 =	vbroadcast v27, $0x0  }
0x211: {  	s15 =	sadd.s32 $0x100, s15;
	[tilespmem:v26+s24+$0x0] =	vst.idx.msk $0xffff, v25  }
0x212: {  	v25 =	vld [tilespmem:s15+$0xFFFFFF10];
	v26 =	vadd.s32 v6, v27;
	_ =	sdelay $0x4  }
0x213: {  	[tilespmem:v26+s24+$0x0] =	vst.idx.msk $0xffff, v25  }
0x214: {  	s18 =	sadd.s32 $0xFFFFFFFA, s17;
	v26 =	vadd.s32 v10, v27;
	v25 =	vld [tilespmem:s15+$0xFFFFFF20]  }
0x215: {  	v27 =	vmov s18  }
0x216: {  	v27 =	vshrl.u32 v27, $0x3  }
0x217: {  	v27 =	vshll.u32 v27, v9  }
0x218: {  	v27 =	vbroadcast v27, $0x0  }
0x219: {  	[tilespmem:v26+s24+$0x0] =	vst.idx.msk $0xffff, v25  }
0x21a: {  	v26 =	vadd.s32 v11, v27;
	v25 =	vld [tilespmem:s15+$0xFFFFFF30];
	_ =	sdelay $0x4  }
0x21b: {  	[tilespmem:v26+s24+$0x0] =	vst.idx.msk $0xffff, v25  }
0x21c: {  	s19 =	sadd.s32 $0xFFFFFFFB, s17;
	v26 =	vadd.s32 v12, v27;
	v25 =	vld [tilespmem:s15+$0xFFFFFF40]  }
0x21d: {  	v27 =	vmov s19  }
0x21e: {  	v27 =	vshrl.u32 v27, $0x3  }
0x21f: {  	v27 =	vshll.u32 v27, v9  }
0x220: {  	v27 =	vbroadcast v27, $0x0  }
0x221: {  	[tilespmem:v26+s24+$0x0] =	vst.idx.msk $0xffff, v25  }
0x222: {  	v26 =	vadd.s32 v13, v27;
	v25 =	vld [tilespmem:s15+$0xFFFFFF50];
	_ =	sdelay $0x4  }
0x223: {  	[tilespmem:v26+s24+$0x0] =	vst.idx.msk $0xffff, v25  }
0x224: {  	s19 =	sadd.s32 $0xFFFFFFFC, s17;
	v26 =	vadd.s32 v14, v27;
	v25 =	vld [tilespmem:s15+$0xFFFFFF60]  }
0x225: {  	v27 =	vmov s19  }
0x226: {  	v27 =	vshrl.u32 v27, $0x3  }
0x227: {  	v27 =	vshll.u32 v27, v9  }
0x228: {  	v27 =	vbroadcast v27, $0x0  }
0x229: {  	[tilespmem:v26+s24+$0x0] =	vst.idx.msk $0xffff, v25  }
0x22a: {  	v26 =	vadd.s32 v15, v27;
	v25 =	vld [tilespmem:s15+$0xFFFFFF70];
	_ =	sdelay $0x4  }
0x22b: {  	[tilespmem:v26+s24+$0x0] =	vst.idx.msk $0xffff, v25  }
0x22c: {  	s19 =	sadd.s32 $0xFFFFFFFD, s17;
	v26 =	vadd.s32 v16, v27;
	v25 =	vld [tilespmem:s15+$0xFFFFFF80]  }
0x22d: {  	v27 =	vmov s19  }
0x22e: {  	v27 =	vshrl.u32 v27, $0x3  }
0x22f: {  	v27 =	vshll.u32 v27, v9  }
0x230: {  	v27 =	vbroadcast v27, $0x0  }
0x231: {  	[tilespmem:v26+s24+$0x0] =	vst.idx.msk $0xffff, v25  }
0x232: {  	v26 =	vadd.s32 v17, v27;
	v25 =	vld [tilespmem:s15+$0xFFFFFF90];
	_ =	sdelay $0x4  }
0x233: {  	[tilespmem:v26+s24+$0x0] =	vst.idx.msk $0xffff, v25  }
0x234: {  	s19 =	sadd.s32 $0xFFFFFFFE, s17;
	v26 =	vadd.s32 v18, v27;
	v25 =	vld [tilespmem:s15+$0xFFFFFFA0]  }
0x235: {  	v27 =	vmov s19  }
0x236: {  	v27 =	vshrl.u32 v27, $0x3  }
0x237: {  	v27 =	vshll.u32 v27, v9  }
0x238: {  	v27 =	vbroadcast v27, $0x0  }
0x239: {  	[tilespmem:v26+s24+$0x0] =	vst.idx.msk $0xffff, v25  }
0x23a: {  	v26 =	vadd.s32 v19, v27;
	v25 =	vld [tilespmem:s15+$0xFFFFFFB0];
	_ =	sdelay $0x4  }
0x23b: {  	[tilespmem:v26+s24+$0x0] =	vst.idx.msk $0xffff, v25  }
0x23c: {  	s19 =	sadd.s32 $0xFFFFFFFF, s17;
	v26 =	vadd.s32 v20, v27;
	v25 =	vld [tilespmem:s15+$0xFFFFFFC0]  }
0x23d: {  	v27 =	vmov s19  }
0x23e: {  	v27 =	vshrl.u32 v27, $0x3  }
0x23f: {  	v27 =	vshll.u32 v27, v9  }
0x240: {  	v27 =	vbroadcast v27, $0x0  }
0x241: {  	[tilespmem:v26+s24+$0x0] =	vst.idx.msk $0xffff, v25  }
0x242: {  	v26 =	vadd.s32 v21, v27;
	v25 =	vld [tilespmem:s15+$0xFFFFFFD0];
	_ =	sdelay $0x4  }
0x243: {  	[tilespmem:v26+s24+$0x0] =	vst.idx.msk $0xffff, v25  }
0x244: {  	v26 =	vadd.s32 v22, v27;
	v25 =	vld [tilespmem:s15+$0xFFFFFFE0]  }
0x245: {  	v27 =	vmov s17  }
0x246: {  	v27 =	vshrl.u32 v27, $0x3  }
0x247: {  	v27 =	vshll.u32 v27, v9  }
0x248: {  	v27 =	vbroadcast v27, $0x0  }
0x249: {  	[tilespmem:v26+s24+$0x0] =	vst.idx.msk $0xffff, v25  }
0x24a: {  	v26 =	vadd.s32 v23, v27;
	v25 =	vld [tilespmem:s15+$0xFFFFFFF0];
	_ =	sdelay $0x4  }
0x24b: {  	[tilespmem:v26+s24+$0x0] =	vst.idx.msk $0xffff, v25  }
0x24c: {  	v26 =	vadd.s32 v24, v27;
	v25 =	vld [tilespmem:s15+$0x0];
	_ =	sdelay $0x3  }
0x24d: {  	s17 =	sor.u32 $0x10000, s8  }
0x24e: {  	s15 =	sadd.s32 s1, s17;
	[tilespmem:v26+s24+$0x0] =	vst.idx.msk $0xffff, v25  }
0x24f: {  	[hbm4b:s15+s2] =	stream.linear.scatter [tilespmem:s24], [sflag:$0x7], $0x80, $0x38;
	[tilespmem:$0x12A00] =	vst v63  }
0x250: {  	s19 =	simm.s32 $0x11988;
	s18 =	sadd.s32 $0x10, s15  }
0x251: {  	[hbm4b:s18+s2] =	stream.linear.scatter [tilespmem:s19], [sflag:$0x7], $0x80, $0x38;
	[tilespmem:$0x12A00] =	vst v63  }
0x252: {  	s18 =	sadd.s32 $0x20, s15;
	s19 =	simm.s32 $0x11A10  }
0x253: {  	[hbm4b:s18+s2] =	stream.linear.scatter [tilespmem:s19], [sflag:$0x7], $0x80, $0x38;
	[tilespmem:$0x12A00] =	vst v63  }
0x254: {  	s18 =	sadd.s32 $0x30, s15;
	s19 =	simm.s32 $0x11A98  }
0x255: {  	[hbm4b:s18+s2] =	stream.linear.scatter [tilespmem:s19], [sflag:$0x7], $0x80, $0x38;
	[tilespmem:$0x12A00] =	vst v63  }
0x256: {  	s18 =	sadd.s32 $0x40, s15;
	s19 =	simm.s32 $0x11B20  }
0x257: {  	[hbm4b:s18+s2] =	stream.linear.scatter [tilespmem:s19], [sflag:$0x7], $0x80, $0x38;
	[tilespmem:$0x12A00] =	vst v63  }
0x258: {  	s18 =	sadd.s32 $0x50, s15;
	s19 =	simm.s32 $0x11BA8  }
0x259: {  	[hbm4b:s18+s2] =	stream.linear.scatter [tilespmem:s19], [sflag:$0x7], $0x80, $0x38;
	[tilespmem:$0x12A00] =	vst v63  }
0x25a: {  	s18 =	sadd.s32 $0x60, s15;
	s19 =	simm.s32 $0x11C30  }
0x25b: {  	[hbm4b:s18+s2] =	stream.linear.scatter [tilespmem:s19], [sflag:$0x7], $0x80, $0x38;
	[tilespmem:$0x12A00] =	vst v63  }
0x25c: {  	s15 =	sadd.s32 $0x70, s15;
	s19 =	simm.s32 $0x11CB8;
	s18 =	sor.u32 $0x14000, s8  }
0x25d: {  	[hbm4b:s15+s2] =	stream.linear.scatter [tilespmem:s19], [sflag:$0x7], $0x80, $0x38;
	[tilespmem:$0x12A00] =	vst v63  }
0x25e: {  	s15 =	sadd.s32 s1, s18;
	s19 =	simm.s32 $0x11D40  }
0x25f: {  	[hbm4b:s15+s2] =	stream.linear.scatter [tilespmem:s19], [sflag:$0x7], $0x80, $0x38;
	[tilespmem:$0x12A00] =	vst v63  }
0x260: {  	s18 =	sadd.s32 $0x10, s15;
	s19 =	simm.s32 $0x11DC8  }
0x261: {  	[hbm4b:s18+s2] =	stream.linear.scatter [tilespmem:s19], [sflag:$0x7], $0x80, $0x38;
	[tilespmem:$0x12A00] =	vst v63  }
0x262: {  	s18 =	sadd.s32 $0x20, s15;
	s19 =	simm.s32 $0x11E50  }
0x263: {  	[hbm4b:s18+s2] =	stream.linear.scatter [tilespmem:s19], [sflag:$0x7], $0x80, $0x38;
	[tilespmem:$0x12A00] =	vst v63  }
0x264: {  	s18 =	sadd.s32 $0x30, s15;
	s19 =	simm.s32 $0x11ED8  }
0x265: {  	[hbm4b:s18+s2] =	stream.linear.scatter [tilespmem:s19], [sflag:$0x7], $0x80, $0x38;
	[tilespmem:$0x12A00] =	vst v63  }
0x266: {  	s18 =	sadd.s32 $0x40, s15;
	s19 =	simm.s32 $0x11F60  }
0x267: {  	[hbm4b:s18+s2] =	stream.linear.scatter [tilespmem:s19], [sflag:$0x7], $0x80, $0x38;
	[tilespmem:$0x12A00] =	vst v63  }
0x268: {  	s18 =	sadd.s32 $0x50, s15;
	s19 =	simm.s32 $0x11FE8  }
0x269: {  	[hbm4b:s18+s2] =	stream.linear.scatter [tilespmem:s19], [sflag:$0x7], $0x80, $0x38;
	[tilespmem:$0x12A00] =	vst v63  }
0x26a: {  	s18 =	sadd.s32 $0x60, s15;
	s19 =	simm.s32 $0x12070  }
0x26b: {  	[hbm4b:s18+s2] =	stream.linear.scatter [tilespmem:s19], [sflag:$0x7], $0x80, $0x38;
	[tilespmem:$0x12A00] =	vst v63  }
0x26c: {  	s15 =	sadd.s32 $0x70, s15;
	s19 =	simm.s32 $0x120F8;
	s18 =	sor.u32 $0x18000, s8  }
0x26d: {  	[hbm4b:s15+s2] =	stream.linear.scatter [tilespmem:s19], [sflag:$0x7], $0x80, $0x38;
	[tilespmem:$0x12A00] =	vst v63  }
0x26e: {  	s15 =	sadd.s32 s1, s18;
	s19 =	simm.s32 $0x12180  }
0x26f: {  	[hbm4b:s15+s2] =	stream.linear.scatter [tilespmem:s19], [sflag:$0x7], $0x80, $0x38;
	[tilespmem:$0x12A00] =	vst v63  }
0x270: {  	s18 =	sadd.s32 $0x10, s15;
	s19 =	simm.s32 $0x12208  }
0x271: {  	[hbm4b:s18+s2] =	stream.linear.scatter [tilespmem:s19], [sflag:$0x7], $0x80, $0x38;
	[tilespmem:$0x12A00] =	vst v63  }
0x272: {  	s18 =	sadd.s32 $0x20, s15;
	s19 =	simm.s32 $0x12290  }
0x273: {  	[hbm4b:s18+s2] =	stream.linear.scatter [tilespmem:s19], [sflag:$0x7], $0x80, $0x38;
	[tilespmem:$0x12A00] =	vst v63  }
0x274: {  	s18 =	sadd.s32 $0x30, s15;
	s19 =	simm.s32 $0x12318  }
0x275: {  	[hbm4b:s18+s2] =	stream.linear.scatter [tilespmem:s19], [sflag:$0x7], $0x80, $0x38;
	[tilespmem:$0x12A00] =	vst v63  }
0x276: {  	s18 =	sadd.s32 $0x40, s15;
	s19 =	simm.s32 $0x123A0  }
0x277: {  	[hbm4b:s18+s2] =	stream.linear.scatter [tilespmem:s19], [sflag:$0x7], $0x80, $0x38;
	[tilespmem:$0x12A00] =	vst v63  }
0x278: {  	s18 =	sadd.s32 $0x50, s15  }
0x279: {  	[hbm4b:s18+s2] =	stream.linear.scatter [tilespmem:s20], [sflag:$0x7], $0x80, $0x38;
	[tilespmem:$0x12A00] =	vst v63  }
0x27a: {  	s19 =	sadd.s32 $0x60, s15  }
0x27b: {  	[hbm4b:s19+s2] =	stream.linear.scatter [tilespmem:s21], [sflag:$0x7], $0x80, $0x38;
	[tilespmem:$0x12A00] =	vst v63  }
0x27c: {  	s17 =	sor.u32 $0x1C000, s8;
	s15 =	sadd.s32 $0x70, s15  }
0x27d: {  	[hbm4b:s15+s2] =	stream.linear.scatter [tilespmem:s22], [sflag:$0x7], $0x80, $0x38;
	[tilespmem:$0x12A00] =	vst v63  }
0x27e: {  	s8 =	sadd.s32 s1, s17  }
0x27f: {  	[hbm4b:s8+s2] =	stream.linear.scatter [tilespmem:s25], [sflag:$0x7], $0x80, $0x38;
	[tilespmem:$0x12A00] =	vst v63  }
0x280: {  	s18 =	sadd.s32 $0x10, s8  }
0x281: {  	[hbm4b:s18+s2] =	stream.linear.scatter [tilespmem:s26], [sflag:$0x7], $0x80, $0x38;
	[tilespmem:$0x12A00] =	vst v63  }
0x282: {  	s19 =	sadd.s32 $0x20, s8  }
0x283: {  	[hbm4b:s19+s2] =	stream.linear.scatter [tilespmem:s28], [sflag:$0x7], $0x80, $0x38;
	[tilespmem:$0x12A00] =	vst v63  }
0x284: {  	s17 =	sadd.s32 $0x30, s8  }
0x285: {  	[hbm4b:s17+s2] =	stream.linear.scatter [tilespmem:s29], [sflag:$0x7], $0x80, $0x38;
	[tilespmem:$0x12A00] =	vst v63  }
0x286: {  	s18 =	sadd.s32 $0x40, s8  }
0x287: {  	[hbm4b:s18+s2] =	stream.linear.scatter [tilespmem:s30], [sflag:$0x7], $0x80, $0x38;
	[tilespmem:$0x12A00] =	vst v63  }
0x288: {  	s19 =	sadd.s32 $0x50, s8  }
0x289: {  	[hbm4b:s19+s2] =	stream.linear.scatter [tilespmem:s31], [sflag:$0x7], $0x80, $0x38;
	[tilespmem:$0x12A00] =	vst v63  }
0x28a: {  	s17 =	sadd.s32 $0x60, s8  }
0x28b: {  	[hbm4b:s17+s2] =	stream.linear.scatter [tilespmem:s0], [sflag:$0x7], $0x80, $0x38;
	[tilespmem:$0x12A00] =	vst v63  }
0x28c: {  	s8 =	sadd.s32 $0x70, s8  }
0x28d: {  	[hbm4b:s8+s2] =	stream.linear.scatter [tilespmem:s3], [sflag:$0x7], $0x80, $0x38;
	[tilespmem:$0x12A00] =	vst v63  }
0x28e: {  	_ =	swait.ge [sflag:s7], $0x400  }
0x28f: {  	[sflag:s7] =	ssyncset.done $0x0  }
0x290: {  	[sflag:s7] =	ssyncadd.s32 $0xFFFFFC00  }
0x291: {  	_ =	swait.ge [sflag:s7], $0x400  }
0x292: {  	[sflag:s7] =	ssyncset.done $0x0  }
0x293: {  	[sflag:s7] =	ssyncadd.s32 $0xFFFFFC00  }
0x294: {  	_ =	swait.ge [sflag:s7], $0x400  }
0x295: {  	[sflag:s7] =	ssyncset.done $0x0  }
0x296: {  	[sflag:s7] =	ssyncadd.s32 $0xFFFFFC00  }
0x297: {  	_ =	swait.ge [sflag:s7], $0x400  }
0x298: {  	[sflag:s7] =	ssyncset.done $0x0  }
0x299: {  	p0 =	seq.s32 s5, $0x31;
	s18 =	simm.s32 $0x0;
	[sflag:s7] =	ssyncadd.s32 $0xFFFFFC00  }
0x29a: {  	s15 =	sshll.u32 @!p0 s5, $0x9;
	v25 =	vmov s18;
	_ =	swait.ge [sflag:s10], $0x1000  }
0x29b: {  	s18 =	simm.s32 @!p0 $0xC800;
	v25 =	vshrl.u32 v25, $0x3;
	s8 =	sand.u32 @!p0 $0x3FFFFE00, s15;
	[sflag:s10] =	ssyncset.done $0x0  }
0x29c: {  	v25 =	vshll.u32 v25, v9;
	s17 =	simm.s32 @!p0 $0x80;
	s15 =	sadd.s32 @!p0 $0x6600, s8;
	[sflag:s10] =	ssyncadd.s32 $0xFFFFF000  }
0x29d: {  	v25 =	vbroadcast v25, $0x0;
	[tilespmem:s18], [sflag:$0x2] =	stream.indirect.gather @!p0 [hbm4b:s4+s17], $0x20, s15, s17, $0xb8;
	[tilespmem:$0x12A00] =	vst v63  }
0x29e: {  	s15 =	simm.s32 $0xE8F0  }
0x29f: {  	v27 =	vadd.s32 v6, v25;
	v26 =	vld [tilespmem:s15+$0xFFFFFF10];
	_ =	sdelay $0x4  }
0x2a0: {  	[tilespmem:v27+s16+$0x0] =	vst.idx.msk $0xffff, v26  }
0x2a1: {  	s19 =	simm.s32 $0x1;
	v25 =	vadd.s32 v10, v25;
	v26 =	vld [tilespmem:s15+$0xFFFFFF20]  }
0x2a2: {  	v27 =	vmov s19  }
0x2a3: {  	v27 =	vshrl.u32 v27, $0x3  }
0x2a4: {  	v27 =	vshll.u32 v27, v9  }
0x2a5: {  	v27 =	vbroadcast v27, $0x0  }
0x2a6: {  	[tilespmem:v25+s16+$0x0] =	vst.idx.msk $0xffff, v26  }
0x2a7: {  	v26 =	vadd.s32 v11, v27;
	v25 =	vld [tilespmem:s15+$0xFFFFFF30];
	_ =	sdelay $0x4  }
0x2a8: {  	[tilespmem:v26+s16+$0x0] =	vst.idx.msk $0xffff, v25  }
0x2a9: {  	s18 =	simm.s32 $0x2;
	v26 =	vadd.s32 v12, v27;
	v25 =	vld [tilespmem:s15+$0xFFFFFF40]  }
0x2aa: {  	v27 =	vmov s18  }
0x2ab: {  	v27 =	vshrl.u32 v27, $0x3  }
0x2ac: {  	v27 =	vshll.u32 v27, v9  }
0x2ad: {  	v27 =	vbroadcast v27, $0x0  }
0x2ae: {  	[tilespmem:v26+s16+$0x0] =	vst.idx.msk $0xffff, v25  }
0x2af: {  	v26 =	vadd.s32 v13, v27;
	v25 =	vld [tilespmem:s15+$0xFFFFFF50];
	_ =	sdelay $0x4  }
0x2b0: {  	[tilespmem:v26+s16+$0x0] =	vst.idx.msk $0xffff, v25  }
0x2b1: {  	s19 =	simm.s32 $0x3;
	v26 =	vadd.s32 v14, v27;
	v25 =	vld [tilespmem:s15+$0xFFFFFF60]  }
0x2b2: {  	v27 =	vmov s19  }
0x2b3: {  	v27 =	vshrl.u32 v27, $0x3  }
0x2b4: {  	v27 =	vshll.u32 v27, v9  }
0x2b5: {  	v27 =	vbroadcast v27, $0x0  }
0x2b6: {  	[tilespmem:v26+s16+$0x0] =	vst.idx.msk $0xffff, v25  }
0x2b7: {  	v26 =	vadd.s32 v15, v27;
	v25 =	vld [tilespmem:s15+$0xFFFFFF70];
	_ =	sdelay $0x4  }
0x2b8: {  	[tilespmem:v26+s16+$0x0] =	vst.idx.msk $0xffff, v25  }
0x2b9: {  	s18 =	simm.s32 $0x4;
	v26 =	vadd.s32 v16, v27;
	v25 =	vld [tilespmem:s15+$0xFFFFFF80]  }
0x2ba: {  	v27 =	vmov s18  }
0x2bb: {  	v27 =	vshrl.u32 v27, $0x3  }
0x2bc: {  	v27 =	vshll.u32 v27, v9  }
0x2bd: {  	v27 =	vbroadcast v27, $0x0  }
0x2be: {  	[tilespmem:v26+s16+$0x0] =	vst.idx.msk $0xffff, v25  }
0x2bf: {  	v26 =	vadd.s32 v17, v27;
	v25 =	vld [tilespmem:s15+$0xFFFFFF90];
	_ =	sdelay $0x4  }
0x2c0: {  	[tilespmem:v26+s16+$0x0] =	vst.idx.msk $0xffff, v25  }
0x2c1: {  	s19 =	simm.s32 $0x5;
	v26 =	vadd.s32 v18, v27;
	v25 =	vld [tilespmem:s15+$0xFFFFFFA0]  }
0x2c2: {  	v27 =	vmov s19  }
0x2c3: {  	v27 =	vshrl.u32 v27, $0x3  }
0x2c4: {  	v27 =	vshll.u32 v27, v9  }
0x2c5: {  	v27 =	vbroadcast v27, $0x0  }
0x2c6: {  	[tilespmem:v26+s16+$0x0] =	vst.idx.msk $0xffff, v25  }
0x2c7: {  	v26 =	vadd.s32 v19, v27;
	v25 =	vld [tilespmem:s15+$0xFFFFFFB0];
	_ =	sdelay $0x4  }
0x2c8: {  	[tilespmem:v26+s16+$0x0] =	vst.idx.msk $0xffff, v25  }
0x2c9: {  	s18 =	simm.s32 $0x6;
	v26 =	vadd.s32 v20, v27;
	v25 =	vld [tilespmem:s15+$0xFFFFFFC0]  }
0x2ca: {  	v27 =	vmov s18  }
0x2cb: {  	v27 =	vshrl.u32 v27, $0x3  }
0x2cc: {  	v27 =	vshll.u32 v27, v9  }
0x2cd: {  	v27 =	vbroadcast v27, $0x0  }
0x2ce: {  	[tilespmem:v26+s16+$0x0] =	vst.idx.msk $0xffff, v25  }
0x2cf: {  	v26 =	vadd.s32 v21, v27;
	v25 =	vld [tilespmem:s15+$0xFFFFFFD0];
	_ =	sdelay $0x4  }
0x2d0: {  	[tilespmem:v26+s16+$0x0] =	vst.idx.msk $0xffff, v25  }
0x2d1: {  	s19 =	simm.s32 $0x7;
	v26 =	vadd.s32 v22, v27;
	v25 =	vld [tilespmem:s15+$0xFFFFFFE0]  }
0x2d2: {  	v27 =	vmov s19  }
0x2d3: {  	v27 =	vshrl.u32 v27, $0x3  }
0x2d4: {  	v27 =	vshll.u32 v27, v9  }
0x2d5: {  	v27 =	vbroadcast v27, $0x0  }
0x2d6: {  	[tilespmem:v26+s16+$0x0] =	vst.idx.msk $0xffff, v25  }
0x2d7: {  	v26 =	vadd.s32 v23, v27;
	v25 =	vld [tilespmem:s15+$0xFFFFFFF0];
	_ =	sdelay $0x4  }
0x2d8: {  	[tilespmem:v26+s16+$0x0] =	vst.idx.msk $0xffff, v25  }
0x2d9: {  	s17 =	simm.s32 $0xF;
	s18 =	simm.s32 $0x17;
	s19 =	simm.s32 $0x8;
	v26 =	vadd.s32 v24, v27;
	v25 =	vld [tilespmem:s15+$0x0]  }
.LBB2_10:
0x2da: {  	p1 =	sne.s32 s18, $0x7F;
	v27 =	vmov s19  }
0x2db: {  	v27 =	vshrl.u32 v27, $0x3  }
0x2dc: {  	v27 =	vshll.u32 v27, v9  }
0x2dd: {  	v27 =	vbroadcast v27, $0x0  }
0x2de: {  	s15 =	sadd.s32 $0x100, s15;
	[tilespmem:v26+s16+$0x0] =	vst.idx.msk $0xffff, v25  }
0x2df: {  	v25 =	vld [tilespmem:s15+$0xFFFFFF10];
	v26 =	vadd.s32 v6, v27;
	_ =	sdelay $0x4  }
0x2e0: {  	[tilespmem:v26+s16+$0x0] =	vst.idx.msk $0xffff, v25  }
0x2e1: {  	s19 =	sadd.s32 $0xFFFFFFFA, s17;
	v26 =	vadd.s32 v10, v27;
	v25 =	vld [tilespmem:s15+$0xFFFFFF20]  }
0x2e2: {  	v27 =	vmov s19  }
0x2e3: {  	v27 =	vshrl.u32 v27, $0x3  }
0x2e4: {  	v27 =	vshll.u32 v27, v9  }
0x2e5: {  	v27 =	vbroadcast v27, $0x0  }
0x2e6: {  	[tilespmem:v26+s16+$0x0] =	vst.idx.msk $0xffff, v25  }
0x2e7: {  	v26 =	vadd.s32 v11, v27;
	v25 =	vld [tilespmem:s15+$0xFFFFFF30];
	_ =	sdelay $0x4  }
0x2e8: {  	[tilespmem:v26+s16+$0x0] =	vst.idx.msk $0xffff, v25  }
0x2e9: {  	s19 =	sadd.s32 $0xFFFFFFFB, s17;
	v26 =	vadd.s32 v12, v27;
	v25 =	vld [tilespmem:s15+$0xFFFFFF40]  }
0x2ea: {  	v27 =	vmov s19  }
0x2eb: {  	v27 =	vshrl.u32 v27, $0x3  }
0x2ec: {  	v27 =	vshll.u32 v27, v9  }
0x2ed: {  	v27 =	vbroadcast v27, $0x0  }
0x2ee: {  	[tilespmem:v26+s16+$0x0] =	vst.idx.msk $0xffff, v25  }
0x2ef: {  	v26 =	vadd.s32 v13, v27;
	v25 =	vld [tilespmem:s15+$0xFFFFFF50];
	_ =	sdelay $0x4  }
0x2f0: {  	[tilespmem:v26+s16+$0x0] =	vst.idx.msk $0xffff, v25  }
0x2f1: {  	s19 =	sadd.s32 $0xFFFFFFFC, s17;
	v26 =	vadd.s32 v14, v27;
	v25 =	vld [tilespmem:s15+$0xFFFFFF60]  }
0x2f2: {  	v27 =	vmov s19  }
0x2f3: {  	v27 =	vshrl.u32 v27, $0x3  }
0x2f4: {  	v27 =	vshll.u32 v27, v9  }
0x2f5: {  	v27 =	vbroadcast v27, $0x0  }
0x2f6: {  	[tilespmem:v26+s16+$0x0] =	vst.idx.msk $0xffff, v25  }
0x2f7: {  	v26 =	vadd.s32 v15, v27;
	v25 =	vld [tilespmem:s15+$0xFFFFFF70];
	_ =	sdelay $0x4  }
0x2f8: {  	[tilespmem:v26+s16+$0x0] =	vst.idx.msk $0xffff, v25  }
0x2f9: {  	s19 =	sadd.s32 $0xFFFFFFFD, s17;
	v26 =	vadd.s32 v16, v27;
	v25 =	vld [tilespmem:s15+$0xFFFFFF80]  }
0x2fa: {  	v27 =	vmov s19  }
0x2fb: {  	v27 =	vshrl.u32 v27, $0x3  }
0x2fc: {  	v27 =	vshll.u32 v27, v9  }
0x2fd: {  	v27 =	vbroadcast v27, $0x0  }
0x2fe: {  	[tilespmem:v26+s16+$0x0] =	vst.idx.msk $0xffff, v25  }
0x2ff: {  	v26 =	vadd.s32 v17, v27;
	v25 =	vld [tilespmem:s15+$0xFFFFFF90];
	_ =	sdelay $0x4  }
0x300: {  	[tilespmem:v26+s16+$0x0] =	vst.idx.msk $0xffff, v25  }
0x301: {  	s19 =	sadd.s32 $0xFFFFFFFE, s17;
	v26 =	vadd.s32 v18, v27;
	v25 =	vld [tilespmem:s15+$0xFFFFFFA0]  }
0x302: {  	v27 =	vmov s19  }
0x303: {  	v27 =	vshrl.u32 v27, $0x3  }
0x304: {  	v27 =	vshll.u32 v27, v9  }
0x305: {  	v27 =	vbroadcast v27, $0x0  }
0x306: {  	[tilespmem:v26+s16+$0x0] =	vst.idx.msk $0xffff, v25  }
0x307: {  	v26 =	vadd.s32 v19, v27;
	v25 =	vld [tilespmem:s15+$0xFFFFFFB0];
	_ =	sdelay $0x4  }
0x308: {  	[tilespmem:v26+s16+$0x0] =	vst.idx.msk $0xffff, v25  }
0x309: {  	s19 =	sadd.s32 $0xFFFFFFFF, s17;
	v26 =	vadd.s32 v20, v27;
	v25 =	vld [tilespmem:s15+$0xFFFFFFC0]  }
0x30a: {  	v27 =	vmov s19  }
0x30b: {  	v27 =	vshrl.u32 v27, $0x3  }
0x30c: {  	v27 =	vshll.u32 v27, v9  }
0x30d: {  	v27 =	vbroadcast v27, $0x0  }
0x30e: {  	[tilespmem:v26+s16+$0x0] =	vst.idx.msk $0xffff, v25  }
0x30f: {  	v26 =	vadd.s32 v21, v27;
	v25 =	vld [tilespmem:s15+$0xFFFFFFD0];
	_ =	sdelay $0x4  }
0x310: {  	[tilespmem:v26+s16+$0x0] =	vst.idx.msk $0xffff, v25  }
0x311: {  	v26 =	vadd.s32 v22, v27;
	v25 =	vld [tilespmem:s15+$0xFFFFFFE0]  }
0x312: {  	v27 =	vmov s17;
	s17 =	smov.u32 s18  }
0x313: {  	v27 =	vshrl.u32 v27, $0x3  }
0x314: {  	v27 =	vshll.u32 v27, v9  }
0x315: {  	v27 =	vbroadcast v27, $0x0  }
0x316: {  	[tilespmem:v26+s16+$0x0] =	vst.idx.msk $0xffff, v25  }
0x317: {  	v26 =	vadd.s32 v23, v27;
	v25 =	vld [tilespmem:s15+$0xFFFFFFF0];
	_ =	sdelay $0x1  }
.Ltmp3:
0x318: {  	(pc) =	sbr.rel @p1 .LBB2_10-.Ltmp3, $3  }
0x319: {  	_ =	sdelay $0x1  }
0x31a: {  	[tilespmem:v26+s16+$0x0] =	vst.idx.msk $0xffff, v25  }
0x31b: {  	s18 =	sadd.s32 $0x8, s18;
	s19 =	sadd.s32 $0xFFFFFFF9, s17;
	v26 =	vadd.s32 v24, v27;
	v25 =	vld [tilespmem:s15+$0x0]  }
0x31c: {  	v27 =	vmov s19  }
0x31d: {  	v27 =	vshrl.u32 v27, $0x3  }
0x31e: {  	v27 =	vshll.u32 v27, v9  }
0x31f: {  	v27 =	vbroadcast v27, $0x0  }
0x320: {  	s15 =	sadd.s32 $0x100, s15;
	[tilespmem:v26+s16+$0x0] =	vst.idx.msk $0xffff, v25  }
0x321: {  	v25 =	vld [tilespmem:s15+$0xFFFFFF10];
	v26 =	vadd.s32 v6, v27;
	_ =	sdelay $0x4  }
0x322: {  	[tilespmem:v26+s16+$0x0] =	vst.idx.msk $0xffff, v25  }
0x323: {  	s18 =	sadd.s32 $0xFFFFFFFA, s17;
	v26 =	vadd.s32 v10, v27;
	v25 =	vld [tilespmem:s15+$0xFFFFFF20]  }
0x324: {  	v27 =	vmov s18  }
0x325: {  	v27 =	vshrl.u32 v27, $0x3  }
0x326: {  	v27 =	vshll.u32 v27, v9  }
0x327: {  	v27 =	vbroadcast v27, $0x0  }
0x328: {  	[tilespmem:v26+s16+$0x0] =	vst.idx.msk $0xffff, v25  }
0x329: {  	v26 =	vadd.s32 v11, v27;
	v25 =	vld [tilespmem:s15+$0xFFFFFF30];
	_ =	sdelay $0x4  }
0x32a: {  	[tilespmem:v26+s16+$0x0] =	vst.idx.msk $0xffff, v25  }
0x32b: {  	s19 =	sadd.s32 $0xFFFFFFFB, s17;
	v26 =	vadd.s32 v12, v27;
	v25 =	vld [tilespmem:s15+$0xFFFFFF40]  }
0x32c: {  	v27 =	vmov s19  }
0x32d: {  	v27 =	vshrl.u32 v27, $0x3  }
0x32e: {  	v27 =	vshll.u32 v27, v9  }
0x32f: {  	v27 =	vbroadcast v27, $0x0  }
0x330: {  	[tilespmem:v26+s16+$0x0] =	vst.idx.msk $0xffff, v25  }
0x331: {  	v26 =	vadd.s32 v13, v27;
	v25 =	vld [tilespmem:s15+$0xFFFFFF50];
	_ =	sdelay $0x4  }
0x332: {  	[tilespmem:v26+s16+$0x0] =	vst.idx.msk $0xffff, v25  }
0x333: {  	s19 =	sadd.s32 $0xFFFFFFFC, s17;
	v26 =	vadd.s32 v14, v27;
	v25 =	vld [tilespmem:s15+$0xFFFFFF60]  }
0x334: {  	v27 =	vmov s19  }
0x335: {  	v27 =	vshrl.u32 v27, $0x3  }
0x336: {  	v27 =	vshll.u32 v27, v9  }
0x337: {  	v27 =	vbroadcast v27, $0x0  }
0x338: {  	[tilespmem:v26+s16+$0x0] =	vst.idx.msk $0xffff, v25  }
0x339: {  	v26 =	vadd.s32 v15, v27;
	v25 =	vld [tilespmem:s15+$0xFFFFFF70];
	_ =	sdelay $0x4  }
0x33a: {  	[tilespmem:v26+s16+$0x0] =	vst.idx.msk $0xffff, v25  }
0x33b: {  	s19 =	sadd.s32 $0xFFFFFFFD, s17;
	v26 =	vadd.s32 v16, v27;
	v25 =	vld [tilespmem:s15+$0xFFFFFF80]  }
0x33c: {  	v27 =	vmov s19  }
0x33d: {  	v27 =	vshrl.u32 v27, $0x3  }
0x33e: {  	v27 =	vshll.u32 v27, v9  }
0x33f: {  	v27 =	vbroadcast v27, $0x0  }
0x340: {  	[tilespmem:v26+s16+$0x0] =	vst.idx.msk $0xffff, v25  }
0x341: {  	v26 =	vadd.s32 v17, v27;
	v25 =	vld [tilespmem:s15+$0xFFFFFF90];
	_ =	sdelay $0x4  }
0x342: {  	[tilespmem:v26+s16+$0x0] =	vst.idx.msk $0xffff, v25  }
0x343: {  	s19 =	sadd.s32 $0xFFFFFFFE, s17;
	v26 =	vadd.s32 v18, v27;
	v25 =	vld [tilespmem:s15+$0xFFFFFFA0]  }
0x344: {  	v27 =	vmov s19  }
0x345: {  	v27 =	vshrl.u32 v27, $0x3  }
0x346: {  	v27 =	vshll.u32 v27, v9  }
0x347: {  	v27 =	vbroadcast v27, $0x0  }
0x348: {  	[tilespmem:v26+s16+$0x0] =	vst.idx.msk $0xffff, v25  }
0x349: {  	v26 =	vadd.s32 v19, v27;
	v25 =	vld [tilespmem:s15+$0xFFFFFFB0];
	_ =	sdelay $0x4  }
0x34a: {  	[tilespmem:v26+s16+$0x0] =	vst.idx.msk $0xffff, v25  }
0x34b: {  	s19 =	sadd.s32 $0xFFFFFFFF, s17;
	v26 =	vadd.s32 v20, v27;
	v25 =	vld [tilespmem:s15+$0xFFFFFFC0]  }
0x34c: {  	v27 =	vmov s19  }
0x34d: {  	v27 =	vshrl.u32 v27, $0x3  }
0x34e: {  	v27 =	vshll.u32 v27, v9  }
0x34f: {  	v27 =	vbroadcast v27, $0x0  }
0x350: {  	[tilespmem:v26+s16+$0x0] =	vst.idx.msk $0xffff, v25  }
0x351: {  	v26 =	vadd.s32 v21, v27;
	v25 =	vld [tilespmem:s15+$0xFFFFFFD0];
	_ =	sdelay $0x4  }
0x352: {  	[tilespmem:v26+s16+$0x0] =	vst.idx.msk $0xffff, v25  }
0x353: {  	v26 =	vadd.s32 v22, v27;
	v25 =	vld [tilespmem:s15+$0xFFFFFFE0]  }
0x354: {  	v27 =	vmov s17  }
0x355: {  	v27 =	vshrl.u32 v27, $0x3  }
0x356: {  	v27 =	vshll.u32 v27, v9  }
0x357: {  	v27 =	vbroadcast v27, $0x0  }
0x358: {  	[tilespmem:v26+s16+$0x0] =	vst.idx.msk $0xffff, v25  }
0x359: {  	v26 =	vadd.s32 v23, v27;
	v25 =	vld [tilespmem:s15+$0xFFFFFFF0];
	_ =	sdelay $0x4  }
0x35a: {  	[tilespmem:v26+s16+$0x0] =	vst.idx.msk $0xffff, v25  }
0x35b: {  	v26 =	vadd.s32 v24, v27;
	v25 =	vld [tilespmem:s15+$0x0];
	_ =	sdelay $0x1  }
0x35c: {  	s6 =	sshll.u32 s6, $0x13  }
0x35d: {  	s6 =	sadd.s32 s13, s6  }
0x35e: {  	s6 =	sshrl.u32 s6, $0x3  }
0x35f: {  	s15 =	sadd.s32 s1, s6;
	[tilespmem:v26+s16+$0x0] =	vst.idx.msk $0xffff, v25  }
0x360: {  	[hbm4b:s15+s2] =	stream.linear.scatter [tilespmem:s16], [sflag:$0x6], $0x80, $0x38;
	[tilespmem:$0x12A00] =	vst v63  }
0x361: {  	s19 =	simm.s32 $0x10888;
	s18 =	sadd.s32 $0x10, s15  }
0x362: {  	[hbm4b:s18+s2] =	stream.linear.scatter [tilespmem:s19], [sflag:$0x6], $0x80, $0x38;
	[tilespmem:$0x12A00] =	vst v63  }
0x363: {  	s18 =	sadd.s32 $0x20, s15;
	s19 =	simm.s32 $0x10910  }
0x364: {  	[hbm4b:s18+s2] =	stream.linear.scatter [tilespmem:s19], [sflag:$0x6], $0x80, $0x38;
	[tilespmem:$0x12A00] =	vst v63  }
0x365: {  	s18 =	sadd.s32 $0x30, s15;
	s19 =	simm.s32 $0x10998  }
0x366: {  	[hbm4b:s18+s2] =	stream.linear.scatter [tilespmem:s19], [sflag:$0x6], $0x80, $0x38;
	[tilespmem:$0x12A00] =	vst v63  }
0x367: {  	s18 =	sadd.s32 $0x40, s15;
	s19 =	simm.s32 $0x10A20  }
0x368: {  	[hbm4b:s18+s2] =	stream.linear.scatter [tilespmem:s19], [sflag:$0x6], $0x80, $0x38;
	[tilespmem:$0x12A00] =	vst v63  }
0x369: {  	s18 =	sadd.s32 $0x50, s15;
	s19 =	simm.s32 $0x10AA8  }
0x36a: {  	[hbm4b:s18+s2] =	stream.linear.scatter [tilespmem:s19], [sflag:$0x6], $0x80, $0x38;
	[tilespmem:$0x12A00] =	vst v63  }
0x36b: {  	s18 =	sadd.s32 $0x60, s15;
	s19 =	simm.s32 $0x10B30  }
0x36c: {  	[hbm4b:s18+s2] =	stream.linear.scatter [tilespmem:s19], [sflag:$0x6], $0x80, $0x38;
	[tilespmem:$0x12A00] =	vst v63  }
0x36d: {  	s15 =	sadd.s32 $0x70, s15;
	s19 =	simm.s32 $0x10BB8;
	s18 =	sor.u32 $0x4000, s6  }
0x36e: {  	[hbm4b:s15+s2] =	stream.linear.scatter [tilespmem:s19], [sflag:$0x6], $0x80, $0x38;
	[tilespmem:$0x12A00] =	vst v63  }
0x36f: {  	s15 =	sadd.s32 s1, s18;
	s19 =	simm.s32 $0x10C40  }
0x370: {  	[hbm4b:s15+s2] =	stream.linear.scatter [tilespmem:s19], [sflag:$0x6], $0x80, $0x38;
	[tilespmem:$0x12A00] =	vst v63  }
0x371: {  	s18 =	sadd.s32 $0x10, s15;
	s19 =	simm.s32 $0x10CC8  }
0x372: {  	[hbm4b:s18+s2] =	stream.linear.scatter [tilespmem:s19], [sflag:$0x6], $0x80, $0x38;
	[tilespmem:$0x12A00] =	vst v63  }
0x373: {  	s18 =	sadd.s32 $0x20, s15;
	s19 =	simm.s32 $0x10D50  }
0x374: {  	[hbm4b:s18+s2] =	stream.linear.scatter [tilespmem:s19], [sflag:$0x6], $0x80, $0x38;
	[tilespmem:$0x12A00] =	vst v63  }
0x375: {  	s18 =	sadd.s32 $0x30, s15;
	s19 =	simm.s32 $0x10DD8  }
0x376: {  	[hbm4b:s18+s2] =	stream.linear.scatter [tilespmem:s19], [sflag:$0x6], $0x80, $0x38;
	[tilespmem:$0x12A00] =	vst v63  }
0x377: {  	s18 =	sadd.s32 $0x40, s15;
	s19 =	simm.s32 $0x10E60  }
0x378: {  	[hbm4b:s18+s2] =	stream.linear.scatter [tilespmem:s19], [sflag:$0x6], $0x80, $0x38;
	[tilespmem:$0x12A00] =	vst v63  }
0x379: {  	s18 =	sadd.s32 $0x50, s15;
	s19 =	simm.s32 $0x10EE8  }
0x37a: {  	[hbm4b:s18+s2] =	stream.linear.scatter [tilespmem:s19], [sflag:$0x6], $0x80, $0x38;
	[tilespmem:$0x12A00] =	vst v63  }
0x37b: {  	s18 =	sadd.s32 $0x60, s15;
	s19 =	simm.s32 $0x10F70  }
0x37c: {  	[hbm4b:s18+s2] =	stream.linear.scatter [tilespmem:s19], [sflag:$0x6], $0x80, $0x38;
	[tilespmem:$0x12A00] =	vst v63  }
0x37d: {  	s15 =	sadd.s32 $0x70, s15;
	s19 =	simm.s32 $0x10FF8;
	s18 =	sor.u32 $0x8000, s6  }
0x37e: {  	[hbm4b:s15+s2] =	stream.linear.scatter [tilespmem:s19], [sflag:$0x6], $0x80, $0x38;
	[tilespmem:$0x12A00] =	vst v63  }
0x37f: {  	s15 =	sadd.s32 s1, s18;
	s19 =	simm.s32 $0x11080  }
0x380: {  	[hbm4b:s15+s2] =	stream.linear.scatter [tilespmem:s19], [sflag:$0x6], $0x80, $0x38;
	[tilespmem:$0x12A00] =	vst v63  }
0x381: {  	s18 =	sadd.s32 $0x10, s15;
	s19 =	simm.s32 $0x11108  }
0x382: {  	[hbm4b:s18+s2] =	stream.linear.scatter [tilespmem:s19], [sflag:$0x6], $0x80, $0x38;
	[tilespmem:$0x12A00] =	vst v63  }
0x383: {  	s18 =	sadd.s32 $0x20, s15;
	s19 =	simm.s32 $0x11190  }
0x384: {  	[hbm4b:s18+s2] =	stream.linear.scatter [tilespmem:s19], [sflag:$0x6], $0x80, $0x38;
	[tilespmem:$0x12A00] =	vst v63  }
0x385: {  	s18 =	sadd.s32 $0x30, s15;
	s19 =	simm.s32 $0x11218  }
0x386: {  	[hbm4b:s18+s2] =	stream.linear.scatter [tilespmem:s19], [sflag:$0x6], $0x80, $0x38;
	[tilespmem:$0x12A00] =	vst v63  }
0x387: {  	s18 =	sadd.s32 $0x40, s15;
	s19 =	simm.s32 $0x112A0  }
0x388: {  	[hbm4b:s18+s2] =	stream.linear.scatter [tilespmem:s19], [sflag:$0x6], $0x80, $0x38;
	[tilespmem:$0x12A00] =	vst v63  }
0x389: {  	s18 =	sadd.s32 $0x50, s15;
	s19 =	simm.s32 $0x11328  }
0x38a: {  	[hbm4b:s18+s2] =	stream.linear.scatter [tilespmem:s19], [sflag:$0x6], $0x80, $0x38;
	[tilespmem:$0x12A00] =	vst v63  }
0x38b: {  	s18 =	sadd.s32 $0x60, s15;
	s19 =	simm.s32 $0x113B0  }
0x38c: {  	[hbm4b:s18+s2] =	stream.linear.scatter [tilespmem:s19], [sflag:$0x6], $0x80, $0x38;
	[tilespmem:$0x12A00] =	vst v63  }
0x38d: {  	s6 =	sor.u32 $0xC000, s6;
	s15 =	sadd.s32 $0x70, s15;
	s19 =	simm.s32 $0x11438  }
0x38e: {  	[hbm4b:s15+s2] =	stream.linear.scatter [tilespmem:s19], [sflag:$0x6], $0x80, $0x38;
	[tilespmem:$0x12A00] =	vst v63  }
0x38f: {  	s17 =	simm.s32 $0x114C0;
	s6 =	sadd.s32 s1, s6  }
0x390: {  	[hbm4b:s6+s2] =	stream.linear.scatter [tilespmem:s17], [sflag:$0x6], $0x80, $0x38;
	[tilespmem:$0x12A00] =	vst v63  }
0x391: {  	s18 =	sadd.s32 $0x10, s6;
	s19 =	simm.s32 $0x11548  }
0x392: {  	[hbm4b:s18+s2] =	stream.linear.scatter [tilespmem:s19], [sflag:$0x6], $0x80, $0x38;
	[tilespmem:$0x12A00] =	vst v63  }
0x393: {  	s18 =	sadd.s32 $0x20, s6;
	s19 =	simm.s32 $0x115D0  }
0x394: {  	[hbm4b:s18+s2] =	stream.linear.scatter [tilespmem:s19], [sflag:$0x6], $0x80, $0x38;
	[tilespmem:$0x12A00] =	vst v63  }
0x395: {  	s18 =	sadd.s32 $0x30, s6;
	s19 =	simm.s32 $0x11658  }
0x396: {  	[hbm4b:s18+s2] =	stream.linear.scatter [tilespmem:s19], [sflag:$0x6], $0x80, $0x38;
	[tilespmem:$0x12A00] =	vst v63  }
0x397: {  	s18 =	sadd.s32 $0x40, s6;
	s19 =	simm.s32 $0x116E0  }
0x398: {  	[hbm4b:s18+s2] =	stream.linear.scatter [tilespmem:s19], [sflag:$0x6], $0x80, $0x38;
	[tilespmem:$0x12A00] =	vst v63  }
0x399: {  	s18 =	sadd.s32 $0x50, s6;
	s19 =	simm.s32 $0x11768  }
0x39a: {  	[hbm4b:s18+s2] =	stream.linear.scatter [tilespmem:s19], [sflag:$0x6], $0x80, $0x38;
	[tilespmem:$0x12A00] =	vst v63  }
0x39b: {  	s17 =	sadd.s32 $0x60, s6;
	s18 =	simm.s32 $0x117F0  }
0x39c: {  	[hbm4b:s17+s2] =	stream.linear.scatter [tilespmem:s18], [sflag:$0x6], $0x80, $0x38;
	[tilespmem:$0x12A00] =	vst v63  }
0x39d: {  	s6 =	sadd.s32 $0x70, s6;
	s19 =	simm.s32 $0x11878  }
0x39e: {  	[hbm4b:s6+s2] =	stream.linear.scatter [tilespmem:s19], [sflag:$0x6], $0x80, $0x38;
	[tilespmem:$0x12A00] =	vst v63  }
0x39f: {  	_ =	swait.ge [sflag:s11], $0x400  }
0x3a0: {  	[sflag:s11] =	ssyncset.done $0x0  }
0x3a1: {  	[sflag:s11] =	ssyncadd.s32 $0xFFFFFC00  }
0x3a2: {  	_ =	swait.ge [sflag:s11], $0x400  }
0x3a3: {  	[sflag:s11] =	ssyncset.done $0x0  }
0x3a4: {  	[sflag:s11] =	ssyncadd.s32 $0xFFFFFC00  }
0x3a5: {  	_ =	swait.ge [sflag:s11], $0x400  }
0x3a6: {  	[sflag:s11] =	ssyncset.done $0x0  }
0x3a7: {  	[sflag:s11] =	ssyncadd.s32 $0xFFFFFC00  }
0x3a8: {  	_ =	swait.ge [sflag:s11], $0x400  }
0x3a9: {  	[sflag:s11] =	ssyncset.done $0x0  }
0x3aa: {  	s15 =	simm.s32 $0x0;
	[sflag:s11] =	ssyncadd.s32 $0xFFFFFC00  }
0x3ab: {  	v25 =	vmov s15;
	_ =	swait.ge [sflag:s12], $0x1000  }
0x3ac: {  	s15 =	simm.s32 @!p0 $0xD800;
	v25 =	vshrl.u32 v25, $0x3;
	[sflag:s12] =	ssyncset.done $0x0  }
0x3ad: {  	v25 =	vshll.u32 v25, v9;
	s6 =	sadd.s32 @!p0 $0x6680, s8;
	s8 =	simm.s32 @!p0 $0x80;
	[sflag:s12] =	ssyncadd.s32 $0xFFFFF000  }
0x3ae: {  	v25 =	vbroadcast v25, $0x0;
	[tilespmem:s15], [sflag:$0x3] =	stream.indirect.gather @!p0 [hbm4b:s4+s8], $0x20, s6, s8, $0xb8;
	[tilespmem:$0x12A00] =	vst v63  }
0x3af: {  	s6 =	simm.s32 $0xF8F0  }
0x3b0: {  	v27 =	vadd.s32 v6, v25;
	v26 =	vld [tilespmem:s6+$0xFFFFFF10];
	_ =	sdelay $0x4  }
0x3b1: {  	[tilespmem:v27+s24+$0x0] =	vst.idx.msk $0xffff, v26  }
0x3b2: {  	v25 =	vadd.s32 v10, v25;
	s17 =	simm.s32 $0x1;
	v26 =	vld [tilespmem:s6+$0xFFFFFF20]  }
0x3b3: {  	v27 =	vmov s17  }
0x3b4: {  	v27 =	vshrl.u32 v27, $0x3  }
0x3b5: {  	v27 =	vshll.u32 v27, v9  }
0x3b6: {  	v27 =	vbroadcast v27, $0x0  }
0x3b7: {  	[tilespmem:v25+s24+$0x0] =	vst.idx.msk $0xffff, v26  }
0x3b8: {  	v26 =	vadd.s32 v11, v27;
	v25 =	vld [tilespmem:s6+$0xFFFFFF30];
	_ =	sdelay $0x4  }
0x3b9: {  	[tilespmem:v26+s24+$0x0] =	vst.idx.msk $0xffff, v25  }
0x3ba: {  	s18 =	simm.s32 $0x2;
	v26 =	vadd.s32 v12, v27;
	v25 =	vld [tilespmem:s6+$0xFFFFFF40]  }
0x3bb: {  	v27 =	vmov s18  }
0x3bc: {  	v27 =	vshrl.u32 v27, $0x3  }
0x3bd: {  	v27 =	vshll.u32 v27, v9  }
0x3be: {  	v27 =	vbroadcast v27, $0x0  }
0x3bf: {  	[tilespmem:v26+s24+$0x0] =	vst.idx.msk $0xffff, v25  }
0x3c0: {  	v26 =	vadd.s32 v13, v27;
	v25 =	vld [tilespmem:s6+$0xFFFFFF50];
	_ =	sdelay $0x4  }
0x3c1: {  	[tilespmem:v26+s24+$0x0] =	vst.idx.msk $0xffff, v25  }
0x3c2: {  	s19 =	simm.s32 $0x3;
	v26 =	vadd.s32 v14, v27;
	v25 =	vld [tilespmem:s6+$0xFFFFFF60]  }
0x3c3: {  	v27 =	vmov s19  }
0x3c4: {  	v27 =	vshrl.u32 v27, $0x3  }
0x3c5: {  	v27 =	vshll.u32 v27, v9  }
0x3c6: {  	v27 =	vbroadcast v27, $0x0  }
0x3c7: {  	[tilespmem:v26+s24+$0x0] =	vst.idx.msk $0xffff, v25  }
0x3c8: {  	v26 =	vadd.s32 v15, v27;
	v25 =	vld [tilespmem:s6+$0xFFFFFF70];
	_ =	sdelay $0x4  }
0x3c9: {  	[tilespmem:v26+s24+$0x0] =	vst.idx.msk $0xffff, v25  }
0x3ca: {  	s15 =	simm.s32 $0x4;
	v26 =	vadd.s32 v16, v27;
	v25 =	vld [tilespmem:s6+$0xFFFFFF80]  }
0x3cb: {  	v27 =	vmov s15  }
0x3cc: {  	v27 =	vshrl.u32 v27, $0x3  }
0x3cd: {  	v27 =	vshll.u32 v27, v9  }
0x3ce: {  	v27 =	vbroadcast v27, $0x0  }
0x3cf: {  	[tilespmem:v26+s24+$0x0] =	vst.idx.msk $0xffff, v25  }
0x3d0: {  	v26 =	vadd.s32 v17, v27;
	v25 =	vld [tilespmem:s6+$0xFFFFFF90];
	_ =	sdelay $0x4  }
0x3d1: {  	[tilespmem:v26+s24+$0x0] =	vst.idx.msk $0xffff, v25  }
0x3d2: {  	s17 =	simm.s32 $0x5;
	v26 =	vadd.s32 v18, v27;
	v25 =	vld [tilespmem:s6+$0xFFFFFFA0]  }
0x3d3: {  	v27 =	vmov s17  }
0x3d4: {  	v27 =	vshrl.u32 v27, $0x3  }
0x3d5: {  	v27 =	vshll.u32 v27, v9  }
0x3d6: {  	v27 =	vbroadcast v27, $0x0  }
0x3d7: {  	[tilespmem:v26+s24+$0x0] =	vst.idx.msk $0xffff, v25  }
0x3d8: {  	v26 =	vadd.s32 v19, v27;
	v25 =	vld [tilespmem:s6+$0xFFFFFFB0];
	_ =	sdelay $0x4  }
0x3d9: {  	[tilespmem:v26+s24+$0x0] =	vst.idx.msk $0xffff, v25  }
0x3da: {  	s18 =	simm.s32 $0x6;
	v26 =	vadd.s32 v20, v27;
	v25 =	vld [tilespmem:s6+$0xFFFFFFC0]  }
0x3db: {  	v27 =	vmov s18  }
0x3dc: {  	v27 =	vshrl.u32 v27, $0x3  }
0x3dd: {  	v27 =	vshll.u32 v27, v9  }
0x3de: {  	v27 =	vbroadcast v27, $0x0  }
0x3df: {  	[tilespmem:v26+s24+$0x0] =	vst.idx.msk $0xffff, v25  }
0x3e0: {  	v26 =	vadd.s32 v21, v27;
	v25 =	vld [tilespmem:s6+$0xFFFFFFD0];
	_ =	sdelay $0x4  }
0x3e1: {  	[tilespmem:v26+s24+$0x0] =	vst.idx.msk $0xffff, v25  }
0x3e2: {  	s19 =	simm.s32 $0x7;
	v26 =	vadd.s32 v22, v27;
	v25 =	vld [tilespmem:s6+$0xFFFFFFE0]  }
0x3e3: {  	v27 =	vmov s19  }
0x3e4: {  	v27 =	vshrl.u32 v27, $0x3  }
0x3e5: {  	v27 =	vshll.u32 v27, v9  }
0x3e6: {  	v27 =	vbroadcast v27, $0x0  }
0x3e7: {  	[tilespmem:v26+s24+$0x0] =	vst.idx.msk $0xffff, v25  }
0x3e8: {  	v26 =	vadd.s32 v23, v27;
	v25 =	vld [tilespmem:s6+$0xFFFFFFF0];
	_ =	sdelay $0x4  }
0x3e9: {  	[tilespmem:v26+s24+$0x0] =	vst.idx.msk $0xffff, v25  }
0x3ea: {  	s8 =	simm.s32 $0xF;
	s15 =	simm.s32 $0x17;
	s17 =	simm.s32 $0x8;
	v26 =	vadd.s32 v24, v27;
	v25 =	vld [tilespmem:s6+$0x0]  }
.LBB2_12:
0x3eb: {  	p0 =	sne.s32 s15, $0x7F;
	v27 =	vmov s17  }
0x3ec: {  	v27 =	vshrl.u32 v27, $0x3  }
0x3ed: {  	v27 =	vshll.u32 v27, v9  }
0x3ee: {  	v27 =	vbroadcast v27, $0x0  }
0x3ef: {  	s6 =	sadd.s32 $0x100, s6;
	[tilespmem:v26+s24+$0x0] =	vst.idx.msk $0xffff, v25  }
0x3f0: {  	v25 =	vld [tilespmem:s6+$0xFFFFFF10];
	v26 =	vadd.s32 v6, v27;
	_ =	sdelay $0x4  }
0x3f1: {  	[tilespmem:v26+s24+$0x0] =	vst.idx.msk $0xffff, v25  }
0x3f2: {  	s17 =	sadd.s32 $0xFFFFFFFA, s8;
	v26 =	vadd.s32 v10, v27;
	v25 =	vld [tilespmem:s6+$0xFFFFFF20]  }
0x3f3: {  	v27 =	vmov s17  }
0x3f4: {  	v27 =	vshrl.u32 v27, $0x3  }
0x3f5: {  	v27 =	vshll.u32 v27, v9  }
0x3f6: {  	v27 =	vbroadcast v27, $0x0  }
0x3f7: {  	[tilespmem:v26+s24+$0x0] =	vst.idx.msk $0xffff, v25  }
0x3f8: {  	v26 =	vadd.s32 v11, v27;
	v25 =	vld [tilespmem:s6+$0xFFFFFF30];
	_ =	sdelay $0x4  }
0x3f9: {  	[tilespmem:v26+s24+$0x0] =	vst.idx.msk $0xffff, v25  }
0x3fa: {  	s17 =	sadd.s32 $0xFFFFFFFB, s8;
	v26 =	vadd.s32 v12, v27;
	v25 =	vld [tilespmem:s6+$0xFFFFFF40]  }
0x3fb: {  	v27 =	vmov s17  }
0x3fc: {  	v27 =	vshrl.u32 v27, $0x3  }
0x3fd: {  	v27 =	vshll.u32 v27, v9  }
0x3fe: {  	v27 =	vbroadcast v27, $0x0  }
0x3ff: {  	[tilespmem:v26+s24+$0x0] =	vst.idx.msk $0xffff, v25  }
0x400: {  	v26 =	vadd.s32 v13, v27;
	v25 =	vld [tilespmem:s6+$0xFFFFFF50];
	_ =	sdelay $0x4  }
0x401: {  	[tilespmem:v26+s24+$0x0] =	vst.idx.msk $0xffff, v25  }
0x402: {  	s17 =	sadd.s32 $0xFFFFFFFC, s8;
	v26 =	vadd.s32 v14, v27;
	v25 =	vld [tilespmem:s6+$0xFFFFFF60]  }
0x403: {  	v27 =	vmov s17  }
0x404: {  	v27 =	vshrl.u32 v27, $0x3  }
0x405: {  	v27 =	vshll.u32 v27, v9  }
0x406: {  	v27 =	vbroadcast v27, $0x0  }
0x407: {  	[tilespmem:v26+s24+$0x0] =	vst.idx.msk $0xffff, v25  }
0x408: {  	v26 =	vadd.s32 v15, v27;
	v25 =	vld [tilespmem:s6+$0xFFFFFF70];
	_ =	sdelay $0x4  }
0x409: {  	[tilespmem:v26+s24+$0x0] =	vst.idx.msk $0xffff, v25  }
0x40a: {  	s17 =	sadd.s32 $0xFFFFFFFD, s8;
	v26 =	vadd.s32 v16, v27;
	v25 =	vld [tilespmem:s6+$0xFFFFFF80]  }
0x40b: {  	v27 =	vmov s17  }
0x40c: {  	v27 =	vshrl.u32 v27, $0x3  }
0x40d: {  	v27 =	vshll.u32 v27, v9  }
0x40e: {  	v27 =	vbroadcast v27, $0x0  }
0x40f: {  	[tilespmem:v26+s24+$0x0] =	vst.idx.msk $0xffff, v25  }
0x410: {  	v26 =	vadd.s32 v17, v27;
	v25 =	vld [tilespmem:s6+$0xFFFFFF90];
	_ =	sdelay $0x4  }
0x411: {  	[tilespmem:v26+s24+$0x0] =	vst.idx.msk $0xffff, v25  }
0x412: {  	s17 =	sadd.s32 $0xFFFFFFFE, s8;
	v26 =	vadd.s32 v18, v27;
	v25 =	vld [tilespmem:s6+$0xFFFFFFA0]  }
0x413: {  	v27 =	vmov s17  }
0x414: {  	v27 =	vshrl.u32 v27, $0x3  }
0x415: {  	v27 =	vshll.u32 v27, v9  }
0x416: {  	v27 =	vbroadcast v27, $0x0  }
0x417: {  	[tilespmem:v26+s24+$0x0] =	vst.idx.msk $0xffff, v25  }
0x418: {  	v26 =	vadd.s32 v19, v27;
	v25 =	vld [tilespmem:s6+$0xFFFFFFB0];
	_ =	sdelay $0x4  }
0x419: {  	[tilespmem:v26+s24+$0x0] =	vst.idx.msk $0xffff, v25  }
0x41a: {  	s17 =	sadd.s32 $0xFFFFFFFF, s8;
	v26 =	vadd.s32 v20, v27;
	v25 =	vld [tilespmem:s6+$0xFFFFFFC0]  }
0x41b: {  	v27 =	vmov s17  }
0x41c: {  	v27 =	vshrl.u32 v27, $0x3  }
0x41d: {  	v27 =	vshll.u32 v27, v9  }
0x41e: {  	v27 =	vbroadcast v27, $0x0  }
0x41f: {  	[tilespmem:v26+s24+$0x0] =	vst.idx.msk $0xffff, v25  }
0x420: {  	v26 =	vadd.s32 v21, v27;
	v25 =	vld [tilespmem:s6+$0xFFFFFFD0];
	_ =	sdelay $0x4  }
0x421: {  	[tilespmem:v26+s24+$0x0] =	vst.idx.msk $0xffff, v25  }
0x422: {  	v26 =	vadd.s32 v22, v27;
	v25 =	vld [tilespmem:s6+$0xFFFFFFE0]  }
0x423: {  	v27 =	vmov s8;
	s8 =	smov.u32 s15  }
0x424: {  	v27 =	vshrl.u32 v27, $0x3  }
0x425: {  	v27 =	vshll.u32 v27, v9  }
0x426: {  	v27 =	vbroadcast v27, $0x0  }
0x427: {  	[tilespmem:v26+s24+$0x0] =	vst.idx.msk $0xffff, v25  }
0x428: {  	v26 =	vadd.s32 v23, v27;
	v25 =	vld [tilespmem:s6+$0xFFFFFFF0];
	_ =	sdelay $0x1  }
.Ltmp4:
0x429: {  	(pc) =	sbr.rel @p0 .LBB2_12-.Ltmp4, $3  }
0x42a: {  	_ =	sdelay $0x1  }
0x42b: {  	[tilespmem:v26+s24+$0x0] =	vst.idx.msk $0xffff, v25  }
0x42c: {  	s15 =	sadd.s32 $0x8, s15;
	s17 =	sadd.s32 $0xFFFFFFF9, s8;
	v26 =	vadd.s32 v24, v27;
	v25 =	vld [tilespmem:s6+$0x0]  }
0x42d: {  	v27 =	vmov s17  }
0x42e: {  	v27 =	vshrl.u32 v27, $0x3  }
0x42f: {  	v27 =	vshll.u32 v27, v9  }
0x430: {  	v27 =	vbroadcast v27, $0x0  }
0x431: {  	s6 =	sadd.s32 $0x100, s6;
	[tilespmem:v26+s24+$0x0] =	vst.idx.msk $0xffff, v25  }
0x432: {  	v25 =	vld [tilespmem:s6+$0xFFFFFF10];
	v26 =	vadd.s32 v6, v27;
	_ =	sdelay $0x4  }
0x433: {  	[tilespmem:v26+s24+$0x0] =	vst.idx.msk $0xffff, v25  }
0x434: {  	s15 =	sadd.s32 $0xFFFFFFFA, s8;
	v26 =	vadd.s32 v10, v27;
	v25 =	vld [tilespmem:s6+$0xFFFFFF20]  }
0x435: {  	v27 =	vmov s15  }
0x436: {  	v27 =	vshrl.u32 v27, $0x3  }
0x437: {  	v27 =	vshll.u32 v27, v9  }
0x438: {  	v27 =	vbroadcast v27, $0x0  }
0x439: {  	[tilespmem:v26+s24+$0x0] =	vst.idx.msk $0xffff, v25  }
0x43a: {  	v26 =	vadd.s32 v11, v27;
	v25 =	vld [tilespmem:s6+$0xFFFFFF30];
	_ =	sdelay $0x4  }
0x43b: {  	[tilespmem:v26+s24+$0x0] =	vst.idx.msk $0xffff, v25  }
0x43c: {  	s18 =	sadd.s32 $0xFFFFFFFB, s8;
	v26 =	vadd.s32 v12, v27;
	v25 =	vld [tilespmem:s6+$0xFFFFFF40]  }
0x43d: {  	v27 =	vmov s18  }
0x43e: {  	v27 =	vshrl.u32 v27, $0x3  }
0x43f: {  	v27 =	vshll.u32 v27, v9  }
0x440: {  	v27 =	vbroadcast v27, $0x0  }
0x441: {  	[tilespmem:v26+s24+$0x0] =	vst.idx.msk $0xffff, v25  }
0x442: {  	v26 =	vadd.s32 v13, v27;
	v25 =	vld [tilespmem:s6+$0xFFFFFF50];
	_ =	sdelay $0x4  }
0x443: {  	[tilespmem:v26+s24+$0x0] =	vst.idx.msk $0xffff, v25  }
0x444: {  	s19 =	sadd.s32 $0xFFFFFFFC, s8;
	v26 =	vadd.s32 v14, v27;
	v25 =	vld [tilespmem:s6+$0xFFFFFF60]  }
0x445: {  	v27 =	vmov s19  }
0x446: {  	v27 =	vshrl.u32 v27, $0x3  }
0x447: {  	v27 =	vshll.u32 v27, v9  }
0x448: {  	v27 =	vbroadcast v27, $0x0  }
0x449: {  	[tilespmem:v26+s24+$0x0] =	vst.idx.msk $0xffff, v25  }
0x44a: {  	v26 =	vadd.s32 v15, v27;
	v25 =	vld [tilespmem:s6+$0xFFFFFF70];
	_ =	sdelay $0x4  }
0x44b: {  	[tilespmem:v26+s24+$0x0] =	vst.idx.msk $0xffff, v25  }
0x44c: {  	s17 =	sadd.s32 $0xFFFFFFFD, s8;
	v26 =	vadd.s32 v16, v27;
	v25 =	vld [tilespmem:s6+$0xFFFFFF80]  }
0x44d: {  	v27 =	vmov s17  }
0x44e: {  	v27 =	vshrl.u32 v27, $0x3  }
0x44f: {  	v27 =	vshll.u32 v27, v9  }
0x450: {  	v27 =	vbroadcast v27, $0x0  }
0x451: {  	[tilespmem:v26+s24+$0x0] =	vst.idx.msk $0xffff, v25  }
0x452: {  	v26 =	vadd.s32 v17, v27;
	v25 =	vld [tilespmem:s6+$0xFFFFFF90];
	_ =	sdelay $0x4  }
0x453: {  	[tilespmem:v26+s24+$0x0] =	vst.idx.msk $0xffff, v25  }
0x454: {  	s18 =	sadd.s32 $0xFFFFFFFE, s8;
	v26 =	vadd.s32 v18, v27;
	v25 =	vld [tilespmem:s6+$0xFFFFFFA0]  }
0x455: {  	v27 =	vmov s18  }
0x456: {  	v27 =	vshrl.u32 v27, $0x3  }
0x457: {  	v27 =	vshll.u32 v27, v9  }
0x458: {  	v27 =	vbroadcast v27, $0x0  }
0x459: {  	[tilespmem:v26+s24+$0x0] =	vst.idx.msk $0xffff, v25  }
0x45a: {  	v26 =	vadd.s32 v19, v27;
	v25 =	vld [tilespmem:s6+$0xFFFFFFB0];
	_ =	sdelay $0x4  }
0x45b: {  	[tilespmem:v26+s24+$0x0] =	vst.idx.msk $0xffff, v25  }
0x45c: {  	s19 =	sadd.s32 $0xFFFFFFFF, s8;
	v26 =	vadd.s32 v20, v27;
	v25 =	vld [tilespmem:s6+$0xFFFFFFC0]  }
0x45d: {  	v27 =	vmov s19  }
0x45e: {  	v27 =	vshrl.u32 v27, $0x3  }
0x45f: {  	v27 =	vshll.u32 v27, v9  }
0x460: {  	v27 =	vbroadcast v27, $0x0  }
0x461: {  	[tilespmem:v26+s24+$0x0] =	vst.idx.msk $0xffff, v25  }
0x462: {  	v26 =	vadd.s32 v21, v27;
	v25 =	vld [tilespmem:s6+$0xFFFFFFD0];
	_ =	sdelay $0x4  }
0x463: {  	[tilespmem:v26+s24+$0x0] =	vst.idx.msk $0xffff, v25  }
0x464: {  	v26 =	vadd.s32 v22, v27;
	v25 =	vld [tilespmem:s6+$0xFFFFFFE0]  }
0x465: {  	v27 =	vmov s8  }
0x466: {  	v27 =	vshrl.u32 v27, $0x3  }
0x467: {  	v27 =	vshll.u32 v27, v9  }
0x468: {  	v27 =	vbroadcast v27, $0x0  }
0x469: {  	[tilespmem:v26+s24+$0x0] =	vst.idx.msk $0xffff, v25  }
0x46a: {  	v26 =	vadd.s32 v23, v27;
	v25 =	vld [tilespmem:s6+$0xFFFFFFF0];
	_ =	sdelay $0x4  }
0x46b: {  	[tilespmem:v26+s24+$0x0] =	vst.idx.msk $0xffff, v25  }
0x46c: {  	v26 =	vadd.s32 v24, v27;
	v25 =	vld [tilespmem:s6+$0x0];
	_ =	sdelay $0x1  }
0x46d: {  	s9 =	sshll.u32 s9, $0x13  }
0x46e: {  	s6 =	sadd.s32 s13, s9  }
0x46f: {  	s6 =	sshrl.u32 s6, $0x3  }
0x470: {  	s8 =	sadd.s32 s1, s6;
	[tilespmem:v26+s24+$0x0] =	vst.idx.msk $0xffff, v25  }
0x471: {  	[hbm4b:s8+s2] =	stream.linear.scatter [tilespmem:s24], [sflag:$0x7], $0x80, $0x38;
	[tilespmem:$0x12A00] =	vst v63  }
0x472: {  	s17 =	simm.s32 $0x11988;
	s15 =	sadd.s32 $0x10, s8  }
0x473: {  	[hbm4b:s15+s2] =	stream.linear.scatter [tilespmem:s17], [sflag:$0x7], $0x80, $0x38;
	[tilespmem:$0x12A00] =	vst v63  }
0x474: {  	s19 =	simm.s32 $0x11A10;
	s18 =	sadd.s32 $0x20, s8  }
0x475: {  	[hbm4b:s18+s2] =	stream.linear.scatter [tilespmem:s19], [sflag:$0x7], $0x80, $0x38;
	[tilespmem:$0x12A00] =	vst v63  }
0x476: {  	s15 =	sadd.s32 $0x30, s8;
	s17 =	simm.s32 $0x11A98  }
0x477: {  	[hbm4b:s15+s2] =	stream.linear.scatter [tilespmem:s17], [sflag:$0x7], $0x80, $0x38;
	[tilespmem:$0x12A00] =	vst v63  }
0x478: {  	s18 =	sadd.s32 $0x40, s8;
	s19 =	simm.s32 $0x11B20  }
0x479: {  	[hbm4b:s18+s2] =	stream.linear.scatter [tilespmem:s19], [sflag:$0x7], $0x80, $0x38;
	[tilespmem:$0x12A00] =	vst v63  }
0x47a: {  	s15 =	sadd.s32 $0x50, s8;
	s17 =	simm.s32 $0x11BA8  }
0x47b: {  	[hbm4b:s15+s2] =	stream.linear.scatter [tilespmem:s17], [sflag:$0x7], $0x80, $0x38;
	[tilespmem:$0x12A00] =	vst v63  }
0x47c: {  	s18 =	sadd.s32 $0x60, s8;
	s19 =	simm.s32 $0x11C30  }
0x47d: {  	[hbm4b:s18+s2] =	stream.linear.scatter [tilespmem:s19], [sflag:$0x7], $0x80, $0x38;
	[tilespmem:$0x12A00] =	vst v63  }
0x47e: {  	s8 =	sadd.s32 $0x70, s8;
	s17 =	simm.s32 $0x11CB8;
	s18 =	sor.u32 $0x4000, s6  }
0x47f: {  	[hbm4b:s8+s2] =	stream.linear.scatter [tilespmem:s17], [sflag:$0x7], $0x80, $0x38;
	[tilespmem:$0x12A00] =	vst v63  }
0x480: {  	s19 =	simm.s32 $0x11D40;
	s8 =	sadd.s32 s1, s18  }
0x481: {  	[hbm4b:s8+s2] =	stream.linear.scatter [tilespmem:s19], [sflag:$0x7], $0x80, $0x38;
	[tilespmem:$0x12A00] =	vst v63  }
0x482: {  	s17 =	simm.s32 $0x11DC8;
	s15 =	sadd.s32 $0x10, s8  }
0x483: {  	[hbm4b:s15+s2] =	stream.linear.scatter [tilespmem:s17], [sflag:$0x7], $0x80, $0x38;
	[tilespmem:$0x12A00] =	vst v63  }
0x484: {  	s18 =	sadd.s32 $0x20, s8;
	s19 =	simm.s32 $0x11E50  }
0x485: {  	[hbm4b:s18+s2] =	stream.linear.scatter [tilespmem:s19], [sflag:$0x7], $0x80, $0x38;
	[tilespmem:$0x12A00] =	vst v63  }
0x486: {  	s15 =	sadd.s32 $0x30, s8;
	s17 =	simm.s32 $0x11ED8  }
0x487: {  	[hbm4b:s15+s2] =	stream.linear.scatter [tilespmem:s17], [sflag:$0x7], $0x80, $0x38;
	[tilespmem:$0x12A00] =	vst v63  }
0x488: {  	s18 =	sadd.s32 $0x40, s8;
	s19 =	simm.s32 $0x11F60  }
0x489: {  	[hbm4b:s18+s2] =	stream.linear.scatter [tilespmem:s19], [sflag:$0x7], $0x80, $0x38;
	[tilespmem:$0x12A00] =	vst v63  }
0x48a: {  	s15 =	sadd.s32 $0x50, s8;
	s17 =	simm.s32 $0x11FE8  }
0x48b: {  	[hbm4b:s15+s2] =	stream.linear.scatter [tilespmem:s17], [sflag:$0x7], $0x80, $0x38;
	[tilespmem:$0x12A00] =	vst v63  }
0x48c: {  	s18 =	sadd.s32 $0x60, s8;
	s19 =	simm.s32 $0x12070  }
0x48d: {  	[hbm4b:s18+s2] =	stream.linear.scatter [tilespmem:s19], [sflag:$0x7], $0x80, $0x38;
	[tilespmem:$0x12A00] =	vst v63  }
0x48e: {  	s8 =	sadd.s32 $0x70, s8;
	s17 =	simm.s32 $0x120F8;
	s18 =	sor.u32 $0x8000, s6  }
0x48f: {  	[hbm4b:s8+s2] =	stream.linear.scatter [tilespmem:s17], [sflag:$0x7], $0x80, $0x38;
	[tilespmem:$0x12A00] =	vst v63  }
0x490: {  	s19 =	simm.s32 $0x12180;
	s8 =	sadd.s32 s1, s18  }
0x491: {  	[hbm4b:s8+s2] =	stream.linear.scatter [tilespmem:s19], [sflag:$0x7], $0x80, $0x38;
	[tilespmem:$0x12A00] =	vst v63  }
0x492: {  	s17 =	simm.s32 $0x12208;
	s15 =	sadd.s32 $0x10, s8  }
0x493: {  	[hbm4b:s15+s2] =	stream.linear.scatter [tilespmem:s17], [sflag:$0x7], $0x80, $0x38;
	[tilespmem:$0x12A00] =	vst v63  }
0x494: {  	s18 =	sadd.s32 $0x20, s8;
	s19 =	simm.s32 $0x12290  }
0x495: {  	[hbm4b:s18+s2] =	stream.linear.scatter [tilespmem:s19], [sflag:$0x7], $0x80, $0x38;
	[tilespmem:$0x12A00] =	vst v63  }
0x496: {  	s15 =	sadd.s32 $0x30, s8;
	s17 =	simm.s32 $0x12318  }
0x497: {  	[hbm4b:s15+s2] =	stream.linear.scatter [tilespmem:s17], [sflag:$0x7], $0x80, $0x38;
	[tilespmem:$0x12A00] =	vst v63  }
0x498: {  	s18 =	sadd.s32 $0x40, s8;
	s19 =	simm.s32 $0x123A0  }
0x499: {  	[hbm4b:s18+s2] =	stream.linear.scatter [tilespmem:s19], [sflag:$0x7], $0x80, $0x38;
	[tilespmem:$0x12A00] =	vst v63  }
0x49a: {  	s17 =	sadd.s32 $0x50, s8  }
0x49b: {  	[hbm4b:s17+s2] =	stream.linear.scatter [tilespmem:s20], [sflag:$0x7], $0x80, $0x38;
	[tilespmem:$0x12A00] =	vst v63  }
0x49c: {  	s18 =	sadd.s32 $0x60, s8  }
0x49d: {  	[hbm4b:s18+s2] =	stream.linear.scatter [tilespmem:s21], [sflag:$0x7], $0x80, $0x38;
	[tilespmem:$0x12A00] =	vst v63  }
0x49e: {  	s6 =	sor.u32 $0xC000, s6;
	s8 =	sadd.s32 $0x70, s8  }
0x49f: {  	[hbm4b:s8+s2] =	stream.linear.scatter [tilespmem:s22], [sflag:$0x7], $0x80, $0x38;
	[tilespmem:$0x12A00] =	vst v63  }
0x4a0: {  	s6 =	sadd.s32 s1, s6  }
0x4a1: {  	[hbm4b:s6+s2] =	stream.linear.scatter [tilespmem:s25], [sflag:$0x7], $0x80, $0x38;
	[tilespmem:$0x12A00] =	vst v63  }
0x4a2: {  	s19 =	sadd.s32 $0x10, s6  }
0x4a3: {  	[hbm4b:s19+s2] =	stream.linear.scatter [tilespmem:s26], [sflag:$0x7], $0x80, $0x38;
	[tilespmem:$0x12A00] =	vst v63  }
0x4a4: {  	s9 =	sadd.s32 $0x20, s6  }
0x4a5: {  	[hbm4b:s9+s2] =	stream.linear.scatter [tilespmem:s28], [sflag:$0x7], $0x80, $0x38;
	[tilespmem:$0x12A00] =	vst v63  }
0x4a6: {  	s15 =	sadd.s32 $0x30, s6  }
0x4a7: {  	[hbm4b:s15+s2] =	stream.linear.scatter [tilespmem:s29], [sflag:$0x7], $0x80, $0x38;
	[tilespmem:$0x12A00] =	vst v63  }
0x4a8: {  	s5 =	sadd.s32 $0x1, s5;
	s17 =	sadd.s32 $0x40, s6  }
0x4a9: {  	[hbm4b:s17+s2] =	stream.linear.scatter [tilespmem:s30], [sflag:$0x7], $0x80, $0x38;
	[tilespmem:$0x12A00] =	vst v63  }
0x4aa: {  	p0 =	sne.s32 s5, $0x32;
	s18 =	sadd.s32 $0x50, s6  }
0x4ab: {  	[hbm4b:s18+s2] =	stream.linear.scatter [tilespmem:s31], [sflag:$0x7], $0x80, $0x38;
	[tilespmem:$0x12A00] =	vst v63  }
.Ltmp5:
0x4ac: {  	_ = 	snop;
	(pc) =	sbr.rel @p0 .LBB2_5-.Ltmp5, $4  }
0x4ad: {  	s19 =	sadd.s32 $0x60, s6  }
0x4ae: {  	[hbm4b:s19+s2] =	stream.linear.scatter [tilespmem:s0], [sflag:$0x7], $0x80, $0x38;
	[tilespmem:$0x12A00] =	vst v63  }
0x4af: {  	s6 =	sadd.s32 $0x70, s6;
	s19 =	simm.s32 $0x80  }
0x4b0: {  	[hbm4b:s6+s2] =	stream.linear.scatter [tilespmem:s3], [sflag:$0x7], $0x80, $0x38;
	[tilespmem:$0x12A00] =	vst v63  }
0x4b1: {  	_ =	swait.ge [sflag:s7], $0x400  }
0x4b2: {  	[sflag:s7] =	ssyncset.done $0x0  }
0x4b3: {  	[sflag:s7] =	ssyncadd.s32 $0xFFFFFC00  }
0x4b4: {  	_ =	swait.ge [sflag:s7], $0x400  }
0x4b5: {  	[sflag:s7] =	ssyncset.done $0x0  }
0x4b6: {  	[sflag:s7] =	ssyncadd.s32 $0xFFFFFC00  }
0x4b7: {  	_ =	swait.ge [sflag:s7], $0x400  }
0x4b8: {  	[sflag:s7] =	ssyncset.done $0x0  }
0x4b9: {  	[sflag:s7] =	ssyncadd.s32 $0xFFFFFC00  }
0x4ba: {  	_ =	swait.ge [sflag:s7], $0x400  }
0x4bb: {  	[sflag:s7] =	ssyncset.done $0x0  }
0x4bc: {  	[sflag:s7] =	ssyncadd.s32 $0xFFFFFC00  }
0x4bd: {  	_ =	swait.ge [sflag:s11], $0x400  }
0x4be: {  	[sflag:s11] =	ssyncset.done $0x0  }
0x4bf: {  	[sflag:s11] =	ssyncadd.s32 $0xFFFFFC00  }
0x4c0: {  	_ =	swait.ge [sflag:s11], $0x400  }
0x4c1: {  	[sflag:s11] =	ssyncset.done $0x0  }
0x4c2: {  	[sflag:s11] =	ssyncadd.s32 $0xFFFFFC00  }
0x4c3: {  	_ =	swait.ge [sflag:s11], $0x400  }
0x4c4: {  	[sflag:s11] =	ssyncset.done $0x0  }
0x4c5: {  	[sflag:s11] =	ssyncadd.s32 $0xFFFFFC00  }
0x4c6: {  	_ =	swait.ge [sflag:s11], $0x400  }
0x4c7: {  	s6 =	rddreg [dreg:$0x7]  }
0x4c8: {  	s6 =	sadd.s32 $0x1, s6  }
0x4c9: {  	p0 =	sne.s32 s6, $0x4  }
.Ltmp6:
0x4ca: {  	_ = 	snop;
	(pc) =	sbr.rel @p0 .LBB2_2-.Ltmp6, $3  }
0x4cb: {  	_ =	sdelay $0x1  }
0x4cc: {  	[sflag:s11] =	ssyncset.done $0x0  }
0x4cd: {  	[sflag:s11] =	ssyncadd.s32 $0xFFFFFC00  }
0x4ce: {  	s6 =	rddreg [dreg:$0x6]  }
0x4cf: {  	s5 =	rddreg [dreg:$0x5];
	s6 =	sadd.s32 $0x1, s6  }
0x4d0: {  	p0 =	sne.s32 s6, s5  }
.Ltmp7:
0x4d1: {  	_ = 	snop;
	(pc) =	sbr.rel @p0 .LBB2_1-.Ltmp7, $1  }
0x4d2: {  	_ =	sdelay $0x3  }
0x4d3: {  	_ =	sfence.sel $0x180000  }
0x4d4: {  	[bflag:$0x0] =	sbarrier.arrive $0xFFFF  }
0x4d5: {  	_ =	strace $0x90000047  }
0x4d6: {  	s0 =	stileid.u32;
	[bflag:$0x2] =	sbarrier.arrive $0xFFFF  }
0x4d7: {  	p0 =	sne.s32 s0, $0x0;
	s0 =	rddreg [dreg:$0x2]  }
0x4d8: {  	s0 =	sadd.s32 @!p0 $0x100000, s0  }
0x4d9: {  	[sflag:s0] =	ssyncadd.tile.s32 @!p0 $0x1;
	_ =	shalt  }
.Lfunc_end2:
_tile_overlayer_lowered:
.L_overlay_start_2:
0x4da: {  	(tag) =	ssettag $0x2  }
0x4db: {  	s0 =	rddreg [dreg:$0x0];
	s2 =	stileid.u32  }
0x4dc: {  	s1 =	rddreg [dreg:$0x1];
	p0 =	sne.s32 s2, $0x0  }
0x4dd: {  	s3 =	rddreg [dreg:$0x2];
	[bflag:$0x3] =	sbarrier.arrive $0xFFFF;
	s2 =	simm.s32 @!p0 $0x1C08  }
0x4de: {  	[timem:s3], [sflag:s2] =	dma.local @!p0 [hbm:s0], s1  }
0x4df: {  	s0 =	simm.s32 @!p0 $0x8  }
0x4e0: {  	_ =	swait.ge @!p0 [sflag:s0], s1  }
0x4e1: {  	s1 =	ssub.s32 @!p0 $0x0, s1;
	[sflag:s0] =	ssyncset.done @!p0 $0x0  }
0x4e2: {  	[sflag:s0] =	ssyncadd.s32 @!p0 s1  }
0x4e3: {  	[bflag:$0x3] =	sbarrier.arrive $0xFFFF  }
0x4e4: {  	_ =	shalt  }

</sc_bundles>
